<compile_context>
chip_gen: v7x
topology: tpu7x:2x2x1
jax: 0.10.2.dev20260603
libtpu: 0.0.44.dev20260713+nightly
codegen_flags: <defaults>
</compile_context>

<pallas_src>
import functools

import jax
import jax.numpy as jnp
from jax import lax
from jax.experimental import pallas as pl
from jax.experimental.pallas import tpu as pltpu
from jax.experimental.pallas import tpu_sc as plsc

B = 4096
L = 50
D = 64
T = B * L
CAT_V = 1000
TAG_V = 2000
TAG_LEN = 5
FEAT_W = 16
OUT_W = 33

NC = 2
NS = 16
NW = NC * NS
DH = D // 2
TOK_W = T // (NW // 2)
CHUNK = 128
NCHUNK = TOK_W // CHUNK
GROUPS = CHUNK // 16

_f32 = jnp.float32
_i32 = jnp.int32


def _build_kernel():
  mesh = plsc.VectorSubcoreMesh(core_axis_name="c", subcore_axis_name="s")

  @functools.partial(
      pl.kernel,
      out_type=(jax.ShapeDtypeStruct((T, D), _f32),
                jax.ShapeDtypeStruct((T, D), _f32)),
      mesh=mesh,
      compiler_params=pltpu.CompilerParams(use_tc_tiling_on_sc=False,
                                           needs_layout_passes=False),
      scratch_types=[
          pltpu.VMEM((DH // 2 * TAG_V,), _i32),
          pltpu.VMEM((CHUNK,), _i32),
          pltpu.VMEM((CHUNK,), _i32),
          pltpu.VMEM((CHUNK, FEAT_W), _i32),
          pltpu.VMEM((CHUNK, FEAT_W), _i32),
          pltpu.VMEM((CHUNK,), _i32),
          pltpu.VMEM((CHUNK,), _i32),
          pltpu.VMEM((CHUNK, D), _f32),
          pltpu.VMEM((CHUNK, D), _f32),
          pltpu.VMEM((CHUNK, OUT_W), _f32),
          pltpu.VMEM((CHUNK, OUT_W), _f32),
          pltpu.SemaphoreType.DMA,
          pltpu.SemaphoreType.DMA,
          pltpu.SemaphoreType.DMA,
          pltpu.SemaphoreType.DMA,
          pltpu.SemaphoreType.DMA,
          pltpu.SemaphoreType.DMA,
          pltpu.SemaphoreType.DMA,
          pltpu.SemaphoreType.DMA,
      ],
  )
  def seq_emb(seq_hbm, feat_hbm, ctab_hbm, ttab_hbm,
              out_cat_hbm, out_tag_hbm,
              ttab_v,
              ids0, ids1, tids0, tids1, cids0, cids1,
              cs0, cs1, ot0, ot1,
              sem_t0, sem_t1, sem_g0, sem_g1,
              sem_cw0, sem_cw1, sem_tw0, sem_tw1):
    wid = lax.axis_index("s") * NC + lax.axis_index("c")
    half = wid % 2
    tok_base = (wid // 2) * TOK_W
    c0 = half * DH

    ids = (ids0, ids1)
    tids = (tids0, tids1)
    cids = (cids0, cids1)
    cs = (cs0, cs1)
    ot = (ot0, ot1)
    sem_t = (sem_t0, sem_t1)
    sem_g = (sem_g0, sem_g1)
    sem_cw = (sem_cw0, sem_cw1)
    sem_tw = (sem_tw0, sem_tw1)

    pltpu.sync_copy(ttab_hbm.at[half], ttab_v)

    def start_feat(b, chunk_idx):
      start = tok_base + chunk_idx * CHUNK
      pltpu.sync_copy(seq_hbm.at[pl.ds(start, CHUNK)], ids[b])
      pltpu.async_copy(feat_hbm.at[ids[b]], tids[b], sem_t[b])

    def wait_feat(b):
      pltpu.make_async_copy(feat_hbm.at[ids[b]], tids[b], sem_t[b]).wait()

    def tag_dst(chunk_idx):
      start = tok_base + chunk_idx * CHUNK
      return out_tag_hbm.at[pl.ds(start, CHUNK), pl.ds(c0, DH)]

    def cat_dst(chunk_idx):
      start = tok_base + chunk_idx * CHUNK
      return out_cat_hbm.at[pl.ds(start, CHUNK), :]

    def start_tagw(b, chunk_idx):
      pltpu.async_copy(ot[b].at[:, pl.ds(0, DH)], tag_dst(chunk_idx),
                       sem_tw[b])

    def wait_tagw(b, chunk_idx):
      pltpu.make_async_copy(ot[b].at[:, pl.ds(0, DH)], tag_dst(chunk_idx),
                            sem_tw[b]).wait()

    def start_catg(b):
      pltpu.async_copy(ctab_hbm.at[cids[b]], cs[b], sem_g[b])

    def wait_catg(b):
      pltpu.make_async_copy(ctab_hbm.at[cids[b]], cs[b], sem_g[b]).wait()

    def start_catw(b, chunk_idx):
      pltpu.async_copy(cs[b], cat_dst(chunk_idx), sem_cw[b])

    def wait_catw(b, chunk_idx):
      pltpu.make_async_copy(cs[b], cat_dst(chunk_idx), sem_cw[b]).wait()

    iota16 = lax.iota(_i32, 16)

    def extract_cids(b):
      @pl.loop(0, GROUPS)
      def _(g):
        tok_idx = iota16 + g * 16
        cv = plsc.load_gather(tids[b],
                              [tok_idx, jnp.full((16,), TAG_LEN, _i32)])
        cids[b][pl.ds(g * 16, 16)] = cv

    def compute_tags(b):
      @plsc.parallel_loop(0, GROUPS, unroll=2)
      def group_loop(g):
        tok_idx = iota16 + g * 16
        rows = [
            plsc.load_gather(tids[b], [tok_idx, (iota16 + s) % TAG_LEN])
            for s in range(TAG_LEN)
        ]
        for p in range(DH // 2):
          acc_e = None
          acc_o = None
          for s in range(TAG_LEN):
            w = plsc.load_gather(ttab_v, [rows[s] + p * TAG_V])
            pair = plsc.bitcast(w, jnp.bfloat16)
            lo, hi = plsc.unpack(pair, format=plsc.PackFormat.INTERLEAVED)
            acc_e = lo if acc_e is None else acc_e + lo
            acc_o = hi if acc_o is None else acc_o + hi
          plsc.store_scatter(ot[b], [tok_idx, jnp.full((16,), 2 * p, _i32)],
                             acc_e)
          plsc.store_scatter(ot[b],
                             [tok_idx, jnp.full((16,), 2 * p + 1, _i32)],
                             acc_o)

    start_feat(0, 0)
    start_feat(1, 1)

    @pl.loop(0, NCHUNK // 2)
    def chunk_loop(i):
      for b in (0, 1):
        cchunk = i * 2 + b
        wait_feat(b)

        @pl.when(half == 0)
        def _():
          @pl.when(i >= 1)
          def _():
            wait_catw(b, cchunk - 2)

          extract_cids(b)
          start_catg(b)

        @pl.when(i >= 1)
        def _():
          wait_tagw(b, cchunk - 2)

        compute_tags(b)
        start_tagw(b, cchunk)

        @pl.when(half == 0)
        def _():
          wait_catg(b)
          start_catw(b, cchunk)

        @pl.when(cchunk + 2 < NCHUNK)
        def _():
          start_feat(b, cchunk + 2)

    wait_tagw(0, NCHUNK - 2)
    wait_tagw(1, NCHUNK - 1)

    @pl.when(half == 0)
    def _():
      wait_catw(0, NCHUNK - 2)
      wait_catw(1, NCHUNK - 1)

  return seq_emb


_SEQ_EMB = _build_kernel()


def kernel(item_seq, feat_category, feat_tags, cat_table, tag_table):
  n_items = feat_category.shape[0]
  feat_all = jnp.concatenate(
      [feat_tags, feat_category[:, None],
       jnp.zeros((n_items, FEAT_W - TAG_LEN - 1), _i32)], axis=1)
  tt_pairs = jax.lax.bitcast_convert_type(
      tag_table.astype(jnp.bfloat16).reshape(TAG_V, DH, 2), _i32)
  ttab_t = tt_pairs.T.reshape(2, DH // 2 * TAG_V)
  out_cat, out_tag = _SEQ_EMB(item_seq.reshape(T), feat_all, cat_table,
                              ttab_t)
  return out_cat.reshape(B, L, D), out_tag.reshape(B, L, D)

# --- scband reference (transcript-rebuilt; emitter-appended) ---
"""Pipeline reference for scband-new-feature-seq-emb-layer-82248623719015 (READ-ONLY COPY).

The authoritative reference and input builder live on the scoring server;
editing this copy changes nothing except your own understanding.
"""

import jax, jax.numpy as jnp
import numpy as np

N_ITEMS = 100000
CAT_VOCAB = 1000
TAG_VOCAB = 2000
TAG_LEN = 5
B = 4096
L = 50
D = 64


def setup_inputs(seed: int = 0) -> dict:
    key = jax.random.key(seed)
    k1, k2, k3, k4, k5 = jax.random.split(key, 5)
    # forward arg: batch of item id sequences
    item_seq = jax.random.randint(k1, (B, L), 0, N_ITEMS, dtype=jnp.int32)
    # module state: item feature table (dataset.get_item_feature())
    # TOKEN field 'category': one token id per item
    feat_category = jax.random.randint(k2, (N_ITEMS,), 0, CAT_VOCAB, dtype=jnp.int32)
    # TOKEN_SEQ field 'tags': a fixed-length padded token sequence per item
    feat_tags = jax.random.randint(k3, (N_ITEMS, TAG_LEN), 0, TAG_VOCAB, dtype=jnp.int32)
    # learned embedding tables (nn.Embedding with padding_idx=0 -> row 0 zeroed)
    cat_table = jax.random.normal(k4, (CAT_VOCAB, D), dtype=jnp.float32) * 0.02
    cat_table = cat_table.at[0].set(0.0)
    tag_table = jax.random.normal(k5, (TAG_VOCAB, D), dtype=jnp.float32) * 0.02
    tag_table = tag_table.at[0].set(0.0)
    return {
        "item_seq": item_seq,
        "feat_category": feat_category,
        "feat_tags": feat_tags,
        "cat_table": cat_table,
        "tag_table": tag_table,
    }


def reference(item_seq, feat_category, feat_tags, cat_table, tag_table):
    # TOKEN field: item_feat['category'][item_seq] -> [B, L], then embedding -> [B, L, D]
    cat_ids = jnp.take(feat_category, item_seq, axis=0)
    cat_emb = jnp.take(cat_table, cat_ids, axis=0)
    # TOKEN_SEQ field: item_feat['tags'][item_seq] -> [B, L, S], embed -> [B, L, S, D],
    # then sum over dim=-2 -> [B, L, D]
    tag_ids = jnp.take(feat_tags, item_seq, axis=0)
    tag_emb = jnp.sum(jnp.take(tag_table, tag_ids, axis=0), axis=-2)
    return (cat_emb, tag_emb)

if __name__ == "__main__":
    import jax
    _d = setup_inputs()
    print(jax.jit(kernel)(*tuple(_d.values())))

</pallas_src>

<mosaic_0001>
#map = affine_map<(d0, d1) -> (0)>
#map1 = affine_map<(d0, d1) -> (0, 0)>
module attributes {stable_mosaic.version = 14 : i64} {
  func.func @seq_emb(%arg0: i32, %arg1: i32, %arg2: memref<204800xi32, #tpu.memory_space<hbm>>, %arg3: memref<100000x16xi32, #tpu.memory_space<hbm>>, %arg4: memref<1000x64xf32, #tpu.memory_space<hbm>>, %arg5: memref<2x32000xi32, #tpu.memory_space<hbm>>, %arg6: memref<204800x64xf32, #tpu.memory_space<hbm>>, %arg7: memref<204800x64xf32, #tpu.memory_space<hbm>>, %arg8: memref<32000xi32, #tpu.memory_space<vmem>>, %arg9: memref<128xi32, #tpu.memory_space<vmem>>, %arg10: memref<128xi32, #tpu.memory_space<vmem>>, %arg11: memref<128x16xi32, #tpu.memory_space<vmem>>, %arg12: memref<128x16xi32, #tpu.memory_space<vmem>>, %arg13: memref<128xi32, #tpu.memory_space<vmem>>, %arg14: memref<128xi32, #tpu.memory_space<vmem>>, %arg15: memref<128x64xf32, #tpu.memory_space<vmem>>, %arg16: memref<128x64xf32, #tpu.memory_space<vmem>>, %arg17: memref<128x33xf32, #tpu.memory_space<vmem>>, %arg18: memref<128x33xf32, #tpu.memory_space<vmem>>, %arg19: memref<!tpu.dma_semaphore, #tpu.memory_space<semaphore_mem>>, %arg20: memref<!tpu.dma_semaphore, #tpu.memory_space<semaphore_mem>>, %arg21: memref<!tpu.dma_semaphore, #tpu.memory_space<semaphore_mem>>, %arg22: memref<!tpu.dma_semaphore, #tpu.memory_space<semaphore_mem>>, %arg23: memref<!tpu.dma_semaphore, #tpu.memory_space<semaphore_mem>>, %arg24: memref<!tpu.dma_semaphore, #tpu.memory_space<semaphore_mem>>, %arg25: memref<!tpu.dma_semaphore, #tpu.memory_space<semaphore_mem>>, %arg26: memref<!tpu.dma_semaphore, #tpu.memory_space<semaphore_mem>>) attributes {dimension_semantics = [#tpu.dimension_semantics<core_parallel>, #tpu.dimension_semantics<subcore_parallel>], iteration_bounds = array<i64: 2, 16>, scalar_prefetch = 0 : i64, scratch_operands = 19 : i64, tpu.core_type = #tpu.core_type<sc_vector_subcore>, window_params = [{transform_indices = #map}, {transform_indices = #map1}, {transform_indices = #map1}, {transform_indices = #map1}, {transform_indices = #map1}, {transform_indices = #map1}]} {
    %mul3A = arith.constant 2 : i32
    %mul3A_0 = arith.muli %arg1, %mul3A : i32
    %add3A = arith.addi %mul3A_0, %arg0 : i32
    %jit3A = arith.constant 2 : i32
    %eq3A = arith.constant 0 : i32
    %eq3A_1 = arith.cmpi eq, %jit3A, %eq3A : i32
    %jit3A_2 = arith.constant 1 : i32
    %select_n3A = arith.select %eq3A_1, %jit3A_2, %jit3A : i32
    %rem3A = arith.remsi %add3A, %select_n3A : i32
    %ne3A = arith.constant 0 : i32
    %ne3A_3 = arith.cmpi ne, %rem3A, %ne3A : i32
    %lt3A = arith.constant 0 : i32
    %lt3A_4 = arith.cmpi slt, %rem3A, %lt3A : i32
    %lt3A_5 = arith.constant 0 : i32
    %lt3A_6 = arith.cmpi slt, %select_n3A, %lt3A_5 : i32
    %ne3A_7 = arith.xori %lt3A_4, %lt3A_6 : i1
    %and3A = arith.andi %ne3A_7, %ne3A_3 : i1
    %add3A_8 = arith.addi %rem3A, %select_n3A : i32
    %select_n3A_9 = arith.select %and3A, %add3A_8, %rem3A : i32
    %jit3A_10 = arith.constant 2 : i32
    %div3A = arith.divsi %add3A, %jit3A_10 : i32
    %sign3A = arith.constant 0 : i32
    %sign3A_11 = arith.cmpi sgt, %add3A, %sign3A : i32
    %sign3A_12 = arith.extui %sign3A_11 : i1 to i32
    %sign3A_13 = arith.constant 0 : i32
    %sign3A_14 = arith.cmpi slt, %add3A, %sign3A_13 : i32
    %sign3A_15 = arith.extui %sign3A_14 : i1 to i32
    %sign3A_16 = arith.subi %sign3A_12, %sign3A_15 : i32
    %sign3A_17 = arith.constant 0 : i32
    %sign3A_18 = arith.cmpi sgt, %jit3A_10, %sign3A_17 : i32
    %sign3A_19 = arith.extui %sign3A_18 : i1 to i32
    %sign3A_20 = arith.constant 0 : i32
    %sign3A_21 = arith.cmpi slt, %jit3A_10, %sign3A_20 : i32
    %sign3A_22 = arith.extui %sign3A_21 : i1 to i32
    %sign3A_23 = arith.subi %sign3A_19, %sign3A_22 : i32
    %ne3A_24 = arith.cmpi ne, %sign3A_16, %sign3A_23 : i32
    %rem3A_25 = arith.remsi %add3A, %jit3A_10 : i32
    %ne3A_26 = arith.constant 0 : i32
    %ne3A_27 = arith.cmpi ne, %rem3A_25, %ne3A_26 : i32
    %and3A_28 = arith.andi %ne3A_24, %ne3A_27 : i1
    %sub3A = arith.constant 1 : i32
    %sub3A_29 = arith.subi %div3A, %sub3A : i32
    %select_n3A_30 = arith.select %and3A_28, %sub3A_29, %div3A : i32
    %mul3A_31 = arith.constant 12800 : i32
    %mul3A_32 = arith.muli %select_n3A_30, %mul3A_31 : i32
    %mul3A_33 = arith.constant 32 : i32
    %mul3A_34 = arith.muli %select_n3A_9, %mul3A_33 : i32
    "tpu.region"() ({
      %run_scoped3A = tpu.sem_alloc : memref<!tpu.dma_semaphore, #tpu.memory_space<semaphore_mem>>
      %dma_start3A_70 = arith.constant 0 : i32
      %dma_start3A_71 = tpu.memref_slice %arg5[%select_n3A_9, %dma_start3A_70] : memref<2x32000xi32, #tpu.memory_space<hbm>> -> memref<1x32000xi32, #tpu.memory_space<hbm>>
      %dma_start3A_72 = tpu.memref_squeeze %dma_start3A_71 : memref<1x32000xi32, #tpu.memory_space<hbm>> -> memref<32000xi32, #tpu.memory_space<hbm>>
      %dma_start3A_73 = arith.constant 0 : i32
      %dma_start3A_74 = tpu.memref_slice %arg5[%select_n3A_9, %dma_start3A_73] : memref<2x32000xi32, #tpu.memory_space<hbm>> -> memref<1x32000xi32, #tpu.memory_space<hbm>>
      %dma_start3A_75 = tpu.memref_squeeze %dma_start3A_74 : memref<1x32000xi32, #tpu.memory_space<hbm>> -> memref<32000xi32, #tpu.memory_space<hbm>>
      tpu.enqueue_dma source(%dma_start3A_75 : memref<32000xi32, #tpu.memory_space<hbm>>) target(%arg8 : memref<32000xi32, #tpu.memory_space<vmem>>) target_semaphore(%run_scoped3A : memref<!tpu.dma_semaphore, #tpu.memory_space<semaphore_mem>>)
      %dma_wait3A_76 = arith.constant 0 : i32
      %dma_wait3A_77 = tpu.memref_slice %arg5[%select_n3A_9, %dma_wait3A_76] : memref<2x32000xi32, #tpu.memory_space<hbm>> -> memref<1x32000xi32, #tpu.memory_space<hbm>>
      %dma_wait3A_78 = tpu.memref_squeeze %dma_wait3A_77 : memref<1x32000xi32, #tpu.memory_space<hbm>> -> memref<32000xi32, #tpu.memory_space<hbm>>
      %dma_wait3A_79 = arith.constant 0 : i32
      %dma_wait3A_80 = tpu.memref_slice %arg5[%select_n3A_9, %dma_wait3A_79] : memref<2x32000xi32, #tpu.memory_space<hbm>> -> memref<1x32000xi32, #tpu.memory_space<hbm>>
      %dma_wait3A_81 = tpu.memref_squeeze %dma_wait3A_80 : memref<1x32000xi32, #tpu.memory_space<hbm>> -> memref<32000xi32, #tpu.memory_space<hbm>>
      tpu.wait_dma2 semaphore(%run_scoped3A : memref<!tpu.dma_semaphore, #tpu.memory_space<semaphore_mem>>) src(%dma_wait3A_81 : memref<32000xi32, #tpu.memory_space<hbm>>) dst(%arg8 : memref<32000xi32, #tpu.memory_space<vmem>>)
      tpu.yield
    }) : () -> ()
    %iota3A = tpu.iota {dimensions = array<i32: 0>} : vector<16xi32>
    %add3A_35 = arith.constant 0 : i32
    %add3A_36 = arith.addi %mul3A_32, %add3A_35 : i32
    "tpu.region"() ({
      %run_scoped3A = tpu.sem_alloc : memref<!tpu.dma_semaphore, #tpu.memory_space<semaphore_mem>>
      %dma_start3A_70 = tpu.memref_slice %arg2[%add3A_36] : memref<204800xi32, #tpu.memory_space<hbm>> -> memref<128xi32, #tpu.memory_space<hbm>>
      %dma_start3A_71 = tpu.memref_slice %arg2[%add3A_36] : memref<204800xi32, #tpu.memory_space<hbm>> -> memref<128xi32, #tpu.memory_space<hbm>>
      tpu.enqueue_dma source(%dma_start3A_71 : memref<128xi32, #tpu.memory_space<hbm>>) target(%arg9 : memref<128xi32, #tpu.memory_space<vmem>>) target_semaphore(%run_scoped3A : memref<!tpu.dma_semaphore, #tpu.memory_space<semaphore_mem>>)
      %dma_wait3A_72 = tpu.memref_slice %arg2[%add3A_36] : memref<204800xi32, #tpu.memory_space<hbm>> -> memref<128xi32, #tpu.memory_space<hbm>>
      %dma_wait3A_73 = tpu.memref_slice %arg2[%add3A_36] : memref<204800xi32, #tpu.memory_space<hbm>> -> memref<128xi32, #tpu.memory_space<hbm>>
      tpu.wait_dma2 semaphore(%run_scoped3A : memref<!tpu.dma_semaphore, #tpu.memory_space<semaphore_mem>>) src(%dma_wait3A_73 : memref<128xi32, #tpu.memory_space<hbm>>) dst(%arg9 : memref<128xi32, #tpu.memory_space<vmem>>)
      tpu.yield
    }) : () -> ()
    %dma_start3A = arith.constant 0 : i32
    %dma_start3A_37 = arith.constant 0 : i32
    %dma_start3A_38 = tpu.memref_slice %arg3[%dma_start3A, %dma_start3A_37] : memref<100000x16xi32, #tpu.memory_space<hbm>> -> memref<100000x16xi32, #tpu.memory_space<hbm>>
    tpu.enqueue_indirect_dma source(%dma_start3A_38 : memref<100000x16xi32, #tpu.memory_space<hbm>>) target(%arg11 : memref<128x16xi32, #tpu.memory_space<vmem>>) offsets(%arg9 : memref<128xi32, #tpu.memory_space<vmem>>) semaphore(%arg19 : memref<!tpu.dma_semaphore, #tpu.memory_space<semaphore_mem>>)
    %add3A_39 = arith.constant 128 : i32
    %add3A_40 = arith.addi %mul3A_32, %add3A_39 : i32
    "tpu.region"() ({
      %run_scoped3A = tpu.sem_alloc : memref<!tpu.dma_semaphore, #tpu.memory_space<semaphore_mem>>
      %dma_start3A_70 = tpu.memref_slice %arg2[%add3A_40] : memref<204800xi32, #tpu.memory_space<hbm>> -> memref<128xi32, #tpu.memory_space<hbm>>
      %dma_start3A_71 = tpu.memref_slice %arg2[%add3A_40] : memref<204800xi32, #tpu.memory_space<hbm>> -> memref<128xi32, #tpu.memory_space<hbm>>
      tpu.enqueue_dma source(%dma_start3A_71 : memref<128xi32, #tpu.memory_space<hbm>>) target(%arg10 : memref<128xi32, #tpu.memory_space<vmem>>) target_semaphore(%run_scoped3A : memref<!tpu.dma_semaphore, #tpu.memory_space<semaphore_mem>>)
      %dma_wait3A_72 = tpu.memref_slice %arg2[%add3A_40] : memref<204800xi32, #tpu.memory_space<hbm>> -> memref<128xi32, #tpu.memory_space<hbm>>
      %dma_wait3A_73 = tpu.memref_slice %arg2[%add3A_40] : memref<204800xi32, #tpu.memory_space<hbm>> -> memref<128xi32, #tpu.memory_space<hbm>>
      tpu.wait_dma2 semaphore(%run_scoped3A : memref<!tpu.dma_semaphore, #tpu.memory_space<semaphore_mem>>) src(%dma_wait3A_73 : memref<128xi32, #tpu.memory_space<hbm>>) dst(%arg10 : memref<128xi32, #tpu.memory_space<vmem>>)
      tpu.yield
    }) : () -> ()
    %dma_start3A_41 = arith.constant 0 : i32
    %dma_start3A_42 = arith.constant 0 : i32
    %dma_start3A_43 = tpu.memref_slice %arg3[%dma_start3A_41, %dma_start3A_42] : memref<100000x16xi32, #tpu.memory_space<hbm>> -> memref<100000x16xi32, #tpu.memory_space<hbm>>
    tpu.enqueue_indirect_dma source(%dma_start3A_43 : memref<100000x16xi32, #tpu.memory_space<hbm>>) target(%arg12 : memref<128x16xi32, #tpu.memory_space<vmem>>) offsets(%arg10 : memref<128xi32, #tpu.memory_space<vmem>>) semaphore(%arg20 : memref<!tpu.dma_semaphore, #tpu.memory_space<semaphore_mem>>)
    %scan3A = arith.constant 0 : i32
    %scan3A_44 = arith.constant 50 : i32
    %scan3A_45 = arith.addi %scan3A, %scan3A_44 : i32
    %scan3A_46 = arith.constant 1 : i32
    scf.for %scan3A_70 = %scan3A to %scan3A_45 step %scan3A_46  : i32 {
      %mul3A_71 = arith.constant 1 : i32
      %mul3A_72 = arith.muli %scan3A_70, %mul3A_71 : i32
      %add3A_73 = arith.constant 0 : i32
      %add3A_74 = arith.addi %add3A_73, %mul3A_72 : i32
      %mul3A_75 = arith.constant 2 : i32
      %mul3A_76 = arith.muli %add3A_74, %mul3A_75 : i32
      %add3A_77 = arith.constant 0 : i32
      %add3A_78 = arith.addi %mul3A_76, %add3A_77 : i32
      %dma_wait3A_79 = arith.constant 0 : i32
      %dma_wait3A_80 = arith.constant 0 : i32
      %dma_wait3A_81 = tpu.memref_slice %arg3[%dma_wait3A_79, %dma_wait3A_80] : memref<100000x16xi32, #tpu.memory_space<hbm>> -> memref<100000x16xi32, #tpu.memory_space<hbm>>
      tpu.wait_indirect_dma semaphore(%arg19 : memref<!tpu.dma_semaphore, #tpu.memory_space<semaphore_mem>>) src(%dma_wait3A_81 : memref<100000x16xi32, #tpu.memory_space<hbm>>) dst(%arg11 : memref<128x16xi32, #tpu.memory_space<vmem>>)
      %eq3A_82 = arith.constant 0 : i32
      %eq3A_83 = arith.cmpi eq, %select_n3A_9, %eq3A_82 : i32
      %convert_element_type3A_84 = arith.extui %eq3A_83 : i1 to i32
      %cond3A_85 = arith.constant 0 : i32
      %cond3A_86 = arith.cmpi ne, %convert_element_type3A_84, %cond3A_85 : i32
      scf.if %cond3A_86 {
        %ge3A_159 = arith.constant 1 : i32
        %ge3A_160 = arith.cmpi sge, %add3A_74, %ge3A_159 : i32
        %convert_element_type3A_161 = arith.extui %ge3A_160 : i1 to i32
        %cond3A_162 = arith.constant 0 : i32
        %cond3A_163 = arith.cmpi ne, %convert_element_type3A_161, %cond3A_162 : i32
        scf.if %cond3A_163 {
          %sub3A_172 = arith.constant 2 : i32
          %sub3A_173 = arith.subi %add3A_78, %sub3A_172 : i32
          %mul3A_174 = arith.constant 128 : i32
          %mul3A_175 = arith.muli %sub3A_173, %mul3A_174 : i32
          %add3A_176 = arith.addi %mul3A_32, %mul3A_175 : i32
          %dma_wait3A_177 = arith.constant 0 : i32
          %dma_wait3A_178 = tpu.memref_slice %arg6[%add3A_176, %dma_wait3A_177] : memref<204800x64xf32, #tpu.memory_space<hbm>> -> memref<128x64xf32, #tpu.memory_space<hbm>>
          %dma_wait3A_179 = arith.constant 0 : i32
          %dma_wait3A_180 = tpu.memref_slice %arg6[%add3A_176, %dma_wait3A_179] : memref<204800x64xf32, #tpu.memory_space<hbm>> -> memref<128x64xf32, #tpu.memory_space<hbm>>
          tpu.wait_dma2 semaphore(%arg23 : memref<!tpu.dma_semaphore, #tpu.memory_space<semaphore_mem>>) src(%arg15 : memref<128x64xf32, #tpu.memory_space<vmem>>) dst(%dma_wait3A_180 : memref<128x64xf32, #tpu.memory_space<hbm>>)
        } else {
        }
        %scan3A_164 = arith.constant 0 : i32
        %scan3A_165 = arith.constant 8 : i32
        %scan3A_166 = arith.addi %scan3A_164, %scan3A_165 : i32
        %scan3A_167 = arith.constant 1 : i32
        scf.for %scan3A_172 = %scan3A_164 to %scan3A_166 step %scan3A_167  : i32 {
          %mul3A_173 = arith.constant 1 : i32
          %mul3A_174 = arith.muli %scan3A_172, %mul3A_173 : i32
          %add3A_175 = arith.constant 0 : i32
          %add3A_176 = arith.addi %add3A_175, %mul3A_174 : i32
          %mul3A_177 = arith.constant 16 : i32
          %mul3A_178 = arith.muli %add3A_176, %mul3A_177 : i32
          %add3A_179 = vector.broadcast %mul3A_178 : i32 to vector<16xi32>
          %add3A_180 = arith.addi %iota3A, %add3A_179 : vector<16xi32>
          %broadcast_in_dim3A = arith.constant 5 : i32
          %broadcast_in_dim3A_181 = vector.broadcast %broadcast_in_dim3A : i32 to vector<16xi32>
          %gather3A = tpu.vector_load_idx %arg11[%add3A_180, %broadcast_in_dim3A_181] : memref<128x16xi32, #tpu.memory_space<vmem>>[vector<16xi32>, vector<16xi32>], vector<16xi32>,
          %mul3A_182 = arith.constant 16 : i32
          %mul3A_183 = arith.muli %add3A_176, %mul3A_182 : i32
          %swap3A = arith.index_cast %mul3A_183 : i32 to index
          %swap3A_184 = tpu.vector_load %arg13[%swap3A] {strides = array<i32>} : memref<128xi32, #tpu.memory_space<vmem>>, vector<16xi32>,
          tpu.vector_store %arg13[%swap3A], %gather3A {strides = array<i32>} : memref<128xi32, #tpu.memory_space<vmem>>, vector<16xi32>,
        }
        %scan3A_168 = arith.constant 8 : i32
        %dma_start3A_169 = arith.constant 0 : i32
        %dma_start3A_170 = arith.constant 0 : i32
        %dma_start3A_171 = tpu.memref_slice %arg4[%dma_start3A_169, %dma_start3A_170] : memref<1000x64xf32, #tpu.memory_space<hbm>> -> memref<1000x64xf32, #tpu.memory_space<hbm>>
        tpu.enqueue_indirect_dma source(%dma_start3A_171 : memref<1000x64xf32, #tpu.memory_space<hbm>>) target(%arg15 : memref<128x64xf32, #tpu.memory_space<vmem>>) offsets(%arg13 : memref<128xi32, #tpu.memory_space<vmem>>) semaphore(%arg21 : memref<!tpu.dma_semaphore, #tpu.memory_space<semaphore_mem>>)
      } else {
      }
      %ge3A = arith.constant 1 : i32
      %ge3A_87 = arith.cmpi sge, %add3A_74, %ge3A : i32
      %convert_element_type3A_88 = arith.extui %ge3A_87 : i1 to i32
      %cond3A_89 = arith.constant 0 : i32
      %cond3A_90 = arith.cmpi ne, %convert_element_type3A_88, %cond3A_89 : i32
      scf.if %cond3A_90 {
        %sub3A_159 = arith.constant 2 : i32
        %sub3A_160 = arith.subi %add3A_78, %sub3A_159 : i32
        %mul3A_161 = arith.constant 128 : i32
        %mul3A_162 = arith.muli %sub3A_160, %mul3A_161 : i32
        %add3A_163 = arith.addi %mul3A_32, %mul3A_162 : i32
        %dma_wait3A_164 = arith.constant 0 : i32
        %dma_wait3A_165 = arith.constant 0 : i32
        %dma_wait3A_166 = tpu.memref_slice %arg17[%dma_wait3A_164, %dma_wait3A_165] : memref<128x33xf32, #tpu.memory_space<vmem>> -> memref<128x32xf32, #tpu.memory_space<vmem>>
        %dma_wait3A_167 = tpu.memref_slice %arg7[%add3A_163, %mul3A_34] : memref<204800x64xf32, #tpu.memory_space<hbm>> -> memref<128x32xf32, #tpu.memory_space<hbm>>
        %dma_wait3A_168 = tpu.memref_slice %arg7[%add3A_163, %mul3A_34] : memref<204800x64xf32, #tpu.memory_space<hbm>> -> memref<128x32xf32, #tpu.memory_space<hbm>>
        %dma_wait3A_169 = arith.constant 0 : i32
        %dma_wait3A_170 = arith.constant 0 : i32
        %dma_wait3A_171 = tpu.memref_slice %arg17[%dma_wait3A_169, %dma_wait3A_170] : memref<128x33xf32, #tpu.memory_space<vmem>> -> memref<128x32xf32, #tpu.memory_space<vmem>>
        tpu.wait_dma2 semaphore(%arg25 : memref<!tpu.dma_semaphore, #tpu.memory_space<semaphore_mem>>) src(%dma_wait3A_171 : memref<128x32xf32, #tpu.memory_space<vmem>>) dst(%dma_wait3A_168 : memref<128x32xf32, #tpu.memory_space<hbm>>)
      } else {
      }
      %parallel_loop3A = arith.constant 0 : i32
      %parallel_loop3A_91 = arith.constant 8 : i32
      %parallel_loop3A_92 = arith.constant 1 : i32
      scf.for %parallel_loop3A_159 = %parallel_loop3A to %parallel_loop3A_91 step %parallel_loop3A_92  : i32 {
        %parallel_loop3A_160 = arith.constant 16 : i32
        %parallel_loop3A_161 = arith.muli %parallel_loop3A_159, %parallel_loop3A_160 : i32
        %parallel_loop3A_162 = vector.broadcast %parallel_loop3A_161 : i32 to vector<16xi32>
        %parallel_loop3A_163 = arith.addi %iota3A, %parallel_loop3A_162 : vector<16xi32>
        %parallel_loop3A_164 = arith.constant 0 : i32
        %parallel_loop3A_165 = vector.broadcast %parallel_loop3A_164 : i32 to vector<16xi32>
        %parallel_loop3A_166 = arith.addi %iota3A, %parallel_loop3A_165 : vector<16xi32>
        %parallel_loop3A_167 = arith.constant 5 : i32
        %parallel_loop3A_168 = arith.constant 0 : i32
        %parallel_loop3A_169 = arith.cmpi eq, %parallel_loop3A_167, %parallel_loop3A_168 : i32
        %parallel_loop3A_170 = arith.constant 1 : i32
        %parallel_loop3A_171 = arith.select %parallel_loop3A_169, %parallel_loop3A_170, %parallel_loop3A_167 : i32
        %parallel_loop3A_172 = vector.broadcast %parallel_loop3A_171 : i32 to vector<16xi32>
        %parallel_loop3A_173 = arith.remsi %parallel_loop3A_166, %parallel_loop3A_172 : vector<16xi32>
        %parallel_loop3A_174 = arith.constant 0 : i32
        %parallel_loop3A_175 = vector.broadcast %parallel_loop3A_174 : i32 to vector<16xi32>
        %parallel_loop3A_176 = arith.cmpi ne, %parallel_loop3A_173, %parallel_loop3A_175 : vector<16xi32>
        %parallel_loop3A_177 = arith.constant 0 : i32
        %parallel_loop3A_178 = vector.broadcast %parallel_loop3A_177 : i32 to vector<16xi32>
        %parallel_loop3A_179 = arith.cmpi slt, %parallel_loop3A_173, %parallel_loop3A_178 : vector<16xi32>
        %parallel_loop3A_180 = arith.constant 0 : i32
        %parallel_loop3A_181 = arith.cmpi slt, %parallel_loop3A_171, %parallel_loop3A_180 : i32
        %parallel_loop3A_182 = vector.broadcast %parallel_loop3A_181 : i1 to vector<16xi1>
        %parallel_loop3A_183 = vector.broadcast %parallel_loop3A_182 : vector<16xi1> to vector<16xi1>
        %parallel_loop3A_184 = arith.xori %parallel_loop3A_179, %parallel_loop3A_183 : vector<16xi1>
        %parallel_loop3A_185 = arith.andi %parallel_loop3A_184, %parallel_loop3A_176 : vector<16xi1>
        %parallel_loop3A_186 = vector.broadcast %parallel_loop3A_171 : i32 to vector<16xi32>
        %parallel_loop3A_187 = arith.addi %parallel_loop3A_173, %parallel_loop3A_186 : vector<16xi32>
        %parallel_loop3A_188 = arith.select %parallel_loop3A_185, %parallel_loop3A_187, %parallel_loop3A_173 : vector<16xi1>, vector<16xi32>
        %parallel_loop3A_189 = tpu.vector_load_idx %arg11[%parallel_loop3A_163, %parallel_loop3A_188] : memref<128x16xi32, #tpu.memory_space<vmem>>[vector<16xi32>, vector<16xi32>], vector<16xi32>,
        %parallel_loop3A_190 = arith.constant 1 : i32
        %parallel_loop3A_191 = vector.broadcast %parallel_loop3A_190 : i32 to vector<16xi32>
        %parallel_loop3A_192 = arith.addi %iota3A, %parallel_loop3A_191 : vector<16xi32>
        %parallel_loop3A_193 = arith.constant 5 : i32
        %parallel_loop3A_194 = arith.constant 0 : i32
        %parallel_loop3A_195 = arith.cmpi eq, %parallel_loop3A_193, %parallel_loop3A_194 : i32
        %parallel_loop3A_196 = arith.constant 1 : i32
        %parallel_loop3A_197 = arith.select %parallel_loop3A_195, %parallel_loop3A_196, %parallel_loop3A_193 : i32
        %parallel_loop3A_198 = vector.broadcast %parallel_loop3A_197 : i32 to vector<16xi32>
        %parallel_loop3A_199 = arith.remsi %parallel_loop3A_192, %parallel_loop3A_198 : vector<16xi32>
        %parallel_loop3A_200 = arith.constant 0 : i32
        %parallel_loop3A_201 = vector.broadcast %parallel_loop3A_200 : i32 to vector<16xi32>
        %parallel_loop3A_202 = arith.cmpi ne, %parallel_loop3A_199, %parallel_loop3A_201 : vector<16xi32>
        %parallel_loop3A_203 = arith.constant 0 : i32
        %parallel_loop3A_204 = vector.broadcast %parallel_loop3A_203 : i32 to vector<16xi32>
        %parallel_loop3A_205 = arith.cmpi slt, %parallel_loop3A_199, %parallel_loop3A_204 : vector<16xi32>
        %parallel_loop3A_206 = arith.constant 0 : i32
        %parallel_loop3A_207 = arith.cmpi slt, %parallel_loop3A_197, %parallel_loop3A_206 : i32
        %parallel_loop3A_208 = vector.broadcast %parallel_loop3A_207 : i1 to vector<16xi1>
        %parallel_loop3A_209 = vector.broadcast %parallel_loop3A_208 : vector<16xi1> to vector<16xi1>
        %parallel_loop3A_210 = arith.xori %parallel_loop3A_205, %parallel_loop3A_209 : vector<16xi1>
        %parallel_loop3A_211 = arith.andi %parallel_loop3A_210, %parallel_loop3A_202 : vector<16xi1>
        %parallel_loop3A_212 = vector.broadcast %parallel_loop3A_197 : i32 to vector<16xi32>
        %parallel_loop3A_213 = arith.addi %parallel_loop3A_199, %parallel_loop3A_212 : vector<16xi32>
        %parallel_loop3A_214 = arith.select %parallel_loop3A_211, %parallel_loop3A_213, %parallel_loop3A_199 : vector<16xi1>, vector<16xi32>
        %parallel_loop3A_215 = tpu.vector_load_idx %arg11[%parallel_loop3A_163, %parallel_loop3A_214] : memref<128x16xi32, #tpu.memory_space<vmem>>[vector<16xi32>, vector<16xi32>], vector<16xi32>,
        %parallel_loop3A_216 = arith.constant 2 : i32
        %parallel_loop3A_217 = vector.broadcast %parallel_loop3A_216 : i32 to vector<16xi32>
        %parallel_loop3A_218 = arith.addi %iota3A, %parallel_loop3A_217 : vector<16xi32>
        %parallel_loop3A_219 = arith.constant 5 : i32
        %parallel_loop3A_220 = arith.constant 0 : i32
        %parallel_loop3A_221 = arith.cmpi eq, %parallel_loop3A_219, %parallel_loop3A_220 : i32
        %parallel_loop3A_222 = arith.constant 1 : i32
        %parallel_loop3A_223 = arith.select %parallel_loop3A_221, %parallel_loop3A_222, %parallel_loop3A_219 : i32
        %parallel_loop3A_224 = vector.broadcast %parallel_loop3A_223 : i32 to vector<16xi32>
        %parallel_loop3A_225 = arith.remsi %parallel_loop3A_218, %parallel_loop3A_224 : vector<16xi32>
        %parallel_loop3A_226 = arith.constant 0 : i32
        %parallel_loop3A_227 = vector.broadcast %parallel_loop3A_226 : i32 to vector<16xi32>
        %parallel_loop3A_228 = arith.cmpi ne, %parallel_loop3A_225, %parallel_loop3A_227 : vector<16xi32>
        %parallel_loop3A_229 = arith.constant 0 : i32
        %parallel_loop3A_230 = vector.broadcast %parallel_loop3A_229 : i32 to vector<16xi32>
        %parallel_loop3A_231 = arith.cmpi slt, %parallel_loop3A_225, %parallel_loop3A_230 : vector<16xi32>
        %parallel_loop3A_232 = arith.constant 0 : i32
        %parallel_loop3A_233 = arith.cmpi slt, %parallel_loop3A_223, %parallel_loop3A_232 : i32
        %parallel_loop3A_234 = vector.broadcast %parallel_loop3A_233 : i1 to vector<16xi1>
        %parallel_loop3A_235 = vector.broadcast %parallel_loop3A_234 : vector<16xi1> to vector<16xi1>
        %parallel_loop3A_236 = arith.xori %parallel_loop3A_231, %parallel_loop3A_235 : vector<16xi1>
        %parallel_loop3A_237 = arith.andi %parallel_loop3A_236, %parallel_loop3A_228 : vector<16xi1>
        %parallel_loop3A_238 = vector.broadcast %parallel_loop3A_223 : i32 to vector<16xi32>
        %parallel_loop3A_239 = arith.addi %parallel_loop3A_225, %parallel_loop3A_238 : vector<16xi32>
        %parallel_loop3A_240 = arith.select %parallel_loop3A_237, %parallel_loop3A_239, %parallel_loop3A_225 : vector<16xi1>, vector<16xi32>
        %parallel_loop3A_241 = tpu.vector_load_idx %arg11[%parallel_loop3A_163, %parallel_loop3A_240] : memref<128x16xi32, #tpu.memory_space<vmem>>[vector<16xi32>, vector<16xi32>], vector<16xi32>,
        %parallel_loop3A_242 = arith.constant 3 : i32
        %parallel_loop3A_243 = vector.broadcast %parallel_loop3A_242 : i32 to vector<16xi32>
        %parallel_loop3A_244 = arith.addi %iota3A, %parallel_loop3A_243 : vector<16xi32>
        %parallel_loop3A_245 = arith.constant 5 : i32
        %parallel_loop3A_246 = arith.constant 0 : i32
        %parallel_loop3A_247 = arith.cmpi eq, %parallel_loop3A_245, %parallel_loop3A_246 : i32
        %parallel_loop3A_248 = arith.constant 1 : i32
        %parallel_loop3A_249 = arith.select %parallel_loop3A_247, %parallel_loop3A_248, %parallel_loop3A_245 : i32
        %parallel_loop3A_250 = vector.broadcast %parallel_loop3A_249 : i32 to vector<16xi32>
        %parallel_loop3A_251 = arith.remsi %parallel_loop3A_244, %parallel_loop3A_250 : vector<16xi32>
        %parallel_loop3A_252 = arith.constant 0 : i32
        %parallel_loop3A_253 = vector.broadcast %parallel_loop3A_252 : i32 to vector<16xi32>
        %parallel_loop3A_254 = arith.cmpi ne, %parallel_loop3A_251, %parallel_loop3A_253 : vector<16xi32>
        %parallel_loop3A_255 = arith.constant 0 : i32
        %parallel_loop3A_256 = vector.broadcast %parallel_loop3A_255 : i32 to vector<16xi32>
        %parallel_loop3A_257 = arith.cmpi slt, %parallel_loop3A_251, %parallel_loop3A_256 : vector<16xi32>
        %parallel_loop3A_258 = arith.constant 0 : i32
        %parallel_loop3A_259 = arith.cmpi slt, %parallel_loop3A_249, %parallel_loop3A_258 : i32
        %parallel_loop3A_260 = vector.broadcast %parallel_loop3A_259 : i1 to vector<16xi1>
        %parallel_loop3A_261 = vector.broadcast %parallel_loop3A_260 : vector<16xi1> to vector<16xi1>
        %parallel_loop3A_262 = arith.xori %parallel_loop3A_257, %parallel_loop3A_261 : vector<16xi1>
        %parallel_loop3A_263 = arith.andi %parallel_loop3A_262, %parallel_loop3A_254 : vector<16xi1>
        %parallel_loop3A_264 = vector.broadcast %parallel_loop3A_249 : i32 to vector<16xi32>
        %parallel_loop3A_265 = arith.addi %parallel_loop3A_251, %parallel_loop3A_264 : vector<16xi32>
        %parallel_loop3A_266 = arith.select %parallel_loop3A_263, %parallel_loop3A_265, %parallel_loop3A_251 : vector<16xi1>, vector<16xi32>
        %parallel_loop3A_267 = tpu.vector_load_idx %arg11[%parallel_loop3A_163, %parallel_loop3A_266] : memref<128x16xi32, #tpu.memory_space<vmem>>[vector<16xi32>, vector<16xi32>], vector<16xi32>,
        %parallel_loop3A_268 = arith.constant 4 : i32
        %parallel_loop3A_269 = vector.broadcast %parallel_loop3A_268 : i32 to vector<16xi32>
        %parallel_loop3A_270 = arith.addi %iota3A, %parallel_loop3A_269 : vector<16xi32>
        %parallel_loop3A_271 = arith.constant 5 : i32
        %parallel_loop3A_272 = arith.constant 0 : i32
        %parallel_loop3A_273 = arith.cmpi eq, %parallel_loop3A_271, %parallel_loop3A_272 : i32
        %parallel_loop3A_274 = arith.constant 1 : i32
        %parallel_loop3A_275 = arith.select %parallel_loop3A_273, %parallel_loop3A_274, %parallel_loop3A_271 : i32
        %parallel_loop3A_276 = vector.broadcast %parallel_loop3A_275 : i32 to vector<16xi32>
        %parallel_loop3A_277 = arith.remsi %parallel_loop3A_270, %parallel_loop3A_276 : vector<16xi32>
        %parallel_loop3A_278 = arith.constant 0 : i32
        %parallel_loop3A_279 = vector.broadcast %parallel_loop3A_278 : i32 to vector<16xi32>
        %parallel_loop3A_280 = arith.cmpi ne, %parallel_loop3A_277, %parallel_loop3A_279 : vector<16xi32>
        %parallel_loop3A_281 = arith.constant 0 : i32
        %parallel_loop3A_282 = vector.broadcast %parallel_loop3A_281 : i32 to vector<16xi32>
        %parallel_loop3A_283 = arith.cmpi slt, %parallel_loop3A_277, %parallel_loop3A_282 : vector<16xi32>
        %parallel_loop3A_284 = arith.constant 0 : i32
        %parallel_loop3A_285 = arith.cmpi slt, %parallel_loop3A_275, %parallel_loop3A_284 : i32
        %parallel_loop3A_286 = vector.broadcast %parallel_loop3A_285 : i1 to vector<16xi1>
        %parallel_loop3A_287 = vector.broadcast %parallel_loop3A_286 : vector<16xi1> to vector<16xi1>
        %parallel_loop3A_288 = arith.xori %parallel_loop3A_283, %parallel_loop3A_287 : vector<16xi1>
        %parallel_loop3A_289 = arith.andi %parallel_loop3A_288, %parallel_loop3A_280 : vector<16xi1>
        %parallel_loop3A_290 = vector.broadcast %parallel_loop3A_275 : i32 to vector<16xi32>
        %parallel_loop3A_291 = arith.addi %parallel_loop3A_277, %parallel_loop3A_290 : vector<16xi32>
        %parallel_loop3A_292 = arith.select %parallel_loop3A_289, %parallel_loop3A_291, %parallel_loop3A_277 : vector<16xi1>, vector<16xi32>
        %parallel_loop3A_293 = tpu.vector_load_idx %arg11[%parallel_loop3A_163, %parallel_loop3A_292] : memref<128x16xi32, #tpu.memory_space<vmem>>[vector<16xi32>, vector<16xi32>], vector<16xi32>,
        %parallel_loop3A_294 = arith.constant 0 : i32
        %parallel_loop3A_295 = vector.broadcast %parallel_loop3A_294 : i32 to vector<16xi32>
        %parallel_loop3A_296 = arith.addi %parallel_loop3A_189, %parallel_loop3A_295 : vector<16xi32>
        %parallel_loop3A_297 = tpu.vector_load_idx %arg8[%parallel_loop3A_296] : memref<32000xi32, #tpu.memory_space<vmem>>[vector<16xi32>], vector<16xi32>,
        %parallel_loop3A_298 = vector.bitcast %parallel_loop3A_297 : vector<16xi32> to vector<32xbf16>
        %parallel_loop3A_299 = tpu.unpack_subelements %parallel_loop3A_298, 0 {pack_format = #tpu.pack_format<interleaved>} : vector<32xbf16> -> vector<16xf32>
        %parallel_loop3A_300 = tpu.unpack_subelements %parallel_loop3A_298, 1 {pack_format = #tpu.pack_format<interleaved>} : vector<32xbf16> -> vector<16xf32>
        %parallel_loop3A_301 = arith.constant 0 : i32
        %parallel_loop3A_302 = vector.broadcast %parallel_loop3A_301 : i32 to vector<16xi32>
        %parallel_loop3A_303 = arith.addi %parallel_loop3A_215, %parallel_loop3A_302 : vector<16xi32>
        %parallel_loop3A_304 = tpu.vector_load_idx %arg8[%parallel_loop3A_303] : memref<32000xi32, #tpu.memory_space<vmem>>[vector<16xi32>], vector<16xi32>,
        %parallel_loop3A_305 = vector.bitcast %parallel_loop3A_304 : vector<16xi32> to vector<32xbf16>
        %parallel_loop3A_306 = tpu.unpack_subelements %parallel_loop3A_305, 0 {pack_format = #tpu.pack_format<interleaved>} : vector<32xbf16> -> vector<16xf32>
        %parallel_loop3A_307 = tpu.unpack_subelements %parallel_loop3A_305, 1 {pack_format = #tpu.pack_format<interleaved>} : vector<32xbf16> -> vector<16xf32>
        %parallel_loop3A_308 = arith.addf %parallel_loop3A_299, %parallel_loop3A_306 : vector<16xf32>
        %parallel_loop3A_309 = arith.addf %parallel_loop3A_300, %parallel_loop3A_307 : vector<16xf32>
        %parallel_loop3A_310 = arith.constant 0 : i32
        %parallel_loop3A_311 = vector.broadcast %parallel_loop3A_310 : i32 to vector<16xi32>
        %parallel_loop3A_312 = arith.addi %parallel_loop3A_241, %parallel_loop3A_311 : vector<16xi32>
        %parallel_loop3A_313 = tpu.vector_load_idx %arg8[%parallel_loop3A_312] : memref<32000xi32, #tpu.memory_space<vmem>>[vector<16xi32>], vector<16xi32>,
        %parallel_loop3A_314 = vector.bitcast %parallel_loop3A_313 : vector<16xi32> to vector<32xbf16>
        %parallel_loop3A_315 = tpu.unpack_subelements %parallel_loop3A_314, 0 {pack_format = #tpu.pack_format<interleaved>} : vector<32xbf16> -> vector<16xf32>
        %parallel_loop3A_316 = tpu.unpack_subelements %parallel_loop3A_314, 1 {pack_format = #tpu.pack_format<interleaved>} : vector<32xbf16> -> vector<16xf32>
        %parallel_loop3A_317 = arith.addf %parallel_loop3A_308, %parallel_loop3A_315 : vector<16xf32>
        %parallel_loop3A_318 = arith.addf %parallel_loop3A_309, %parallel_loop3A_316 : vector<16xf32>
        %parallel_loop3A_319 = arith.constant 0 : i32
        %parallel_loop3A_320 = vector.broadcast %parallel_loop3A_319 : i32 to vector<16xi32>
        %parallel_loop3A_321 = arith.addi %parallel_loop3A_267, %parallel_loop3A_320 : vector<16xi32>
        %parallel_loop3A_322 = tpu.vector_load_idx %arg8[%parallel_loop3A_321] : memref<32000xi32, #tpu.memory_space<vmem>>[vector<16xi32>], vector<16xi32>,
        %parallel_loop3A_323 = vector.bitcast %parallel_loop3A_322 : vector<16xi32> to vector<32xbf16>
        %parallel_loop3A_324 = tpu.unpack_subelements %parallel_loop3A_323, 0 {pack_format = #tpu.pack_format<interleaved>} : vector<32xbf16> -> vector<16xf32>
        %parallel_loop3A_325 = tpu.unpack_subelements %parallel_loop3A_323, 1 {pack_format = #tpu.pack_format<interleaved>} : vector<32xbf16> -> vector<16xf32>
        %parallel_loop3A_326 = arith.addf %parallel_loop3A_317, %parallel_loop3A_324 : vector<16xf32>
        %parallel_loop3A_327 = arith.addf %parallel_loop3A_318, %parallel_loop3A_325 : vector<16xf32>
        %parallel_loop3A_328 = arith.constant 0 : i32
        %parallel_loop3A_329 = vector.broadcast %parallel_loop3A_328 : i32 to vector<16xi32>
        %parallel_loop3A_330 = arith.addi %parallel_loop3A_293, %parallel_loop3A_329 : vector<16xi32>
        %parallel_loop3A_331 = tpu.vector_load_idx %arg8[%parallel_loop3A_330] : memref<32000xi32, #tpu.memory_space<vmem>>[vector<16xi32>], vector<16xi32>,
        %parallel_loop3A_332 = vector.bitcast %parallel_loop3A_331 : vector<16xi32> to vector<32xbf16>
        %parallel_loop3A_333 = tpu.unpack_subelements %parallel_loop3A_332, 0 {pack_format = #tpu.pack_format<interleaved>} : vector<32xbf16> -> vector<16xf32>
        %parallel_loop3A_334 = tpu.unpack_subelements %parallel_loop3A_332, 1 {pack_format = #tpu.pack_format<interleaved>} : vector<32xbf16> -> vector<16xf32>
        %parallel_loop3A_335 = arith.addf %parallel_loop3A_326, %parallel_loop3A_333 : vector<16xf32>
        %parallel_loop3A_336 = arith.addf %parallel_loop3A_327, %parallel_loop3A_334 : vector<16xf32>
        %parallel_loop3A_337 = arith.constant 0 : i32
        %parallel_loop3A_338 = vector.broadcast %parallel_loop3A_337 : i32 to vector<16xi32>
        tpu.vector_store_idx %arg17[%parallel_loop3A_163, %parallel_loop3A_338], %parallel_loop3A_335 : memref<128x33xf32, #tpu.memory_space<vmem>>[vector<16xi32>, vector<16xi32>], vector<16xf32>,
        %parallel_loop3A_339 = arith.constant 1 : i32
        %parallel_loop3A_340 = vector.broadcast %parallel_loop3A_339 : i32 to vector<16xi32>
        tpu.vector_store_idx %arg17[%parallel_loop3A_163, %parallel_loop3A_340], %parallel_loop3A_336 : memref<128x33xf32, #tpu.memory_space<vmem>>[vector<16xi32>, vector<16xi32>], vector<16xf32>,
        %parallel_loop3A_341 = arith.constant 2000 : i32
        %parallel_loop3A_342 = vector.broadcast %parallel_loop3A_341 : i32 to vector<16xi32>
        %parallel_loop3A_343 = arith.addi %parallel_loop3A_189, %parallel_loop3A_342 : vector<16xi32>
        %parallel_loop3A_344 = tpu.vector_load_idx %arg8[%parallel_loop3A_343] : memref<32000xi32, #tpu.memory_space<vmem>>[vector<16xi32>], vector<16xi32>,
        %parallel_loop3A_345 = vector.bitcast %parallel_loop3A_344 : vector<16xi32> to vector<32xbf16>
        %parallel_loop3A_346 = tpu.unpack_subelements %parallel_loop3A_345, 0 {pack_format = #tpu.pack_format<interleaved>} : vector<32xbf16> -> vector<16xf32>
        %parallel_loop3A_347 = tpu.unpack_subelements %parallel_loop3A_345, 1 {pack_format = #tpu.pack_format<interleaved>} : vector<32xbf16> -> vector<16xf32>
        %parallel_loop3A_348 = arith.constant 2000 : i32
        %parallel_loop3A_349 = vector.broadcast %parallel_loop3A_348 : i32 to vector<16xi32>
        %parallel_loop3A_350 = arith.addi %parallel_loop3A_215, %parallel_loop3A_349 : vector<16xi32>
        %parallel_loop3A_351 = tpu.vector_load_idx %arg8[%parallel_loop3A_350] : memref<32000xi32, #tpu.memory_space<vmem>>[vector<16xi32>], vector<16xi32>,
        %parallel_loop3A_352 = vector.bitcast %parallel_loop3A_351 : vector<16xi32> to vector<32xbf16>
        %parallel_loop3A_353 = tpu.unpack_subelements %parallel_loop3A_352, 0 {pack_format = #tpu.pack_format<interleaved>} : vector<32xbf16> -> vector<16xf32>
        %parallel_loop3A_354 = tpu.unpack_subelements %parallel_loop3A_352, 1 {pack_format = #tpu.pack_format<interleaved>} : vector<32xbf16> -> vector<16xf32>
        %parallel_loop3A_355 = arith.addf %parallel_loop3A_346, %parallel_loop3A_353 : vector<16xf32>
        %parallel_loop3A_356 = arith.addf %parallel_loop3A_347, %parallel_loop3A_354 : vector<16xf32>
        %parallel_loop3A_357 = arith.constant 2000 : i32
        %parallel_loop3A_358 = vector.broadcast %parallel_loop3A_357 : i32 to vector<16xi32>
        %parallel_loop3A_359 = arith.addi %parallel_loop3A_241, %parallel_loop3A_358 : vector<16xi32>
        %parallel_loop3A_360 = tpu.vector_load_idx %arg8[%parallel_loop3A_359] : memref<32000xi32, #tpu.memory_space<vmem>>[vector<16xi32>], vector<16xi32>,
        %parallel_loop3A_361 = vector.bitcast %parallel_loop3A_360 : vector<16xi32> to vector<32xbf16>
        %parallel_loop3A_362 = tpu.unpack_subelements %parallel_loop3A_361, 0 {pack_format = #tpu.pack_format<interleaved>} : vector<32xbf16> -> vector<16xf32>
        %parallel_loop3A_363 = tpu.unpack_subelements %parallel_loop3A_361, 1 {pack_format = #tpu.pack_format<interleaved>} : vector<32xbf16> -> vector<16xf32>
        %parallel_loop3A_364 = arith.addf %parallel_loop3A_355, %parallel_loop3A_362 : vector<16xf32>
        %parallel_loop3A_365 = arith.addf %parallel_loop3A_356, %parallel_loop3A_363 : vector<16xf32>
        %parallel_loop3A_366 = arith.constant 2000 : i32
        %parallel_loop3A_367 = vector.broadcast %parallel_loop3A_366 : i32 to vector<16xi32>
        %parallel_loop3A_368 = arith.addi %parallel_loop3A_267, %parallel_loop3A_367 : vector<16xi32>
        %parallel_loop3A_369 = tpu.vector_load_idx %arg8[%parallel_loop3A_368] : memref<32000xi32, #tpu.memory_space<vmem>>[vector<16xi32>], vector<16xi32>,
        %parallel_loop3A_370 = vector.bitcast %parallel_loop3A_369 : vector<16xi32> to vector<32xbf16>
        %parallel_loop3A_371 = tpu.unpack_subelements %parallel_loop3A_370, 0 {pack_format = #tpu.pack_format<interleaved>} : vector<32xbf16> -> vector<16xf32>
        %parallel_loop3A_372 = tpu.unpack_subelements %parallel_loop3A_370, 1 {pack_format = #tpu.pack_format<interleaved>} : vector<32xbf16> -> vector<16xf32>
        %parallel_loop3A_373 = arith.addf %parallel_loop3A_364, %parallel_loop3A_371 : vector<16xf32>
        %parallel_loop3A_374 = arith.addf %parallel_loop3A_365, %parallel_loop3A_372 : vector<16xf32>
        %parallel_loop3A_375 = arith.constant 2000 : i32
        %parallel_loop3A_376 = vector.broadcast %parallel_loop3A_375 : i32 to vector<16xi32>
        %parallel_loop3A_377 = arith.addi %parallel_loop3A_293, %parallel_loop3A_376 : vector<16xi32>
        %parallel_loop3A_378 = tpu.vector_load_idx %arg8[%parallel_loop3A_377] : memref<32000xi32, #tpu.memory_space<vmem>>[vector<16xi32>], vector<16xi32>,
        %parallel_loop3A_379 = vector.bitcast %parallel_loop3A_378 : vector<16xi32> to vector<32xbf16>
        %parallel_loop3A_380 = tpu.unpack_subelements %parallel_loop3A_379, 0 {pack_format = #tpu.pack_format<interleaved>} : vector<32xbf16> -> vector<16xf32>
        %parallel_loop3A_381 = tpu.unpack_subelements %parallel_loop3A_379, 1 {pack_format = #tpu.pack_format<interleaved>} : vector<32xbf16> -> vector<16xf32>
        %parallel_loop3A_382 = arith.addf %parallel_loop3A_373, %parallel_loop3A_380 : vector<16xf32>
        %parallel_loop3A_383 = arith.addf %parallel_loop3A_374, %parallel_loop3A_381 : vector<16xf32>
        %parallel_loop3A_384 = arith.constant 2 : i32
        %parallel_loop3A_385 = vector.broadcast %parallel_loop3A_384 : i32 to vector<16xi32>
        tpu.vector_store_idx %arg17[%parallel_loop3A_163, %parallel_loop3A_385], %parallel_loop3A_382 : memref<128x33xf32, #tpu.memory_space<vmem>>[vector<16xi32>, vector<16xi32>], vector<16xf32>,
        %parallel_loop3A_386 = arith.constant 3 : i32
        %parallel_loop3A_387 = vector.broadcast %parallel_loop3A_386 : i32 to vector<16xi32>
        tpu.vector_store_idx %arg17[%parallel_loop3A_163, %parallel_loop3A_387], %parallel_loop3A_383 : memref<128x33xf32, #tpu.memory_space<vmem>>[vector<16xi32>, vector<16xi32>], vector<16xf32>,
        %parallel_loop3A_388 = arith.constant 4000 : i32
        %parallel_loop3A_389 = vector.broadcast %parallel_loop3A_388 : i32 to vector<16xi32>
        %parallel_loop3A_390 = arith.addi %parallel_loop3A_189, %parallel_loop3A_389 : vector<16xi32>
        %parallel_loop3A_391 = tpu.vector_load_idx %arg8[%parallel_loop3A_390] : memref<32000xi32, #tpu.memory_space<vmem>>[vector<16xi32>], vector<16xi32>,
        %parallel_loop3A_392 = vector.bitcast %parallel_loop3A_391 : vector<16xi32> to vector<32xbf16>
        %parallel_loop3A_393 = tpu.unpack_subelements %parallel_loop3A_392, 0 {pack_format = #tpu.pack_format<interleaved>} : vector<32xbf16> -> vector<16xf32>
        %parallel_loop3A_394 = tpu.unpack_subelements %parallel_loop3A_392, 1 {pack_format = #tpu.pack_format<interleaved>} : vector<32xbf16> -> vector<16xf32>
        %parallel_loop3A_395 = arith.constant 4000 : i32
        %parallel_loop3A_396 = vector.broadcast %parallel_loop3A_395 : i32 to vector<16xi32>
        %parallel_loop3A_397 = arith.addi %parallel_loop3A_215, %parallel_loop3A_396 : vector<16xi32>
        %parallel_loop3A_398 = tpu.vector_load_idx %arg8[%parallel_loop3A_397] : memref<32000xi32, #tpu.memory_space<vmem>>[vector<16xi32>], vector<16xi32>,
        %parallel_loop3A_399 = vector.bitcast %parallel_loop3A_398 : vector<16xi32> to vector<32xbf16>
        %parallel_loop3A_400 = tpu.unpack_subelements %parallel_loop3A_399, 0 {pack_format = #tpu.pack_format<interleaved>} : vector<32xbf16> -> vector<16xf32>
        %parallel_loop3A_401 = tpu.unpack_subelements %parallel_loop3A_399, 1 {pack_format = #tpu.pack_format<interleaved>} : vector<32xbf16> -> vector<16xf32>
        %parallel_loop3A_402 = arith.addf %parallel_loop3A_393, %parallel_loop3A_400 : vector<16xf32>
        %parallel_loop3A_403 = arith.addf %parallel_loop3A_394, %parallel_loop3A_401 : vector<16xf32>
        %parallel_loop3A_404 = arith.constant 4000 : i32
        %parallel_loop3A_405 = vector.broadcast %parallel_loop3A_404 : i32 to vector<16xi32>
        %parallel_loop3A_406 = arith.addi %parallel_loop3A_241, %parallel_loop3A_405 : vector<16xi32>
        %parallel_loop3A_407 = tpu.vector_load_idx %arg8[%parallel_loop3A_406] : memref<32000xi32, #tpu.memory_space<vmem>>[vector<16xi32>], vector<16xi32>,
        %parallel_loop3A_408 = vector.bitcast %parallel_loop3A_407 : vector<16xi32> to vector<32xbf16>
        %parallel_loop3A_409 = tpu.unpack_subelements %parallel_loop3A_408, 0 {pack_format = #tpu.pack_format<interleaved>} : vector<32xbf16> -> vector<16xf32>
        %parallel_loop3A_410 = tpu.unpack_subelements %parallel_loop3A_408, 1 {pack_format = #tpu.pack_format<interleaved>} : vector<32xbf16> -> vector<16xf32>
        %parallel_loop3A_411 = arith.addf %parallel_loop3A_402, %parallel_loop3A_409 : vector<16xf32>
        %parallel_loop3A_412 = arith.addf %parallel_loop3A_403, %parallel_loop3A_410 : vector<16xf32>
        %parallel_loop3A_413 = arith.constant 4000 : i32
        %parallel_loop3A_414 = vector.broadcast %parallel_loop3A_413 : i32 to vector<16xi32>
        %parallel_loop3A_415 = arith.addi %parallel_loop3A_267, %parallel_loop3A_414 : vector<16xi32>
        %parallel_loop3A_416 = tpu.vector_load_idx %arg8[%parallel_loop3A_415] : memref<32000xi32, #tpu.memory_space<vmem>>[vector<16xi32>], vector<16xi32>,
        %parallel_loop3A_417 = vector.bitcast %parallel_loop3A_416 : vector<16xi32> to vector<32xbf16>
        %parallel_loop3A_418 = tpu.unpack_subelements %parallel_loop3A_417, 0 {pack_format = #tpu.pack_format<interleaved>} : vector<32xbf16> -> vector<16xf32>
        %parallel_loop3A_419 = tpu.unpack_subelements %parallel_loop3A_417, 1 {pack_format = #tpu.pack_format<interleaved>} : vector<32xbf16> -> vector<16xf32>
        %parallel_loop3A_420 = arith.addf %parallel_loop3A_411, %parallel_loop3A_418 : vector<16xf32>
        %parallel_loop3A_421 = arith.addf %parallel_loop3A_412, %parallel_loop3A_419 : vector<16xf32>
        %parallel_loop3A_422 = arith.constant 4000 : i32
        %parallel_loop3A_423 = vector.broadcast %parallel_loop3A_422 : i32 to vector<16xi32>
        %parallel_loop3A_424 = arith.addi %parallel_loop3A_293, %parallel_loop3A_423 : vector<16xi32>
        %parallel_loop3A_425 = tpu.vector_load_idx %arg8[%parallel_loop3A_424] : memref<32000xi32, #tpu.memory_space<vmem>>[vector<16xi32>], vector<16xi32>,
        %parallel_loop3A_426 = vector.bitcast %parallel_loop3A_425 : vector<16xi32> to vector<32xbf16>
        %parallel_loop3A_427 = tpu.unpack_subelements %parallel_loop3A_426, 0 {pack_format = #tpu.pack_format<interleaved>} : vector<32xbf16> -> vector<16xf32>
        %parallel_loop3A_428 = tpu.unpack_subelements %parallel_loop3A_426, 1 {pack_format = #tpu.pack_format<interleaved>} : vector<32xbf16> -> vector<16xf32>
        %parallel_loop3A_429 = arith.addf %parallel_loop3A_420, %parallel_loop3A_427 : vector<16xf32>
        %parallel_loop3A_430 = arith.addf %parallel_loop3A_421, %parallel_loop3A_428 : vector<16xf32>
        %parallel_loop3A_431 = arith.constant 4 : i32
        %parallel_loop3A_432 = vector.broadcast %parallel_loop3A_431 : i32 to vector<16xi32>
        tpu.vector_store_idx %arg17[%parallel_loop3A_163, %parallel_loop3A_432], %parallel_loop3A_429 : memref<128x33xf32, #tpu.memory_space<vmem>>[vector<16xi32>, vector<16xi32>], vector<16xf32>,
        %parallel_loop3A_433 = arith.constant 5 : i32
        %parallel_loop3A_434 = vector.broadcast %parallel_loop3A_433 : i32 to vector<16xi32>
        tpu.vector_store_idx %arg17[%parallel_loop3A_163, %parallel_loop3A_434], %parallel_loop3A_430 : memref<128x33xf32, #tpu.memory_space<vmem>>[vector<16xi32>, vector<16xi32>], vector<16xf32>,
        %parallel_loop3A_435 = arith.constant 6000 : i32
        %parallel_loop3A_436 = vector.broadcast %parallel_loop3A_435 : i32 to vector<16xi32>
        %parallel_loop3A_437 = arith.addi %parallel_loop3A_189, %parallel_loop3A_436 : vector<16xi32>
        %parallel_loop3A_438 = tpu.vector_load_idx %arg8[%parallel_loop3A_437] : memref<32000xi32, #tpu.memory_space<vmem>>[vector<16xi32>], vector<16xi32>,
        %parallel_loop3A_439 = vector.bitcast %parallel_loop3A_438 : vector<16xi32> to vector<32xbf16>
        %parallel_loop3A_440 = tpu.unpack_subelements %parallel_loop3A_439, 0 {pack_format = #tpu.pack_format<interleaved>} : vector<32xbf16> -> vector<16xf32>
        %parallel_loop3A_441 = tpu.unpack_subelements %parallel_loop3A_439, 1 {pack_format = #tpu.pack_format<interleaved>} : vector<32xbf16> -> vector<16xf32>
        %parallel_loop3A_442 = arith.constant 6000 : i32
        %parallel_loop3A_443 = vector.broadcast %parallel_loop3A_442 : i32 to vector<16xi32>
        %parallel_loop3A_444 = arith.addi %parallel_loop3A_215, %parallel_loop3A_443 : vector<16xi32>
        %parallel_loop3A_445 = tpu.vector_load_idx %arg8[%parallel_loop3A_444] : memref<32000xi32, #tpu.memory_space<vmem>>[vector<16xi32>], vector<16xi32>,
        %parallel_loop3A_446 = vector.bitcast %parallel_loop3A_445 : vector<16xi32> to vector<32xbf16>
        %parallel_loop3A_447 = tpu.unpack_subelements %parallel_loop3A_446, 0 {pack_format = #tpu.pack_format<interleaved>} : vector<32xbf16> -> vector<16xf32>
        %parallel_loop3A_448 = tpu.unpack_subelements %parallel_loop3A_446, 1 {pack_format = #tpu.pack_format<interleaved>} : vector<32xbf16> -> vector<16xf32>
        %parallel_loop3A_449 = arith.addf %parallel_loop3A_440, %parallel_loop3A_447 : vector<16xf32>
        %parallel_loop3A_450 = arith.addf %parallel_loop3A_441, %parallel_loop3A_448 : vector<16xf32>
        %parallel_loop3A_451 = arith.constant 6000 : i32
        %parallel_loop3A_452 = vector.broadcast %parallel_loop3A_451 : i32 to vector<16xi32>
        %parallel_loop3A_453 = arith.addi %parallel_loop3A_241, %parallel_loop3A_452 : vector<16xi32>
        %parallel_loop3A_454 = tpu.vector_load_idx %arg8[%parallel_loop3A_453] : memref<32000xi32, #tpu.memory_space<vmem>>[vector<16xi32>], vector<16xi32>,
        %parallel_loop3A_455 = vector.bitcast %parallel_loop3A_454 : vector<16xi32> to vector<32xbf16>
        %parallel_loop3A_456 = tpu.unpack_subelements %parallel_loop3A_455, 0 {pack_format = #tpu.pack_format<interleaved>} : vector<32xbf16> -> vector<16xf32>
        %parallel_loop3A_457 = tpu.unpack_subelements %parallel_loop3A_455, 1 {pack_format = #tpu.pack_format<interleaved>} : vector<32xbf16> -> vector<16xf32>
        %parallel_loop3A_458 = arith.addf %parallel_loop3A_449, %parallel_loop3A_456 : vector<16xf32>
        %parallel_loop3A_459 = arith.addf %parallel_loop3A_450, %parallel_loop3A_457 : vector<16xf32>
        %parallel_loop3A_460 = arith.constant 6000 : i32
        %parallel_loop3A_461 = vector.broadcast %parallel_loop3A_460 : i32 to vector<16xi32>
        %parallel_loop3A_462 = arith.addi %parallel_loop3A_267, %parallel_loop3A_461 : vector<16xi32>
        %parallel_loop3A_463 = tpu.vector_load_idx %arg8[%parallel_loop3A_462] : memref<32000xi32, #tpu.memory_space<vmem>>[vector<16xi32>], vector<16xi32>,
        %parallel_loop3A_464 = vector.bitcast %parallel_loop3A_463 : vector<16xi32> to vector<32xbf16>
        %parallel_loop3A_465 = tpu.unpack_subelements %parallel_loop3A_464, 0 {pack_format = #tpu.pack_format<interleaved>} : vector<32xbf16> -> vector<16xf32>
        %parallel_loop3A_466 = tpu.unpack_subelements %parallel_loop3A_464, 1 {pack_format = #tpu.pack_format<interleaved>} : vector<32xbf16> -> vector<16xf32>
        %parallel_loop3A_467 = arith.addf %parallel_loop3A_458, %parallel_loop3A_465 : vector<16xf32>
        %parallel_loop3A_468 = arith.addf %parallel_loop3A_459, %parallel_loop3A_466 : vector<16xf32>
        %parallel_loop3A_469 = arith.constant 6000 : i32
        %parallel_loop3A_470 = vector.broadcast %parallel_loop3A_469 : i32 to vector<16xi32>
        %parallel_loop3A_471 = arith.addi %parallel_loop3A_293, %parallel_loop3A_470 : vector<16xi32>
        %parallel_loop3A_472 = tpu.vector_load_idx %arg8[%parallel_loop3A_471] : memref<32000xi32, #tpu.memory_space<vmem>>[vector<16xi32>], vector<16xi32>,
        %parallel_loop3A_473 = vector.bitcast %parallel_loop3A_472 : vector<16xi32> to vector<32xbf16>
        %parallel_loop3A_474 = tpu.unpack_subelements %parallel_loop3A_473, 0 {pack_format = #tpu.pack_format<interleaved>} : vector<32xbf16> -> vector<16xf32>
        %parallel_loop3A_475 = tpu.unpack_subelements %parallel_loop3A_473, 1 {pack_format = #tpu.pack_format<interleaved>} : vector<32xbf16> -> vector<16xf32>
        %parallel_loop3A_476 = arith.addf %parallel_loop3A_467, %parallel_loop3A_474 : vector<16xf32>
        %parallel_loop3A_477 = arith.addf %parallel_loop3A_468, %parallel_loop3A_475 : vector<16xf32>
        %parallel_loop3A_478 = arith.constant 6 : i32
        %parallel_loop3A_479 = vector.broadcast %parallel_loop3A_478 : i32 to vector<16xi32>
        tpu.vector_store_idx %arg17[%parallel_loop3A_163, %parallel_loop3A_479], %parallel_loop3A_476 : memref<128x33xf32, #tpu.memory_space<vmem>>[vector<16xi32>, vector<16xi32>], vector<16xf32>,
        %parallel_loop3A_480 = arith.constant 7 : i32
        %parallel_loop3A_481 = vector.broadcast %parallel_loop3A_480 : i32 to vector<16xi32>
        tpu.vector_store_idx %arg17[%parallel_loop3A_163, %parallel_loop3A_481], %parallel_loop3A_477 : memref<128x33xf32, #tpu.memory_space<vmem>>[vector<16xi32>, vector<16xi32>], vector<16xf32>,
        %parallel_loop3A_482 = arith.constant 8000 : i32
        %parallel_loop3A_483 = vector.broadcast %parallel_loop3A_482 : i32 to vector<16xi32>
        %parallel_loop3A_484 = arith.addi %parallel_loop3A_189, %parallel_loop3A_483 : vector<16xi32>
        %parallel_loop3A_485 = tpu.vector_load_idx %arg8[%parallel_loop3A_484] : memref<32000xi32, #tpu.memory_space<vmem>>[vector<16xi32>], vector<16xi32>,
        %parallel_loop3A_486 = vector.bitcast %parallel_loop3A_485 : vector<16xi32> to vector<32xbf16>
        %parallel_loop3A_487 = tpu.unpack_subelements %parallel_loop3A_486, 0 {pack_format = #tpu.pack_format<interleaved>} : vector<32xbf16> -> vector<16xf32>
        %parallel_loop3A_488 = tpu.unpack_subelements %parallel_loop3A_486, 1 {pack_format = #tpu.pack_format<interleaved>} : vector<32xbf16> -> vector<16xf32>
        %parallel_loop3A_489 = arith.constant 8000 : i32
        %parallel_loop3A_490 = vector.broadcast %parallel_loop3A_489 : i32 to vector<16xi32>
        %parallel_loop3A_491 = arith.addi %parallel_loop3A_215, %parallel_loop3A_490 : vector<16xi32>
        %parallel_loop3A_492 = tpu.vector_load_idx %arg8[%parallel_loop3A_491] : memref<32000xi32, #tpu.memory_space<vmem>>[vector<16xi32>], vector<16xi32>,
        %parallel_loop3A_493 = vector.bitcast %parallel_loop3A_492 : vector<16xi32> to vector<32xbf16>
        %parallel_loop3A_494 = tpu.unpack_subelements %parallel_loop3A_493, 0 {pack_format = #tpu.pack_format<interleaved>} : vector<32xbf16> -> vector<16xf32>
        %parallel_loop3A_495 = tpu.unpack_subelements %parallel_loop3A_493, 1 {pack_format = #tpu.pack_format<interleaved>} : vector<32xbf16> -> vector<16xf32>
        %parallel_loop3A_496 = arith.addf %parallel_loop3A_487, %parallel_loop3A_494 : vector<16xf32>
        %parallel_loop3A_497 = arith.addf %parallel_loop3A_488, %parallel_loop3A_495 : vector<16xf32>
        %parallel_loop3A_498 = arith.constant 8000 : i32
        %parallel_loop3A_499 = vector.broadcast %parallel_loop3A_498 : i32 to vector<16xi32>
        %parallel_loop3A_500 = arith.addi %parallel_loop3A_241, %parallel_loop3A_499 : vector<16xi32>
        %parallel_loop3A_501 = tpu.vector_load_idx %arg8[%parallel_loop3A_500] : memref<32000xi32, #tpu.memory_space<vmem>>[vector<16xi32>], vector<16xi32>,
        %parallel_loop3A_502 = vector.bitcast %parallel_loop3A_501 : vector<16xi32> to vector<32xbf16>
        %parallel_loop3A_503 = tpu.unpack_subelements %parallel_loop3A_502, 0 {pack_format = #tpu.pack_format<interleaved>} : vector<32xbf16> -> vector<16xf32>
        %parallel_loop3A_504 = tpu.unpack_subelements %parallel_loop3A_502, 1 {pack_format = #tpu.pack_format<interleaved>} : vector<32xbf16> -> vector<16xf32>
        %parallel_loop3A_505 = arith.addf %parallel_loop3A_496, %parallel_loop3A_503 : vector<16xf32>
        %parallel_loop3A_506 = arith.addf %parallel_loop3A_497, %parallel_loop3A_504 : vector<16xf32>
        %parallel_loop3A_507 = arith.constant 8000 : i32
        %parallel_loop3A_508 = vector.broadcast %parallel_loop3A_507 : i32 to vector<16xi32>
        %parallel_loop3A_509 = arith.addi %parallel_loop3A_267, %parallel_loop3A_508 : vector<16xi32>
        %parallel_loop3A_510 = tpu.vector_load_idx %arg8[%parallel_loop3A_509] : memref<32000xi32, #tpu.memory_space<vmem>>[vector<16xi32>], vector<16xi32>,
        %parallel_loop3A_511 = vector.bitcast %parallel_loop3A_510 : vector<16xi32> to vector<32xbf16>
        %parallel_loop3A_512 = tpu.unpack_subelements %parallel_loop3A_511, 0 {pack_format = #tpu.pack_format<interleaved>} : vector<32xbf16> -> vector<16xf32>
        %parallel_loop3A_513 = tpu.unpack_subelements %parallel_loop3A_511, 1 {pack_format = #tpu.pack_format<interleaved>} : vector<32xbf16> -> vector<16xf32>
        %parallel_loop3A_514 = arith.addf %parallel_loop3A_505, %parallel_loop3A_512 : vector<16xf32>
        %parallel_loop3A_515 = arith.addf %parallel_loop3A_506, %parallel_loop3A_513 : vector<16xf32>
        %parallel_loop3A_516 = arith.constant 8000 : i32
        %parallel_loop3A_517 = vector.broadcast %parallel_loop3A_516 : i32 to vector<16xi32>
        %parallel_loop3A_518 = arith.addi %parallel_loop3A_293, %parallel_loop3A_517 : vector<16xi32>
        %parallel_loop3A_519 = tpu.vector_load_idx %arg8[%parallel_loop3A_518] : memref<32000xi32, #tpu.memory_space<vmem>>[vector<16xi32>], vector<16xi32>,
        %parallel_loop3A_520 = vector.bitcast %parallel_loop3A_519 : vector<16xi32> to vector<32xbf16>
        %parallel_loop3A_521 = tpu.unpack_subelements %parallel_loop3A_520, 0 {pack_format = #tpu.pack_format<interleaved>} : vector<32xbf16> -> vector<16xf32>
        %parallel_loop3A_522 = tpu.unpack_subelements %parallel_loop3A_520, 1 {pack_format = #tpu.pack_format<interleaved>} : vector<32xbf16> -> vector<16xf32>
        %parallel_loop3A_523 = arith.addf %parallel_loop3A_514, %parallel_loop3A_521 : vector<16xf32>
        %parallel_loop3A_524 = arith.addf %parallel_loop3A_515, %parallel_loop3A_522 : vector<16xf32>
        %parallel_loop3A_525 = arith.constant 8 : i32
        %parallel_loop3A_526 = vector.broadcast %parallel_loop3A_525 : i32 to vector<16xi32>
        tpu.vector_store_idx %arg17[%parallel_loop3A_163, %parallel_loop3A_526], %parallel_loop3A_523 : memref<128x33xf32, #tpu.memory_space<vmem>>[vector<16xi32>, vector<16xi32>], vector<16xf32>,
        %parallel_loop3A_527 = arith.constant 9 : i32
        %parallel_loop3A_528 = vector.broadcast %parallel_loop3A_527 : i32 to vector<16xi32>
        tpu.vector_store_idx %arg17[%parallel_loop3A_163, %parallel_loop3A_528], %parallel_loop3A_524 : memref<128x33xf32, #tpu.memory_space<vmem>>[vector<16xi32>, vector<16xi32>], vector<16xf32>,
        %parallel_loop3A_529 = arith.constant 10000 : i32
        %parallel_loop3A_530 = vector.broadcast %parallel_loop3A_529 : i32 to vector<16xi32>
        %parallel_loop3A_531 = arith.addi %parallel_loop3A_189, %parallel_loop3A_530 : vector<16xi32>
        %parallel_loop3A_532 = tpu.vector_load_idx %arg8[%parallel_loop3A_531] : memref<32000xi32, #tpu.memory_space<vmem>>[vector<16xi32>], vector<16xi32>,
        %parallel_loop3A_533 = vector.bitcast %parallel_loop3A_532 : vector<16xi32> to vector<32xbf16>
        %parallel_loop3A_534 = tpu.unpack_subelements %parallel_loop3A_533, 0 {pack_format = #tpu.pack_format<interleaved>} : vector<32xbf16> -> vector<16xf32>
        %parallel_loop3A_535 = tpu.unpack_subelements %parallel_loop3A_533, 1 {pack_format = #tpu.pack_format<interleaved>} : vector<32xbf16> -> vector<16xf32>
        %parallel_loop3A_536 = arith.constant 10000 : i32
        %parallel_loop3A_537 = vector.broadcast %parallel_loop3A_536 : i32 to vector<16xi32>
        %parallel_loop3A_538 = arith.addi %parallel_loop3A_215, %parallel_loop3A_537 : vector<16xi32>
        %parallel_loop3A_539 = tpu.vector_load_idx %arg8[%parallel_loop3A_538] : memref<32000xi32, #tpu.memory_space<vmem>>[vector<16xi32>], vector<16xi32>,
        %parallel_loop3A_540 = vector.bitcast %parallel_loop3A_539 : vector<16xi32> to vector<32xbf16>
        %parallel_loop3A_541 = tpu.unpack_subelements %parallel_loop3A_540, 0 {pack_format = #tpu.pack_format<interleaved>} : vector<32xbf16> -> vector<16xf32>
        %parallel_loop3A_542 = tpu.unpack_subelements %parallel_loop3A_540, 1 {pack_format = #tpu.pack_format<interleaved>} : vector<32xbf16> -> vector<16xf32>
        %parallel_loop3A_543 = arith.addf %parallel_loop3A_534, %parallel_loop3A_541 : vector<16xf32>
        %parallel_loop3A_544 = arith.addf %parallel_loop3A_535, %parallel_loop3A_542 : vector<16xf32>
        %parallel_loop3A_545 = arith.constant 10000 : i32
        %parallel_loop3A_546 = vector.broadcast %parallel_loop3A_545 : i32 to vector<16xi32>
        %parallel_loop3A_547 = arith.addi %parallel_loop3A_241, %parallel_loop3A_546 : vector<16xi32>
        %parallel_loop3A_548 = tpu.vector_load_idx %arg8[%parallel_loop3A_547] : memref<32000xi32, #tpu.memory_space<vmem>>[vector<16xi32>], vector<16xi32>,
        %parallel_loop3A_549 = vector.bitcast %parallel_loop3A_548 : vector<16xi32> to vector<32xbf16>
        %parallel_loop3A_550 = tpu.unpack_subelements %parallel_loop3A_549, 0 {pack_format = #tpu.pack_format<interleaved>} : vector<32xbf16> -> vector<16xf32>
        %parallel_loop3A_551 = tpu.unpack_subelements %parallel_loop3A_549, 1 {pack_format = #tpu.pack_format<interleaved>} : vector<32xbf16> -> vector<16xf32>
        %parallel_loop3A_552 = arith.addf %parallel_loop3A_543, %parallel_loop3A_550 : vector<16xf32>
        %parallel_loop3A_553 = arith.addf %parallel_loop3A_544, %parallel_loop3A_551 : vector<16xf32>
        %parallel_loop3A_554 = arith.constant 10000 : i32
        %parallel_loop3A_555 = vector.broadcast %parallel_loop3A_554 : i32 to vector<16xi32>
        %parallel_loop3A_556 = arith.addi %parallel_loop3A_267, %parallel_loop3A_555 : vector<16xi32>
        %parallel_loop3A_557 = tpu.vector_load_idx %arg8[%parallel_loop3A_556] : memref<32000xi32, #tpu.memory_space<vmem>>[vector<16xi32>], vector<16xi32>,
        %parallel_loop3A_558 = vector.bitcast %parallel_loop3A_557 : vector<16xi32> to vector<32xbf16>
        %parallel_loop3A_559 = tpu.unpack_subelements %parallel_loop3A_558, 0 {pack_format = #tpu.pack_format<interleaved>} : vector<32xbf16> -> vector<16xf32>
        %parallel_loop3A_560 = tpu.unpack_subelements %parallel_loop3A_558, 1 {pack_format = #tpu.pack_format<interleaved>} : vector<32xbf16> -> vector<16xf32>
        %parallel_loop3A_561 = arith.addf %parallel_loop3A_552, %parallel_loop3A_559 : vector<16xf32>
        %parallel_loop3A_562 = arith.addf %parallel_loop3A_553, %parallel_loop3A_560 : vector<16xf32>
        %parallel_loop3A_563 = arith.constant 10000 : i32
        %parallel_loop3A_564 = vector.broadcast %parallel_loop3A_563 : i32 to vector<16xi32>
        %parallel_loop3A_565 = arith.addi %parallel_loop3A_293, %parallel_loop3A_564 : vector<16xi32>
        %parallel_loop3A_566 = tpu.vector_load_idx %arg8[%parallel_loop3A_565] : memref<32000xi32, #tpu.memory_space<vmem>>[vector<16xi32>], vector<16xi32>,
        %parallel_loop3A_567 = vector.bitcast %parallel_loop3A_566 : vector<16xi32> to vector<32xbf16>
        %parallel_loop3A_568 = tpu.unpack_subelements %parallel_loop3A_567, 0 {pack_format = #tpu.pack_format<interleaved>} : vector<32xbf16> -> vector<16xf32>
        %parallel_loop3A_569 = tpu.unpack_subelements %parallel_loop3A_567, 1 {pack_format = #tpu.pack_format<interleaved>} : vector<32xbf16> -> vector<16xf32>
        %parallel_loop3A_570 = arith.addf %parallel_loop3A_561, %parallel_loop3A_568 : vector<16xf32>
        %parallel_loop3A_571 = arith.addf %parallel_loop3A_562, %parallel_loop3A_569 : vector<16xf32>
        %parallel_loop3A_572 = arith.constant 10 : i32
        %parallel_loop3A_573 = vector.broadcast %parallel_loop3A_572 : i32 to vector<16xi32>
        tpu.vector_store_idx %arg17[%parallel_loop3A_163, %parallel_loop3A_573], %parallel_loop3A_570 : memref<128x33xf32, #tpu.memory_space<vmem>>[vector<16xi32>, vector<16xi32>], vector<16xf32>,
        %parallel_loop3A_574 = arith.constant 11 : i32
        %parallel_loop3A_575 = vector.broadcast %parallel_loop3A_574 : i32 to vector<16xi32>
        tpu.vector_store_idx %arg17[%parallel_loop3A_163, %parallel_loop3A_575], %parallel_loop3A_571 : memref<128x33xf32, #tpu.memory_space<vmem>>[vector<16xi32>, vector<16xi32>], vector<16xf32>,
        %parallel_loop3A_576 = arith.constant 12000 : i32
        %parallel_loop3A_577 = vector.broadcast %parallel_loop3A_576 : i32 to vector<16xi32>
        %parallel_loop3A_578 = arith.addi %parallel_loop3A_189, %parallel_loop3A_577 : vector<16xi32>
        %parallel_loop3A_579 = tpu.vector_load_idx %arg8[%parallel_loop3A_578] : memref<32000xi32, #tpu.memory_space<vmem>>[vector<16xi32>], vector<16xi32>,
        %parallel_loop3A_580 = vector.bitcast %parallel_loop3A_579 : vector<16xi32> to vector<32xbf16>
        %parallel_loop3A_581 = tpu.unpack_subelements %parallel_loop3A_580, 0 {pack_format = #tpu.pack_format<interleaved>} : vector<32xbf16> -> vector<16xf32>
        %parallel_loop3A_582 = tpu.unpack_subelements %parallel_loop3A_580, 1 {pack_format = #tpu.pack_format<interleaved>} : vector<32xbf16> -> vector<16xf32>
        %parallel_loop3A_583 = arith.constant 12000 : i32
        %parallel_loop3A_584 = vector.broadcast %parallel_loop3A_583 : i32 to vector<16xi32>
        %parallel_loop3A_585 = arith.addi %parallel_loop3A_215, %parallel_loop3A_584 : vector<16xi32>
        %parallel_loop3A_586 = tpu.vector_load_idx %arg8[%parallel_loop3A_585] : memref<32000xi32, #tpu.memory_space<vmem>>[vector<16xi32>], vector<16xi32>,
        %parallel_loop3A_587 = vector.bitcast %parallel_loop3A_586 : vector<16xi32> to vector<32xbf16>
        %parallel_loop3A_588 = tpu.unpack_subelements %parallel_loop3A_587, 0 {pack_format = #tpu.pack_format<interleaved>} : vector<32xbf16> -> vector<16xf32>
        %parallel_loop3A_589 = tpu.unpack_subelements %parallel_loop3A_587, 1 {pack_format = #tpu.pack_format<interleaved>} : vector<32xbf16> -> vector<16xf32>
        %parallel_loop3A_590 = arith.addf %parallel_loop3A_581, %parallel_loop3A_588 : vector<16xf32>
        %parallel_loop3A_591 = arith.addf %parallel_loop3A_582, %parallel_loop3A_589 : vector<16xf32>
        %parallel_loop3A_592 = arith.constant 12000 : i32
        %parallel_loop3A_593 = vector.broadcast %parallel_loop3A_592 : i32 to vector<16xi32>
        %parallel_loop3A_594 = arith.addi %parallel_loop3A_241, %parallel_loop3A_593 : vector<16xi32>
        %parallel_loop3A_595 = tpu.vector_load_idx %arg8[%parallel_loop3A_594] : memref<32000xi32, #tpu.memory_space<vmem>>[vector<16xi32>], vector<16xi32>,
        %parallel_loop3A_596 = vector.bitcast %parallel_loop3A_595 : vector<16xi32> to vector<32xbf16>
        %parallel_loop3A_597 = tpu.unpack_subelements %parallel_loop3A_596, 0 {pack_format = #tpu.pack_format<interleaved>} : vector<32xbf16> -> vector<16xf32>
        %parallel_loop3A_598 = tpu.unpack_subelements %parallel_loop3A_596, 1 {pack_format = #tpu.pack_format<interleaved>} : vector<32xbf16> -> vector<16xf32>
        %parallel_loop3A_599 = arith.addf %parallel_loop3A_590, %parallel_loop3A_597 : vector<16xf32>
        %parallel_loop3A_600 = arith.addf %parallel_loop3A_591, %parallel_loop3A_598 : vector<16xf32>
        %parallel_loop3A_601 = arith.constant 12000 : i32
        %parallel_loop3A_602 = vector.broadcast %parallel_loop3A_601 : i32 to vector<16xi32>
        %parallel_loop3A_603 = arith.addi %parallel_loop3A_267, %parallel_loop3A_602 : vector<16xi32>
        %parallel_loop3A_604 = tpu.vector_load_idx %arg8[%parallel_loop3A_603] : memref<32000xi32, #tpu.memory_space<vmem>>[vector<16xi32>], vector<16xi32>,
        %parallel_loop3A_605 = vector.bitcast %parallel_loop3A_604 : vector<16xi32> to vector<32xbf16>
        %parallel_loop3A_606 = tpu.unpack_subelements %parallel_loop3A_605, 0 {pack_format = #tpu.pack_format<interleaved>} : vector<32xbf16> -> vector<16xf32>
        %parallel_loop3A_607 = tpu.unpack_subelements %parallel_loop3A_605, 1 {pack_format = #tpu.pack_format<interleaved>} : vector<32xbf16> -> vector<16xf32>
        %parallel_loop3A_608 = arith.addf %parallel_loop3A_599, %parallel_loop3A_606 : vector<16xf32>
        %parallel_loop3A_609 = arith.addf %parallel_loop3A_600, %parallel_loop3A_607 : vector<16xf32>
        %parallel_loop3A_610 = arith.constant 12000 : i32
        %parallel_loop3A_611 = vector.broadcast %parallel_loop3A_610 : i32 to vector<16xi32>
        %parallel_loop3A_612 = arith.addi %parallel_loop3A_293, %parallel_loop3A_611 : vector<16xi32>
        %parallel_loop3A_613 = tpu.vector_load_idx %arg8[%parallel_loop3A_612] : memref<32000xi32, #tpu.memory_space<vmem>>[vector<16xi32>], vector<16xi32>,
        %parallel_loop3A_614 = vector.bitcast %parallel_loop3A_613 : vector<16xi32> to vector<32xbf16>
        %parallel_loop3A_615 = tpu.unpack_subelements %parallel_loop3A_614, 0 {pack_format = #tpu.pack_format<interleaved>} : vector<32xbf16> -> vector<16xf32>
        %parallel_loop3A_616 = tpu.unpack_subelements %parallel_loop3A_614, 1 {pack_format = #tpu.pack_format<interleaved>} : vector<32xbf16> -> vector<16xf32>
        %parallel_loop3A_617 = arith.addf %parallel_loop3A_608, %parallel_loop3A_615 : vector<16xf32>
        %parallel_loop3A_618 = arith.addf %parallel_loop3A_609, %parallel_loop3A_616 : vector<16xf32>
        %parallel_loop3A_619 = arith.constant 12 : i32
        %parallel_loop3A_620 = vector.broadcast %parallel_loop3A_619 : i32 to vector<16xi32>
        tpu.vector_store_idx %arg17[%parallel_loop3A_163, %parallel_loop3A_620], %parallel_loop3A_617 : memref<128x33xf32, #tpu.memory_space<vmem>>[vector<16xi32>, vector<16xi32>], vector<16xf32>,
        %parallel_loop3A_621 = arith.constant 13 : i32
        %parallel_loop3A_622 = vector.broadcast %parallel_loop3A_621 : i32 to vector<16xi32>
        tpu.vector_store_idx %arg17[%parallel_loop3A_163, %parallel_loop3A_622], %parallel_loop3A_618 : memref<128x33xf32, #tpu.memory_space<vmem>>[vector<16xi32>, vector<16xi32>], vector<16xf32>,
        %parallel_loop3A_623 = arith.constant 14000 : i32
        %parallel_loop3A_624 = vector.broadcast %parallel_loop3A_623 : i32 to vector<16xi32>
        %parallel_loop3A_625 = arith.addi %parallel_loop3A_189, %parallel_loop3A_624 : vector<16xi32>
        %parallel_loop3A_626 = tpu.vector_load_idx %arg8[%parallel_loop3A_625] : memref<32000xi32, #tpu.memory_space<vmem>>[vector<16xi32>], vector<16xi32>,
        %parallel_loop3A_627 = vector.bitcast %parallel_loop3A_626 : vector<16xi32> to vector<32xbf16>
        %parallel_loop3A_628 = tpu.unpack_subelements %parallel_loop3A_627, 0 {pack_format = #tpu.pack_format<interleaved>} : vector<32xbf16> -> vector<16xf32>
        %parallel_loop3A_629 = tpu.unpack_subelements %parallel_loop3A_627, 1 {pack_format = #tpu.pack_format<interleaved>} : vector<32xbf16> -> vector<16xf32>
        %parallel_loop3A_630 = arith.constant 14000 : i32
        %parallel_loop3A_631 = vector.broadcast %parallel_loop3A_630 : i32 to vector<16xi32>
        %parallel_loop3A_632 = arith.addi %parallel_loop3A_215, %parallel_loop3A_631 : vector<16xi32>
        %parallel_loop3A_633 = tpu.vector_load_idx %arg8[%parallel_loop3A_632] : memref<32000xi32, #tpu.memory_space<vmem>>[vector<16xi32>], vector<16xi32>,
        %parallel_loop3A_634 = vector.bitcast %parallel_loop3A_633 : vector<16xi32> to vector<32xbf16>
        %parallel_loop3A_635 = tpu.unpack_subelements %parallel_loop3A_634, 0 {pack_format = #tpu.pack_format<interleaved>} : vector<32xbf16> -> vector<16xf32>
        %parallel_loop3A_636 = tpu.unpack_subelements %parallel_loop3A_634, 1 {pack_format = #tpu.pack_format<interleaved>} : vector<32xbf16> -> vector<16xf32>
        %parallel_loop3A_637 = arith.addf %parallel_loop3A_628, %parallel_loop3A_635 : vector<16xf32>
        %parallel_loop3A_638 = arith.addf %parallel_loop3A_629, %parallel_loop3A_636 : vector<16xf32>
        %parallel_loop3A_639 = arith.constant 14000 : i32
        %parallel_loop3A_640 = vector.broadcast %parallel_loop3A_639 : i32 to vector<16xi32>
        %parallel_loop3A_641 = arith.addi %parallel_loop3A_241, %parallel_loop3A_640 : vector<16xi32>
        %parallel_loop3A_642 = tpu.vector_load_idx %arg8[%parallel_loop3A_641] : memref<32000xi32, #tpu.memory_space<vmem>>[vector<16xi32>], vector<16xi32>,
        %parallel_loop3A_643 = vector.bitcast %parallel_loop3A_642 : vector<16xi32> to vector<32xbf16>
        %parallel_loop3A_644 = tpu.unpack_subelements %parallel_loop3A_643, 0 {pack_format = #tpu.pack_format<interleaved>} : vector<32xbf16> -> vector<16xf32>
        %parallel_loop3A_645 = tpu.unpack_subelements %parallel_loop3A_643, 1 {pack_format = #tpu.pack_format<interleaved>} : vector<32xbf16> -> vector<16xf32>
        %parallel_loop3A_646 = arith.addf %parallel_loop3A_637, %parallel_loop3A_644 : vector<16xf32>
        %parallel_loop3A_647 = arith.addf %parallel_loop3A_638, %parallel_loop3A_645 : vector<16xf32>
        %parallel_loop3A_648 = arith.constant 14000 : i32
        %parallel_loop3A_649 = vector.broadcast %parallel_loop3A_648 : i32 to vector<16xi32>
        %parallel_loop3A_650 = arith.addi %parallel_loop3A_267, %parallel_loop3A_649 : vector<16xi32>
        %parallel_loop3A_651 = tpu.vector_load_idx %arg8[%parallel_loop3A_650] : memref<32000xi32, #tpu.memory_space<vmem>>[vector<16xi32>], vector<16xi32>,
        %parallel_loop3A_652 = vector.bitcast %parallel_loop3A_651 : vector<16xi32> to vector<32xbf16>
        %parallel_loop3A_653 = tpu.unpack_subelements %parallel_loop3A_652, 0 {pack_format = #tpu.pack_format<interleaved>} : vector<32xbf16> -> vector<16xf32>
        %parallel_loop3A_654 = tpu.unpack_subelements %parallel_loop3A_652, 1 {pack_format = #tpu.pack_format<interleaved>} : vector<32xbf16> -> vector<16xf32>
        %parallel_loop3A_655 = arith.addf %parallel_loop3A_646, %parallel_loop3A_653 : vector<16xf32>
        %parallel_loop3A_656 = arith.addf %parallel_loop3A_647, %parallel_loop3A_654 : vector<16xf32>
        %parallel_loop3A_657 = arith.constant 14000 : i32
        %parallel_loop3A_658 = vector.broadcast %parallel_loop3A_657 : i32 to vector<16xi32>
        %parallel_loop3A_659 = arith.addi %parallel_loop3A_293, %parallel_loop3A_658 : vector<16xi32>
        %parallel_loop3A_660 = tpu.vector_load_idx %arg8[%parallel_loop3A_659] : memref<32000xi32, #tpu.memory_space<vmem>>[vector<16xi32>], vector<16xi32>,
        %parallel_loop3A_661 = vector.bitcast %parallel_loop3A_660 : vector<16xi32> to vector<32xbf16>
        %parallel_loop3A_662 = tpu.unpack_subelements %parallel_loop3A_661, 0 {pack_format = #tpu.pack_format<interleaved>} : vector<32xbf16> -> vector<16xf32>
        %parallel_loop3A_663 = tpu.unpack_subelements %parallel_loop3A_661, 1 {pack_format = #tpu.pack_format<interleaved>} : vector<32xbf16> -> vector<16xf32>
        %parallel_loop3A_664 = arith.addf %parallel_loop3A_655, %parallel_loop3A_662 : vector<16xf32>
        %parallel_loop3A_665 = arith.addf %parallel_loop3A_656, %parallel_loop3A_663 : vector<16xf32>
        %parallel_loop3A_666 = arith.constant 14 : i32
        %parallel_loop3A_667 = vector.broadcast %parallel_loop3A_666 : i32 to vector<16xi32>
        tpu.vector_store_idx %arg17[%parallel_loop3A_163, %parallel_loop3A_667], %parallel_loop3A_664 : memref<128x33xf32, #tpu.memory_space<vmem>>[vector<16xi32>, vector<16xi32>], vector<16xf32>,
        %parallel_loop3A_668 = arith.constant 15 : i32
        %parallel_loop3A_669 = vector.broadcast %parallel_loop3A_668 : i32 to vector<16xi32>
        tpu.vector_store_idx %arg17[%parallel_loop3A_163, %parallel_loop3A_669], %parallel_loop3A_665 : memref<128x33xf32, #tpu.memory_space<vmem>>[vector<16xi32>, vector<16xi32>], vector<16xf32>,
        %parallel_loop3A_670 = arith.constant 16000 : i32
        %parallel_loop3A_671 = vector.broadcast %parallel_loop3A_670 : i32 to vector<16xi32>
        %parallel_loop3A_672 = arith.addi %parallel_loop3A_189, %parallel_loop3A_671 : vector<16xi32>
        %parallel_loop3A_673 = tpu.vector_load_idx %arg8[%parallel_loop3A_672] : memref<32000xi32, #tpu.memory_space<vmem>>[vector<16xi32>], vector<16xi32>,
        %parallel_loop3A_674 = vector.bitcast %parallel_loop3A_673 : vector<16xi32> to vector<32xbf16>
        %parallel_loop3A_675 = tpu.unpack_subelements %parallel_loop3A_674, 0 {pack_format = #tpu.pack_format<interleaved>} : vector<32xbf16> -> vector<16xf32>
        %parallel_loop3A_676 = tpu.unpack_subelements %parallel_loop3A_674, 1 {pack_format = #tpu.pack_format<interleaved>} : vector<32xbf16> -> vector<16xf32>
        %parallel_loop3A_677 = arith.constant 16000 : i32
        %parallel_loop3A_678 = vector.broadcast %parallel_loop3A_677 : i32 to vector<16xi32>
        %parallel_loop3A_679 = arith.addi %parallel_loop3A_215, %parallel_loop3A_678 : vector<16xi32>
        %parallel_loop3A_680 = tpu.vector_load_idx %arg8[%parallel_loop3A_679] : memref<32000xi32, #tpu.memory_space<vmem>>[vector<16xi32>], vector<16xi32>,
        %parallel_loop3A_681 = vector.bitcast %parallel_loop3A_680 : vector<16xi32> to vector<32xbf16>
        %parallel_loop3A_682 = tpu.unpack_subelements %parallel_loop3A_681, 0 {pack_format = #tpu.pack_format<interleaved>} : vector<32xbf16> -> vector<16xf32>
        %parallel_loop3A_683 = tpu.unpack_subelements %parallel_loop3A_681, 1 {pack_format = #tpu.pack_format<interleaved>} : vector<32xbf16> -> vector<16xf32>
        %parallel_loop3A_684 = arith.addf %parallel_loop3A_675, %parallel_loop3A_682 : vector<16xf32>
        %parallel_loop3A_685 = arith.addf %parallel_loop3A_676, %parallel_loop3A_683 : vector<16xf32>
        %parallel_loop3A_686 = arith.constant 16000 : i32
        %parallel_loop3A_687 = vector.broadcast %parallel_loop3A_686 : i32 to vector<16xi32>
        %parallel_loop3A_688 = arith.addi %parallel_loop3A_241, %parallel_loop3A_687 : vector<16xi32>
        %parallel_loop3A_689 = tpu.vector_load_idx %arg8[%parallel_loop3A_688] : memref<32000xi32, #tpu.memory_space<vmem>>[vector<16xi32>], vector<16xi32>,
        %parallel_loop3A_690 = vector.bitcast %parallel_loop3A_689 : vector<16xi32> to vector<32xbf16>
        %parallel_loop3A_691 = tpu.unpack_subelements %parallel_loop3A_690, 0 {pack_format = #tpu.pack_format<interleaved>} : vector<32xbf16> -> vector<16xf32>
        %parallel_loop3A_692 = tpu.unpack_subelements %parallel_loop3A_690, 1 {pack_format = #tpu.pack_format<interleaved>} : vector<32xbf16> -> vector<16xf32>
        %parallel_loop3A_693 = arith.addf %parallel_loop3A_684, %parallel_loop3A_691 : vector<16xf32>
        %parallel_loop3A_694 = arith.addf %parallel_loop3A_685, %parallel_loop3A_692 : vector<16xf32>
        %parallel_loop3A_695 = arith.constant 16000 : i32
        %parallel_loop3A_696 = vector.broadcast %parallel_loop3A_695 : i32 to vector<16xi32>
        %parallel_loop3A_697 = arith.addi %parallel_loop3A_267, %parallel_loop3A_696 : vector<16xi32>
        %parallel_loop3A_698 = tpu.vector_load_idx %arg8[%parallel_loop3A_697] : memref<32000xi32, #tpu.memory_space<vmem>>[vector<16xi32>], vector<16xi32>,
        %parallel_loop3A_699 = vector.bitcast %parallel_loop3A_698 : vector<16xi32> to vector<32xbf16>
        %parallel_loop3A_700 = tpu.unpack_subelements %parallel_loop3A_699, 0 {pack_format = #tpu.pack_format<interleaved>} : vector<32xbf16> -> vector<16xf32>
        %parallel_loop3A_701 = tpu.unpack_subelements %parallel_loop3A_699, 1 {pack_format = #tpu.pack_format<interleaved>} : vector<32xbf16> -> vector<16xf32>
        %parallel_loop3A_702 = arith.addf %parallel_loop3A_693, %parallel_loop3A_700 : vector<16xf32>
        %parallel_loop3A_703 = arith.addf %parallel_loop3A_694, %parallel_loop3A_701 : vector<16xf32>
        %parallel_loop3A_704 = arith.constant 16000 : i32
        %parallel_loop3A_705 = vector.broadcast %parallel_loop3A_704 : i32 to vector<16xi32>
        %parallel_loop3A_706 = arith.addi %parallel_loop3A_293, %parallel_loop3A_705 : vector<16xi32>
        %parallel_loop3A_707 = tpu.vector_load_idx %arg8[%parallel_loop3A_706] : memref<32000xi32, #tpu.memory_space<vmem>>[vector<16xi32>], vector<16xi32>,
        %parallel_loop3A_708 = vector.bitcast %parallel_loop3A_707 : vector<16xi32> to vector<32xbf16>
        %parallel_loop3A_709 = tpu.unpack_subelements %parallel_loop3A_708, 0 {pack_format = #tpu.pack_format<interleaved>} : vector<32xbf16> -> vector<16xf32>
        %parallel_loop3A_710 = tpu.unpack_subelements %parallel_loop3A_708, 1 {pack_format = #tpu.pack_format<interleaved>} : vector<32xbf16> -> vector<16xf32>
        %parallel_loop3A_711 = arith.addf %parallel_loop3A_702, %parallel_loop3A_709 : vector<16xf32>
        %parallel_loop3A_712 = arith.addf %parallel_loop3A_703, %parallel_loop3A_710 : vector<16xf32>
        %parallel_loop3A_713 = arith.constant 16 : i32
        %parallel_loop3A_714 = vector.broadcast %parallel_loop3A_713 : i32 to vector<16xi32>
        tpu.vector_store_idx %arg17[%parallel_loop3A_163, %parallel_loop3A_714], %parallel_loop3A_711 : memref<128x33xf32, #tpu.memory_space<vmem>>[vector<16xi32>, vector<16xi32>], vector<16xf32>,
        %parallel_loop3A_715 = arith.constant 17 : i32
        %parallel_loop3A_716 = vector.broadcast %parallel_loop3A_715 : i32 to vector<16xi32>
        tpu.vector_store_idx %arg17[%parallel_loop3A_163, %parallel_loop3A_716], %parallel_loop3A_712 : memref<128x33xf32, #tpu.memory_space<vmem>>[vector<16xi32>, vector<16xi32>], vector<16xf32>,
        %parallel_loop3A_717 = arith.constant 18000 : i32
        %parallel_loop3A_718 = vector.broadcast %parallel_loop3A_717 : i32 to vector<16xi32>
        %parallel_loop3A_719 = arith.addi %parallel_loop3A_189, %parallel_loop3A_718 : vector<16xi32>
        %parallel_loop3A_720 = tpu.vector_load_idx %arg8[%parallel_loop3A_719] : memref<32000xi32, #tpu.memory_space<vmem>>[vector<16xi32>], vector<16xi32>,
        %parallel_loop3A_721 = vector.bitcast %parallel_loop3A_720 : vector<16xi32> to vector<32xbf16>
        %parallel_loop3A_722 = tpu.unpack_subelements %parallel_loop3A_721, 0 {pack_format = #tpu.pack_format<interleaved>} : vector<32xbf16> -> vector<16xf32>
        %parallel_loop3A_723 = tpu.unpack_subelements %parallel_loop3A_721, 1 {pack_format = #tpu.pack_format<interleaved>} : vector<32xbf16> -> vector<16xf32>
        %parallel_loop3A_724 = arith.constant 18000 : i32
        %parallel_loop3A_725 = vector.broadcast %parallel_loop3A_724 : i32 to vector<16xi32>
        %parallel_loop3A_726 = arith.addi %parallel_loop3A_215, %parallel_loop3A_725 : vector<16xi32>
        %parallel_loop3A_727 = tpu.vector_load_idx %arg8[%parallel_loop3A_726] : memref<32000xi32, #tpu.memory_space<vmem>>[vector<16xi32>], vector<16xi32>,
        %parallel_loop3A_728 = vector.bitcast %parallel_loop3A_727 : vector<16xi32> to vector<32xbf16>
        %parallel_loop3A_729 = tpu.unpack_subelements %parallel_loop3A_728, 0 {pack_format = #tpu.pack_format<interleaved>} : vector<32xbf16> -> vector<16xf32>
        %parallel_loop3A_730 = tpu.unpack_subelements %parallel_loop3A_728, 1 {pack_format = #tpu.pack_format<interleaved>} : vector<32xbf16> -> vector<16xf32>
        %parallel_loop3A_731 = arith.addf %parallel_loop3A_722, %parallel_loop3A_729 : vector<16xf32>
        %parallel_loop3A_732 = arith.addf %parallel_loop3A_723, %parallel_loop3A_730 : vector<16xf32>
        %parallel_loop3A_733 = arith.constant 18000 : i32
        %parallel_loop3A_734 = vector.broadcast %parallel_loop3A_733 : i32 to vector<16xi32>
        %parallel_loop3A_735 = arith.addi %parallel_loop3A_241, %parallel_loop3A_734 : vector<16xi32>
        %parallel_loop3A_736 = tpu.vector_load_idx %arg8[%parallel_loop3A_735] : memref<32000xi32, #tpu.memory_space<vmem>>[vector<16xi32>], vector<16xi32>,
        %parallel_loop3A_737 = vector.bitcast %parallel_loop3A_736 : vector<16xi32> to vector<32xbf16>
        %parallel_loop3A_738 = tpu.unpack_subelements %parallel_loop3A_737, 0 {pack_format = #tpu.pack_format<interleaved>} : vector<32xbf16> -> vector<16xf32>
        %parallel_loop3A_739 = tpu.unpack_subelements %parallel_loop3A_737, 1 {pack_format = #tpu.pack_format<interleaved>} : vector<32xbf16> -> vector<16xf32>
        %parallel_loop3A_740 = arith.addf %parallel_loop3A_731, %parallel_loop3A_738 : vector<16xf32>
        %parallel_loop3A_741 = arith.addf %parallel_loop3A_732, %parallel_loop3A_739 : vector<16xf32>
        %parallel_loop3A_742 = arith.constant 18000 : i32
        %parallel_loop3A_743 = vector.broadcast %parallel_loop3A_742 : i32 to vector<16xi32>
        %parallel_loop3A_744 = arith.addi %parallel_loop3A_267, %parallel_loop3A_743 : vector<16xi32>
        %parallel_loop3A_745 = tpu.vector_load_idx %arg8[%parallel_loop3A_744] : memref<32000xi32, #tpu.memory_space<vmem>>[vector<16xi32>], vector<16xi32>,
        %parallel_loop3A_746 = vector.bitcast %parallel_loop3A_745 : vector<16xi32> to vector<32xbf16>
        %parallel_loop3A_747 = tpu.unpack_subelements %parallel_loop3A_746, 0 {pack_format = #tpu.pack_format<interleaved>} : vector<32xbf16> -> vector<16xf32>
        %parallel_loop3A_748 = tpu.unpack_subelements %parallel_loop3A_746, 1 {pack_format = #tpu.pack_format<interleaved>} : vector<32xbf16> -> vector<16xf32>
        %parallel_loop3A_749 = arith.addf %parallel_loop3A_740, %parallel_loop3A_747 : vector<16xf32>
        %parallel_loop3A_750 = arith.addf %parallel_loop3A_741, %parallel_loop3A_748 : vector<16xf32>
        %parallel_loop3A_751 = arith.constant 18000 : i32
        %parallel_loop3A_752 = vector.broadcast %parallel_loop3A_751 : i32 to vector<16xi32>
        %parallel_loop3A_753 = arith.addi %parallel_loop3A_293, %parallel_loop3A_752 : vector<16xi32>
        %parallel_loop3A_754 = tpu.vector_load_idx %arg8[%parallel_loop3A_753] : memref<32000xi32, #tpu.memory_space<vmem>>[vector<16xi32>], vector<16xi32>,
        %parallel_loop3A_755 = vector.bitcast %parallel_loop3A_754 : vector<16xi32> to vector<32xbf16>
        %parallel_loop3A_756 = tpu.unpack_subelements %parallel_loop3A_755, 0 {pack_format = #tpu.pack_format<interleaved>} : vector<32xbf16> -> vector<16xf32>
        %parallel_loop3A_757 = tpu.unpack_subelements %parallel_loop3A_755, 1 {pack_format = #tpu.pack_format<interleaved>} : vector<32xbf16> -> vector<16xf32>
        %parallel_loop3A_758 = arith.addf %parallel_loop3A_749, %parallel_loop3A_756 : vector<16xf32>
        %parallel_loop3A_759 = arith.addf %parallel_loop3A_750, %parallel_loop3A_757 : vector<16xf32>
        %parallel_loop3A_760 = arith.constant 18 : i32
        %parallel_loop3A_761 = vector.broadcast %parallel_loop3A_760 : i32 to vector<16xi32>
        tpu.vector_store_idx %arg17[%parallel_loop3A_163, %parallel_loop3A_761], %parallel_loop3A_758 : memref<128x33xf32, #tpu.memory_space<vmem>>[vector<16xi32>, vector<16xi32>], vector<16xf32>,
        %parallel_loop3A_762 = arith.constant 19 : i32
        %parallel_loop3A_763 = vector.broadcast %parallel_loop3A_762 : i32 to vector<16xi32>
        tpu.vector_store_idx %arg17[%parallel_loop3A_163, %parallel_loop3A_763], %parallel_loop3A_759 : memref<128x33xf32, #tpu.memory_space<vmem>>[vector<16xi32>, vector<16xi32>], vector<16xf32>,
        %parallel_loop3A_764 = arith.constant 20000 : i32
        %parallel_loop3A_765 = vector.broadcast %parallel_loop3A_764 : i32 to vector<16xi32>
        %parallel_loop3A_766 = arith.addi %parallel_loop3A_189, %parallel_loop3A_765 : vector<16xi32>
        %parallel_loop3A_767 = tpu.vector_load_idx %arg8[%parallel_loop3A_766] : memref<32000xi32, #tpu.memory_space<vmem>>[vector<16xi32>], vector<16xi32>,
        %parallel_loop3A_768 = vector.bitcast %parallel_loop3A_767 : vector<16xi32> to vector<32xbf16>
        %parallel_loop3A_769 = tpu.unpack_subelements %parallel_loop3A_768, 0 {pack_format = #tpu.pack_format<interleaved>} : vector<32xbf16> -> vector<16xf32>
        %parallel_loop3A_770 = tpu.unpack_subelements %parallel_loop3A_768, 1 {pack_format = #tpu.pack_format<interleaved>} : vector<32xbf16> -> vector<16xf32>
        %parallel_loop3A_771 = arith.constant 20000 : i32
        %parallel_loop3A_772 = vector.broadcast %parallel_loop3A_771 : i32 to vector<16xi32>
        %parallel_loop3A_773 = arith.addi %parallel_loop3A_215, %parallel_loop3A_772 : vector<16xi32>
        %parallel_loop3A_774 = tpu.vector_load_idx %arg8[%parallel_loop3A_773] : memref<32000xi32, #tpu.memory_space<vmem>>[vector<16xi32>], vector<16xi32>,
        %parallel_loop3A_775 = vector.bitcast %parallel_loop3A_774 : vector<16xi32> to vector<32xbf16>
        %parallel_loop3A_776 = tpu.unpack_subelements %parallel_loop3A_775, 0 {pack_format = #tpu.pack_format<interleaved>} : vector<32xbf16> -> vector<16xf32>
        %parallel_loop3A_777 = tpu.unpack_subelements %parallel_loop3A_775, 1 {pack_format = #tpu.pack_format<interleaved>} : vector<32xbf16> -> vector<16xf32>
        %parallel_loop3A_778 = arith.addf %parallel_loop3A_769, %parallel_loop3A_776 : vector<16xf32>
        %parallel_loop3A_779 = arith.addf %parallel_loop3A_770, %parallel_loop3A_777 : vector<16xf32>
        %parallel_loop3A_780 = arith.constant 20000 : i32
        %parallel_loop3A_781 = vector.broadcast %parallel_loop3A_780 : i32 to vector<16xi32>
        %parallel_loop3A_782 = arith.addi %parallel_loop3A_241, %parallel_loop3A_781 : vector<16xi32>
        %parallel_loop3A_783 = tpu.vector_load_idx %arg8[%parallel_loop3A_782] : memref<32000xi32, #tpu.memory_space<vmem>>[vector<16xi32>], vector<16xi32>,
        %parallel_loop3A_784 = vector.bitcast %parallel_loop3A_783 : vector<16xi32> to vector<32xbf16>
        %parallel_loop3A_785 = tpu.unpack_subelements %parallel_loop3A_784, 0 {pack_format = #tpu.pack_format<interleaved>} : vector<32xbf16> -> vector<16xf32>
        %parallel_loop3A_786 = tpu.unpack_subelements %parallel_loop3A_784, 1 {pack_format = #tpu.pack_format<interleaved>} : vector<32xbf16> -> vector<16xf32>
        %parallel_loop3A_787 = arith.addf %parallel_loop3A_778, %parallel_loop3A_785 : vector<16xf32>
        %parallel_loop3A_788 = arith.addf %parallel_loop3A_779, %parallel_loop3A_786 : vector<16xf32>
        %parallel_loop3A_789 = arith.constant 20000 : i32
        %parallel_loop3A_790 = vector.broadcast %parallel_loop3A_789 : i32 to vector<16xi32>
        %parallel_loop3A_791 = arith.addi %parallel_loop3A_267, %parallel_loop3A_790 : vector<16xi32>
        %parallel_loop3A_792 = tpu.vector_load_idx %arg8[%parallel_loop3A_791] : memref<32000xi32, #tpu.memory_space<vmem>>[vector<16xi32>], vector<16xi32>,
        %parallel_loop3A_793 = vector.bitcast %parallel_loop3A_792 : vector<16xi32> to vector<32xbf16>
        %parallel_loop3A_794 = tpu.unpack_subelements %parallel_loop3A_793, 0 {pack_format = #tpu.pack_format<interleaved>} : vector<32xbf16> -> vector<16xf32>
        %parallel_loop3A_795 = tpu.unpack_subelements %parallel_loop3A_793, 1 {pack_format = #tpu.pack_format<interleaved>} : vector<32xbf16> -> vector<16xf32>
        %parallel_loop3A_796 = arith.addf %parallel_loop3A_787, %parallel_loop3A_794 : vector<16xf32>
        %parallel_loop3A_797 = arith.addf %parallel_loop3A_788, %parallel_loop3A_795 : vector<16xf32>
        %parallel_loop3A_798 = arith.constant 20000 : i32
        %parallel_loop3A_799 = vector.broadcast %parallel_loop3A_798 : i32 to vector<16xi32>
        %parallel_loop3A_800 = arith.addi %parallel_loop3A_293, %parallel_loop3A_799 : vector<16xi32>
        %parallel_loop3A_801 = tpu.vector_load_idx %arg8[%parallel_loop3A_800] : memref<32000xi32, #tpu.memory_space<vmem>>[vector<16xi32>], vector<16xi32>,
        %parallel_loop3A_802 = vector.bitcast %parallel_loop3A_801 : vector<16xi32> to vector<32xbf16>
        %parallel_loop3A_803 = tpu.unpack_subelements %parallel_loop3A_802, 0 {pack_format = #tpu.pack_format<interleaved>} : vector<32xbf16> -> vector<16xf32>
        %parallel_loop3A_804 = tpu.unpack_subelements %parallel_loop3A_802, 1 {pack_format = #tpu.pack_format<interleaved>} : vector<32xbf16> -> vector<16xf32>
        %parallel_loop3A_805 = arith.addf %parallel_loop3A_796, %parallel_loop3A_803 : vector<16xf32>
        %parallel_loop3A_806 = arith.addf %parallel_loop3A_797, %parallel_loop3A_804 : vector<16xf32>
        %parallel_loop3A_807 = arith.constant 20 : i32
        %parallel_loop3A_808 = vector.broadcast %parallel_loop3A_807 : i32 to vector<16xi32>
        tpu.vector_store_idx %arg17[%parallel_loop3A_163, %parallel_loop3A_808], %parallel_loop3A_805 : memref<128x33xf32, #tpu.memory_space<vmem>>[vector<16xi32>, vector<16xi32>], vector<16xf32>,
        %parallel_loop3A_809 = arith.constant 21 : i32
        %parallel_loop3A_810 = vector.broadcast %parallel_loop3A_809 : i32 to vector<16xi32>
        tpu.vector_store_idx %arg17[%parallel_loop3A_163, %parallel_loop3A_810], %parallel_loop3A_806 : memref<128x33xf32, #tpu.memory_space<vmem>>[vector<16xi32>, vector<16xi32>], vector<16xf32>,
        %parallel_loop3A_811 = arith.constant 22000 : i32
        %parallel_loop3A_812 = vector.broadcast %parallel_loop3A_811 : i32 to vector<16xi32>
        %parallel_loop3A_813 = arith.addi %parallel_loop3A_189, %parallel_loop3A_812 : vector<16xi32>
        %parallel_loop3A_814 = tpu.vector_load_idx %arg8[%parallel_loop3A_813] : memref<32000xi32, #tpu.memory_space<vmem>>[vector<16xi32>], vector<16xi32>,
        %parallel_loop3A_815 = vector.bitcast %parallel_loop3A_814 : vector<16xi32> to vector<32xbf16>
        %parallel_loop3A_816 = tpu.unpack_subelements %parallel_loop3A_815, 0 {pack_format = #tpu.pack_format<interleaved>} : vector<32xbf16> -> vector<16xf32>
        %parallel_loop3A_817 = tpu.unpack_subelements %parallel_loop3A_815, 1 {pack_format = #tpu.pack_format<interleaved>} : vector<32xbf16> -> vector<16xf32>
        %parallel_loop3A_818 = arith.constant 22000 : i32
        %parallel_loop3A_819 = vector.broadcast %parallel_loop3A_818 : i32 to vector<16xi32>
        %parallel_loop3A_820 = arith.addi %parallel_loop3A_215, %parallel_loop3A_819 : vector<16xi32>
        %parallel_loop3A_821 = tpu.vector_load_idx %arg8[%parallel_loop3A_820] : memref<32000xi32, #tpu.memory_space<vmem>>[vector<16xi32>], vector<16xi32>,
        %parallel_loop3A_822 = vector.bitcast %parallel_loop3A_821 : vector<16xi32> to vector<32xbf16>
        %parallel_loop3A_823 = tpu.unpack_subelements %parallel_loop3A_822, 0 {pack_format = #tpu.pack_format<interleaved>} : vector<32xbf16> -> vector<16xf32>
        %parallel_loop3A_824 = tpu.unpack_subelements %parallel_loop3A_822, 1 {pack_format = #tpu.pack_format<interleaved>} : vector<32xbf16> -> vector<16xf32>
        %parallel_loop3A_825 = arith.addf %parallel_loop3A_816, %parallel_loop3A_823 : vector<16xf32>
        %parallel_loop3A_826 = arith.addf %parallel_loop3A_817, %parallel_loop3A_824 : vector<16xf32>
        %parallel_loop3A_827 = arith.constant 22000 : i32
        %parallel_loop3A_828 = vector.broadcast %parallel_loop3A_827 : i32 to vector<16xi32>
        %parallel_loop3A_829 = arith.addi %parallel_loop3A_241, %parallel_loop3A_828 : vector<16xi32>
        %parallel_loop3A_830 = tpu.vector_load_idx %arg8[%parallel_loop3A_829] : memref<32000xi32, #tpu.memory_space<vmem>>[vector<16xi32>], vector<16xi32>,
        %parallel_loop3A_831 = vector.bitcast %parallel_loop3A_830 : vector<16xi32> to vector<32xbf16>
        %parallel_loop3A_832 = tpu.unpack_subelements %parallel_loop3A_831, 0 {pack_format = #tpu.pack_format<interleaved>} : vector<32xbf16> -> vector<16xf32>
        %parallel_loop3A_833 = tpu.unpack_subelements %parallel_loop3A_831, 1 {pack_format = #tpu.pack_format<interleaved>} : vector<32xbf16> -> vector<16xf32>
        %parallel_loop3A_834 = arith.addf %parallel_loop3A_825, %parallel_loop3A_832 : vector<16xf32>
        %parallel_loop3A_835 = arith.addf %parallel_loop3A_826, %parallel_loop3A_833 : vector<16xf32>
        %parallel_loop3A_836 = arith.constant 22000 : i32
        %parallel_loop3A_837 = vector.broadcast %parallel_loop3A_836 : i32 to vector<16xi32>
        %parallel_loop3A_838 = arith.addi %parallel_loop3A_267, %parallel_loop3A_837 : vector<16xi32>
        %parallel_loop3A_839 = tpu.vector_load_idx %arg8[%parallel_loop3A_838] : memref<32000xi32, #tpu.memory_space<vmem>>[vector<16xi32>], vector<16xi32>,
        %parallel_loop3A_840 = vector.bitcast %parallel_loop3A_839 : vector<16xi32> to vector<32xbf16>
        %parallel_loop3A_841 = tpu.unpack_subelements %parallel_loop3A_840, 0 {pack_format = #tpu.pack_format<interleaved>} : vector<32xbf16> -> vector<16xf32>
        %parallel_loop3A_842 = tpu.unpack_subelements %parallel_loop3A_840, 1 {pack_format = #tpu.pack_format<interleaved>} : vector<32xbf16> -> vector<16xf32>
        %parallel_loop3A_843 = arith.addf %parallel_loop3A_834, %parallel_loop3A_841 : vector<16xf32>
        %parallel_loop3A_844 = arith.addf %parallel_loop3A_835, %parallel_loop3A_842 : vector<16xf32>
        %parallel_loop3A_845 = arith.constant 22000 : i32
        %parallel_loop3A_846 = vector.broadcast %parallel_loop3A_845 : i32 to vector<16xi32>
        %parallel_loop3A_847 = arith.addi %parallel_loop3A_293, %parallel_loop3A_846 : vector<16xi32>
        %parallel_loop3A_848 = tpu.vector_load_idx %arg8[%parallel_loop3A_847] : memref<32000xi32, #tpu.memory_space<vmem>>[vector<16xi32>], vector<16xi32>,
        %parallel_loop3A_849 = vector.bitcast %parallel_loop3A_848 : vector<16xi32> to vector<32xbf16>
        %parallel_loop3A_850 = tpu.unpack_subelements %parallel_loop3A_849, 0 {pack_format = #tpu.pack_format<interleaved>} : vector<32xbf16> -> vector<16xf32>
        %parallel_loop3A_851 = tpu.unpack_subelements %parallel_loop3A_849, 1 {pack_format = #tpu.pack_format<interleaved>} : vector<32xbf16> -> vector<16xf32>
        %parallel_loop3A_852 = arith.addf %parallel_loop3A_843, %parallel_loop3A_850 : vector<16xf32>
        %parallel_loop3A_853 = arith.addf %parallel_loop3A_844, %parallel_loop3A_851 : vector<16xf32>
        %parallel_loop3A_854 = arith.constant 22 : i32
        %parallel_loop3A_855 = vector.broadcast %parallel_loop3A_854 : i32 to vector<16xi32>
        tpu.vector_store_idx %arg17[%parallel_loop3A_163, %parallel_loop3A_855], %parallel_loop3A_852 : memref<128x33xf32, #tpu.memory_space<vmem>>[vector<16xi32>, vector<16xi32>], vector<16xf32>,
        %parallel_loop3A_856 = arith.constant 23 : i32
        %parallel_loop3A_857 = vector.broadcast %parallel_loop3A_856 : i32 to vector<16xi32>
        tpu.vector_store_idx %arg17[%parallel_loop3A_163, %parallel_loop3A_857], %parallel_loop3A_853 : memref<128x33xf32, #tpu.memory_space<vmem>>[vector<16xi32>, vector<16xi32>], vector<16xf32>,
        %parallel_loop3A_858 = arith.constant 24000 : i32
        %parallel_loop3A_859 = vector.broadcast %parallel_loop3A_858 : i32 to vector<16xi32>
        %parallel_loop3A_860 = arith.addi %parallel_loop3A_189, %parallel_loop3A_859 : vector<16xi32>
        %parallel_loop3A_861 = tpu.vector_load_idx %arg8[%parallel_loop3A_860] : memref<32000xi32, #tpu.memory_space<vmem>>[vector<16xi32>], vector<16xi32>,
        %parallel_loop3A_862 = vector.bitcast %parallel_loop3A_861 : vector<16xi32> to vector<32xbf16>
        %parallel_loop3A_863 = tpu.unpack_subelements %parallel_loop3A_862, 0 {pack_format = #tpu.pack_format<interleaved>} : vector<32xbf16> -> vector<16xf32>
        %parallel_loop3A_864 = tpu.unpack_subelements %parallel_loop3A_862, 1 {pack_format = #tpu.pack_format<interleaved>} : vector<32xbf16> -> vector<16xf32>
        %parallel_loop3A_865 = arith.constant 24000 : i32
        %parallel_loop3A_866 = vector.broadcast %parallel_loop3A_865 : i32 to vector<16xi32>
        %parallel_loop3A_867 = arith.addi %parallel_loop3A_215, %parallel_loop3A_866 : vector<16xi32>
        %parallel_loop3A_868 = tpu.vector_load_idx %arg8[%parallel_loop3A_867] : memref<32000xi32, #tpu.memory_space<vmem>>[vector<16xi32>], vector<16xi32>,
        %parallel_loop3A_869 = vector.bitcast %parallel_loop3A_868 : vector<16xi32> to vector<32xbf16>
        %parallel_loop3A_870 = tpu.unpack_subelements %parallel_loop3A_869, 0 {pack_format = #tpu.pack_format<interleaved>} : vector<32xbf16> -> vector<16xf32>
        %parallel_loop3A_871 = tpu.unpack_subelements %parallel_loop3A_869, 1 {pack_format = #tpu.pack_format<interleaved>} : vector<32xbf16> -> vector<16xf32>
        %parallel_loop3A_872 = arith.addf %parallel_loop3A_863, %parallel_loop3A_870 : vector<16xf32>
        %parallel_loop3A_873 = arith.addf %parallel_loop3A_864, %parallel_loop3A_871 : vector<16xf32>
        %parallel_loop3A_874 = arith.constant 24000 : i32
        %parallel_loop3A_875 = vector.broadcast %parallel_loop3A_874 : i32 to vector<16xi32>
        %parallel_loop3A_876 = arith.addi %parallel_loop3A_241, %parallel_loop3A_875 : vector<16xi32>
        %parallel_loop3A_877 = tpu.vector_load_idx %arg8[%parallel_loop3A_876] : memref<32000xi32, #tpu.memory_space<vmem>>[vector<16xi32>], vector<16xi32>,
        %parallel_loop3A_878 = vector.bitcast %parallel_loop3A_877 : vector<16xi32> to vector<32xbf16>
        %parallel_loop3A_879 = tpu.unpack_subelements %parallel_loop3A_878, 0 {pack_format = #tpu.pack_format<interleaved>} : vector<32xbf16> -> vector<16xf32>
        %parallel_loop3A_880 = tpu.unpack_subelements %parallel_loop3A_878, 1 {pack_format = #tpu.pack_format<interleaved>} : vector<32xbf16> -> vector<16xf32>
        %parallel_loop3A_881 = arith.addf %parallel_loop3A_872, %parallel_loop3A_879 : vector<16xf32>
        %parallel_loop3A_882 = arith.addf %parallel_loop3A_873, %parallel_loop3A_880 : vector<16xf32>
        %parallel_loop3A_883 = arith.constant 24000 : i32
        %parallel_loop3A_884 = vector.broadcast %parallel_loop3A_883 : i32 to vector<16xi32>
        %parallel_loop3A_885 = arith.addi %parallel_loop3A_267, %parallel_loop3A_884 : vector<16xi32>
        %parallel_loop3A_886 = tpu.vector_load_idx %arg8[%parallel_loop3A_885] : memref<32000xi32, #tpu.memory_space<vmem>>[vector<16xi32>], vector<16xi32>,
        %parallel_loop3A_887 = vector.bitcast %parallel_loop3A_886 : vector<16xi32> to vector<32xbf16>
        %parallel_loop3A_888 = tpu.unpack_subelements %parallel_loop3A_887, 0 {pack_format = #tpu.pack_format<interleaved>} : vector<32xbf16> -> vector<16xf32>
        %parallel_loop3A_889 = tpu.unpack_subelements %parallel_loop3A_887, 1 {pack_format = #tpu.pack_format<interleaved>} : vector<32xbf16> -> vector<16xf32>
        %parallel_loop3A_890 = arith.addf %parallel_loop3A_881, %parallel_loop3A_888 : vector<16xf32>
        %parallel_loop3A_891 = arith.addf %parallel_loop3A_882, %parallel_loop3A_889 : vector<16xf32>
        %parallel_loop3A_892 = arith.constant 24000 : i32
        %parallel_loop3A_893 = vector.broadcast %parallel_loop3A_892 : i32 to vector<16xi32>
        %parallel_loop3A_894 = arith.addi %parallel_loop3A_293, %parallel_loop3A_893 : vector<16xi32>
        %parallel_loop3A_895 = tpu.vector_load_idx %arg8[%parallel_loop3A_894] : memref<32000xi32, #tpu.memory_space<vmem>>[vector<16xi32>], vector<16xi32>,
        %parallel_loop3A_896 = vector.bitcast %parallel_loop3A_895 : vector<16xi32> to vector<32xbf16>
        %parallel_loop3A_897 = tpu.unpack_subelements %parallel_loop3A_896, 0 {pack_format = #tpu.pack_format<interleaved>} : vector<32xbf16> -> vector<16xf32>
        %parallel_loop3A_898 = tpu.unpack_subelements %parallel_loop3A_896, 1 {pack_format = #tpu.pack_format<interleaved>} : vector<32xbf16> -> vector<16xf32>
        %parallel_loop3A_899 = arith.addf %parallel_loop3A_890, %parallel_loop3A_897 : vector<16xf32>
        %parallel_loop3A_900 = arith.addf %parallel_loop3A_891, %parallel_loop3A_898 : vector<16xf32>
        %parallel_loop3A_901 = arith.constant 24 : i32
        %parallel_loop3A_902 = vector.broadcast %parallel_loop3A_901 : i32 to vector<16xi32>
        tpu.vector_store_idx %arg17[%parallel_loop3A_163, %parallel_loop3A_902], %parallel_loop3A_899 : memref<128x33xf32, #tpu.memory_space<vmem>>[vector<16xi32>, vector<16xi32>], vector<16xf32>,
        %parallel_loop3A_903 = arith.constant 25 : i32
        %parallel_loop3A_904 = vector.broadcast %parallel_loop3A_903 : i32 to vector<16xi32>
        tpu.vector_store_idx %arg17[%parallel_loop3A_163, %parallel_loop3A_904], %parallel_loop3A_900 : memref<128x33xf32, #tpu.memory_space<vmem>>[vector<16xi32>, vector<16xi32>], vector<16xf32>,
        %parallel_loop3A_905 = arith.constant 26000 : i32
        %parallel_loop3A_906 = vector.broadcast %parallel_loop3A_905 : i32 to vector<16xi32>
        %parallel_loop3A_907 = arith.addi %parallel_loop3A_189, %parallel_loop3A_906 : vector<16xi32>
        %parallel_loop3A_908 = tpu.vector_load_idx %arg8[%parallel_loop3A_907] : memref<32000xi32, #tpu.memory_space<vmem>>[vector<16xi32>], vector<16xi32>,
        %parallel_loop3A_909 = vector.bitcast %parallel_loop3A_908 : vector<16xi32> to vector<32xbf16>
        %parallel_loop3A_910 = tpu.unpack_subelements %parallel_loop3A_909, 0 {pack_format = #tpu.pack_format<interleaved>} : vector<32xbf16> -> vector<16xf32>
        %parallel_loop3A_911 = tpu.unpack_subelements %parallel_loop3A_909, 1 {pack_format = #tpu.pack_format<interleaved>} : vector<32xbf16> -> vector<16xf32>
        %parallel_loop3A_912 = arith.constant 26000 : i32
        %parallel_loop3A_913 = vector.broadcast %parallel_loop3A_912 : i32 to vector<16xi32>
        %parallel_loop3A_914 = arith.addi %parallel_loop3A_215, %parallel_loop3A_913 : vector<16xi32>
        %parallel_loop3A_915 = tpu.vector_load_idx %arg8[%parallel_loop3A_914] : memref<32000xi32, #tpu.memory_space<vmem>>[vector<16xi32>], vector<16xi32>,
        %parallel_loop3A_916 = vector.bitcast %parallel_loop3A_915 : vector<16xi32> to vector<32xbf16>
        %parallel_loop3A_917 = tpu.unpack_subelements %parallel_loop3A_916, 0 {pack_format = #tpu.pack_format<interleaved>} : vector<32xbf16> -> vector<16xf32>
        %parallel_loop3A_918 = tpu.unpack_subelements %parallel_loop3A_916, 1 {pack_format = #tpu.pack_format<interleaved>} : vector<32xbf16> -> vector<16xf32>
        %parallel_loop3A_919 = arith.addf %parallel_loop3A_910, %parallel_loop3A_917 : vector<16xf32>
        %parallel_loop3A_920 = arith.addf %parallel_loop3A_911, %parallel_loop3A_918 : vector<16xf32>
        %parallel_loop3A_921 = arith.constant 26000 : i32
        %parallel_loop3A_922 = vector.broadcast %parallel_loop3A_921 : i32 to vector<16xi32>
        %parallel_loop3A_923 = arith.addi %parallel_loop3A_241, %parallel_loop3A_922 : vector<16xi32>
        %parallel_loop3A_924 = tpu.vector_load_idx %arg8[%parallel_loop3A_923] : memref<32000xi32, #tpu.memory_space<vmem>>[vector<16xi32>], vector<16xi32>,
        %parallel_loop3A_925 = vector.bitcast %parallel_loop3A_924 : vector<16xi32> to vector<32xbf16>
        %parallel_loop3A_926 = tpu.unpack_subelements %parallel_loop3A_925, 0 {pack_format = #tpu.pack_format<interleaved>} : vector<32xbf16> -> vector<16xf32>
        %parallel_loop3A_927 = tpu.unpack_subelements %parallel_loop3A_925, 1 {pack_format = #tpu.pack_format<interleaved>} : vector<32xbf16> -> vector<16xf32>
        %parallel_loop3A_928 = arith.addf %parallel_loop3A_919, %parallel_loop3A_926 : vector<16xf32>
        %parallel_loop3A_929 = arith.addf %parallel_loop3A_920, %parallel_loop3A_927 : vector<16xf32>
        %parallel_loop3A_930 = arith.constant 26000 : i32
        %parallel_loop3A_931 = vector.broadcast %parallel_loop3A_930 : i32 to vector<16xi32>
        %parallel_loop3A_932 = arith.addi %parallel_loop3A_267, %parallel_loop3A_931 : vector<16xi32>
        %parallel_loop3A_933 = tpu.vector_load_idx %arg8[%parallel_loop3A_932] : memref<32000xi32, #tpu.memory_space<vmem>>[vector<16xi32>], vector<16xi32>,
        %parallel_loop3A_934 = vector.bitcast %parallel_loop3A_933 : vector<16xi32> to vector<32xbf16>
        %parallel_loop3A_935 = tpu.unpack_subelements %parallel_loop3A_934, 0 {pack_format = #tpu.pack_format<interleaved>} : vector<32xbf16> -> vector<16xf32>
        %parallel_loop3A_936 = tpu.unpack_subelements %parallel_loop3A_934, 1 {pack_format = #tpu.pack_format<interleaved>} : vector<32xbf16> -> vector<16xf32>
        %parallel_loop3A_937 = arith.addf %parallel_loop3A_928, %parallel_loop3A_935 : vector<16xf32>
        %parallel_loop3A_938 = arith.addf %parallel_loop3A_929, %parallel_loop3A_936 : vector<16xf32>
        %parallel_loop3A_939 = arith.constant 26000 : i32
        %parallel_loop3A_940 = vector.broadcast %parallel_loop3A_939 : i32 to vector<16xi32>
        %parallel_loop3A_941 = arith.addi %parallel_loop3A_293, %parallel_loop3A_940 : vector<16xi32>
        %parallel_loop3A_942 = tpu.vector_load_idx %arg8[%parallel_loop3A_941] : memref<32000xi32, #tpu.memory_space<vmem>>[vector<16xi32>], vector<16xi32>,
        %parallel_loop3A_943 = vector.bitcast %parallel_loop3A_942 : vector<16xi32> to vector<32xbf16>
        %parallel_loop3A_944 = tpu.unpack_subelements %parallel_loop3A_943, 0 {pack_format = #tpu.pack_format<interleaved>} : vector<32xbf16> -> vector<16xf32>
        %parallel_loop3A_945 = tpu.unpack_subelements %parallel_loop3A_943, 1 {pack_format = #tpu.pack_format<interleaved>} : vector<32xbf16> -> vector<16xf32>
        %parallel_loop3A_946 = arith.addf %parallel_loop3A_937, %parallel_loop3A_944 : vector<16xf32>
        %parallel_loop3A_947 = arith.addf %parallel_loop3A_938, %parallel_loop3A_945 : vector<16xf32>
        %parallel_loop3A_948 = arith.constant 26 : i32
        %parallel_loop3A_949 = vector.broadcast %parallel_loop3A_948 : i32 to vector<16xi32>
        tpu.vector_store_idx %arg17[%parallel_loop3A_163, %parallel_loop3A_949], %parallel_loop3A_946 : memref<128x33xf32, #tpu.memory_space<vmem>>[vector<16xi32>, vector<16xi32>], vector<16xf32>,
        %parallel_loop3A_950 = arith.constant 27 : i32
        %parallel_loop3A_951 = vector.broadcast %parallel_loop3A_950 : i32 to vector<16xi32>
        tpu.vector_store_idx %arg17[%parallel_loop3A_163, %parallel_loop3A_951], %parallel_loop3A_947 : memref<128x33xf32, #tpu.memory_space<vmem>>[vector<16xi32>, vector<16xi32>], vector<16xf32>,
        %parallel_loop3A_952 = arith.constant 28000 : i32
        %parallel_loop3A_953 = vector.broadcast %parallel_loop3A_952 : i32 to vector<16xi32>
        %parallel_loop3A_954 = arith.addi %parallel_loop3A_189, %parallel_loop3A_953 : vector<16xi32>
        %parallel_loop3A_955 = tpu.vector_load_idx %arg8[%parallel_loop3A_954] : memref<32000xi32, #tpu.memory_space<vmem>>[vector<16xi32>], vector<16xi32>,
        %parallel_loop3A_956 = vector.bitcast %parallel_loop3A_955 : vector<16xi32> to vector<32xbf16>
        %parallel_loop3A_957 = tpu.unpack_subelements %parallel_loop3A_956, 0 {pack_format = #tpu.pack_format<interleaved>} : vector<32xbf16> -> vector<16xf32>
        %parallel_loop3A_958 = tpu.unpack_subelements %parallel_loop3A_956, 1 {pack_format = #tpu.pack_format<interleaved>} : vector<32xbf16> -> vector<16xf32>
        %parallel_loop3A_959 = arith.constant 28000 : i32
        %parallel_loop3A_960 = vector.broadcast %parallel_loop3A_959 : i32 to vector<16xi32>
        %parallel_loop3A_961 = arith.addi %parallel_loop3A_215, %parallel_loop3A_960 : vector<16xi32>
        %parallel_loop3A_962 = tpu.vector_load_idx %arg8[%parallel_loop3A_961] : memref<32000xi32, #tpu.memory_space<vmem>>[vector<16xi32>], vector<16xi32>,
        %parallel_loop3A_963 = vector.bitcast %parallel_loop3A_962 : vector<16xi32> to vector<32xbf16>
        %parallel_loop3A_964 = tpu.unpack_subelements %parallel_loop3A_963, 0 {pack_format = #tpu.pack_format<interleaved>} : vector<32xbf16> -> vector<16xf32>
        %parallel_loop3A_965 = tpu.unpack_subelements %parallel_loop3A_963, 1 {pack_format = #tpu.pack_format<interleaved>} : vector<32xbf16> -> vector<16xf32>
        %parallel_loop3A_966 = arith.addf %parallel_loop3A_957, %parallel_loop3A_964 : vector<16xf32>
        %parallel_loop3A_967 = arith.addf %parallel_loop3A_958, %parallel_loop3A_965 : vector<16xf32>
        %parallel_loop3A_968 = arith.constant 28000 : i32
        %parallel_loop3A_969 = vector.broadcast %parallel_loop3A_968 : i32 to vector<16xi32>
        %parallel_loop3A_970 = arith.addi %parallel_loop3A_241, %parallel_loop3A_969 : vector<16xi32>
        %parallel_loop3A_971 = tpu.vector_load_idx %arg8[%parallel_loop3A_970] : memref<32000xi32, #tpu.memory_space<vmem>>[vector<16xi32>], vector<16xi32>,
        %parallel_loop3A_972 = vector.bitcast %parallel_loop3A_971 : vector<16xi32> to vector<32xbf16>
        %parallel_loop3A_973 = tpu.unpack_subelements %parallel_loop3A_972, 0 {pack_format = #tpu.pack_format<interleaved>} : vector<32xbf16> -> vector<16xf32>
        %parallel_loop3A_974 = tpu.unpack_subelements %parallel_loop3A_972, 1 {pack_format = #tpu.pack_format<interleaved>} : vector<32xbf16> -> vector<16xf32>
        %parallel_loop3A_975 = arith.addf %parallel_loop3A_966, %parallel_loop3A_973 : vector<16xf32>
        %parallel_loop3A_976 = arith.addf %parallel_loop3A_967, %parallel_loop3A_974 : vector<16xf32>
        %parallel_loop3A_977 = arith.constant 28000 : i32
        %parallel_loop3A_978 = vector.broadcast %parallel_loop3A_977 : i32 to vector<16xi32>
        %parallel_loop3A_979 = arith.addi %parallel_loop3A_267, %parallel_loop3A_978 : vector<16xi32>
        %parallel_loop3A_980 = tpu.vector_load_idx %arg8[%parallel_loop3A_979] : memref<32000xi32, #tpu.memory_space<vmem>>[vector<16xi32>], vector<16xi32>,
        %parallel_loop3A_981 = vector.bitcast %parallel_loop3A_980 : vector<16xi32> to vector<32xbf16>
        %parallel_loop3A_982 = tpu.unpack_subelements %parallel_loop3A_981, 0 {pack_format = #tpu.pack_format<interleaved>} : vector<32xbf16> -> vector<16xf32>
        %parallel_loop3A_983 = tpu.unpack_subelements %parallel_loop3A_981, 1 {pack_format = #tpu.pack_format<interleaved>} : vector<32xbf16> -> vector<16xf32>
        %parallel_loop3A_984 = arith.addf %parallel_loop3A_975, %parallel_loop3A_982 : vector<16xf32>
        %parallel_loop3A_985 = arith.addf %parallel_loop3A_976, %parallel_loop3A_983 : vector<16xf32>
        %parallel_loop3A_986 = arith.constant 28000 : i32
        %parallel_loop3A_987 = vector.broadcast %parallel_loop3A_986 : i32 to vector<16xi32>
        %parallel_loop3A_988 = arith.addi %parallel_loop3A_293, %parallel_loop3A_987 : vector<16xi32>
        %parallel_loop3A_989 = tpu.vector_load_idx %arg8[%parallel_loop3A_988] : memref<32000xi32, #tpu.memory_space<vmem>>[vector<16xi32>], vector<16xi32>,
        %parallel_loop3A_990 = vector.bitcast %parallel_loop3A_989 : vector<16xi32> to vector<32xbf16>
        %parallel_loop3A_991 = tpu.unpack_subelements %parallel_loop3A_990, 0 {pack_format = #tpu.pack_format<interleaved>} : vector<32xbf16> -> vector<16xf32>
        %parallel_loop3A_992 = tpu.unpack_subelements %parallel_loop3A_990, 1 {pack_format = #tpu.pack_format<interleaved>} : vector<32xbf16> -> vector<16xf32>
        %parallel_loop3A_993 = arith.addf %parallel_loop3A_984, %parallel_loop3A_991 : vector<16xf32>
        %parallel_loop3A_994 = arith.addf %parallel_loop3A_985, %parallel_loop3A_992 : vector<16xf32>
        %parallel_loop3A_995 = arith.constant 28 : i32
        %parallel_loop3A_996 = vector.broadcast %parallel_loop3A_995 : i32 to vector<16xi32>
        tpu.vector_store_idx %arg17[%parallel_loop3A_163, %parallel_loop3A_996], %parallel_loop3A_993 : memref<128x33xf32, #tpu.memory_space<vmem>>[vector<16xi32>, vector<16xi32>], vector<16xf32>,
        %parallel_loop3A_997 = arith.constant 29 : i32
        %parallel_loop3A_998 = vector.broadcast %parallel_loop3A_997 : i32 to vector<16xi32>
        tpu.vector_store_idx %arg17[%parallel_loop3A_163, %parallel_loop3A_998], %parallel_loop3A_994 : memref<128x33xf32, #tpu.memory_space<vmem>>[vector<16xi32>, vector<16xi32>], vector<16xf32>,
        %parallel_loop3A_999 = arith.constant 30000 : i32
        %parallel_loop3A_1000 = vector.broadcast %parallel_loop3A_999 : i32 to vector<16xi32>
        %parallel_loop3A_1001 = arith.addi %parallel_loop3A_189, %parallel_loop3A_1000 : vector<16xi32>
        %parallel_loop3A_1002 = tpu.vector_load_idx %arg8[%parallel_loop3A_1001] : memref<32000xi32, #tpu.memory_space<vmem>>[vector<16xi32>], vector<16xi32>,
        %parallel_loop3A_1003 = vector.bitcast %parallel_loop3A_1002 : vector<16xi32> to vector<32xbf16>
        %parallel_loop3A_1004 = tpu.unpack_subelements %parallel_loop3A_1003, 0 {pack_format = #tpu.pack_format<interleaved>} : vector<32xbf16> -> vector<16xf32>
        %parallel_loop3A_1005 = tpu.unpack_subelements %parallel_loop3A_1003, 1 {pack_format = #tpu.pack_format<interleaved>} : vector<32xbf16> -> vector<16xf32>
        %parallel_loop3A_1006 = arith.constant 30000 : i32
        %parallel_loop3A_1007 = vector.broadcast %parallel_loop3A_1006 : i32 to vector<16xi32>
        %parallel_loop3A_1008 = arith.addi %parallel_loop3A_215, %parallel_loop3A_1007 : vector<16xi32>
        %parallel_loop3A_1009 = tpu.vector_load_idx %arg8[%parallel_loop3A_1008] : memref<32000xi32, #tpu.memory_space<vmem>>[vector<16xi32>], vector<16xi32>,
        %parallel_loop3A_1010 = vector.bitcast %parallel_loop3A_1009 : vector<16xi32> to vector<32xbf16>
        %parallel_loop3A_1011 = tpu.unpack_subelements %parallel_loop3A_1010, 0 {pack_format = #tpu.pack_format<interleaved>} : vector<32xbf16> -> vector<16xf32>
        %parallel_loop3A_1012 = tpu.unpack_subelements %parallel_loop3A_1010, 1 {pack_format = #tpu.pack_format<interleaved>} : vector<32xbf16> -> vector<16xf32>
        %parallel_loop3A_1013 = arith.addf %parallel_loop3A_1004, %parallel_loop3A_1011 : vector<16xf32>
        %parallel_loop3A_1014 = arith.addf %parallel_loop3A_1005, %parallel_loop3A_1012 : vector<16xf32>
        %parallel_loop3A_1015 = arith.constant 30000 : i32
        %parallel_loop3A_1016 = vector.broadcast %parallel_loop3A_1015 : i32 to vector<16xi32>
        %parallel_loop3A_1017 = arith.addi %parallel_loop3A_241, %parallel_loop3A_1016 : vector<16xi32>
        %parallel_loop3A_1018 = tpu.vector_load_idx %arg8[%parallel_loop3A_1017] : memref<32000xi32, #tpu.memory_space<vmem>>[vector<16xi32>], vector<16xi32>,
        %parallel_loop3A_1019 = vector.bitcast %parallel_loop3A_1018 : vector<16xi32> to vector<32xbf16>
        %parallel_loop3A_1020 = tpu.unpack_subelements %parallel_loop3A_1019, 0 {pack_format = #tpu.pack_format<interleaved>} : vector<32xbf16> -> vector<16xf32>
        %parallel_loop3A_1021 = tpu.unpack_subelements %parallel_loop3A_1019, 1 {pack_format = #tpu.pack_format<interleaved>} : vector<32xbf16> -> vector<16xf32>
        %parallel_loop3A_1022 = arith.addf %parallel_loop3A_1013, %parallel_loop3A_1020 : vector<16xf32>
        %parallel_loop3A_1023 = arith.addf %parallel_loop3A_1014, %parallel_loop3A_1021 : vector<16xf32>
        %parallel_loop3A_1024 = arith.constant 30000 : i32
        %parallel_loop3A_1025 = vector.broadcast %parallel_loop3A_1024 : i32 to vector<16xi32>
        %parallel_loop3A_1026 = arith.addi %parallel_loop3A_267, %parallel_loop3A_1025 : vector<16xi32>
        %parallel_loop3A_1027 = tpu.vector_load_idx %arg8[%parallel_loop3A_1026] : memref<32000xi32, #tpu.memory_space<vmem>>[vector<16xi32>], vector<16xi32>,
        %parallel_loop3A_1028 = vector.bitcast %parallel_loop3A_1027 : vector<16xi32> to vector<32xbf16>
        %parallel_loop3A_1029 = tpu.unpack_subelements %parallel_loop3A_1028, 0 {pack_format = #tpu.pack_format<interleaved>} : vector<32xbf16> -> vector<16xf32>
        %parallel_loop3A_1030 = tpu.unpack_subelements %parallel_loop3A_1028, 1 {pack_format = #tpu.pack_format<interleaved>} : vector<32xbf16> -> vector<16xf32>
        %parallel_loop3A_1031 = arith.addf %parallel_loop3A_1022, %parallel_loop3A_1029 : vector<16xf32>
        %parallel_loop3A_1032 = arith.addf %parallel_loop3A_1023, %parallel_loop3A_1030 : vector<16xf32>
        %parallel_loop3A_1033 = arith.constant 30000 : i32
        %parallel_loop3A_1034 = vector.broadcast %parallel_loop3A_1033 : i32 to vector<16xi32>
        %parallel_loop3A_1035 = arith.addi %parallel_loop3A_293, %parallel_loop3A_1034 : vector<16xi32>
        %parallel_loop3A_1036 = tpu.vector_load_idx %arg8[%parallel_loop3A_1035] : memref<32000xi32, #tpu.memory_space<vmem>>[vector<16xi32>], vector<16xi32>,
        %parallel_loop3A_1037 = vector.bitcast %parallel_loop3A_1036 : vector<16xi32> to vector<32xbf16>
        %parallel_loop3A_1038 = tpu.unpack_subelements %parallel_loop3A_1037, 0 {pack_format = #tpu.pack_format<interleaved>} : vector<32xbf16> -> vector<16xf32>
        %parallel_loop3A_1039 = tpu.unpack_subelements %parallel_loop3A_1037, 1 {pack_format = #tpu.pack_format<interleaved>} : vector<32xbf16> -> vector<16xf32>
        %parallel_loop3A_1040 = arith.addf %parallel_loop3A_1031, %parallel_loop3A_1038 : vector<16xf32>
        %parallel_loop3A_1041 = arith.addf %parallel_loop3A_1032, %parallel_loop3A_1039 : vector<16xf32>
        %parallel_loop3A_1042 = arith.constant 30 : i32
        %parallel_loop3A_1043 = vector.broadcast %parallel_loop3A_1042 : i32 to vector<16xi32>
        tpu.vector_store_idx %arg17[%parallel_loop3A_163, %parallel_loop3A_1043], %parallel_loop3A_1040 : memref<128x33xf32, #tpu.memory_space<vmem>>[vector<16xi32>, vector<16xi32>], vector<16xf32>,
        %parallel_loop3A_1044 = arith.constant 31 : i32
        %parallel_loop3A_1045 = vector.broadcast %parallel_loop3A_1044 : i32 to vector<16xi32>
        tpu.vector_store_idx %arg17[%parallel_loop3A_163, %parallel_loop3A_1045], %parallel_loop3A_1041 : memref<128x33xf32, #tpu.memory_space<vmem>>[vector<16xi32>, vector<16xi32>], vector<16xf32>,
      } {sc.loop_unroll_factor = 2 : i64, sc.parallel_access}
      %mul3A_93 = arith.constant 128 : i32
      %mul3A_94 = arith.muli %add3A_78, %mul3A_93 : i32
      %add3A_95 = arith.addi %mul3A_32, %mul3A_94 : i32
      %dma_start3A_96 = arith.constant 0 : i32
      %dma_start3A_97 = arith.constant 0 : i32
      %dma_start3A_98 = tpu.memref_slice %arg17[%dma_start3A_96, %dma_start3A_97] : memref<128x33xf32, #tpu.memory_space<vmem>> -> memref<128x32xf32, #tpu.memory_space<vmem>>
      %dma_start3A_99 = tpu.memref_slice %arg7[%add3A_95, %mul3A_34] : memref<204800x64xf32, #tpu.memory_space<hbm>> -> memref<128x32xf32, #tpu.memory_space<hbm>>
      %dma_start3A_100 = tpu.memref_slice %arg7[%add3A_95, %mul3A_34] : memref<204800x64xf32, #tpu.memory_space<hbm>> -> memref<128x32xf32, #tpu.memory_space<hbm>>
      %dma_start3A_101 = arith.constant 0 : i32
      %dma_start3A_102 = arith.constant 0 : i32
      %dma_start3A_103 = tpu.memref_slice %arg17[%dma_start3A_101, %dma_start3A_102] : memref<128x33xf32, #tpu.memory_space<vmem>> -> memref<128x32xf32, #tpu.memory_space<vmem>>
      tpu.enqueue_dma source(%dma_start3A_103 : memref<128x32xf32, #tpu.memory_space<vmem>>) target(%dma_start3A_100 : memref<128x32xf32, #tpu.memory_space<hbm>>) target_semaphore(%arg25 : memref<!tpu.dma_semaphore, #tpu.memory_space<semaphore_mem>>)
      %eq3A_104 = arith.constant 0 : i32
      %eq3A_105 = arith.cmpi eq, %select_n3A_9, %eq3A_104 : i32
      %convert_element_type3A_106 = arith.extui %eq3A_105 : i1 to i32
      %cond3A_107 = arith.constant 0 : i32
      %cond3A_108 = arith.cmpi ne, %convert_element_type3A_106, %cond3A_107 : i32
      scf.if %cond3A_108 {
        %dma_wait3A_159 = arith.constant 0 : i32
        %dma_wait3A_160 = arith.constant 0 : i32
        %dma_wait3A_161 = tpu.memref_slice %arg4[%dma_wait3A_159, %dma_wait3A_160] : memref<1000x64xf32, #tpu.memory_space<hbm>> -> memref<1000x64xf32, #tpu.memory_space<hbm>>
        tpu.wait_indirect_dma semaphore(%arg21 : memref<!tpu.dma_semaphore, #tpu.memory_space<semaphore_mem>>) src(%dma_wait3A_161 : memref<1000x64xf32, #tpu.memory_space<hbm>>) dst(%arg15 : memref<128x64xf32, #tpu.memory_space<vmem>>)
        %mul3A_162 = arith.constant 128 : i32
        %mul3A_163 = arith.muli %add3A_78, %mul3A_162 : i32
        %add3A_164 = arith.addi %mul3A_32, %mul3A_163 : i32
        %dma_start3A_165 = arith.constant 0 : i32
        %dma_start3A_166 = tpu.memref_slice %arg6[%add3A_164, %dma_start3A_165] : memref<204800x64xf32, #tpu.memory_space<hbm>> -> memref<128x64xf32, #tpu.memory_space<hbm>>
        %dma_start3A_167 = arith.constant 0 : i32
        %dma_start3A_168 = tpu.memref_slice %arg6[%add3A_164, %dma_start3A_167] : memref<204800x64xf32, #tpu.memory_space<hbm>> -> memref<128x64xf32, #tpu.memory_space<hbm>>
        tpu.enqueue_dma source(%arg15 : memref<128x64xf32, #tpu.memory_space<vmem>>) target(%dma_start3A_168 : memref<128x64xf32, #tpu.memory_space<hbm>>) target_semaphore(%arg23 : memref<!tpu.dma_semaphore, #tpu.memory_space<semaphore_mem>>)
      } else {
      }
      %add3A_109 = arith.constant 2 : i32
      %add3A_110 = arith.addi %add3A_78, %add3A_109 : i32
      %lt3A_111 = arith.constant 100 : i32
      %lt3A_112 = arith.cmpi slt, %add3A_110, %lt3A_111 : i32
      %convert_element_type3A_113 = arith.extui %lt3A_112 : i1 to i32
      %cond3A_114 = arith.constant 0 : i32
      %cond3A_115 = arith.cmpi ne, %convert_element_type3A_113, %cond3A_114 : i32
      scf.if %cond3A_115 {
        %add3A_159 = arith.constant 2 : i32
        %add3A_160 = arith.addi %add3A_78, %add3A_159 : i32
        %mul3A_161 = arith.constant 128 : i32
        %mul3A_162 = arith.muli %add3A_160, %mul3A_161 : i32
        %add3A_163 = arith.addi %mul3A_32, %mul3A_162 : i32
        "tpu.region"() ({
          %run_scoped3A = tpu.sem_alloc : memref<!tpu.dma_semaphore, #tpu.memory_space<semaphore_mem>>
          %dma_start3A_167 = tpu.memref_slice %arg2[%add3A_163] : memref<204800xi32, #tpu.memory_space<hbm>> -> memref<128xi32, #tpu.memory_space<hbm>>
          %dma_start3A_168 = tpu.memref_slice %arg2[%add3A_163] : memref<204800xi32, #tpu.memory_space<hbm>> -> memref<128xi32, #tpu.memory_space<hbm>>
          tpu.enqueue_dma source(%dma_start3A_168 : memref<128xi32, #tpu.memory_space<hbm>>) target(%arg9 : memref<128xi32, #tpu.memory_space<vmem>>) target_semaphore(%run_scoped3A : memref<!tpu.dma_semaphore, #tpu.memory_space<semaphore_mem>>)
          %dma_wait3A_169 = tpu.memref_slice %arg2[%add3A_163] : memref<204800xi32, #tpu.memory_space<hbm>> -> memref<128xi32, #tpu.memory_space<hbm>>
          %dma_wait3A_170 = tpu.memref_slice %arg2[%add3A_163] : memref<204800xi32, #tpu.memory_space<hbm>> -> memref<128xi32, #tpu.memory_space<hbm>>
          tpu.wait_dma2 semaphore(%run_scoped3A : memref<!tpu.dma_semaphore, #tpu.memory_space<semaphore_mem>>) src(%dma_wait3A_170 : memref<128xi32, #tpu.memory_space<hbm>>) dst(%arg9 : memref<128xi32, #tpu.memory_space<vmem>>)
          tpu.yield
        }) : () -> ()
        %dma_start3A_164 = arith.constant 0 : i32
        %dma_start3A_165 = arith.constant 0 : i32
        %dma_start3A_166 = tpu.memref_slice %arg3[%dma_start3A_164, %dma_start3A_165] : memref<100000x16xi32, #tpu.memory_space<hbm>> -> memref<100000x16xi32, #tpu.memory_space<hbm>>
        tpu.enqueue_indirect_dma source(%dma_start3A_166 : memref<100000x16xi32, #tpu.memory_space<hbm>>) target(%arg11 : memref<128x16xi32, #tpu.memory_space<vmem>>) offsets(%arg9 : memref<128xi32, #tpu.memory_space<vmem>>) semaphore(%arg19 : memref<!tpu.dma_semaphore, #tpu.memory_space<semaphore_mem>>)
      } else {
      }
      %mul3A_116 = arith.constant 2 : i32
      %mul3A_117 = arith.muli %add3A_74, %mul3A_116 : i32
      %add3A_118 = arith.constant 1 : i32
      %add3A_119 = arith.addi %mul3A_117, %add3A_118 : i32
      %dma_wait3A_120 = arith.constant 0 : i32
      %dma_wait3A_121 = arith.constant 0 : i32
      %dma_wait3A_122 = tpu.memref_slice %arg3[%dma_wait3A_120, %dma_wait3A_121] : memref<100000x16xi32, #tpu.memory_space<hbm>> -> memref<100000x16xi32, #tpu.memory_space<hbm>>
      tpu.wait_indirect_dma semaphore(%arg20 : memref<!tpu.dma_semaphore, #tpu.memory_space<semaphore_mem>>) src(%dma_wait3A_122 : memref<100000x16xi32, #tpu.memory_space<hbm>>) dst(%arg12 : memref<128x16xi32, #tpu.memory_space<vmem>>)
      %eq3A_123 = arith.constant 0 : i32
      %eq3A_124 = arith.cmpi eq, %select_n3A_9, %eq3A_123 : i32
      %convert_element_type3A_125 = arith.extui %eq3A_124 : i1 to i32
      %cond3A_126 = arith.constant 0 : i32
      %cond3A_127 = arith.cmpi ne, %convert_element_type3A_125, %cond3A_126 : i32
      scf.if %cond3A_127 {
        %ge3A_159 = arith.constant 1 : i32
        %ge3A_160 = arith.cmpi sge, %add3A_74, %ge3A_159 : i32
        %convert_element_type3A_161 = arith.extui %ge3A_160 : i1 to i32
        %cond3A_162 = arith.constant 0 : i32
        %cond3A_163 = arith.cmpi ne, %convert_element_type3A_161, %cond3A_162 : i32
        scf.if %cond3A_163 {
          %sub3A_172 = arith.constant 2 : i32
          %sub3A_173 = arith.subi %add3A_119, %sub3A_172 : i32
          %mul3A_174 = arith.constant 128 : i32
          %mul3A_175 = arith.muli %sub3A_173, %mul3A_174 : i32
          %add3A_176 = arith.addi %mul3A_32, %mul3A_175 : i32
          %dma_wait3A_177 = arith.constant 0 : i32
          %dma_wait3A_178 = tpu.memref_slice %arg6[%add3A_176, %dma_wait3A_177] : memref<204800x64xf32, #tpu.memory_space<hbm>> -> memref<128x64xf32, #tpu.memory_space<hbm>>
          %dma_wait3A_179 = arith.constant 0 : i32
          %dma_wait3A_180 = tpu.memref_slice %arg6[%add3A_176, %dma_wait3A_179] : memref<204800x64xf32, #tpu.memory_space<hbm>> -> memref<128x64xf32, #tpu.memory_space<hbm>>
          tpu.wait_dma2 semaphore(%arg24 : memref<!tpu.dma_semaphore, #tpu.memory_space<semaphore_mem>>) src(%arg16 : memref<128x64xf32, #tpu.memory_space<vmem>>) dst(%dma_wait3A_180 : memref<128x64xf32, #tpu.memory_space<hbm>>)
        } else {
        }
        %scan3A_164 = arith.constant 0 : i32
        %scan3A_165 = arith.constant 8 : i32
        %scan3A_166 = arith.addi %scan3A_164, %scan3A_165 : i32
        %scan3A_167 = arith.constant 1 : i32
        scf.for %scan3A_172 = %scan3A_164 to %scan3A_166 step %scan3A_167  : i32 {
          %mul3A_173 = arith.constant 1 : i32
          %mul3A_174 = arith.muli %scan3A_172, %mul3A_173 : i32
          %add3A_175 = arith.constant 0 : i32
          %add3A_176 = arith.addi %add3A_175, %mul3A_174 : i32
          %mul3A_177 = arith.constant 16 : i32
          %mul3A_178 = arith.muli %add3A_176, %mul3A_177 : i32
          %add3A_179 = vector.broadcast %mul3A_178 : i32 to vector<16xi32>
          %add3A_180 = arith.addi %iota3A, %add3A_179 : vector<16xi32>
          %broadcast_in_dim3A = arith.constant 5 : i32
          %broadcast_in_dim3A_181 = vector.broadcast %broadcast_in_dim3A : i32 to vector<16xi32>
          %gather3A = tpu.vector_load_idx %arg12[%add3A_180, %broadcast_in_dim3A_181] : memref<128x16xi32, #tpu.memory_space<vmem>>[vector<16xi32>, vector<16xi32>], vector<16xi32>,
          %mul3A_182 = arith.constant 16 : i32
          %mul3A_183 = arith.muli %add3A_176, %mul3A_182 : i32
          %swap3A = arith.index_cast %mul3A_183 : i32 to index
          %swap3A_184 = tpu.vector_load %arg14[%swap3A] {strides = array<i32>} : memref<128xi32, #tpu.memory_space<vmem>>, vector<16xi32>,
          tpu.vector_store %arg14[%swap3A], %gather3A {strides = array<i32>} : memref<128xi32, #tpu.memory_space<vmem>>, vector<16xi32>,
        }
        %scan3A_168 = arith.constant 8 : i32
        %dma_start3A_169 = arith.constant 0 : i32
        %dma_start3A_170 = arith.constant 0 : i32
        %dma_start3A_171 = tpu.memref_slice %arg4[%dma_start3A_169, %dma_start3A_170] : memref<1000x64xf32, #tpu.memory_space<hbm>> -> memref<1000x64xf32, #tpu.memory_space<hbm>>
        tpu.enqueue_indirect_dma source(%dma_start3A_171 : memref<1000x64xf32, #tpu.memory_space<hbm>>) target(%arg16 : memref<128x64xf32, #tpu.memory_space<vmem>>) offsets(%arg14 : memref<128xi32, #tpu.memory_space<vmem>>) semaphore(%arg22 : memref<!tpu.dma_semaphore, #tpu.memory_space<semaphore_mem>>)
      } else {
      }
      %ge3A_128 = arith.constant 1 : i32
      %ge3A_129 = arith.cmpi sge, %add3A_74, %ge3A_128 : i32
      %convert_element_type3A_130 = arith.extui %ge3A_129 : i1 to i32
      %cond3A_131 = arith.constant 0 : i32
      %cond3A_132 = arith.cmpi ne, %convert_element_type3A_130, %cond3A_131 : i32
      scf.if %cond3A_132 {
        %sub3A_159 = arith.constant 2 : i32
        %sub3A_160 = arith.subi %add3A_119, %sub3A_159 : i32
        %mul3A_161 = arith.constant 128 : i32
        %mul3A_162 = arith.muli %sub3A_160, %mul3A_161 : i32
        %add3A_163 = arith.addi %mul3A_32, %mul3A_162 : i32
        %dma_wait3A_164 = arith.constant 0 : i32
        %dma_wait3A_165 = arith.constant 0 : i32
        %dma_wait3A_166 = tpu.memref_slice %arg18[%dma_wait3A_164, %dma_wait3A_165] : memref<128x33xf32, #tpu.memory_space<vmem>> -> memref<128x32xf32, #tpu.memory_space<vmem>>
        %dma_wait3A_167 = tpu.memref_slice %arg7[%add3A_163, %mul3A_34] : memref<204800x64xf32, #tpu.memory_space<hbm>> -> memref<128x32xf32, #tpu.memory_space<hbm>>
        %dma_wait3A_168 = tpu.memref_slice %arg7[%add3A_163, %mul3A_34] : memref<204800x64xf32, #tpu.memory_space<hbm>> -> memref<128x32xf32, #tpu.memory_space<hbm>>
        %dma_wait3A_169 = arith.constant 0 : i32
        %dma_wait3A_170 = arith.constant 0 : i32
        %dma_wait3A_171 = tpu.memref_slice %arg18[%dma_wait3A_169, %dma_wait3A_170] : memref<128x33xf32, #tpu.memory_space<vmem>> -> memref<128x32xf32, #tpu.memory_space<vmem>>
        tpu.wait_dma2 semaphore(%arg26 : memref<!tpu.dma_semaphore, #tpu.memory_space<semaphore_mem>>) src(%dma_wait3A_171 : memref<128x32xf32, #tpu.memory_space<vmem>>) dst(%dma_wait3A_168 : memref<128x32xf32, #tpu.memory_space<hbm>>)
      } else {
      }
      %parallel_loop3A_133 = arith.constant 0 : i32
      %parallel_loop3A_134 = arith.constant 8 : i32
      %parallel_loop3A_135 = arith.constant 1 : i32
      scf.for %parallel_loop3A_159 = %parallel_loop3A_133 to %parallel_loop3A_134 step %parallel_loop3A_135  : i32 {
        %parallel_loop3A_160 = arith.constant 16 : i32
        %parallel_loop3A_161 = arith.muli %parallel_loop3A_159, %parallel_loop3A_160 : i32
        %parallel_loop3A_162 = vector.broadcast %parallel_loop3A_161 : i32 to vector<16xi32>
        %parallel_loop3A_163 = arith.addi %iota3A, %parallel_loop3A_162 : vector<16xi32>
        %parallel_loop3A_164 = arith.constant 0 : i32
        %parallel_loop3A_165 = vector.broadcast %parallel_loop3A_164 : i32 to vector<16xi32>
        %parallel_loop3A_166 = arith.addi %iota3A, %parallel_loop3A_165 : vector<16xi32>
        %parallel_loop3A_167 = arith.constant 5 : i32
        %parallel_loop3A_168 = arith.constant 0 : i32
        %parallel_loop3A_169 = arith.cmpi eq, %parallel_loop3A_167, %parallel_loop3A_168 : i32
        %parallel_loop3A_170 = arith.constant 1 : i32
        %parallel_loop3A_171 = arith.select %parallel_loop3A_169, %parallel_loop3A_170, %parallel_loop3A_167 : i32
        %parallel_loop3A_172 = vector.broadcast %parallel_loop3A_171 : i32 to vector<16xi32>
        %parallel_loop3A_173 = arith.remsi %parallel_loop3A_166, %parallel_loop3A_172 : vector<16xi32>
        %parallel_loop3A_174 = arith.constant 0 : i32
        %parallel_loop3A_175 = vector.broadcast %parallel_loop3A_174 : i32 to vector<16xi32>
        %parallel_loop3A_176 = arith.cmpi ne, %parallel_loop3A_173, %parallel_loop3A_175 : vector<16xi32>
        %parallel_loop3A_177 = arith.constant 0 : i32
        %parallel_loop3A_178 = vector.broadcast %parallel_loop3A_177 : i32 to vector<16xi32>
        %parallel_loop3A_179 = arith.cmpi slt, %parallel_loop3A_173, %parallel_loop3A_178 : vector<16xi32>
        %parallel_loop3A_180 = arith.constant 0 : i32
        %parallel_loop3A_181 = arith.cmpi slt, %parallel_loop3A_171, %parallel_loop3A_180 : i32
        %parallel_loop3A_182 = vector.broadcast %parallel_loop3A_181 : i1 to vector<16xi1>
        %parallel_loop3A_183 = vector.broadcast %parallel_loop3A_182 : vector<16xi1> to vector<16xi1>
        %parallel_loop3A_184 = arith.xori %parallel_loop3A_179, %parallel_loop3A_183 : vector<16xi1>
        %parallel_loop3A_185 = arith.andi %parallel_loop3A_184, %parallel_loop3A_176 : vector<16xi1>
        %parallel_loop3A_186 = vector.broadcast %parallel_loop3A_171 : i32 to vector<16xi32>
        %parallel_loop3A_187 = arith.addi %parallel_loop3A_173, %parallel_loop3A_186 : vector<16xi32>
        %parallel_loop3A_188 = arith.select %parallel_loop3A_185, %parallel_loop3A_187, %parallel_loop3A_173 : vector<16xi1>, vector<16xi32>
        %parallel_loop3A_189 = tpu.vector_load_idx %arg12[%parallel_loop3A_163, %parallel_loop3A_188] : memref<128x16xi32, #tpu.memory_space<vmem>>[vector<16xi32>, vector<16xi32>], vector<16xi32>,
        %parallel_loop3A_190 = arith.constant 1 : i32
        %parallel_loop3A_191 = vector.broadcast %parallel_loop3A_190 : i32 to vector<16xi32>
        %parallel_loop3A_192 = arith.addi %iota3A, %parallel_loop3A_191 : vector<16xi32>
        %parallel_loop3A_193 = arith.constant 5 : i32
        %parallel_loop3A_194 = arith.constant 0 : i32
        %parallel_loop3A_195 = arith.cmpi eq, %parallel_loop3A_193, %parallel_loop3A_194 : i32
        %parallel_loop3A_196 = arith.constant 1 : i32
        %parallel_loop3A_197 = arith.select %parallel_loop3A_195, %parallel_loop3A_196, %parallel_loop3A_193 : i32
        %parallel_loop3A_198 = vector.broadcast %parallel_loop3A_197 : i32 to vector<16xi32>
        %parallel_loop3A_199 = arith.remsi %parallel_loop3A_192, %parallel_loop3A_198 : vector<16xi32>
        %parallel_loop3A_200 = arith.constant 0 : i32
        %parallel_loop3A_201 = vector.broadcast %parallel_loop3A_200 : i32 to vector<16xi32>
        %parallel_loop3A_202 = arith.cmpi ne, %parallel_loop3A_199, %parallel_loop3A_201 : vector<16xi32>
        %parallel_loop3A_203 = arith.constant 0 : i32
        %parallel_loop3A_204 = vector.broadcast %parallel_loop3A_203 : i32 to vector<16xi32>
        %parallel_loop3A_205 = arith.cmpi slt, %parallel_loop3A_199, %parallel_loop3A_204 : vector<16xi32>
        %parallel_loop3A_206 = arith.constant 0 : i32
        %parallel_loop3A_207 = arith.cmpi slt, %parallel_loop3A_197, %parallel_loop3A_206 : i32
        %parallel_loop3A_208 = vector.broadcast %parallel_loop3A_207 : i1 to vector<16xi1>
        %parallel_loop3A_209 = vector.broadcast %parallel_loop3A_208 : vector<16xi1> to vector<16xi1>
        %parallel_loop3A_210 = arith.xori %parallel_loop3A_205, %parallel_loop3A_209 : vector<16xi1>
        %parallel_loop3A_211 = arith.andi %parallel_loop3A_210, %parallel_loop3A_202 : vector<16xi1>
        %parallel_loop3A_212 = vector.broadcast %parallel_loop3A_197 : i32 to vector<16xi32>
        %parallel_loop3A_213 = arith.addi %parallel_loop3A_199, %parallel_loop3A_212 : vector<16xi32>
        %parallel_loop3A_214 = arith.select %parallel_loop3A_211, %parallel_loop3A_213, %parallel_loop3A_199 : vector<16xi1>, vector<16xi32>
        %parallel_loop3A_215 = tpu.vector_load_idx %arg12[%parallel_loop3A_163, %parallel_loop3A_214] : memref<128x16xi32, #tpu.memory_space<vmem>>[vector<16xi32>, vector<16xi32>], vector<16xi32>,
        %parallel_loop3A_216 = arith.constant 2 : i32
        %parallel_loop3A_217 = vector.broadcast %parallel_loop3A_216 : i32 to vector<16xi32>
        %parallel_loop3A_218 = arith.addi %iota3A, %parallel_loop3A_217 : vector<16xi32>
        %parallel_loop3A_219 = arith.constant 5 : i32
        %parallel_loop3A_220 = arith.constant 0 : i32
        %parallel_loop3A_221 = arith.cmpi eq, %parallel_loop3A_219, %parallel_loop3A_220 : i32
        %parallel_loop3A_222 = arith.constant 1 : i32
        %parallel_loop3A_223 = arith.select %parallel_loop3A_221, %parallel_loop3A_222, %parallel_loop3A_219 : i32
        %parallel_loop3A_224 = vector.broadcast %parallel_loop3A_223 : i32 to vector<16xi32>
        %parallel_loop3A_225 = arith.remsi %parallel_loop3A_218, %parallel_loop3A_224 : vector<16xi32>
        %parallel_loop3A_226 = arith.constant 0 : i32
        %parallel_loop3A_227 = vector.broadcast %parallel_loop3A_226 : i32 to vector<16xi32>
        %parallel_loop3A_228 = arith.cmpi ne, %parallel_loop3A_225, %parallel_loop3A_227 : vector<16xi32>
        %parallel_loop3A_229 = arith.constant 0 : i32
        %parallel_loop3A_230 = vector.broadcast %parallel_loop3A_229 : i32 to vector<16xi32>
        %parallel_loop3A_231 = arith.cmpi slt, %parallel_loop3A_225, %parallel_loop3A_230 : vector<16xi32>
        %parallel_loop3A_232 = arith.constant 0 : i32
        %parallel_loop3A_233 = arith.cmpi slt, %parallel_loop3A_223, %parallel_loop3A_232 : i32
        %parallel_loop3A_234 = vector.broadcast %parallel_loop3A_233 : i1 to vector<16xi1>
        %parallel_loop3A_235 = vector.broadcast %parallel_loop3A_234 : vector<16xi1> to vector<16xi1>
        %parallel_loop3A_236 = arith.xori %parallel_loop3A_231, %parallel_loop3A_235 : vector<16xi1>
        %parallel_loop3A_237 = arith.andi %parallel_loop3A_236, %parallel_loop3A_228 : vector<16xi1>
        %parallel_loop3A_238 = vector.broadcast %parallel_loop3A_223 : i32 to vector<16xi32>
        %parallel_loop3A_239 = arith.addi %parallel_loop3A_225, %parallel_loop3A_238 : vector<16xi32>
        %parallel_loop3A_240 = arith.select %parallel_loop3A_237, %parallel_loop3A_239, %parallel_loop3A_225 : vector<16xi1>, vector<16xi32>
        %parallel_loop3A_241 = tpu.vector_load_idx %arg12[%parallel_loop3A_163, %parallel_loop3A_240] : memref<128x16xi32, #tpu.memory_space<vmem>>[vector<16xi32>, vector<16xi32>], vector<16xi32>,
        %parallel_loop3A_242 = arith.constant 3 : i32
        %parallel_loop3A_243 = vector.broadcast %parallel_loop3A_242 : i32 to vector<16xi32>
        %parallel_loop3A_244 = arith.addi %iota3A, %parallel_loop3A_243 : vector<16xi32>
        %parallel_loop3A_245 = arith.constant 5 : i32
        %parallel_loop3A_246 = arith.constant 0 : i32
        %parallel_loop3A_247 = arith.cmpi eq, %parallel_loop3A_245, %parallel_loop3A_246 : i32
        %parallel_loop3A_248 = arith.constant 1 : i32
        %parallel_loop3A_249 = arith.select %parallel_loop3A_247, %parallel_loop3A_248, %parallel_loop3A_245 : i32
        %parallel_loop3A_250 = vector.broadcast %parallel_loop3A_249 : i32 to vector<16xi32>
        %parallel_loop3A_251 = arith.remsi %parallel_loop3A_244, %parallel_loop3A_250 : vector<16xi32>
        %parallel_loop3A_252 = arith.constant 0 : i32
        %parallel_loop3A_253 = vector.broadcast %parallel_loop3A_252 : i32 to vector<16xi32>
        %parallel_loop3A_254 = arith.cmpi ne, %parallel_loop3A_251, %parallel_loop3A_253 : vector<16xi32>
        %parallel_loop3A_255 = arith.constant 0 : i32
        %parallel_loop3A_256 = vector.broadcast %parallel_loop3A_255 : i32 to vector<16xi32>
        %parallel_loop3A_257 = arith.cmpi slt, %parallel_loop3A_251, %parallel_loop3A_256 : vector<16xi32>
        %parallel_loop3A_258 = arith.constant 0 : i32
        %parallel_loop3A_259 = arith.cmpi slt, %parallel_loop3A_249, %parallel_loop3A_258 : i32
        %parallel_loop3A_260 = vector.broadcast %parallel_loop3A_259 : i1 to vector<16xi1>
        %parallel_loop3A_261 = vector.broadcast %parallel_loop3A_260 : vector<16xi1> to vector<16xi1>
        %parallel_loop3A_262 = arith.xori %parallel_loop3A_257, %parallel_loop3A_261 : vector<16xi1>
        %parallel_loop3A_263 = arith.andi %parallel_loop3A_262, %parallel_loop3A_254 : vector<16xi1>
        %parallel_loop3A_264 = vector.broadcast %parallel_loop3A_249 : i32 to vector<16xi32>
        %parallel_loop3A_265 = arith.addi %parallel_loop3A_251, %parallel_loop3A_264 : vector<16xi32>
        %parallel_loop3A_266 = arith.select %parallel_loop3A_263, %parallel_loop3A_265, %parallel_loop3A_251 : vector<16xi1>, vector<16xi32>
        %parallel_loop3A_267 = tpu.vector_load_idx %arg12[%parallel_loop3A_163, %parallel_loop3A_266] : memref<128x16xi32, #tpu.memory_space<vmem>>[vector<16xi32>, vector<16xi32>], vector<16xi32>,
        %parallel_loop3A_268 = arith.constant 4 : i32
        %parallel_loop3A_269 = vector.broadcast %parallel_loop3A_268 : i32 to vector<16xi32>
        %parallel_loop3A_270 = arith.addi %iota3A, %parallel_loop3A_269 : vector<16xi32>
        %parallel_loop3A_271 = arith.constant 5 : i32
        %parallel_loop3A_272 = arith.constant 0 : i32
        %parallel_loop3A_273 = arith.cmpi eq, %parallel_loop3A_271, %parallel_loop3A_272 : i32
        %parallel_loop3A_274 = arith.constant 1 : i32
        %parallel_loop3A_275 = arith.select %parallel_loop3A_273, %parallel_loop3A_274, %parallel_loop3A_271 : i32
        %parallel_loop3A_276 = vector.broadcast %parallel_loop3A_275 : i32 to vector<16xi32>
        %parallel_loop3A_277 = arith.remsi %parallel_loop3A_270, %parallel_loop3A_276 : vector<16xi32>
        %parallel_loop3A_278 = arith.constant 0 : i32
        %parallel_loop3A_279 = vector.broadcast %parallel_loop3A_278 : i32 to vector<16xi32>
        %parallel_loop3A_280 = arith.cmpi ne, %parallel_loop3A_277, %parallel_loop3A_279 : vector<16xi32>
        %parallel_loop3A_281 = arith.constant 0 : i32
        %parallel_loop3A_282 = vector.broadcast %parallel_loop3A_281 : i32 to vector<16xi32>
        %parallel_loop3A_283 = arith.cmpi slt, %parallel_loop3A_277, %parallel_loop3A_282 : vector<16xi32>
        %parallel_loop3A_284 = arith.constant 0 : i32
        %parallel_loop3A_285 = arith.cmpi slt, %parallel_loop3A_275, %parallel_loop3A_284 : i32
        %parallel_loop3A_286 = vector.broadcast %parallel_loop3A_285 : i1 to vector<16xi1>
        %parallel_loop3A_287 = vector.broadcast %parallel_loop3A_286 : vector<16xi1> to vector<16xi1>
        %parallel_loop3A_288 = arith.xori %parallel_loop3A_283, %parallel_loop3A_287 : vector<16xi1>
        %parallel_loop3A_289 = arith.andi %parallel_loop3A_288, %parallel_loop3A_280 : vector<16xi1>
        %parallel_loop3A_290 = vector.broadcast %parallel_loop3A_275 : i32 to vector<16xi32>
        %parallel_loop3A_291 = arith.addi %parallel_loop3A_277, %parallel_loop3A_290 : vector<16xi32>
        %parallel_loop3A_292 = arith.select %parallel_loop3A_289, %parallel_loop3A_291, %parallel_loop3A_277 : vector<16xi1>, vector<16xi32>
        %parallel_loop3A_293 = tpu.vector_load_idx %arg12[%parallel_loop3A_163, %parallel_loop3A_292] : memref<128x16xi32, #tpu.memory_space<vmem>>[vector<16xi32>, vector<16xi32>], vector<16xi32>,
        %parallel_loop3A_294 = arith.constant 0 : i32
        %parallel_loop3A_295 = vector.broadcast %parallel_loop3A_294 : i32 to vector<16xi32>
        %parallel_loop3A_296 = arith.addi %parallel_loop3A_189, %parallel_loop3A_295 : vector<16xi32>
        %parallel_loop3A_297 = tpu.vector_load_idx %arg8[%parallel_loop3A_296] : memref<32000xi32, #tpu.memory_space<vmem>>[vector<16xi32>], vector<16xi32>,
        %parallel_loop3A_298 = vector.bitcast %parallel_loop3A_297 : vector<16xi32> to vector<32xbf16>
        %parallel_loop3A_299 = tpu.unpack_subelements %parallel_loop3A_298, 0 {pack_format = #tpu.pack_format<interleaved>} : vector<32xbf16> -> vector<16xf32>
        %parallel_loop3A_300 = tpu.unpack_subelements %parallel_loop3A_298, 1 {pack_format = #tpu.pack_format<interleaved>} : vector<32xbf16> -> vector<16xf32>
        %parallel_loop3A_301 = arith.constant 0 : i32
        %parallel_loop3A_302 = vector.broadcast %parallel_loop3A_301 : i32 to vector<16xi32>
        %parallel_loop3A_303 = arith.addi %parallel_loop3A_215, %parallel_loop3A_302 : vector<16xi32>
        %parallel_loop3A_304 = tpu.vector_load_idx %arg8[%parallel_loop3A_303] : memref<32000xi32, #tpu.memory_space<vmem>>[vector<16xi32>], vector<16xi32>,
        %parallel_loop3A_305 = vector.bitcast %parallel_loop3A_304 : vector<16xi32> to vector<32xbf16>
        %parallel_loop3A_306 = tpu.unpack_subelements %parallel_loop3A_305, 0 {pack_format = #tpu.pack_format<interleaved>} : vector<32xbf16> -> vector<16xf32>
        %parallel_loop3A_307 = tpu.unpack_subelements %parallel_loop3A_305, 1 {pack_format = #tpu.pack_format<interleaved>} : vector<32xbf16> -> vector<16xf32>
        %parallel_loop3A_308 = arith.addf %parallel_loop3A_299, %parallel_loop3A_306 : vector<16xf32>
        %parallel_loop3A_309 = arith.addf %parallel_loop3A_300, %parallel_loop3A_307 : vector<16xf32>
        %parallel_loop3A_310 = arith.constant 0 : i32
        %parallel_loop3A_311 = vector.broadcast %parallel_loop3A_310 : i32 to vector<16xi32>
        %parallel_loop3A_312 = arith.addi %parallel_loop3A_241, %parallel_loop3A_311 : vector<16xi32>
        %parallel_loop3A_313 = tpu.vector_load_idx %arg8[%parallel_loop3A_312] : memref<32000xi32, #tpu.memory_space<vmem>>[vector<16xi32>], vector<16xi32>,
        %parallel_loop3A_314 = vector.bitcast %parallel_loop3A_313 : vector<16xi32> to vector<32xbf16>
        %parallel_loop3A_315 = tpu.unpack_subelements %parallel_loop3A_314, 0 {pack_format = #tpu.pack_format<interleaved>} : vector<32xbf16> -> vector<16xf32>
        %parallel_loop3A_316 = tpu.unpack_subelements %parallel_loop3A_314, 1 {pack_format = #tpu.pack_format<interleaved>} : vector<32xbf16> -> vector<16xf32>
        %parallel_loop3A_317 = arith.addf %parallel_loop3A_308, %parallel_loop3A_315 : vector<16xf32>
        %parallel_loop3A_318 = arith.addf %parallel_loop3A_309, %parallel_loop3A_316 : vector<16xf32>
        %parallel_loop3A_319 = arith.constant 0 : i32
        %parallel_loop3A_320 = vector.broadcast %parallel_loop3A_319 : i32 to vector<16xi32>
        %parallel_loop3A_321 = arith.addi %parallel_loop3A_267, %parallel_loop3A_320 : vector<16xi32>
        %parallel_loop3A_322 = tpu.vector_load_idx %arg8[%parallel_loop3A_321] : memref<32000xi32, #tpu.memory_space<vmem>>[vector<16xi32>], vector<16xi32>,
        %parallel_loop3A_323 = vector.bitcast %parallel_loop3A_322 : vector<16xi32> to vector<32xbf16>
        %parallel_loop3A_324 = tpu.unpack_subelements %parallel_loop3A_323, 0 {pack_format = #tpu.pack_format<interleaved>} : vector<32xbf16> -> vector<16xf32>
        %parallel_loop3A_325 = tpu.unpack_subelements %parallel_loop3A_323, 1 {pack_format = #tpu.pack_format<interleaved>} : vector<32xbf16> -> vector<16xf32>
        %parallel_loop3A_326 = arith.addf %parallel_loop3A_317, %parallel_loop3A_324 : vector<16xf32>
        %parallel_loop3A_327 = arith.addf %parallel_loop3A_318, %parallel_loop3A_325 : vector<16xf32>
        %parallel_loop3A_328 = arith.constant 0 : i32
        %parallel_loop3A_329 = vector.broadcast %parallel_loop3A_328 : i32 to vector<16xi32>
        %parallel_loop3A_330 = arith.addi %parallel_loop3A_293, %parallel_loop3A_329 : vector<16xi32>
        %parallel_loop3A_331 = tpu.vector_load_idx %arg8[%parallel_loop3A_330] : memref<32000xi32, #tpu.memory_space<vmem>>[vector<16xi32>], vector<16xi32>,
        %parallel_loop3A_332 = vector.bitcast %parallel_loop3A_331 : vector<16xi32> to vector<32xbf16>
        %parallel_loop3A_333 = tpu.unpack_subelements %parallel_loop3A_332, 0 {pack_format = #tpu.pack_format<interleaved>} : vector<32xbf16> -> vector<16xf32>
        %parallel_loop3A_334 = tpu.unpack_subelements %parallel_loop3A_332, 1 {pack_format = #tpu.pack_format<interleaved>} : vector<32xbf16> -> vector<16xf32>
        %parallel_loop3A_335 = arith.addf %parallel_loop3A_326, %parallel_loop3A_333 : vector<16xf32>
        %parallel_loop3A_336 = arith.addf %parallel_loop3A_327, %parallel_loop3A_334 : vector<16xf32>
        %parallel_loop3A_337 = arith.constant 0 : i32
        %parallel_loop3A_338 = vector.broadcast %parallel_loop3A_337 : i32 to vector<16xi32>
        tpu.vector_store_idx %arg18[%parallel_loop3A_163, %parallel_loop3A_338], %parallel_loop3A_335 : memref<128x33xf32, #tpu.memory_space<vmem>>[vector<16xi32>, vector<16xi32>], vector<16xf32>,
        %parallel_loop3A_339 = arith.constant 1 : i32
        %parallel_loop3A_340 = vector.broadcast %parallel_loop3A_339 : i32 to vector<16xi32>
        tpu.vector_store_idx %arg18[%parallel_loop3A_163, %parallel_loop3A_340], %parallel_loop3A_336 : memref<128x33xf32, #tpu.memory_space<vmem>>[vector<16xi32>, vector<16xi32>], vector<16xf32>,
        %parallel_loop3A_341 = arith.constant 2000 : i32
        %parallel_loop3A_342 = vector.broadcast %parallel_loop3A_341 : i32 to vector<16xi32>
        %parallel_loop3A_343 = arith.addi %parallel_loop3A_189, %parallel_loop3A_342 : vector<16xi32>
        %parallel_loop3A_344 = tpu.vector_load_idx %arg8[%parallel_loop3A_343] : memref<32000xi32, #tpu.memory_space<vmem>>[vector<16xi32>], vector<16xi32>,
        %parallel_loop3A_345 = vector.bitcast %parallel_loop3A_344 : vector<16xi32> to vector<32xbf16>
        %parallel_loop3A_346 = tpu.unpack_subelements %parallel_loop3A_345, 0 {pack_format = #tpu.pack_format<interleaved>} : vector<32xbf16> -> vector<16xf32>
        %parallel_loop3A_347 = tpu.unpack_subelements %parallel_loop3A_345, 1 {pack_format = #tpu.pack_format<interleaved>} : vector<32xbf16> -> vector<16xf32>
        %parallel_loop3A_348 = arith.constant 2000 : i32
        %parallel_loop3A_349 = vector.broadcast %parallel_loop3A_348 : i32 to vector<16xi32>
        %parallel_loop3A_350 = arith.addi %parallel_loop3A_215, %parallel_loop3A_349 : vector<16xi32>
        %parallel_loop3A_351 = tpu.vector_load_idx %arg8[%parallel_loop3A_350] : memref<32000xi32, #tpu.memory_space<vmem>>[vector<16xi32>], vector<16xi32>,
        %parallel_loop3A_352 = vector.bitcast %parallel_loop3A_351 : vector<16xi32> to vector<32xbf16>
        %parallel_loop3A_353 = tpu.unpack_subelements %parallel_loop3A_352, 0 {pack_format = #tpu.pack_format<interleaved>} : vector<32xbf16> -> vector<16xf32>
        %parallel_loop3A_354 = tpu.unpack_subelements %parallel_loop3A_352, 1 {pack_format = #tpu.pack_format<interleaved>} : vector<32xbf16> -> vector<16xf32>
        %parallel_loop3A_355 = arith.addf %parallel_loop3A_346, %parallel_loop3A_353 : vector<16xf32>
        %parallel_loop3A_356 = arith.addf %parallel_loop3A_347, %parallel_loop3A_354 : vector<16xf32>
        %parallel_loop3A_357 = arith.constant 2000 : i32
        %parallel_loop3A_358 = vector.broadcast %parallel_loop3A_357 : i32 to vector<16xi32>
        %parallel_loop3A_359 = arith.addi %parallel_loop3A_241, %parallel_loop3A_358 : vector<16xi32>
        %parallel_loop3A_360 = tpu.vector_load_idx %arg8[%parallel_loop3A_359] : memref<32000xi32, #tpu.memory_space<vmem>>[vector<16xi32>], vector<16xi32>,
        %parallel_loop3A_361 = vector.bitcast %parallel_loop3A_360 : vector<16xi32> to vector<32xbf16>
        %parallel_loop3A_362 = tpu.unpack_subelements %parallel_loop3A_361, 0 {pack_format = #tpu.pack_format<interleaved>} : vector<32xbf16> -> vector<16xf32>
        %parallel_loop3A_363 = tpu.unpack_subelements %parallel_loop3A_361, 1 {pack_format = #tpu.pack_format<interleaved>} : vector<32xbf16> -> vector<16xf32>
        %parallel_loop3A_364 = arith.addf %parallel_loop3A_355, %parallel_loop3A_362 : vector<16xf32>
        %parallel_loop3A_365 = arith.addf %parallel_loop3A_356, %parallel_loop3A_363 : vector<16xf32>
        %parallel_loop3A_366 = arith.constant 2000 : i32
        %parallel_loop3A_367 = vector.broadcast %parallel_loop3A_366 : i32 to vector<16xi32>
        %parallel_loop3A_368 = arith.addi %parallel_loop3A_267, %parallel_loop3A_367 : vector<16xi32>
        %parallel_loop3A_369 = tpu.vector_load_idx %arg8[%parallel_loop3A_368] : memref<32000xi32, #tpu.memory_space<vmem>>[vector<16xi32>], vector<16xi32>,
        %parallel_loop3A_370 = vector.bitcast %parallel_loop3A_369 : vector<16xi32> to vector<32xbf16>
        %parallel_loop3A_371 = tpu.unpack_subelements %parallel_loop3A_370, 0 {pack_format = #tpu.pack_format<interleaved>} : vector<32xbf16> -> vector<16xf32>
        %parallel_loop3A_372 = tpu.unpack_subelements %parallel_loop3A_370, 1 {pack_format = #tpu.pack_format<interleaved>} : vector<32xbf16> -> vector<16xf32>
        %parallel_loop3A_373 = arith.addf %parallel_loop3A_364, %parallel_loop3A_371 : vector<16xf32>
        %parallel_loop3A_374 = arith.addf %parallel_loop3A_365, %parallel_loop3A_372 : vector<16xf32>
        %parallel_loop3A_375 = arith.constant 2000 : i32
        %parallel_loop3A_376 = vector.broadcast %parallel_loop3A_375 : i32 to vector<16xi32>
        %parallel_loop3A_377 = arith.addi %parallel_loop3A_293, %parallel_loop3A_376 : vector<16xi32>
        %parallel_loop3A_378 = tpu.vector_load_idx %arg8[%parallel_loop3A_377] : memref<32000xi32, #tpu.memory_space<vmem>>[vector<16xi32>], vector<16xi32>,
        %parallel_loop3A_379 = vector.bitcast %parallel_loop3A_378 : vector<16xi32> to vector<32xbf16>
        %parallel_loop3A_380 = tpu.unpack_subelements %parallel_loop3A_379, 0 {pack_format = #tpu.pack_format<interleaved>} : vector<32xbf16> -> vector<16xf32>
        %parallel_loop3A_381 = tpu.unpack_subelements %parallel_loop3A_379, 1 {pack_format = #tpu.pack_format<interleaved>} : vector<32xbf16> -> vector<16xf32>
        %parallel_loop3A_382 = arith.addf %parallel_loop3A_373, %parallel_loop3A_380 : vector<16xf32>
        %parallel_loop3A_383 = arith.addf %parallel_loop3A_374, %parallel_loop3A_381 : vector<16xf32>
        %parallel_loop3A_384 = arith.constant 2 : i32
        %parallel_loop3A_385 = vector.broadcast %parallel_loop3A_384 : i32 to vector<16xi32>
        tpu.vector_store_idx %arg18[%parallel_loop3A_163, %parallel_loop3A_385], %parallel_loop3A_382 : memref<128x33xf32, #tpu.memory_space<vmem>>[vector<16xi32>, vector<16xi32>], vector<16xf32>,
        %parallel_loop3A_386 = arith.constant 3 : i32
        %parallel_loop3A_387 = vector.broadcast %parallel_loop3A_386 : i32 to vector<16xi32>
        tpu.vector_store_idx %arg18[%parallel_loop3A_163, %parallel_loop3A_387], %parallel_loop3A_383 : memref<128x33xf32, #tpu.memory_space<vmem>>[vector<16xi32>, vector<16xi32>], vector<16xf32>,
        %parallel_loop3A_388 = arith.constant 4000 : i32
        %parallel_loop3A_389 = vector.broadcast %parallel_loop3A_388 : i32 to vector<16xi32>
        %parallel_loop3A_390 = arith.addi %parallel_loop3A_189, %parallel_loop3A_389 : vector<16xi32>
        %parallel_loop3A_391 = tpu.vector_load_idx %arg8[%parallel_loop3A_390] : memref<32000xi32, #tpu.memory_space<vmem>>[vector<16xi32>], vector<16xi32>,
        %parallel_loop3A_392 = vector.bitcast %parallel_loop3A_391 : vector<16xi32> to vector<32xbf16>
        %parallel_loop3A_393 = tpu.unpack_subelements %parallel_loop3A_392, 0 {pack_format = #tpu.pack_format<interleaved>} : vector<32xbf16> -> vector<16xf32>
        %parallel_loop3A_394 = tpu.unpack_subelements %parallel_loop3A_392, 1 {pack_format = #tpu.pack_format<interleaved>} : vector<32xbf16> -> vector<16xf32>
        %parallel_loop3A_395 = arith.constant 4000 : i32
        %parallel_loop3A_396 = vector.broadcast %parallel_loop3A_395 : i32 to vector<16xi32>
        %parallel_loop3A_397 = arith.addi %parallel_loop3A_215, %parallel_loop3A_396 : vector<16xi32>
        %parallel_loop3A_398 = tpu.vector_load_idx %arg8[%parallel_loop3A_397] : memref<32000xi32, #tpu.memory_space<vmem>>[vector<16xi32>], vector<16xi32>,
        %parallel_loop3A_399 = vector.bitcast %parallel_loop3A_398 : vector<16xi32> to vector<32xbf16>
        %parallel_loop3A_400 = tpu.unpack_subelements %parallel_loop3A_399, 0 {pack_format = #tpu.pack_format<interleaved>} : vector<32xbf16> -> vector<16xf32>
        %parallel_loop3A_401 = tpu.unpack_subelements %parallel_loop3A_399, 1 {pack_format = #tpu.pack_format<interleaved>} : vector<32xbf16> -> vector<16xf32>
        %parallel_loop3A_402 = arith.addf %parallel_loop3A_393, %parallel_loop3A_400 : vector<16xf32>
        %parallel_loop3A_403 = arith.addf %parallel_loop3A_394, %parallel_loop3A_401 : vector<16xf32>
        %parallel_loop3A_404 = arith.constant 4000 : i32
        %parallel_loop3A_405 = vector.broadcast %parallel_loop3A_404 : i32 to vector<16xi32>
        %parallel_loop3A_406 = arith.addi %parallel_loop3A_241, %parallel_loop3A_405 : vector<16xi32>
        %parallel_loop3A_407 = tpu.vector_load_idx %arg8[%parallel_loop3A_406] : memref<32000xi32, #tpu.memory_space<vmem>>[vector<16xi32>], vector<16xi32>,
        %parallel_loop3A_408 = vector.bitcast %parallel_loop3A_407 : vector<16xi32> to vector<32xbf16>
        %parallel_loop3A_409 = tpu.unpack_subelements %parallel_loop3A_408, 0 {pack_format = #tpu.pack_format<interleaved>} : vector<32xbf16> -> vector<16xf32>
        %parallel_loop3A_410 = tpu.unpack_subelements %parallel_loop3A_408, 1 {pack_format = #tpu.pack_format<interleaved>} : vector<32xbf16> -> vector<16xf32>
        %parallel_loop3A_411 = arith.addf %parallel_loop3A_402, %parallel_loop3A_409 : vector<16xf32>
        %parallel_loop3A_412 = arith.addf %parallel_loop3A_403, %parallel_loop3A_410 : vector<16xf32>
        %parallel_loop3A_413 = arith.constant 4000 : i32
        %parallel_loop3A_414 = vector.broadcast %parallel_loop3A_413 : i32 to vector<16xi32>
        %parallel_loop3A_415 = arith.addi %parallel_loop3A_267, %parallel_loop3A_414 : vector<16xi32>
        %parallel_loop3A_416 = tpu.vector_load_idx %arg8[%parallel_loop3A_415] : memref<32000xi32, #tpu.memory_space<vmem>>[vector<16xi32>], vector<16xi32>,
        %parallel_loop3A_417 = vector.bitcast %parallel_loop3A_416 : vector<16xi32> to vector<32xbf16>
        %parallel_loop3A_418 = tpu.unpack_subelements %parallel_loop3A_417, 0 {pack_format = #tpu.pack_format<interleaved>} : vector<32xbf16> -> vector<16xf32>
        %parallel_loop3A_419 = tpu.unpack_subelements %parallel_loop3A_417, 1 {pack_format = #tpu.pack_format<interleaved>} : vector<32xbf16> -> vector<16xf32>
        %parallel_loop3A_420 = arith.addf %parallel_loop3A_411, %parallel_loop3A_418 : vector<16xf32>
        %parallel_loop3A_421 = arith.addf %parallel_loop3A_412, %parallel_loop3A_419 : vector<16xf32>
        %parallel_loop3A_422 = arith.constant 4000 : i32
        %parallel_loop3A_423 = vector.broadcast %parallel_loop3A_422 : i32 to vector<16xi32>
        %parallel_loop3A_424 = arith.addi %parallel_loop3A_293, %parallel_loop3A_423 : vector<16xi32>
        %parallel_loop3A_425 = tpu.vector_load_idx %arg8[%parallel_loop3A_424] : memref<32000xi32, #tpu.memory_space<vmem>>[vector<16xi32>], vector<16xi32>,
        %parallel_loop3A_426 = vector.bitcast %parallel_loop3A_425 : vector<16xi32> to vector<32xbf16>
        %parallel_loop3A_427 = tpu.unpack_subelements %parallel_loop3A_426, 0 {pack_format = #tpu.pack_format<interleaved>} : vector<32xbf16> -> vector<16xf32>
        %parallel_loop3A_428 = tpu.unpack_subelements %parallel_loop3A_426, 1 {pack_format = #tpu.pack_format<interleaved>} : vector<32xbf16> -> vector<16xf32>
        %parallel_loop3A_429 = arith.addf %parallel_loop3A_420, %parallel_loop3A_427 : vector<16xf32>
        %parallel_loop3A_430 = arith.addf %parallel_loop3A_421, %parallel_loop3A_428 : vector<16xf32>
        %parallel_loop3A_431 = arith.constant 4 : i32
        %parallel_loop3A_432 = vector.broadcast %parallel_loop3A_431 : i32 to vector<16xi32>
        tpu.vector_store_idx %arg18[%parallel_loop3A_163, %parallel_loop3A_432], %parallel_loop3A_429 : memref<128x33xf32, #tpu.memory_space<vmem>>[vector<16xi32>, vector<16xi32>], vector<16xf32>,
        %parallel_loop3A_433 = arith.constant 5 : i32
        %parallel_loop3A_434 = vector.broadcast %parallel_loop3A_433 : i32 to vector<16xi32>
        tpu.vector_store_idx %arg18[%parallel_loop3A_163, %parallel_loop3A_434], %parallel_loop3A_430 : memref<128x33xf32, #tpu.memory_space<vmem>>[vector<16xi32>, vector<16xi32>], vector<16xf32>,
        %parallel_loop3A_435 = arith.constant 6000 : i32
        %parallel_loop3A_436 = vector.broadcast %parallel_loop3A_435 : i32 to vector<16xi32>
        %parallel_loop3A_437 = arith.addi %parallel_loop3A_189, %parallel_loop3A_436 : vector<16xi32>
        %parallel_loop3A_438 = tpu.vector_load_idx %arg8[%parallel_loop3A_437] : memref<32000xi32, #tpu.memory_space<vmem>>[vector<16xi32>], vector<16xi32>,
        %parallel_loop3A_439 = vector.bitcast %parallel_loop3A_438 : vector<16xi32> to vector<32xbf16>
        %parallel_loop3A_440 = tpu.unpack_subelements %parallel_loop3A_439, 0 {pack_format = #tpu.pack_format<interleaved>} : vector<32xbf16> -> vector<16xf32>
        %parallel_loop3A_441 = tpu.unpack_subelements %parallel_loop3A_439, 1 {pack_format = #tpu.pack_format<interleaved>} : vector<32xbf16> -> vector<16xf32>
        %parallel_loop3A_442 = arith.constant 6000 : i32
        %parallel_loop3A_443 = vector.broadcast %parallel_loop3A_442 : i32 to vector<16xi32>
        %parallel_loop3A_444 = arith.addi %parallel_loop3A_215, %parallel_loop3A_443 : vector<16xi32>
        %parallel_loop3A_445 = tpu.vector_load_idx %arg8[%parallel_loop3A_444] : memref<32000xi32, #tpu.memory_space<vmem>>[vector<16xi32>], vector<16xi32>,
        %parallel_loop3A_446 = vector.bitcast %parallel_loop3A_445 : vector<16xi32> to vector<32xbf16>
        %parallel_loop3A_447 = tpu.unpack_subelements %parallel_loop3A_446, 0 {pack_format = #tpu.pack_format<interleaved>} : vector<32xbf16> -> vector<16xf32>
        %parallel_loop3A_448 = tpu.unpack_subelements %parallel_loop3A_446, 1 {pack_format = #tpu.pack_format<interleaved>} : vector<32xbf16> -> vector<16xf32>
        %parallel_loop3A_449 = arith.addf %parallel_loop3A_440, %parallel_loop3A_447 : vector<16xf32>
        %parallel_loop3A_450 = arith.addf %parallel_loop3A_441, %parallel_loop3A_448 : vector<16xf32>
        %parallel_loop3A_451 = arith.constant 6000 : i32
        %parallel_loop3A_452 = vector.broadcast %parallel_loop3A_451 : i32 to vector<16xi32>
        %parallel_loop3A_453 = arith.addi %parallel_loop3A_241, %parallel_loop3A_452 : vector<16xi32>
        %parallel_loop3A_454 = tpu.vector_load_idx %arg8[%parallel_loop3A_453] : memref<32000xi32, #tpu.memory_space<vmem>>[vector<16xi32>], vector<16xi32>,
        %parallel_loop3A_455 = vector.bitcast %parallel_loop3A_454 : vector<16xi32> to vector<32xbf16>
        %parallel_loop3A_456 = tpu.unpack_subelements %parallel_loop3A_455, 0 {pack_format = #tpu.pack_format<interleaved>} : vector<32xbf16> -> vector<16xf32>
        %parallel_loop3A_457 = tpu.unpack_subelements %parallel_loop3A_455, 1 {pack_format = #tpu.pack_format<interleaved>} : vector<32xbf16> -> vector<16xf32>
        %parallel_loop3A_458 = arith.addf %parallel_loop3A_449, %parallel_loop3A_456 : vector<16xf32>
        %parallel_loop3A_459 = arith.addf %parallel_loop3A_450, %parallel_loop3A_457 : vector<16xf32>
        %parallel_loop3A_460 = arith.constant 6000 : i32
        %parallel_loop3A_461 = vector.broadcast %parallel_loop3A_460 : i32 to vector<16xi32>
        %parallel_loop3A_462 = arith.addi %parallel_loop3A_267, %parallel_loop3A_461 : vector<16xi32>
        %parallel_loop3A_463 = tpu.vector_load_idx %arg8[%parallel_loop3A_462] : memref<32000xi32, #tpu.memory_space<vmem>>[vector<16xi32>], vector<16xi32>,
        %parallel_loop3A_464 = vector.bitcast %parallel_loop3A_463 : vector<16xi32> to vector<32xbf16>
        %parallel_loop3A_465 = tpu.unpack_subelements %parallel_loop3A_464, 0 {pack_format = #tpu.pack_format<interleaved>} : vector<32xbf16> -> vector<16xf32>
        %parallel_loop3A_466 = tpu.unpack_subelements %parallel_loop3A_464, 1 {pack_format = #tpu.pack_format<interleaved>} : vector<32xbf16> -> vector<16xf32>
        %parallel_loop3A_467 = arith.addf %parallel_loop3A_458, %parallel_loop3A_465 : vector<16xf32>
        %parallel_loop3A_468 = arith.addf %parallel_loop3A_459, %parallel_loop3A_466 : vector<16xf32>
        %parallel_loop3A_469 = arith.constant 6000 : i32
        %parallel_loop3A_470 = vector.broadcast %parallel_loop3A_469 : i32 to vector<16xi32>
        %parallel_loop3A_471 = arith.addi %parallel_loop3A_293, %parallel_loop3A_470 : vector<16xi32>
        %parallel_loop3A_472 = tpu.vector_load_idx %arg8[%parallel_loop3A_471] : memref<32000xi32, #tpu.memory_space<vmem>>[vector<16xi32>], vector<16xi32>,
        %parallel_loop3A_473 = vector.bitcast %parallel_loop3A_472 : vector<16xi32> to vector<32xbf16>
        %parallel_loop3A_474 = tpu.unpack_subelements %parallel_loop3A_473, 0 {pack_format = #tpu.pack_format<interleaved>} : vector<32xbf16> -> vector<16xf32>
        %parallel_loop3A_475 = tpu.unpack_subelements %parallel_loop3A_473, 1 {pack_format = #tpu.pack_format<interleaved>} : vector<32xbf16> -> vector<16xf32>
        %parallel_loop3A_476 = arith.addf %parallel_loop3A_467, %parallel_loop3A_474 : vector<16xf32>
        %parallel_loop3A_477 = arith.addf %parallel_loop3A_468, %parallel_loop3A_475 : vector<16xf32>
        %parallel_loop3A_478 = arith.constant 6 : i32
        %parallel_loop3A_479 = vector.broadcast %parallel_loop3A_478 : i32 to vector<16xi32>
        tpu.vector_store_idx %arg18[%parallel_loop3A_163, %parallel_loop3A_479], %parallel_loop3A_476 : memref<128x33xf32, #tpu.memory_space<vmem>>[vector<16xi32>, vector<16xi32>], vector<16xf32>,
        %parallel_loop3A_480 = arith.constant 7 : i32
        %parallel_loop3A_481 = vector.broadcast %parallel_loop3A_480 : i32 to vector<16xi32>
        tpu.vector_store_idx %arg18[%parallel_loop3A_163, %parallel_loop3A_481], %parallel_loop3A_477 : memref<128x33xf32, #tpu.memory_space<vmem>>[vector<16xi32>, vector<16xi32>], vector<16xf32>,
        %parallel_loop3A_482 = arith.constant 8000 : i32
        %parallel_loop3A_483 = vector.broadcast %parallel_loop3A_482 : i32 to vector<16xi32>
        %parallel_loop3A_484 = arith.addi %parallel_loop3A_189, %parallel_loop3A_483 : vector<16xi32>
        %parallel_loop3A_485 = tpu.vector_load_idx %arg8[%parallel_loop3A_484] : memref<32000xi32, #tpu.memory_space<vmem>>[vector<16xi32>], vector<16xi32>,
        %parallel_loop3A_486 = vector.bitcast %parallel_loop3A_485 : vector<16xi32> to vector<32xbf16>
        %parallel_loop3A_487 = tpu.unpack_subelements %parallel_loop3A_486, 0 {pack_format = #tpu.pack_format<interleaved>} : vector<32xbf16> -> vector<16xf32>
        %parallel_loop3A_488 = tpu.unpack_subelements %parallel_loop3A_486, 1 {pack_format = #tpu.pack_format<interleaved>} : vector<32xbf16> -> vector<16xf32>
        %parallel_loop3A_489 = arith.constant 8000 : i32
        %parallel_loop3A_490 = vector.broadcast %parallel_loop3A_489 : i32 to vector<16xi32>
        %parallel_loop3A_491 = arith.addi %parallel_loop3A_215, %parallel_loop3A_490 : vector<16xi32>
        %parallel_loop3A_492 = tpu.vector_load_idx %arg8[%parallel_loop3A_491] : memref<32000xi32, #tpu.memory_space<vmem>>[vector<16xi32>], vector<16xi32>,
        %parallel_loop3A_493 = vector.bitcast %parallel_loop3A_492 : vector<16xi32> to vector<32xbf16>
        %parallel_loop3A_494 = tpu.unpack_subelements %parallel_loop3A_493, 0 {pack_format = #tpu.pack_format<interleaved>} : vector<32xbf16> -> vector<16xf32>
        %parallel_loop3A_495 = tpu.unpack_subelements %parallel_loop3A_493, 1 {pack_format = #tpu.pack_format<interleaved>} : vector<32xbf16> -> vector<16xf32>
        %parallel_loop3A_496 = arith.addf %parallel_loop3A_487, %parallel_loop3A_494 : vector<16xf32>
        %parallel_loop3A_497 = arith.addf %parallel_loop3A_488, %parallel_loop3A_495 : vector<16xf32>
        %parallel_loop3A_498 = arith.constant 8000 : i32
        %parallel_loop3A_499 = vector.broadcast %parallel_loop3A_498 : i32 to vector<16xi32>
        %parallel_loop3A_500 = arith.addi %parallel_loop3A_241, %parallel_loop3A_499 : vector<16xi32>
        %parallel_loop3A_501 = tpu.vector_load_idx %arg8[%parallel_loop3A_500] : memref<32000xi32, #tpu.memory_space<vmem>>[vector<16xi32>], vector<16xi32>,
        %parallel_loop3A_502 = vector.bitcast %parallel_loop3A_501 : vector<16xi32> to vector<32xbf16>
        %parallel_loop3A_503 = tpu.unpack_subelements %parallel_loop3A_502, 0 {pack_format = #tpu.pack_format<interleaved>} : vector<32xbf16> -> vector<16xf32>
        %parallel_loop3A_504 = tpu.unpack_subelements %parallel_loop3A_502, 1 {pack_format = #tpu.pack_format<interleaved>} : vector<32xbf16> -> vector<16xf32>
        %parallel_loop3A_505 = arith.addf %parallel_loop3A_496, %parallel_loop3A_503 : vector<16xf32>
        %parallel_loop3A_506 = arith.addf %parallel_loop3A_497, %parallel_loop3A_504 : vector<16xf32>
        %parallel_loop3A_507 = arith.constant 8000 : i32
        %parallel_loop3A_508 = vector.broadcast %parallel_loop3A_507 : i32 to vector<16xi32>
        %parallel_loop3A_509 = arith.addi %parallel_loop3A_267, %parallel_loop3A_508 : vector<16xi32>
        %parallel_loop3A_510 = tpu.vector_load_idx %arg8[%parallel_loop3A_509] : memref<32000xi32, #tpu.memory_space<vmem>>[vector<16xi32>], vector<16xi32>,
        %parallel_loop3A_511 = vector.bitcast %parallel_loop3A_510 : vector<16xi32> to vector<32xbf16>
        %parallel_loop3A_512 = tpu.unpack_subelements %parallel_loop3A_511, 0 {pack_format = #tpu.pack_format<interleaved>} : vector<32xbf16> -> vector<16xf32>
        %parallel_loop3A_513 = tpu.unpack_subelements %parallel_loop3A_511, 1 {pack_format = #tpu.pack_format<interleaved>} : vector<32xbf16> -> vector<16xf32>
        %parallel_loop3A_514 = arith.addf %parallel_loop3A_505, %parallel_loop3A_512 : vector<16xf32>
        %parallel_loop3A_515 = arith.addf %parallel_loop3A_506, %parallel_loop3A_513 : vector<16xf32>
        %parallel_loop3A_516 = arith.constant 8000 : i32
        %parallel_loop3A_517 = vector.broadcast %parallel_loop3A_516 : i32 to vector<16xi32>
        %parallel_loop3A_518 = arith.addi %parallel_loop3A_293, %parallel_loop3A_517 : vector<16xi32>
        %parallel_loop3A_519 = tpu.vector_load_idx %arg8[%parallel_loop3A_518] : memref<32000xi32, #tpu.memory_space<vmem>>[vector<16xi32>], vector<16xi32>,
        %parallel_loop3A_520 = vector.bitcast %parallel_loop3A_519 : vector<16xi32> to vector<32xbf16>
        %parallel_loop3A_521 = tpu.unpack_subelements %parallel_loop3A_520, 0 {pack_format = #tpu.pack_format<interleaved>} : vector<32xbf16> -> vector<16xf32>
        %parallel_loop3A_522 = tpu.unpack_subelements %parallel_loop3A_520, 1 {pack_format = #tpu.pack_format<interleaved>} : vector<32xbf16> -> vector<16xf32>
        %parallel_loop3A_523 = arith.addf %parallel_loop3A_514, %parallel_loop3A_521 : vector<16xf32>
        %parallel_loop3A_524 = arith.addf %parallel_loop3A_515, %parallel_loop3A_522 : vector<16xf32>
        %parallel_loop3A_525 = arith.constant 8 : i32
        %parallel_loop3A_526 = vector.broadcast %parallel_loop3A_525 : i32 to vector<16xi32>
        tpu.vector_store_idx %arg18[%parallel_loop3A_163, %parallel_loop3A_526], %parallel_loop3A_523 : memref<128x33xf32, #tpu.memory_space<vmem>>[vector<16xi32>, vector<16xi32>], vector<16xf32>,
        %parallel_loop3A_527 = arith.constant 9 : i32
        %parallel_loop3A_528 = vector.broadcast %parallel_loop3A_527 : i32 to vector<16xi32>
        tpu.vector_store_idx %arg18[%parallel_loop3A_163, %parallel_loop3A_528], %parallel_loop3A_524 : memref<128x33xf32, #tpu.memory_space<vmem>>[vector<16xi32>, vector<16xi32>], vector<16xf32>,
        %parallel_loop3A_529 = arith.constant 10000 : i32
        %parallel_loop3A_530 = vector.broadcast %parallel_loop3A_529 : i32 to vector<16xi32>
        %parallel_loop3A_531 = arith.addi %parallel_loop3A_189, %parallel_loop3A_530 : vector<16xi32>
        %parallel_loop3A_532 = tpu.vector_load_idx %arg8[%parallel_loop3A_531] : memref<32000xi32, #tpu.memory_space<vmem>>[vector<16xi32>], vector<16xi32>,
        %parallel_loop3A_533 = vector.bitcast %parallel_loop3A_532 : vector<16xi32> to vector<32xbf16>
        %parallel_loop3A_534 = tpu.unpack_subelements %parallel_loop3A_533, 0 {pack_format = #tpu.pack_format<interleaved>} : vector<32xbf16> -> vector<16xf32>
        %parallel_loop3A_535 = tpu.unpack_subelements %parallel_loop3A_533, 1 {pack_format = #tpu.pack_format<interleaved>} : vector<32xbf16> -> vector<16xf32>
        %parallel_loop3A_536 = arith.constant 10000 : i32
        %parallel_loop3A_537 = vector.broadcast %parallel_loop3A_536 : i32 to vector<16xi32>
        %parallel_loop3A_538 = arith.addi %parallel_loop3A_215, %parallel_loop3A_537 : vector<16xi32>
        %parallel_loop3A_539 = tpu.vector_load_idx %arg8[%parallel_loop3A_538] : memref<32000xi32, #tpu.memory_space<vmem>>[vector<16xi32>], vector<16xi32>,
        %parallel_loop3A_540 = vector.bitcast %parallel_loop3A_539 : vector<16xi32> to vector<32xbf16>
        %parallel_loop3A_541 = tpu.unpack_subelements %parallel_loop3A_540, 0 {pack_format = #tpu.pack_format<interleaved>} : vector<32xbf16> -> vector<16xf32>
        %parallel_loop3A_542 = tpu.unpack_subelements %parallel_loop3A_540, 1 {pack_format = #tpu.pack_format<interleaved>} : vector<32xbf16> -> vector<16xf32>
        %parallel_loop3A_543 = arith.addf %parallel_loop3A_534, %parallel_loop3A_541 : vector<16xf32>
        %parallel_loop3A_544 = arith.addf %parallel_loop3A_535, %parallel_loop3A_542 : vector<16xf32>
        %parallel_loop3A_545 = arith.constant 10000 : i32
        %parallel_loop3A_546 = vector.broadcast %parallel_loop3A_545 : i32 to vector<16xi32>
        %parallel_loop3A_547 = arith.addi %parallel_loop3A_241, %parallel_loop3A_546 : vector<16xi32>
        %parallel_loop3A_548 = tpu.vector_load_idx %arg8[%parallel_loop3A_547] : memref<32000xi32, #tpu.memory_space<vmem>>[vector<16xi32>], vector<16xi32>,
        %parallel_loop3A_549 = vector.bitcast %parallel_loop3A_548 : vector<16xi32> to vector<32xbf16>
        %parallel_loop3A_550 = tpu.unpack_subelements %parallel_loop3A_549, 0 {pack_format = #tpu.pack_format<interleaved>} : vector<32xbf16> -> vector<16xf32>
        %parallel_loop3A_551 = tpu.unpack_subelements %parallel_loop3A_549, 1 {pack_format = #tpu.pack_format<interleaved>} : vector<32xbf16> -> vector<16xf32>
        %parallel_loop3A_552 = arith.addf %parallel_loop3A_543, %parallel_loop3A_550 : vector<16xf32>
        %parallel_loop3A_553 = arith.addf %parallel_loop3A_544, %parallel_loop3A_551 : vector<16xf32>
        %parallel_loop3A_554 = arith.constant 10000 : i32
        %parallel_loop3A_555 = vector.broadcast %parallel_loop3A_554 : i32 to vector<16xi32>
        %parallel_loop3A_556 = arith.addi %parallel_loop3A_267, %parallel_loop3A_555 : vector<16xi32>
        %parallel_loop3A_557 = tpu.vector_load_idx %arg8[%parallel_loop3A_556] : memref<32000xi32, #tpu.memory_space<vmem>>[vector<16xi32>], vector<16xi32>,
        %parallel_loop3A_558 = vector.bitcast %parallel_loop3A_557 : vector<16xi32> to vector<32xbf16>
        %parallel_loop3A_559 = tpu.unpack_subelements %parallel_loop3A_558, 0 {pack_format = #tpu.pack_format<interleaved>} : vector<32xbf16> -> vector<16xf32>
        %parallel_loop3A_560 = tpu.unpack_subelements %parallel_loop3A_558, 1 {pack_format = #tpu.pack_format<interleaved>} : vector<32xbf16> -> vector<16xf32>
        %parallel_loop3A_561 = arith.addf %parallel_loop3A_552, %parallel_loop3A_559 : vector<16xf32>
        %parallel_loop3A_562 = arith.addf %parallel_loop3A_553, %parallel_loop3A_560 : vector<16xf32>
        %parallel_loop3A_563 = arith.constant 10000 : i32
        %parallel_loop3A_564 = vector.broadcast %parallel_loop3A_563 : i32 to vector<16xi32>
        %parallel_loop3A_565 = arith.addi %parallel_loop3A_293, %parallel_loop3A_564 : vector<16xi32>
        %parallel_loop3A_566 = tpu.vector_load_idx %arg8[%parallel_loop3A_565] : memref<32000xi32, #tpu.memory_space<vmem>>[vector<16xi32>], vector<16xi32>,
        %parallel_loop3A_567 = vector.bitcast %parallel_loop3A_566 : vector<16xi32> to vector<32xbf16>
        %parallel_loop3A_568 = tpu.unpack_subelements %parallel_loop3A_567, 0 {pack_format = #tpu.pack_format<interleaved>} : vector<32xbf16> -> vector<16xf32>
        %parallel_loop3A_569 = tpu.unpack_subelements %parallel_loop3A_567, 1 {pack_format = #tpu.pack_format<interleaved>} : vector<32xbf16> -> vector<16xf32>
        %parallel_loop3A_570 = arith.addf %parallel_loop3A_561, %parallel_loop3A_568 : vector<16xf32>
        %parallel_loop3A_571 = arith.addf %parallel_loop3A_562, %parallel_loop3A_569 : vector<16xf32>
        %parallel_loop3A_572 = arith.constant 10 : i32
        %parallel_loop3A_573 = vector.broadcast %parallel_loop3A_572 : i32 to vector<16xi32>
        tpu.vector_store_idx %arg18[%parallel_loop3A_163, %parallel_loop3A_573], %parallel_loop3A_570 : memref<128x33xf32, #tpu.memory_space<vmem>>[vector<16xi32>, vector<16xi32>], vector<16xf32>,
        %parallel_loop3A_574 = arith.constant 11 : i32
        %parallel_loop3A_575 = vector.broadcast %parallel_loop3A_574 : i32 to vector<16xi32>
        tpu.vector_store_idx %arg18[%parallel_loop3A_163, %parallel_loop3A_575], %parallel_loop3A_571 : memref<128x33xf32, #tpu.memory_space<vmem>>[vector<16xi32>, vector<16xi32>], vector<16xf32>,
        %parallel_loop3A_576 = arith.constant 12000 : i32
        %parallel_loop3A_577 = vector.broadcast %parallel_loop3A_576 : i32 to vector<16xi32>
        %parallel_loop3A_578 = arith.addi %parallel_loop3A_189, %parallel_loop3A_577 : vector<16xi32>
        %parallel_loop3A_579 = tpu.vector_load_idx %arg8[%parallel_loop3A_578] : memref<32000xi32, #tpu.memory_space<vmem>>[vector<16xi32>], vector<16xi32>,
        %parallel_loop3A_580 = vector.bitcast %parallel_loop3A_579 : vector<16xi32> to vector<32xbf16>
        %parallel_loop3A_581 = tpu.unpack_subelements %parallel_loop3A_580, 0 {pack_format = #tpu.pack_format<interleaved>} : vector<32xbf16> -> vector<16xf32>
        %parallel_loop3A_582 = tpu.unpack_subelements %parallel_loop3A_580, 1 {pack_format = #tpu.pack_format<interleaved>} : vector<32xbf16> -> vector<16xf32>
        %parallel_loop3A_583 = arith.constant 12000 : i32
        %parallel_loop3A_584 = vector.broadcast %parallel_loop3A_583 : i32 to vector<16xi32>
        %parallel_loop3A_585 = arith.addi %parallel_loop3A_215, %parallel_loop3A_584 : vector<16xi32>
        %parallel_loop3A_586 = tpu.vector_load_idx %arg8[%parallel_loop3A_585] : memref<32000xi32, #tpu.memory_space<vmem>>[vector<16xi32>], vector<16xi32>,
        %parallel_loop3A_587 = vector.bitcast %parallel_loop3A_586 : vector<16xi32> to vector<32xbf16>
        %parallel_loop3A_588 = tpu.unpack_subelements %parallel_loop3A_587, 0 {pack_format = #tpu.pack_format<interleaved>} : vector<32xbf16> -> vector<16xf32>
        %parallel_loop3A_589 = tpu.unpack_subelements %parallel_loop3A_587, 1 {pack_format = #tpu.pack_format<interleaved>} : vector<32xbf16> -> vector<16xf32>
        %parallel_loop3A_590 = arith.addf %parallel_loop3A_581, %parallel_loop3A_588 : vector<16xf32>
        %parallel_loop3A_591 = arith.addf %parallel_loop3A_582, %parallel_loop3A_589 : vector<16xf32>
        %parallel_loop3A_592 = arith.constant 12000 : i32
        %parallel_loop3A_593 = vector.broadcast %parallel_loop3A_592 : i32 to vector<16xi32>
        %parallel_loop3A_594 = arith.addi %parallel_loop3A_241, %parallel_loop3A_593 : vector<16xi32>
        %parallel_loop3A_595 = tpu.vector_load_idx %arg8[%parallel_loop3A_594] : memref<32000xi32, #tpu.memory_space<vmem>>[vector<16xi32>], vector<16xi32>,
        %parallel_loop3A_596 = vector.bitcast %parallel_loop3A_595 : vector<16xi32> to vector<32xbf16>
        %parallel_loop3A_597 = tpu.unpack_subelements %parallel_loop3A_596, 0 {pack_format = #tpu.pack_format<interleaved>} : vector<32xbf16> -> vector<16xf32>
        %parallel_loop3A_598 = tpu.unpack_subelements %parallel_loop3A_596, 1 {pack_format = #tpu.pack_format<interleaved>} : vector<32xbf16> -> vector<16xf32>
        %parallel_loop3A_599 = arith.addf %parallel_loop3A_590, %parallel_loop3A_597 : vector<16xf32>
        %parallel_loop3A_600 = arith.addf %parallel_loop3A_591, %parallel_loop3A_598 : vector<16xf32>
        %parallel_loop3A_601 = arith.constant 12000 : i32
        %parallel_loop3A_602 = vector.broadcast %parallel_loop3A_601 : i32 to vector<16xi32>
        %parallel_loop3A_603 = arith.addi %parallel_loop3A_267, %parallel_loop3A_602 : vector<16xi32>
        %parallel_loop3A_604 = tpu.vector_load_idx %arg8[%parallel_loop3A_603] : memref<32000xi32, #tpu.memory_space<vmem>>[vector<16xi32>], vector<16xi32>,
        %parallel_loop3A_605 = vector.bitcast %parallel_loop3A_604 : vector<16xi32> to vector<32xbf16>
        %parallel_loop3A_606 = tpu.unpack_subelements %parallel_loop3A_605, 0 {pack_format = #tpu.pack_format<interleaved>} : vector<32xbf16> -> vector<16xf32>
        %parallel_loop3A_607 = tpu.unpack_subelements %parallel_loop3A_605, 1 {pack_format = #tpu.pack_format<interleaved>} : vector<32xbf16> -> vector<16xf32>
        %parallel_loop3A_608 = arith.addf %parallel_loop3A_599, %parallel_loop3A_606 : vector<16xf32>
        %parallel_loop3A_609 = arith.addf %parallel_loop3A_600, %parallel_loop3A_607 : vector<16xf32>
        %parallel_loop3A_610 = arith.constant 12000 : i32
        %parallel_loop3A_611 = vector.broadcast %parallel_loop3A_610 : i32 to vector<16xi32>
        %parallel_loop3A_612 = arith.addi %parallel_loop3A_293, %parallel_loop3A_611 : vector<16xi32>
        %parallel_loop3A_613 = tpu.vector_load_idx %arg8[%parallel_loop3A_612] : memref<32000xi32, #tpu.memory_space<vmem>>[vector<16xi32>], vector<16xi32>,
        %parallel_loop3A_614 = vector.bitcast %parallel_loop3A_613 : vector<16xi32> to vector<32xbf16>
        %parallel_loop3A_615 = tpu.unpack_subelements %parallel_loop3A_614, 0 {pack_format = #tpu.pack_format<interleaved>} : vector<32xbf16> -> vector<16xf32>
        %parallel_loop3A_616 = tpu.unpack_subelements %parallel_loop3A_614, 1 {pack_format = #tpu.pack_format<interleaved>} : vector<32xbf16> -> vector<16xf32>
        %parallel_loop3A_617 = arith.addf %parallel_loop3A_608, %parallel_loop3A_615 : vector<16xf32>
        %parallel_loop3A_618 = arith.addf %parallel_loop3A_609, %parallel_loop3A_616 : vector<16xf32>
        %parallel_loop3A_619 = arith.constant 12 : i32
        %parallel_loop3A_620 = vector.broadcast %parallel_loop3A_619 : i32 to vector<16xi32>
        tpu.vector_store_idx %arg18[%parallel_loop3A_163, %parallel_loop3A_620], %parallel_loop3A_617 : memref<128x33xf32, #tpu.memory_space<vmem>>[vector<16xi32>, vector<16xi32>], vector<16xf32>,
        %parallel_loop3A_621 = arith.constant 13 : i32
        %parallel_loop3A_622 = vector.broadcast %parallel_loop3A_621 : i32 to vector<16xi32>
        tpu.vector_store_idx %arg18[%parallel_loop3A_163, %parallel_loop3A_622], %parallel_loop3A_618 : memref<128x33xf32, #tpu.memory_space<vmem>>[vector<16xi32>, vector<16xi32>], vector<16xf32>,
        %parallel_loop3A_623 = arith.constant 14000 : i32
        %parallel_loop3A_624 = vector.broadcast %parallel_loop3A_623 : i32 to vector<16xi32>
        %parallel_loop3A_625 = arith.addi %parallel_loop3A_189, %parallel_loop3A_624 : vector<16xi32>
        %parallel_loop3A_626 = tpu.vector_load_idx %arg8[%parallel_loop3A_625] : memref<32000xi32, #tpu.memory_space<vmem>>[vector<16xi32>], vector<16xi32>,
        %parallel_loop3A_627 = vector.bitcast %parallel_loop3A_626 : vector<16xi32> to vector<32xbf16>
        %parallel_loop3A_628 = tpu.unpack_subelements %parallel_loop3A_627, 0 {pack_format = #tpu.pack_format<interleaved>} : vector<32xbf16> -> vector<16xf32>
        %parallel_loop3A_629 = tpu.unpack_subelements %parallel_loop3A_627, 1 {pack_format = #tpu.pack_format<interleaved>} : vector<32xbf16> -> vector<16xf32>
        %parallel_loop3A_630 = arith.constant 14000 : i32
        %parallel_loop3A_631 = vector.broadcast %parallel_loop3A_630 : i32 to vector<16xi32>
        %parallel_loop3A_632 = arith.addi %parallel_loop3A_215, %parallel_loop3A_631 : vector<16xi32>
        %parallel_loop3A_633 = tpu.vector_load_idx %arg8[%parallel_loop3A_632] : memref<32000xi32, #tpu.memory_space<vmem>>[vector<16xi32>], vector<16xi32>,
        %parallel_loop3A_634 = vector.bitcast %parallel_loop3A_633 : vector<16xi32> to vector<32xbf16>
        %parallel_loop3A_635 = tpu.unpack_subelements %parallel_loop3A_634, 0 {pack_format = #tpu.pack_format<interleaved>} : vector<32xbf16> -> vector<16xf32>
        %parallel_loop3A_636 = tpu.unpack_subelements %parallel_loop3A_634, 1 {pack_format = #tpu.pack_format<interleaved>} : vector<32xbf16> -> vector<16xf32>
        %parallel_loop3A_637 = arith.addf %parallel_loop3A_628, %parallel_loop3A_635 : vector<16xf32>
        %parallel_loop3A_638 = arith.addf %parallel_loop3A_629, %parallel_loop3A_636 : vector<16xf32>
        %parallel_loop3A_639 = arith.constant 14000 : i32
        %parallel_loop3A_640 = vector.broadcast %parallel_loop3A_639 : i32 to vector<16xi32>
        %parallel_loop3A_641 = arith.addi %parallel_loop3A_241, %parallel_loop3A_640 : vector<16xi32>
        %parallel_loop3A_642 = tpu.vector_load_idx %arg8[%parallel_loop3A_641] : memref<32000xi32, #tpu.memory_space<vmem>>[vector<16xi32>], vector<16xi32>,
        %parallel_loop3A_643 = vector.bitcast %parallel_loop3A_642 : vector<16xi32> to vector<32xbf16>
        %parallel_loop3A_644 = tpu.unpack_subelements %parallel_loop3A_643, 0 {pack_format = #tpu.pack_format<interleaved>} : vector<32xbf16> -> vector<16xf32>
        %parallel_loop3A_645 = tpu.unpack_subelements %parallel_loop3A_643, 1 {pack_format = #tpu.pack_format<interleaved>} : vector<32xbf16> -> vector<16xf32>
        %parallel_loop3A_646 = arith.addf %parallel_loop3A_637, %parallel_loop3A_644 : vector<16xf32>
        %parallel_loop3A_647 = arith.addf %parallel_loop3A_638, %parallel_loop3A_645 : vector<16xf32>
        %parallel_loop3A_648 = arith.constant 14000 : i32
        %parallel_loop3A_649 = vector.broadcast %parallel_loop3A_648 : i32 to vector<16xi32>
        %parallel_loop3A_650 = arith.addi %parallel_loop3A_267, %parallel_loop3A_649 : vector<16xi32>
        %parallel_loop3A_651 = tpu.vector_load_idx %arg8[%parallel_loop3A_650] : memref<32000xi32, #tpu.memory_space<vmem>>[vector<16xi32>], vector<16xi32>,
        %parallel_loop3A_652 = vector.bitcast %parallel_loop3A_651 : vector<16xi32> to vector<32xbf16>
        %parallel_loop3A_653 = tpu.unpack_subelements %parallel_loop3A_652, 0 {pack_format = #tpu.pack_format<interleaved>} : vector<32xbf16> -> vector<16xf32>
        %parallel_loop3A_654 = tpu.unpack_subelements %parallel_loop3A_652, 1 {pack_format = #tpu.pack_format<interleaved>} : vector<32xbf16> -> vector<16xf32>
        %parallel_loop3A_655 = arith.addf %parallel_loop3A_646, %parallel_loop3A_653 : vector<16xf32>
        %parallel_loop3A_656 = arith.addf %parallel_loop3A_647, %parallel_loop3A_654 : vector<16xf32>
        %parallel_loop3A_657 = arith.constant 14000 : i32
        %parallel_loop3A_658 = vector.broadcast %parallel_loop3A_657 : i32 to vector<16xi32>
        %parallel_loop3A_659 = arith.addi %parallel_loop3A_293, %parallel_loop3A_658 : vector<16xi32>
        %parallel_loop3A_660 = tpu.vector_load_idx %arg8[%parallel_loop3A_659] : memref<32000xi32, #tpu.memory_space<vmem>>[vector<16xi32>], vector<16xi32>,
        %parallel_loop3A_661 = vector.bitcast %parallel_loop3A_660 : vector<16xi32> to vector<32xbf16>
        %parallel_loop3A_662 = tpu.unpack_subelements %parallel_loop3A_661, 0 {pack_format = #tpu.pack_format<interleaved>} : vector<32xbf16> -> vector<16xf32>
        %parallel_loop3A_663 = tpu.unpack_subelements %parallel_loop3A_661, 1 {pack_format = #tpu.pack_format<interleaved>} : vector<32xbf16> -> vector<16xf32>
        %parallel_loop3A_664 = arith.addf %parallel_loop3A_655, %parallel_loop3A_662 : vector<16xf32>
        %parallel_loop3A_665 = arith.addf %parallel_loop3A_656, %parallel_loop3A_663 : vector<16xf32>
        %parallel_loop3A_666 = arith.constant 14 : i32
        %parallel_loop3A_667 = vector.broadcast %parallel_loop3A_666 : i32 to vector<16xi32>
        tpu.vector_store_idx %arg18[%parallel_loop3A_163, %parallel_loop3A_667], %parallel_loop3A_664 : memref<128x33xf32, #tpu.memory_space<vmem>>[vector<16xi32>, vector<16xi32>], vector<16xf32>,
        %parallel_loop3A_668 = arith.constant 15 : i32
        %parallel_loop3A_669 = vector.broadcast %parallel_loop3A_668 : i32 to vector<16xi32>
        tpu.vector_store_idx %arg18[%parallel_loop3A_163, %parallel_loop3A_669], %parallel_loop3A_665 : memref<128x33xf32, #tpu.memory_space<vmem>>[vector<16xi32>, vector<16xi32>], vector<16xf32>,
        %parallel_loop3A_670 = arith.constant 16000 : i32
        %parallel_loop3A_671 = vector.broadcast %parallel_loop3A_670 : i32 to vector<16xi32>
        %parallel_loop3A_672 = arith.addi %parallel_loop3A_189, %parallel_loop3A_671 : vector<16xi32>
        %parallel_loop3A_673 = tpu.vector_load_idx %arg8[%parallel_loop3A_672] : memref<32000xi32, #tpu.memory_space<vmem>>[vector<16xi32>], vector<16xi32>,
        %parallel_loop3A_674 = vector.bitcast %parallel_loop3A_673 : vector<16xi32> to vector<32xbf16>
        %parallel_loop3A_675 = tpu.unpack_subelements %parallel_loop3A_674, 0 {pack_format = #tpu.pack_format<interleaved>} : vector<32xbf16> -> vector<16xf32>
        %parallel_loop3A_676 = tpu.unpack_subelements %parallel_loop3A_674, 1 {pack_format = #tpu.pack_format<interleaved>} : vector<32xbf16> -> vector<16xf32>
        %parallel_loop3A_677 = arith.constant 16000 : i32
        %parallel_loop3A_678 = vector.broadcast %parallel_loop3A_677 : i32 to vector<16xi32>
        %parallel_loop3A_679 = arith.addi %parallel_loop3A_215, %parallel_loop3A_678 : vector<16xi32>
        %parallel_loop3A_680 = tpu.vector_load_idx %arg8[%parallel_loop3A_679] : memref<32000xi32, #tpu.memory_space<vmem>>[vector<16xi32>], vector<16xi32>,
        %parallel_loop3A_681 = vector.bitcast %parallel_loop3A_680 : vector<16xi32> to vector<32xbf16>
        %parallel_loop3A_682 = tpu.unpack_subelements %parallel_loop3A_681, 0 {pack_format = #tpu.pack_format<interleaved>} : vector<32xbf16> -> vector<16xf32>
        %parallel_loop3A_683 = tpu.unpack_subelements %parallel_loop3A_681, 1 {pack_format = #tpu.pack_format<interleaved>} : vector<32xbf16> -> vector<16xf32>
        %parallel_loop3A_684 = arith.addf %parallel_loop3A_675, %parallel_loop3A_682 : vector<16xf32>
        %parallel_loop3A_685 = arith.addf %parallel_loop3A_676, %parallel_loop3A_683 : vector<16xf32>
        %parallel_loop3A_686 = arith.constant 16000 : i32
        %parallel_loop3A_687 = vector.broadcast %parallel_loop3A_686 : i32 to vector<16xi32>
        %parallel_loop3A_688 = arith.addi %parallel_loop3A_241, %parallel_loop3A_687 : vector<16xi32>
        %parallel_loop3A_689 = tpu.vector_load_idx %arg8[%parallel_loop3A_688] : memref<32000xi32, #tpu.memory_space<vmem>>[vector<16xi32>], vector<16xi32>,
        %parallel_loop3A_690 = vector.bitcast %parallel_loop3A_689 : vector<16xi32> to vector<32xbf16>
        %parallel_loop3A_691 = tpu.unpack_subelements %parallel_loop3A_690, 0 {pack_format = #tpu.pack_format<interleaved>} : vector<32xbf16> -> vector<16xf32>
        %parallel_loop3A_692 = tpu.unpack_subelements %parallel_loop3A_690, 1 {pack_format = #tpu.pack_format<interleaved>} : vector<32xbf16> -> vector<16xf32>
        %parallel_loop3A_693 = arith.addf %parallel_loop3A_684, %parallel_loop3A_691 : vector<16xf32>
        %parallel_loop3A_694 = arith.addf %parallel_loop3A_685, %parallel_loop3A_692 : vector<16xf32>
        %parallel_loop3A_695 = arith.constant 16000 : i32
        %parallel_loop3A_696 = vector.broadcast %parallel_loop3A_695 : i32 to vector<16xi32>
        %parallel_loop3A_697 = arith.addi %parallel_loop3A_267, %parallel_loop3A_696 : vector<16xi32>
        %parallel_loop3A_698 = tpu.vector_load_idx %arg8[%parallel_loop3A_697] : memref<32000xi32, #tpu.memory_space<vmem>>[vector<16xi32>], vector<16xi32>,
        %parallel_loop3A_699 = vector.bitcast %parallel_loop3A_698 : vector<16xi32> to vector<32xbf16>
        %parallel_loop3A_700 = tpu.unpack_subelements %parallel_loop3A_699, 0 {pack_format = #tpu.pack_format<interleaved>} : vector<32xbf16> -> vector<16xf32>
        %parallel_loop3A_701 = tpu.unpack_subelements %parallel_loop3A_699, 1 {pack_format = #tpu.pack_format<interleaved>} : vector<32xbf16> -> vector<16xf32>
        %parallel_loop3A_702 = arith.addf %parallel_loop3A_693, %parallel_loop3A_700 : vector<16xf32>
        %parallel_loop3A_703 = arith.addf %parallel_loop3A_694, %parallel_loop3A_701 : vector<16xf32>
        %parallel_loop3A_704 = arith.constant 16000 : i32
        %parallel_loop3A_705 = vector.broadcast %parallel_loop3A_704 : i32 to vector<16xi32>
        %parallel_loop3A_706 = arith.addi %parallel_loop3A_293, %parallel_loop3A_705 : vector<16xi32>
        %parallel_loop3A_707 = tpu.vector_load_idx %arg8[%parallel_loop3A_706] : memref<32000xi32, #tpu.memory_space<vmem>>[vector<16xi32>], vector<16xi32>,
        %parallel_loop3A_708 = vector.bitcast %parallel_loop3A_707 : vector<16xi32> to vector<32xbf16>
        %parallel_loop3A_709 = tpu.unpack_subelements %parallel_loop3A_708, 0 {pack_format = #tpu.pack_format<interleaved>} : vector<32xbf16> -> vector<16xf32>
        %parallel_loop3A_710 = tpu.unpack_subelements %parallel_loop3A_708, 1 {pack_format = #tpu.pack_format<interleaved>} : vector<32xbf16> -> vector<16xf32>
        %parallel_loop3A_711 = arith.addf %parallel_loop3A_702, %parallel_loop3A_709 : vector<16xf32>
        %parallel_loop3A_712 = arith.addf %parallel_loop3A_703, %parallel_loop3A_710 : vector<16xf32>
        %parallel_loop3A_713 = arith.constant 16 : i32
        %parallel_loop3A_714 = vector.broadcast %parallel_loop3A_713 : i32 to vector<16xi32>
        tpu.vector_store_idx %arg18[%parallel_loop3A_163, %parallel_loop3A_714], %parallel_loop3A_711 : memref<128x33xf32, #tpu.memory_space<vmem>>[vector<16xi32>, vector<16xi32>], vector<16xf32>,
        %parallel_loop3A_715 = arith.constant 17 : i32
        %parallel_loop3A_716 = vector.broadcast %parallel_loop3A_715 : i32 to vector<16xi32>
        tpu.vector_store_idx %arg18[%parallel_loop3A_163, %parallel_loop3A_716], %parallel_loop3A_712 : memref<128x33xf32, #tpu.memory_space<vmem>>[vector<16xi32>, vector<16xi32>], vector<16xf32>,
        %parallel_loop3A_717 = arith.constant 18000 : i32
        %parallel_loop3A_718 = vector.broadcast %parallel_loop3A_717 : i32 to vector<16xi32>
        %parallel_loop3A_719 = arith.addi %parallel_loop3A_189, %parallel_loop3A_718 : vector<16xi32>
        %parallel_loop3A_720 = tpu.vector_load_idx %arg8[%parallel_loop3A_719] : memref<32000xi32, #tpu.memory_space<vmem>>[vector<16xi32>], vector<16xi32>,
        %parallel_loop3A_721 = vector.bitcast %parallel_loop3A_720 : vector<16xi32> to vector<32xbf16>
        %parallel_loop3A_722 = tpu.unpack_subelements %parallel_loop3A_721, 0 {pack_format = #tpu.pack_format<interleaved>} : vector<32xbf16> -> vector<16xf32>
        %parallel_loop3A_723 = tpu.unpack_subelements %parallel_loop3A_721, 1 {pack_format = #tpu.pack_format<interleaved>} : vector<32xbf16> -> vector<16xf32>
        %parallel_loop3A_724 = arith.constant 18000 : i32
        %parallel_loop3A_725 = vector.broadcast %parallel_loop3A_724 : i32 to vector<16xi32>
        %parallel_loop3A_726 = arith.addi %parallel_loop3A_215, %parallel_loop3A_725 : vector<16xi32>
        %parallel_loop3A_727 = tpu.vector_load_idx %arg8[%parallel_loop3A_726] : memref<32000xi32, #tpu.memory_space<vmem>>[vector<16xi32>], vector<16xi32>,
        %parallel_loop3A_728 = vector.bitcast %parallel_loop3A_727 : vector<16xi32> to vector<32xbf16>
        %parallel_loop3A_729 = tpu.unpack_subelements %parallel_loop3A_728, 0 {pack_format = #tpu.pack_format<interleaved>} : vector<32xbf16> -> vector<16xf32>
        %parallel_loop3A_730 = tpu.unpack_subelements %parallel_loop3A_728, 1 {pack_format = #tpu.pack_format<interleaved>} : vector<32xbf16> -> vector<16xf32>
        %parallel_loop3A_731 = arith.addf %parallel_loop3A_722, %parallel_loop3A_729 : vector<16xf32>
        %parallel_loop3A_732 = arith.addf %parallel_loop3A_723, %parallel_loop3A_730 : vector<16xf32>
        %parallel_loop3A_733 = arith.constant 18000 : i32
        %parallel_loop3A_734 = vector.broadcast %parallel_loop3A_733 : i32 to vector<16xi32>
        %parallel_loop3A_735 = arith.addi %parallel_loop3A_241, %parallel_loop3A_734 : vector<16xi32>
        %parallel_loop3A_736 = tpu.vector_load_idx %arg8[%parallel_loop3A_735] : memref<32000xi32, #tpu.memory_space<vmem>>[vector<16xi32>], vector<16xi32>,
        %parallel_loop3A_737 = vector.bitcast %parallel_loop3A_736 : vector<16xi32> to vector<32xbf16>
        %parallel_loop3A_738 = tpu.unpack_subelements %parallel_loop3A_737, 0 {pack_format = #tpu.pack_format<interleaved>} : vector<32xbf16> -> vector<16xf32>
        %parallel_loop3A_739 = tpu.unpack_subelements %parallel_loop3A_737, 1 {pack_format = #tpu.pack_format<interleaved>} : vector<32xbf16> -> vector<16xf32>
        %parallel_loop3A_740 = arith.addf %parallel_loop3A_731, %parallel_loop3A_738 : vector<16xf32>
        %parallel_loop3A_741 = arith.addf %parallel_loop3A_732, %parallel_loop3A_739 : vector<16xf32>
        %parallel_loop3A_742 = arith.constant 18000 : i32
        %parallel_loop3A_743 = vector.broadcast %parallel_loop3A_742 : i32 to vector<16xi32>
        %parallel_loop3A_744 = arith.addi %parallel_loop3A_267, %parallel_loop3A_743 : vector<16xi32>
        %parallel_loop3A_745 = tpu.vector_load_idx %arg8[%parallel_loop3A_744] : memref<32000xi32, #tpu.memory_space<vmem>>[vector<16xi32>], vector<16xi32>,
        %parallel_loop3A_746 = vector.bitcast %parallel_loop3A_745 : vector<16xi32> to vector<32xbf16>
        %parallel_loop3A_747 = tpu.unpack_subelements %parallel_loop3A_746, 0 {pack_format = #tpu.pack_format<interleaved>} : vector<32xbf16> -> vector<16xf32>
        %parallel_loop3A_748 = tpu.unpack_subelements %parallel_loop3A_746, 1 {pack_format = #tpu.pack_format<interleaved>} : vector<32xbf16> -> vector<16xf32>
        %parallel_loop3A_749 = arith.addf %parallel_loop3A_740, %parallel_loop3A_747 : vector<16xf32>
        %parallel_loop3A_750 = arith.addf %parallel_loop3A_741, %parallel_loop3A_748 : vector<16xf32>
        %parallel_loop3A_751 = arith.constant 18000 : i32
        %parallel_loop3A_752 = vector.broadcast %parallel_loop3A_751 : i32 to vector<16xi32>
        %parallel_loop3A_753 = arith.addi %parallel_loop3A_293, %parallel_loop3A_752 : vector<16xi32>
        %parallel_loop3A_754 = tpu.vector_load_idx %arg8[%parallel_loop3A_753] : memref<32000xi32, #tpu.memory_space<vmem>>[vector<16xi32>], vector<16xi32>,
        %parallel_loop3A_755 = vector.bitcast %parallel_loop3A_754 : vector<16xi32> to vector<32xbf16>
        %parallel_loop3A_756 = tpu.unpack_subelements %parallel_loop3A_755, 0 {pack_format = #tpu.pack_format<interleaved>} : vector<32xbf16> -> vector<16xf32>
        %parallel_loop3A_757 = tpu.unpack_subelements %parallel_loop3A_755, 1 {pack_format = #tpu.pack_format<interleaved>} : vector<32xbf16> -> vector<16xf32>
        %parallel_loop3A_758 = arith.addf %parallel_loop3A_749, %parallel_loop3A_756 : vector<16xf32>
        %parallel_loop3A_759 = arith.addf %parallel_loop3A_750, %parallel_loop3A_757 : vector<16xf32>
        %parallel_loop3A_760 = arith.constant 18 : i32
        %parallel_loop3A_761 = vector.broadcast %parallel_loop3A_760 : i32 to vector<16xi32>
        tpu.vector_store_idx %arg18[%parallel_loop3A_163, %parallel_loop3A_761], %parallel_loop3A_758 : memref<128x33xf32, #tpu.memory_space<vmem>>[vector<16xi32>, vector<16xi32>], vector<16xf32>,
        %parallel_loop3A_762 = arith.constant 19 : i32
        %parallel_loop3A_763 = vector.broadcast %parallel_loop3A_762 : i32 to vector<16xi32>
        tpu.vector_store_idx %arg18[%parallel_loop3A_163, %parallel_loop3A_763], %parallel_loop3A_759 : memref<128x33xf32, #tpu.memory_space<vmem>>[vector<16xi32>, vector<16xi32>], vector<16xf32>,
        %parallel_loop3A_764 = arith.constant 20000 : i32
        %parallel_loop3A_765 = vector.broadcast %parallel_loop3A_764 : i32 to vector<16xi32>
        %parallel_loop3A_766 = arith.addi %parallel_loop3A_189, %parallel_loop3A_765 : vector<16xi32>
        %parallel_loop3A_767 = tpu.vector_load_idx %arg8[%parallel_loop3A_766] : memref<32000xi32, #tpu.memory_space<vmem>>[vector<16xi32>], vector<16xi32>,
        %parallel_loop3A_768 = vector.bitcast %parallel_loop3A_767 : vector<16xi32> to vector<32xbf16>
        %parallel_loop3A_769 = tpu.unpack_subelements %parallel_loop3A_768, 0 {pack_format = #tpu.pack_format<interleaved>} : vector<32xbf16> -> vector<16xf32>
        %parallel_loop3A_770 = tpu.unpack_subelements %parallel_loop3A_768, 1 {pack_format = #tpu.pack_format<interleaved>} : vector<32xbf16> -> vector<16xf32>
        %parallel_loop3A_771 = arith.constant 20000 : i32
        %parallel_loop3A_772 = vector.broadcast %parallel_loop3A_771 : i32 to vector<16xi32>
        %parallel_loop3A_773 = arith.addi %parallel_loop3A_215, %parallel_loop3A_772 : vector<16xi32>
        %parallel_loop3A_774 = tpu.vector_load_idx %arg8[%parallel_loop3A_773] : memref<32000xi32, #tpu.memory_space<vmem>>[vector<16xi32>], vector<16xi32>,
        %parallel_loop3A_775 = vector.bitcast %parallel_loop3A_774 : vector<16xi32> to vector<32xbf16>
        %parallel_loop3A_776 = tpu.unpack_subelements %parallel_loop3A_775, 0 {pack_format = #tpu.pack_format<interleaved>} : vector<32xbf16> -> vector<16xf32>
        %parallel_loop3A_777 = tpu.unpack_subelements %parallel_loop3A_775, 1 {pack_format = #tpu.pack_format<interleaved>} : vector<32xbf16> -> vector<16xf32>
        %parallel_loop3A_778 = arith.addf %parallel_loop3A_769, %parallel_loop3A_776 : vector<16xf32>
        %parallel_loop3A_779 = arith.addf %parallel_loop3A_770, %parallel_loop3A_777 : vector<16xf32>
        %parallel_loop3A_780 = arith.constant 20000 : i32
        %parallel_loop3A_781 = vector.broadcast %parallel_loop3A_780 : i32 to vector<16xi32>
        %parallel_loop3A_782 = arith.addi %parallel_loop3A_241, %parallel_loop3A_781 : vector<16xi32>
        %parallel_loop3A_783 = tpu.vector_load_idx %arg8[%parallel_loop3A_782] : memref<32000xi32, #tpu.memory_space<vmem>>[vector<16xi32>], vector<16xi32>,
        %parallel_loop3A_784 = vector.bitcast %parallel_loop3A_783 : vector<16xi32> to vector<32xbf16>
        %parallel_loop3A_785 = tpu.unpack_subelements %parallel_loop3A_784, 0 {pack_format = #tpu.pack_format<interleaved>} : vector<32xbf16> -> vector<16xf32>
        %parallel_loop3A_786 = tpu.unpack_subelements %parallel_loop3A_784, 1 {pack_format = #tpu.pack_format<interleaved>} : vector<32xbf16> -> vector<16xf32>
        %parallel_loop3A_787 = arith.addf %parallel_loop3A_778, %parallel_loop3A_785 : vector<16xf32>
        %parallel_loop3A_788 = arith.addf %parallel_loop3A_779, %parallel_loop3A_786 : vector<16xf32>
        %parallel_loop3A_789 = arith.constant 20000 : i32
        %parallel_loop3A_790 = vector.broadcast %parallel_loop3A_789 : i32 to vector<16xi32>
        %parallel_loop3A_791 = arith.addi %parallel_loop3A_267, %parallel_loop3A_790 : vector<16xi32>
        %parallel_loop3A_792 = tpu.vector_load_idx %arg8[%parallel_loop3A_791] : memref<32000xi32, #tpu.memory_space<vmem>>[vector<16xi32>], vector<16xi32>,
        %parallel_loop3A_793 = vector.bitcast %parallel_loop3A_792 : vector<16xi32> to vector<32xbf16>
        %parallel_loop3A_794 = tpu.unpack_subelements %parallel_loop3A_793, 0 {pack_format = #tpu.pack_format<interleaved>} : vector<32xbf16> -> vector<16xf32>
        %parallel_loop3A_795 = tpu.unpack_subelements %parallel_loop3A_793, 1 {pack_format = #tpu.pack_format<interleaved>} : vector<32xbf16> -> vector<16xf32>
        %parallel_loop3A_796 = arith.addf %parallel_loop3A_787, %parallel_loop3A_794 : vector<16xf32>
        %parallel_loop3A_797 = arith.addf %parallel_loop3A_788, %parallel_loop3A_795 : vector<16xf32>
        %parallel_loop3A_798 = arith.constant 20000 : i32
        %parallel_loop3A_799 = vector.broadcast %parallel_loop3A_798 : i32 to vector<16xi32>
        %parallel_loop3A_800 = arith.addi %parallel_loop3A_293, %parallel_loop3A_799 : vector<16xi32>
        %parallel_loop3A_801 = tpu.vector_load_idx %arg8[%parallel_loop3A_800] : memref<32000xi32, #tpu.memory_space<vmem>>[vector<16xi32>], vector<16xi32>,
        %parallel_loop3A_802 = vector.bitcast %parallel_loop3A_801 : vector<16xi32> to vector<32xbf16>
        %parallel_loop3A_803 = tpu.unpack_subelements %parallel_loop3A_802, 0 {pack_format = #tpu.pack_format<interleaved>} : vector<32xbf16> -> vector<16xf32>
        %parallel_loop3A_804 = tpu.unpack_subelements %parallel_loop3A_802, 1 {pack_format = #tpu.pack_format<interleaved>} : vector<32xbf16> -> vector<16xf32>
        %parallel_loop3A_805 = arith.addf %parallel_loop3A_796, %parallel_loop3A_803 : vector<16xf32>
        %parallel_loop3A_806 = arith.addf %parallel_loop3A_797, %parallel_loop3A_804 : vector<16xf32>
        %parallel_loop3A_807 = arith.constant 20 : i32
        %parallel_loop3A_808 = vector.broadcast %parallel_loop3A_807 : i32 to vector<16xi32>
        tpu.vector_store_idx %arg18[%parallel_loop3A_163, %parallel_loop3A_808], %parallel_loop3A_805 : memref<128x33xf32, #tpu.memory_space<vmem>>[vector<16xi32>, vector<16xi32>], vector<16xf32>,
        %parallel_loop3A_809 = arith.constant 21 : i32
        %parallel_loop3A_810 = vector.broadcast %parallel_loop3A_809 : i32 to vector<16xi32>
        tpu.vector_store_idx %arg18[%parallel_loop3A_163, %parallel_loop3A_810], %parallel_loop3A_806 : memref<128x33xf32, #tpu.memory_space<vmem>>[vector<16xi32>, vector<16xi32>], vector<16xf32>,
        %parallel_loop3A_811 = arith.constant 22000 : i32
        %parallel_loop3A_812 = vector.broadcast %parallel_loop3A_811 : i32 to vector<16xi32>
        %parallel_loop3A_813 = arith.addi %parallel_loop3A_189, %parallel_loop3A_812 : vector<16xi32>
        %parallel_loop3A_814 = tpu.vector_load_idx %arg8[%parallel_loop3A_813] : memref<32000xi32, #tpu.memory_space<vmem>>[vector<16xi32>], vector<16xi32>,
        %parallel_loop3A_815 = vector.bitcast %parallel_loop3A_814 : vector<16xi32> to vector<32xbf16>
        %parallel_loop3A_816 = tpu.unpack_subelements %parallel_loop3A_815, 0 {pack_format = #tpu.pack_format<interleaved>} : vector<32xbf16> -> vector<16xf32>
        %parallel_loop3A_817 = tpu.unpack_subelements %parallel_loop3A_815, 1 {pack_format = #tpu.pack_format<interleaved>} : vector<32xbf16> -> vector<16xf32>
        %parallel_loop3A_818 = arith.constant 22000 : i32
        %parallel_loop3A_819 = vector.broadcast %parallel_loop3A_818 : i32 to vector<16xi32>
        %parallel_loop3A_820 = arith.addi %parallel_loop3A_215, %parallel_loop3A_819 : vector<16xi32>
        %parallel_loop3A_821 = tpu.vector_load_idx %arg8[%parallel_loop3A_820] : memref<32000xi32, #tpu.memory_space<vmem>>[vector<16xi32>], vector<16xi32>,
        %parallel_loop3A_822 = vector.bitcast %parallel_loop3A_821 : vector<16xi32> to vector<32xbf16>
        %parallel_loop3A_823 = tpu.unpack_subelements %parallel_loop3A_822, 0 {pack_format = #tpu.pack_format<interleaved>} : vector<32xbf16> -> vector<16xf32>
        %parallel_loop3A_824 = tpu.unpack_subelements %parallel_loop3A_822, 1 {pack_format = #tpu.pack_format<interleaved>} : vector<32xbf16> -> vector<16xf32>
        %parallel_loop3A_825 = arith.addf %parallel_loop3A_816, %parallel_loop3A_823 : vector<16xf32>
        %parallel_loop3A_826 = arith.addf %parallel_loop3A_817, %parallel_loop3A_824 : vector<16xf32>
        %parallel_loop3A_827 = arith.constant 22000 : i32
        %parallel_loop3A_828 = vector.broadcast %parallel_loop3A_827 : i32 to vector<16xi32>
        %parallel_loop3A_829 = arith.addi %parallel_loop3A_241, %parallel_loop3A_828 : vector<16xi32>
        %parallel_loop3A_830 = tpu.vector_load_idx %arg8[%parallel_loop3A_829] : memref<32000xi32, #tpu.memory_space<vmem>>[vector<16xi32>], vector<16xi32>,
        %parallel_loop3A_831 = vector.bitcast %parallel_loop3A_830 : vector<16xi32> to vector<32xbf16>
        %parallel_loop3A_832 = tpu.unpack_subelements %parallel_loop3A_831, 0 {pack_format = #tpu.pack_format<interleaved>} : vector<32xbf16> -> vector<16xf32>
        %parallel_loop3A_833 = tpu.unpack_subelements %parallel_loop3A_831, 1 {pack_format = #tpu.pack_format<interleaved>} : vector<32xbf16> -> vector<16xf32>
        %parallel_loop3A_834 = arith.addf %parallel_loop3A_825, %parallel_loop3A_832 : vector<16xf32>
        %parallel_loop3A_835 = arith.addf %parallel_loop3A_826, %parallel_loop3A_833 : vector<16xf32>
        %parallel_loop3A_836 = arith.constant 22000 : i32
        %parallel_loop3A_837 = vector.broadcast %parallel_loop3A_836 : i32 to vector<16xi32>
        %parallel_loop3A_838 = arith.addi %parallel_loop3A_267, %parallel_loop3A_837 : vector<16xi32>
        %parallel_loop3A_839 = tpu.vector_load_idx %arg8[%parallel_loop3A_838] : memref<32000xi32, #tpu.memory_space<vmem>>[vector<16xi32>], vector<16xi32>,
        %parallel_loop3A_840 = vector.bitcast %parallel_loop3A_839 : vector<16xi32> to vector<32xbf16>
        %parallel_loop3A_841 = tpu.unpack_subelements %parallel_loop3A_840, 0 {pack_format = #tpu.pack_format<interleaved>} : vector<32xbf16> -> vector<16xf32>
        %parallel_loop3A_842 = tpu.unpack_subelements %parallel_loop3A_840, 1 {pack_format = #tpu.pack_format<interleaved>} : vector<32xbf16> -> vector<16xf32>
        %parallel_loop3A_843 = arith.addf %parallel_loop3A_834, %parallel_loop3A_841 : vector<16xf32>
        %parallel_loop3A_844 = arith.addf %parallel_loop3A_835, %parallel_loop3A_842 : vector<16xf32>
        %parallel_loop3A_845 = arith.constant 22000 : i32
        %parallel_loop3A_846 = vector.broadcast %parallel_loop3A_845 : i32 to vector<16xi32>
        %parallel_loop3A_847 = arith.addi %parallel_loop3A_293, %parallel_loop3A_846 : vector<16xi32>
        %parallel_loop3A_848 = tpu.vector_load_idx %arg8[%parallel_loop3A_847] : memref<32000xi32, #tpu.memory_space<vmem>>[vector<16xi32>], vector<16xi32>,
        %parallel_loop3A_849 = vector.bitcast %parallel_loop3A_848 : vector<16xi32> to vector<32xbf16>
        %parallel_loop3A_850 = tpu.unpack_subelements %parallel_loop3A_849, 0 {pack_format = #tpu.pack_format<interleaved>} : vector<32xbf16> -> vector<16xf32>
        %parallel_loop3A_851 = tpu.unpack_subelements %parallel_loop3A_849, 1 {pack_format = #tpu.pack_format<interleaved>} : vector<32xbf16> -> vector<16xf32>
        %parallel_loop3A_852 = arith.addf %parallel_loop3A_843, %parallel_loop3A_850 : vector<16xf32>
        %parallel_loop3A_853 = arith.addf %parallel_loop3A_844, %parallel_loop3A_851 : vector<16xf32>
        %parallel_loop3A_854 = arith.constant 22 : i32
        %parallel_loop3A_855 = vector.broadcast %parallel_loop3A_854 : i32 to vector<16xi32>
        tpu.vector_store_idx %arg18[%parallel_loop3A_163, %parallel_loop3A_855], %parallel_loop3A_852 : memref<128x33xf32, #tpu.memory_space<vmem>>[vector<16xi32>, vector<16xi32>], vector<16xf32>,
        %parallel_loop3A_856 = arith.constant 23 : i32
        %parallel_loop3A_857 = vector.broadcast %parallel_loop3A_856 : i32 to vector<16xi32>
        tpu.vector_store_idx %arg18[%parallel_loop3A_163, %parallel_loop3A_857], %parallel_loop3A_853 : memref<128x33xf32, #tpu.memory_space<vmem>>[vector<16xi32>, vector<16xi32>], vector<16xf32>,
        %parallel_loop3A_858 = arith.constant 24000 : i32
        %parallel_loop3A_859 = vector.broadcast %parallel_loop3A_858 : i32 to vector<16xi32>
        %parallel_loop3A_860 = arith.addi %parallel_loop3A_189, %parallel_loop3A_859 : vector<16xi32>
        %parallel_loop3A_861 = tpu.vector_load_idx %arg8[%parallel_loop3A_860] : memref<32000xi32, #tpu.memory_space<vmem>>[vector<16xi32>], vector<16xi32>,
        %parallel_loop3A_862 = vector.bitcast %parallel_loop3A_861 : vector<16xi32> to vector<32xbf16>
        %parallel_loop3A_863 = tpu.unpack_subelements %parallel_loop3A_862, 0 {pack_format = #tpu.pack_format<interleaved>} : vector<32xbf16> -> vector<16xf32>
        %parallel_loop3A_864 = tpu.unpack_subelements %parallel_loop3A_862, 1 {pack_format = #tpu.pack_format<interleaved>} : vector<32xbf16> -> vector<16xf32>
        %parallel_loop3A_865 = arith.constant 24000 : i32
        %parallel_loop3A_866 = vector.broadcast %parallel_loop3A_865 : i32 to vector<16xi32>
        %parallel_loop3A_867 = arith.addi %parallel_loop3A_215, %parallel_loop3A_866 : vector<16xi32>
        %parallel_loop3A_868 = tpu.vector_load_idx %arg8[%parallel_loop3A_867] : memref<32000xi32, #tpu.memory_space<vmem>>[vector<16xi32>], vector<16xi32>,
        %parallel_loop3A_869 = vector.bitcast %parallel_loop3A_868 : vector<16xi32> to vector<32xbf16>
        %parallel_loop3A_870 = tpu.unpack_subelements %parallel_loop3A_869, 0 {pack_format = #tpu.pack_format<interleaved>} : vector<32xbf16> -> vector<16xf32>
        %parallel_loop3A_871 = tpu.unpack_subelements %parallel_loop3A_869, 1 {pack_format = #tpu.pack_format<interleaved>} : vector<32xbf16> -> vector<16xf32>
        %parallel_loop3A_872 = arith.addf %parallel_loop3A_863, %parallel_loop3A_870 : vector<16xf32>
        %parallel_loop3A_873 = arith.addf %parallel_loop3A_864, %parallel_loop3A_871 : vector<16xf32>
        %parallel_loop3A_874 = arith.constant 24000 : i32
        %parallel_loop3A_875 = vector.broadcast %parallel_loop3A_874 : i32 to vector<16xi32>
        %parallel_loop3A_876 = arith.addi %parallel_loop3A_241, %parallel_loop3A_875 : vector<16xi32>
        %parallel_loop3A_877 = tpu.vector_load_idx %arg8[%parallel_loop3A_876] : memref<32000xi32, #tpu.memory_space<vmem>>[vector<16xi32>], vector<16xi32>,
        %parallel_loop3A_878 = vector.bitcast %parallel_loop3A_877 : vector<16xi32> to vector<32xbf16>
        %parallel_loop3A_879 = tpu.unpack_subelements %parallel_loop3A_878, 0 {pack_format = #tpu.pack_format<interleaved>} : vector<32xbf16> -> vector<16xf32>
        %parallel_loop3A_880 = tpu.unpack_subelements %parallel_loop3A_878, 1 {pack_format = #tpu.pack_format<interleaved>} : vector<32xbf16> -> vector<16xf32>
        %parallel_loop3A_881 = arith.addf %parallel_loop3A_872, %parallel_loop3A_879 : vector<16xf32>
        %parallel_loop3A_882 = arith.addf %parallel_loop3A_873, %parallel_loop3A_880 : vector<16xf32>
        %parallel_loop3A_883 = arith.constant 24000 : i32
        %parallel_loop3A_884 = vector.broadcast %parallel_loop3A_883 : i32 to vector<16xi32>
        %parallel_loop3A_885 = arith.addi %parallel_loop3A_267, %parallel_loop3A_884 : vector<16xi32>
        %parallel_loop3A_886 = tpu.vector_load_idx %arg8[%parallel_loop3A_885] : memref<32000xi32, #tpu.memory_space<vmem>>[vector<16xi32>], vector<16xi32>,
        %parallel_loop3A_887 = vector.bitcast %parallel_loop3A_886 : vector<16xi32> to vector<32xbf16>
        %parallel_loop3A_888 = tpu.unpack_subelements %parallel_loop3A_887, 0 {pack_format = #tpu.pack_format<interleaved>} : vector<32xbf16> -> vector<16xf32>
        %parallel_loop3A_889 = tpu.unpack_subelements %parallel_loop3A_887, 1 {pack_format = #tpu.pack_format<interleaved>} : vector<32xbf16> -> vector<16xf32>
        %parallel_loop3A_890 = arith.addf %parallel_loop3A_881, %parallel_loop3A_888 : vector<16xf32>
        %parallel_loop3A_891 = arith.addf %parallel_loop3A_882, %parallel_loop3A_889 : vector<16xf32>
        %parallel_loop3A_892 = arith.constant 24000 : i32
        %parallel_loop3A_893 = vector.broadcast %parallel_loop3A_892 : i32 to vector<16xi32>
        %parallel_loop3A_894 = arith.addi %parallel_loop3A_293, %parallel_loop3A_893 : vector<16xi32>
        %parallel_loop3A_895 = tpu.vector_load_idx %arg8[%parallel_loop3A_894] : memref<32000xi32, #tpu.memory_space<vmem>>[vector<16xi32>], vector<16xi32>,
        %parallel_loop3A_896 = vector.bitcast %parallel_loop3A_895 : vector<16xi32> to vector<32xbf16>
        %parallel_loop3A_897 = tpu.unpack_subelements %parallel_loop3A_896, 0 {pack_format = #tpu.pack_format<interleaved>} : vector<32xbf16> -> vector<16xf32>
        %parallel_loop3A_898 = tpu.unpack_subelements %parallel_loop3A_896, 1 {pack_format = #tpu.pack_format<interleaved>} : vector<32xbf16> -> vector<16xf32>
        %parallel_loop3A_899 = arith.addf %parallel_loop3A_890, %parallel_loop3A_897 : vector<16xf32>
        %parallel_loop3A_900 = arith.addf %parallel_loop3A_891, %parallel_loop3A_898 : vector<16xf32>
        %parallel_loop3A_901 = arith.constant 24 : i32
        %parallel_loop3A_902 = vector.broadcast %parallel_loop3A_901 : i32 to vector<16xi32>
        tpu.vector_store_idx %arg18[%parallel_loop3A_163, %parallel_loop3A_902], %parallel_loop3A_899 : memref<128x33xf32, #tpu.memory_space<vmem>>[vector<16xi32>, vector<16xi32>], vector<16xf32>,
        %parallel_loop3A_903 = arith.constant 25 : i32
        %parallel_loop3A_904 = vector.broadcast %parallel_loop3A_903 : i32 to vector<16xi32>
        tpu.vector_store_idx %arg18[%parallel_loop3A_163, %parallel_loop3A_904], %parallel_loop3A_900 : memref<128x33xf32, #tpu.memory_space<vmem>>[vector<16xi32>, vector<16xi32>], vector<16xf32>,
        %parallel_loop3A_905 = arith.constant 26000 : i32
        %parallel_loop3A_906 = vector.broadcast %parallel_loop3A_905 : i32 to vector<16xi32>
        %parallel_loop3A_907 = arith.addi %parallel_loop3A_189, %parallel_loop3A_906 : vector<16xi32>
        %parallel_loop3A_908 = tpu.vector_load_idx %arg8[%parallel_loop3A_907] : memref<32000xi32, #tpu.memory_space<vmem>>[vector<16xi32>], vector<16xi32>,
        %parallel_loop3A_909 = vector.bitcast %parallel_loop3A_908 : vector<16xi32> to vector<32xbf16>
        %parallel_loop3A_910 = tpu.unpack_subelements %parallel_loop3A_909, 0 {pack_format = #tpu.pack_format<interleaved>} : vector<32xbf16> -> vector<16xf32>
        %parallel_loop3A_911 = tpu.unpack_subelements %parallel_loop3A_909, 1 {pack_format = #tpu.pack_format<interleaved>} : vector<32xbf16> -> vector<16xf32>
        %parallel_loop3A_912 = arith.constant 26000 : i32
        %parallel_loop3A_913 = vector.broadcast %parallel_loop3A_912 : i32 to vector<16xi32>
        %parallel_loop3A_914 = arith.addi %parallel_loop3A_215, %parallel_loop3A_913 : vector<16xi32>
        %parallel_loop3A_915 = tpu.vector_load_idx %arg8[%parallel_loop3A_914] : memref<32000xi32, #tpu.memory_space<vmem>>[vector<16xi32>], vector<16xi32>,
        %parallel_loop3A_916 = vector.bitcast %parallel_loop3A_915 : vector<16xi32> to vector<32xbf16>
        %parallel_loop3A_917 = tpu.unpack_subelements %parallel_loop3A_916, 0 {pack_format = #tpu.pack_format<interleaved>} : vector<32xbf16> -> vector<16xf32>
        %parallel_loop3A_918 = tpu.unpack_subelements %parallel_loop3A_916, 1 {pack_format = #tpu.pack_format<interleaved>} : vector<32xbf16> -> vector<16xf32>
        %parallel_loop3A_919 = arith.addf %parallel_loop3A_910, %parallel_loop3A_917 : vector<16xf32>
        %parallel_loop3A_920 = arith.addf %parallel_loop3A_911, %parallel_loop3A_918 : vector<16xf32>
        %parallel_loop3A_921 = arith.constant 26000 : i32
        %parallel_loop3A_922 = vector.broadcast %parallel_loop3A_921 : i32 to vector<16xi32>
        %parallel_loop3A_923 = arith.addi %parallel_loop3A_241, %parallel_loop3A_922 : vector<16xi32>
        %parallel_loop3A_924 = tpu.vector_load_idx %arg8[%parallel_loop3A_923] : memref<32000xi32, #tpu.memory_space<vmem>>[vector<16xi32>], vector<16xi32>,
        %parallel_loop3A_925 = vector.bitcast %parallel_loop3A_924 : vector<16xi32> to vector<32xbf16>
        %parallel_loop3A_926 = tpu.unpack_subelements %parallel_loop3A_925, 0 {pack_format = #tpu.pack_format<interleaved>} : vector<32xbf16> -> vector<16xf32>
        %parallel_loop3A_927 = tpu.unpack_subelements %parallel_loop3A_925, 1 {pack_format = #tpu.pack_format<interleaved>} : vector<32xbf16> -> vector<16xf32>
        %parallel_loop3A_928 = arith.addf %parallel_loop3A_919, %parallel_loop3A_926 : vector<16xf32>
        %parallel_loop3A_929 = arith.addf %parallel_loop3A_920, %parallel_loop3A_927 : vector<16xf32>
        %parallel_loop3A_930 = arith.constant 26000 : i32
        %parallel_loop3A_931 = vector.broadcast %parallel_loop3A_930 : i32 to vector<16xi32>
        %parallel_loop3A_932 = arith.addi %parallel_loop3A_267, %parallel_loop3A_931 : vector<16xi32>
        %parallel_loop3A_933 = tpu.vector_load_idx %arg8[%parallel_loop3A_932] : memref<32000xi32, #tpu.memory_space<vmem>>[vector<16xi32>], vector<16xi32>,
        %parallel_loop3A_934 = vector.bitcast %parallel_loop3A_933 : vector<16xi32> to vector<32xbf16>
        %parallel_loop3A_935 = tpu.unpack_subelements %parallel_loop3A_934, 0 {pack_format = #tpu.pack_format<interleaved>} : vector<32xbf16> -> vector<16xf32>
        %parallel_loop3A_936 = tpu.unpack_subelements %parallel_loop3A_934, 1 {pack_format = #tpu.pack_format<interleaved>} : vector<32xbf16> -> vector<16xf32>
        %parallel_loop3A_937 = arith.addf %parallel_loop3A_928, %parallel_loop3A_935 : vector<16xf32>
        %parallel_loop3A_938 = arith.addf %parallel_loop3A_929, %parallel_loop3A_936 : vector<16xf32>
        %parallel_loop3A_939 = arith.constant 26000 : i32
        %parallel_loop3A_940 = vector.broadcast %parallel_loop3A_939 : i32 to vector<16xi32>
        %parallel_loop3A_941 = arith.addi %parallel_loop3A_293, %parallel_loop3A_940 : vector<16xi32>
        %parallel_loop3A_942 = tpu.vector_load_idx %arg8[%parallel_loop3A_941] : memref<32000xi32, #tpu.memory_space<vmem>>[vector<16xi32>], vector<16xi32>,
        %parallel_loop3A_943 = vector.bitcast %parallel_loop3A_942 : vector<16xi32> to vector<32xbf16>
        %parallel_loop3A_944 = tpu.unpack_subelements %parallel_loop3A_943, 0 {pack_format = #tpu.pack_format<interleaved>} : vector<32xbf16> -> vector<16xf32>
        %parallel_loop3A_945 = tpu.unpack_subelements %parallel_loop3A_943, 1 {pack_format = #tpu.pack_format<interleaved>} : vector<32xbf16> -> vector<16xf32>
        %parallel_loop3A_946 = arith.addf %parallel_loop3A_937, %parallel_loop3A_944 : vector<16xf32>
        %parallel_loop3A_947 = arith.addf %parallel_loop3A_938, %parallel_loop3A_945 : vector<16xf32>
        %parallel_loop3A_948 = arith.constant 26 : i32
        %parallel_loop3A_949 = vector.broadcast %parallel_loop3A_948 : i32 to vector<16xi32>
        tpu.vector_store_idx %arg18[%parallel_loop3A_163, %parallel_loop3A_949], %parallel_loop3A_946 : memref<128x33xf32, #tpu.memory_space<vmem>>[vector<16xi32>, vector<16xi32>], vector<16xf32>,
        %parallel_loop3A_950 = arith.constant 27 : i32
        %parallel_loop3A_951 = vector.broadcast %parallel_loop3A_950 : i32 to vector<16xi32>
        tpu.vector_store_idx %arg18[%parallel_loop3A_163, %parallel_loop3A_951], %parallel_loop3A_947 : memref<128x33xf32, #tpu.memory_space<vmem>>[vector<16xi32>, vector<16xi32>], vector<16xf32>,
        %parallel_loop3A_952 = arith.constant 28000 : i32
        %parallel_loop3A_953 = vector.broadcast %parallel_loop3A_952 : i32 to vector<16xi32>
        %parallel_loop3A_954 = arith.addi %parallel_loop3A_189, %parallel_loop3A_953 : vector<16xi32>
        %parallel_loop3A_955 = tpu.vector_load_idx %arg8[%parallel_loop3A_954] : memref<32000xi32, #tpu.memory_space<vmem>>[vector<16xi32>], vector<16xi32>,
        %parallel_loop3A_956 = vector.bitcast %parallel_loop3A_955 : vector<16xi32> to vector<32xbf16>
        %parallel_loop3A_957 = tpu.unpack_subelements %parallel_loop3A_956, 0 {pack_format = #tpu.pack_format<interleaved>} : vector<32xbf16> -> vector<16xf32>
        %parallel_loop3A_958 = tpu.unpack_subelements %parallel_loop3A_956, 1 {pack_format = #tpu.pack_format<interleaved>} : vector<32xbf16> -> vector<16xf32>
        %parallel_loop3A_959 = arith.constant 28000 : i32
        %parallel_loop3A_960 = vector.broadcast %parallel_loop3A_959 : i32 to vector<16xi32>
        %parallel_loop3A_961 = arith.addi %parallel_loop3A_215, %parallel_loop3A_960 : vector<16xi32>
        %parallel_loop3A_962 = tpu.vector_load_idx %arg8[%parallel_loop3A_961] : memref<32000xi32, #tpu.memory_space<vmem>>[vector<16xi32>], vector<16xi32>,
        %parallel_loop3A_963 = vector.bitcast %parallel_loop3A_962 : vector<16xi32> to vector<32xbf16>
        %parallel_loop3A_964 = tpu.unpack_subelements %parallel_loop3A_963, 0 {pack_format = #tpu.pack_format<interleaved>} : vector<32xbf16> -> vector<16xf32>
        %parallel_loop3A_965 = tpu.unpack_subelements %parallel_loop3A_963, 1 {pack_format = #tpu.pack_format<interleaved>} : vector<32xbf16> -> vector<16xf32>
        %parallel_loop3A_966 = arith.addf %parallel_loop3A_957, %parallel_loop3A_964 : vector<16xf32>
        %parallel_loop3A_967 = arith.addf %parallel_loop3A_958, %parallel_loop3A_965 : vector<16xf32>
        %parallel_loop3A_968 = arith.constant 28000 : i32
        %parallel_loop3A_969 = vector.broadcast %parallel_loop3A_968 : i32 to vector<16xi32>
        %parallel_loop3A_970 = arith.addi %parallel_loop3A_241, %parallel_loop3A_969 : vector<16xi32>
        %parallel_loop3A_971 = tpu.vector_load_idx %arg8[%parallel_loop3A_970] : memref<32000xi32, #tpu.memory_space<vmem>>[vector<16xi32>], vector<16xi32>,
        %parallel_loop3A_972 = vector.bitcast %parallel_loop3A_971 : vector<16xi32> to vector<32xbf16>
        %parallel_loop3A_973 = tpu.unpack_subelements %parallel_loop3A_972, 0 {pack_format = #tpu.pack_format<interleaved>} : vector<32xbf16> -> vector<16xf32>
        %parallel_loop3A_974 = tpu.unpack_subelements %parallel_loop3A_972, 1 {pack_format = #tpu.pack_format<interleaved>} : vector<32xbf16> -> vector<16xf32>
        %parallel_loop3A_975 = arith.addf %parallel_loop3A_966, %parallel_loop3A_973 : vector<16xf32>
        %parallel_loop3A_976 = arith.addf %parallel_loop3A_967, %parallel_loop3A_974 : vector<16xf32>
        %parallel_loop3A_977 = arith.constant 28000 : i32
        %parallel_loop3A_978 = vector.broadcast %parallel_loop3A_977 : i32 to vector<16xi32>
        %parallel_loop3A_979 = arith.addi %parallel_loop3A_267, %parallel_loop3A_978 : vector<16xi32>
        %parallel_loop3A_980 = tpu.vector_load_idx %arg8[%parallel_loop3A_979] : memref<32000xi32, #tpu.memory_space<vmem>>[vector<16xi32>], vector<16xi32>,
        %parallel_loop3A_981 = vector.bitcast %parallel_loop3A_980 : vector<16xi32> to vector<32xbf16>
        %parallel_loop3A_982 = tpu.unpack_subelements %parallel_loop3A_981, 0 {pack_format = #tpu.pack_format<interleaved>} : vector<32xbf16> -> vector<16xf32>
        %parallel_loop3A_983 = tpu.unpack_subelements %parallel_loop3A_981, 1 {pack_format = #tpu.pack_format<interleaved>} : vector<32xbf16> -> vector<16xf32>
        %parallel_loop3A_984 = arith.addf %parallel_loop3A_975, %parallel_loop3A_982 : vector<16xf32>
        %parallel_loop3A_985 = arith.addf %parallel_loop3A_976, %parallel_loop3A_983 : vector<16xf32>
        %parallel_loop3A_986 = arith.constant 28000 : i32
        %parallel_loop3A_987 = vector.broadcast %parallel_loop3A_986 : i32 to vector<16xi32>
        %parallel_loop3A_988 = arith.addi %parallel_loop3A_293, %parallel_loop3A_987 : vector<16xi32>
        %parallel_loop3A_989 = tpu.vector_load_idx %arg8[%parallel_loop3A_988] : memref<32000xi32, #tpu.memory_space<vmem>>[vector<16xi32>], vector<16xi32>,
        %parallel_loop3A_990 = vector.bitcast %parallel_loop3A_989 : vector<16xi32> to vector<32xbf16>
        %parallel_loop3A_991 = tpu.unpack_subelements %parallel_loop3A_990, 0 {pack_format = #tpu.pack_format<interleaved>} : vector<32xbf16> -> vector<16xf32>
        %parallel_loop3A_992 = tpu.unpack_subelements %parallel_loop3A_990, 1 {pack_format = #tpu.pack_format<interleaved>} : vector<32xbf16> -> vector<16xf32>
        %parallel_loop3A_993 = arith.addf %parallel_loop3A_984, %parallel_loop3A_991 : vector<16xf32>
        %parallel_loop3A_994 = arith.addf %parallel_loop3A_985, %parallel_loop3A_992 : vector<16xf32>
        %parallel_loop3A_995 = arith.constant 28 : i32
        %parallel_loop3A_996 = vector.broadcast %parallel_loop3A_995 : i32 to vector<16xi32>
        tpu.vector_store_idx %arg18[%parallel_loop3A_163, %parallel_loop3A_996], %parallel_loop3A_993 : memref<128x33xf32, #tpu.memory_space<vmem>>[vector<16xi32>, vector<16xi32>], vector<16xf32>,
        %parallel_loop3A_997 = arith.constant 29 : i32
        %parallel_loop3A_998 = vector.broadcast %parallel_loop3A_997 : i32 to vector<16xi32>
        tpu.vector_store_idx %arg18[%parallel_loop3A_163, %parallel_loop3A_998], %parallel_loop3A_994 : memref<128x33xf32, #tpu.memory_space<vmem>>[vector<16xi32>, vector<16xi32>], vector<16xf32>,
        %parallel_loop3A_999 = arith.constant 30000 : i32
        %parallel_loop3A_1000 = vector.broadcast %parallel_loop3A_999 : i32 to vector<16xi32>
        %parallel_loop3A_1001 = arith.addi %parallel_loop3A_189, %parallel_loop3A_1000 : vector<16xi32>
        %parallel_loop3A_1002 = tpu.vector_load_idx %arg8[%parallel_loop3A_1001] : memref<32000xi32, #tpu.memory_space<vmem>>[vector<16xi32>], vector<16xi32>,
        %parallel_loop3A_1003 = vector.bitcast %parallel_loop3A_1002 : vector<16xi32> to vector<32xbf16>
        %parallel_loop3A_1004 = tpu.unpack_subelements %parallel_loop3A_1003, 0 {pack_format = #tpu.pack_format<interleaved>} : vector<32xbf16> -> vector<16xf32>
        %parallel_loop3A_1005 = tpu.unpack_subelements %parallel_loop3A_1003, 1 {pack_format = #tpu.pack_format<interleaved>} : vector<32xbf16> -> vector<16xf32>
        %parallel_loop3A_1006 = arith.constant 30000 : i32
        %parallel_loop3A_1007 = vector.broadcast %parallel_loop3A_1006 : i32 to vector<16xi32>
        %parallel_loop3A_1008 = arith.addi %parallel_loop3A_215, %parallel_loop3A_1007 : vector<16xi32>
        %parallel_loop3A_1009 = tpu.vector_load_idx %arg8[%parallel_loop3A_1008] : memref<32000xi32, #tpu.memory_space<vmem>>[vector<16xi32>], vector<16xi32>,
        %parallel_loop3A_1010 = vector.bitcast %parallel_loop3A_1009 : vector<16xi32> to vector<32xbf16>
        %parallel_loop3A_1011 = tpu.unpack_subelements %parallel_loop3A_1010, 0 {pack_format = #tpu.pack_format<interleaved>} : vector<32xbf16> -> vector<16xf32>
        %parallel_loop3A_1012 = tpu.unpack_subelements %parallel_loop3A_1010, 1 {pack_format = #tpu.pack_format<interleaved>} : vector<32xbf16> -> vector<16xf32>
        %parallel_loop3A_1013 = arith.addf %parallel_loop3A_1004, %parallel_loop3A_1011 : vector<16xf32>
        %parallel_loop3A_1014 = arith.addf %parallel_loop3A_1005, %parallel_loop3A_1012 : vector<16xf32>
        %parallel_loop3A_1015 = arith.constant 30000 : i32
        %parallel_loop3A_1016 = vector.broadcast %parallel_loop3A_1015 : i32 to vector<16xi32>
        %parallel_loop3A_1017 = arith.addi %parallel_loop3A_241, %parallel_loop3A_1016 : vector<16xi32>
        %parallel_loop3A_1018 = tpu.vector_load_idx %arg8[%parallel_loop3A_1017] : memref<32000xi32, #tpu.memory_space<vmem>>[vector<16xi32>], vector<16xi32>,
        %parallel_loop3A_1019 = vector.bitcast %parallel_loop3A_1018 : vector<16xi32> to vector<32xbf16>
        %parallel_loop3A_1020 = tpu.unpack_subelements %parallel_loop3A_1019, 0 {pack_format = #tpu.pack_format<interleaved>} : vector<32xbf16> -> vector<16xf32>
        %parallel_loop3A_1021 = tpu.unpack_subelements %parallel_loop3A_1019, 1 {pack_format = #tpu.pack_format<interleaved>} : vector<32xbf16> -> vector<16xf32>
        %parallel_loop3A_1022 = arith.addf %parallel_loop3A_1013, %parallel_loop3A_1020 : vector<16xf32>
        %parallel_loop3A_1023 = arith.addf %parallel_loop3A_1014, %parallel_loop3A_1021 : vector<16xf32>
        %parallel_loop3A_1024 = arith.constant 30000 : i32
        %parallel_loop3A_1025 = vector.broadcast %parallel_loop3A_1024 : i32 to vector<16xi32>
        %parallel_loop3A_1026 = arith.addi %parallel_loop3A_267, %parallel_loop3A_1025 : vector<16xi32>
        %parallel_loop3A_1027 = tpu.vector_load_idx %arg8[%parallel_loop3A_1026] : memref<32000xi32, #tpu.memory_space<vmem>>[vector<16xi32>], vector<16xi32>,
        %parallel_loop3A_1028 = vector.bitcast %parallel_loop3A_1027 : vector<16xi32> to vector<32xbf16>
        %parallel_loop3A_1029 = tpu.unpack_subelements %parallel_loop3A_1028, 0 {pack_format = #tpu.pack_format<interleaved>} : vector<32xbf16> -> vector<16xf32>
        %parallel_loop3A_1030 = tpu.unpack_subelements %parallel_loop3A_1028, 1 {pack_format = #tpu.pack_format<interleaved>} : vector<32xbf16> -> vector<16xf32>
        %parallel_loop3A_1031 = arith.addf %parallel_loop3A_1022, %parallel_loop3A_1029 : vector<16xf32>
        %parallel_loop3A_1032 = arith.addf %parallel_loop3A_1023, %parallel_loop3A_1030 : vector<16xf32>
        %parallel_loop3A_1033 = arith.constant 30000 : i32
        %parallel_loop3A_1034 = vector.broadcast %parallel_loop3A_1033 : i32 to vector<16xi32>
        %parallel_loop3A_1035 = arith.addi %parallel_loop3A_293, %parallel_loop3A_1034 : vector<16xi32>
        %parallel_loop3A_1036 = tpu.vector_load_idx %arg8[%parallel_loop3A_1035] : memref<32000xi32, #tpu.memory_space<vmem>>[vector<16xi32>], vector<16xi32>,
        %parallel_loop3A_1037 = vector.bitcast %parallel_loop3A_1036 : vector<16xi32> to vector<32xbf16>
        %parallel_loop3A_1038 = tpu.unpack_subelements %parallel_loop3A_1037, 0 {pack_format = #tpu.pack_format<interleaved>} : vector<32xbf16> -> vector<16xf32>
        %parallel_loop3A_1039 = tpu.unpack_subelements %parallel_loop3A_1037, 1 {pack_format = #tpu.pack_format<interleaved>} : vector<32xbf16> -> vector<16xf32>
        %parallel_loop3A_1040 = arith.addf %parallel_loop3A_1031, %parallel_loop3A_1038 : vector<16xf32>
        %parallel_loop3A_1041 = arith.addf %parallel_loop3A_1032, %parallel_loop3A_1039 : vector<16xf32>
        %parallel_loop3A_1042 = arith.constant 30 : i32
        %parallel_loop3A_1043 = vector.broadcast %parallel_loop3A_1042 : i32 to vector<16xi32>
        tpu.vector_store_idx %arg18[%parallel_loop3A_163, %parallel_loop3A_1043], %parallel_loop3A_1040 : memref<128x33xf32, #tpu.memory_space<vmem>>[vector<16xi32>, vector<16xi32>], vector<16xf32>,
        %parallel_loop3A_1044 = arith.constant 31 : i32
        %parallel_loop3A_1045 = vector.broadcast %parallel_loop3A_1044 : i32 to vector<16xi32>
        tpu.vector_store_idx %arg18[%parallel_loop3A_163, %parallel_loop3A_1045], %parallel_loop3A_1041 : memref<128x33xf32, #tpu.memory_space<vmem>>[vector<16xi32>, vector<16xi32>], vector<16xf32>,
      } {sc.loop_unroll_factor = 2 : i64, sc.parallel_access}
      %mul3A_136 = arith.constant 128 : i32
      %mul3A_137 = arith.muli %add3A_119, %mul3A_136 : i32
      %add3A_138 = arith.addi %mul3A_32, %mul3A_137 : i32
      %dma_start3A_139 = arith.constant 0 : i32
      %dma_start3A_140 = arith.constant 0 : i32
      %dma_start3A_141 = tpu.memref_slice %arg18[%dma_start3A_139, %dma_start3A_140] : memref<128x33xf32, #tpu.memory_space<vmem>> -> memref<128x32xf32, #tpu.memory_space<vmem>>
      %dma_start3A_142 = tpu.memref_slice %arg7[%add3A_138, %mul3A_34] : memref<204800x64xf32, #tpu.memory_space<hbm>> -> memref<128x32xf32, #tpu.memory_space<hbm>>
      %dma_start3A_143 = tpu.memref_slice %arg7[%add3A_138, %mul3A_34] : memref<204800x64xf32, #tpu.memory_space<hbm>> -> memref<128x32xf32, #tpu.memory_space<hbm>>
      %dma_start3A_144 = arith.constant 0 : i32
      %dma_start3A_145 = arith.constant 0 : i32
      %dma_start3A_146 = tpu.memref_slice %arg18[%dma_start3A_144, %dma_start3A_145] : memref<128x33xf32, #tpu.memory_space<vmem>> -> memref<128x32xf32, #tpu.memory_space<vmem>>
      tpu.enqueue_dma source(%dma_start3A_146 : memref<128x32xf32, #tpu.memory_space<vmem>>) target(%dma_start3A_143 : memref<128x32xf32, #tpu.memory_space<hbm>>) target_semaphore(%arg26 : memref<!tpu.dma_semaphore, #tpu.memory_space<semaphore_mem>>)
      %eq3A_147 = arith.constant 0 : i32
      %eq3A_148 = arith.cmpi eq, %select_n3A_9, %eq3A_147 : i32
      %convert_element_type3A_149 = arith.extui %eq3A_148 : i1 to i32
      %cond3A_150 = arith.constant 0 : i32
      %cond3A_151 = arith.cmpi ne, %convert_element_type3A_149, %cond3A_150 : i32
      scf.if %cond3A_151 {
        %dma_wait3A_159 = arith.constant 0 : i32
        %dma_wait3A_160 = arith.constant 0 : i32
        %dma_wait3A_161 = tpu.memref_slice %arg4[%dma_wait3A_159, %dma_wait3A_160] : memref<1000x64xf32, #tpu.memory_space<hbm>> -> memref<1000x64xf32, #tpu.memory_space<hbm>>
        tpu.wait_indirect_dma semaphore(%arg22 : memref<!tpu.dma_semaphore, #tpu.memory_space<semaphore_mem>>) src(%dma_wait3A_161 : memref<1000x64xf32, #tpu.memory_space<hbm>>) dst(%arg16 : memref<128x64xf32, #tpu.memory_space<vmem>>)
        %mul3A_162 = arith.constant 128 : i32
        %mul3A_163 = arith.muli %add3A_119, %mul3A_162 : i32
        %add3A_164 = arith.addi %mul3A_32, %mul3A_163 : i32
        %dma_start3A_165 = arith.constant 0 : i32
        %dma_start3A_166 = tpu.memref_slice %arg6[%add3A_164, %dma_start3A_165] : memref<204800x64xf32, #tpu.memory_space<hbm>> -> memref<128x64xf32, #tpu.memory_space<hbm>>
        %dma_start3A_167 = arith.constant 0 : i32
        %dma_start3A_168 = tpu.memref_slice %arg6[%add3A_164, %dma_start3A_167] : memref<204800x64xf32, #tpu.memory_space<hbm>> -> memref<128x64xf32, #tpu.memory_space<hbm>>
        tpu.enqueue_dma source(%arg16 : memref<128x64xf32, #tpu.memory_space<vmem>>) target(%dma_start3A_168 : memref<128x64xf32, #tpu.memory_space<hbm>>) target_semaphore(%arg24 : memref<!tpu.dma_semaphore, #tpu.memory_space<semaphore_mem>>)
      } else {
      }
      %add3A_152 = arith.constant 2 : i32
      %add3A_153 = arith.addi %add3A_119, %add3A_152 : i32
      %lt3A_154 = arith.constant 100 : i32
      %lt3A_155 = arith.cmpi slt, %add3A_153, %lt3A_154 : i32
      %convert_element_type3A_156 = arith.extui %lt3A_155 : i1 to i32
      %cond3A_157 = arith.constant 0 : i32
      %cond3A_158 = arith.cmpi ne, %convert_element_type3A_156, %cond3A_157 : i32
      scf.if %cond3A_158 {
        %add3A_159 = arith.constant 2 : i32
        %add3A_160 = arith.addi %add3A_119, %add3A_159 : i32
        %mul3A_161 = arith.constant 128 : i32
        %mul3A_162 = arith.muli %add3A_160, %mul3A_161 : i32
        %add3A_163 = arith.addi %mul3A_32, %mul3A_162 : i32
        "tpu.region"() ({
          %run_scoped3A = tpu.sem_alloc : memref<!tpu.dma_semaphore, #tpu.memory_space<semaphore_mem>>
          %dma_start3A_167 = tpu.memref_slice %arg2[%add3A_163] : memref<204800xi32, #tpu.memory_space<hbm>> -> memref<128xi32, #tpu.memory_space<hbm>>
          %dma_start3A_168 = tpu.memref_slice %arg2[%add3A_163] : memref<204800xi32, #tpu.memory_space<hbm>> -> memref<128xi32, #tpu.memory_space<hbm>>
          tpu.enqueue_dma source(%dma_start3A_168 : memref<128xi32, #tpu.memory_space<hbm>>) target(%arg10 : memref<128xi32, #tpu.memory_space<vmem>>) target_semaphore(%run_scoped3A : memref<!tpu.dma_semaphore, #tpu.memory_space<semaphore_mem>>)
          %dma_wait3A_169 = tpu.memref_slice %arg2[%add3A_163] : memref<204800xi32, #tpu.memory_space<hbm>> -> memref<128xi32, #tpu.memory_space<hbm>>
          %dma_wait3A_170 = tpu.memref_slice %arg2[%add3A_163] : memref<204800xi32, #tpu.memory_space<hbm>> -> memref<128xi32, #tpu.memory_space<hbm>>
          tpu.wait_dma2 semaphore(%run_scoped3A : memref<!tpu.dma_semaphore, #tpu.memory_space<semaphore_mem>>) src(%dma_wait3A_170 : memref<128xi32, #tpu.memory_space<hbm>>) dst(%arg10 : memref<128xi32, #tpu.memory_space<vmem>>)
          tpu.yield
        }) : () -> ()
        %dma_start3A_164 = arith.constant 0 : i32
        %dma_start3A_165 = arith.constant 0 : i32
        %dma_start3A_166 = tpu.memref_slice %arg3[%dma_start3A_164, %dma_start3A_165] : memref<100000x16xi32, #tpu.memory_space<hbm>> -> memref<100000x16xi32, #tpu.memory_space<hbm>>
        tpu.enqueue_indirect_dma source(%dma_start3A_166 : memref<100000x16xi32, #tpu.memory_space<hbm>>) target(%arg12 : memref<128x16xi32, #tpu.memory_space<vmem>>) offsets(%arg10 : memref<128xi32, #tpu.memory_space<vmem>>) semaphore(%arg20 : memref<!tpu.dma_semaphore, #tpu.memory_space<semaphore_mem>>)
      } else {
      }
    }
    %scan3A_47 = arith.constant 50 : i32
    %add3A_48 = arith.constant 12544 : i32
    %add3A_49 = arith.addi %mul3A_32, %add3A_48 : i32
    %dma_wait3A = arith.constant 0 : i32
    %dma_wait3A_50 = arith.constant 0 : i32
    %dma_wait3A_51 = tpu.memref_slice %arg17[%dma_wait3A, %dma_wait3A_50] : memref<128x33xf32, #tpu.memory_space<vmem>> -> memref<128x32xf32, #tpu.memory_space<vmem>>
    %dma_wait3A_52 = tpu.memref_slice %arg7[%add3A_49, %mul3A_34] : memref<204800x64xf32, #tpu.memory_space<hbm>> -> memref<128x32xf32, #tpu.memory_space<hbm>>
    %dma_wait3A_53 = tpu.memref_slice %arg7[%add3A_49, %mul3A_34] : memref<204800x64xf32, #tpu.memory_space<hbm>> -> memref<128x32xf32, #tpu.memory_space<hbm>>
    %dma_wait3A_54 = arith.constant 0 : i32
    %dma_wait3A_55 = arith.constant 0 : i32
    %dma_wait3A_56 = tpu.memref_slice %arg17[%dma_wait3A_54, %dma_wait3A_55] : memref<128x33xf32, #tpu.memory_space<vmem>> -> memref<128x32xf32, #tpu.memory_space<vmem>>
    tpu.wait_dma2 semaphore(%arg25 : memref<!tpu.dma_semaphore, #tpu.memory_space<semaphore_mem>>) src(%dma_wait3A_56 : memref<128x32xf32, #tpu.memory_space<vmem>>) dst(%dma_wait3A_53 : memref<128x32xf32, #tpu.memory_space<hbm>>)
    %add3A_57 = arith.constant 12672 : i32
    %add3A_58 = arith.addi %mul3A_32, %add3A_57 : i32
    %dma_wait3A_59 = arith.constant 0 : i32
    %dma_wait3A_60 = arith.constant 0 : i32
    %dma_wait3A_61 = tpu.memref_slice %arg18[%dma_wait3A_59, %dma_wait3A_60] : memref<128x33xf32, #tpu.memory_space<vmem>> -> memref<128x32xf32, #tpu.memory_space<vmem>>
    %dma_wait3A_62 = tpu.memref_slice %arg7[%add3A_58, %mul3A_34] : memref<204800x64xf32, #tpu.memory_space<hbm>> -> memref<128x32xf32, #tpu.memory_space<hbm>>
    %dma_wait3A_63 = tpu.memref_slice %arg7[%add3A_58, %mul3A_34] : memref<204800x64xf32, #tpu.memory_space<hbm>> -> memref<128x32xf32, #tpu.memory_space<hbm>>
    %dma_wait3A_64 = arith.constant 0 : i32
    %dma_wait3A_65 = arith.constant 0 : i32
    %dma_wait3A_66 = tpu.memref_slice %arg18[%dma_wait3A_64, %dma_wait3A_65] : memref<128x33xf32, #tpu.memory_space<vmem>> -> memref<128x32xf32, #tpu.memory_space<vmem>>
    tpu.wait_dma2 semaphore(%arg26 : memref<!tpu.dma_semaphore, #tpu.memory_space<semaphore_mem>>) src(%dma_wait3A_66 : memref<128x32xf32, #tpu.memory_space<vmem>>) dst(%dma_wait3A_63 : memref<128x32xf32, #tpu.memory_space<hbm>>)
    %eq3A_67 = arith.constant 0 : i32
    %eq3A_68 = arith.cmpi eq, %select_n3A_9, %eq3A_67 : i32
    %convert_element_type3A = arith.extui %eq3A_68 : i1 to i32
    %cond3A = arith.constant 0 : i32
    %cond3A_69 = arith.cmpi ne, %convert_element_type3A, %cond3A : i32
    scf.if %cond3A_69 {
      %add3A_70 = arith.constant 12544 : i32
      %add3A_71 = arith.addi %mul3A_32, %add3A_70 : i32
      %dma_wait3A_72 = arith.constant 0 : i32
      %dma_wait3A_73 = tpu.memref_slice %arg6[%add3A_71, %dma_wait3A_72] : memref<204800x64xf32, #tpu.memory_space<hbm>> -> memref<128x64xf32, #tpu.memory_space<hbm>>
      %dma_wait3A_74 = arith.constant 0 : i32
      %dma_wait3A_75 = tpu.memref_slice %arg6[%add3A_71, %dma_wait3A_74] : memref<204800x64xf32, #tpu.memory_space<hbm>> -> memref<128x64xf32, #tpu.memory_space<hbm>>
      tpu.wait_dma2 semaphore(%arg23 : memref<!tpu.dma_semaphore, #tpu.memory_space<semaphore_mem>>) src(%arg15 : memref<128x64xf32, #tpu.memory_space<vmem>>) dst(%dma_wait3A_75 : memref<128x64xf32, #tpu.memory_space<hbm>>)
      %add3A_76 = arith.constant 12672 : i32
      %add3A_77 = arith.addi %mul3A_32, %add3A_76 : i32
      %dma_wait3A_78 = arith.constant 0 : i32
      %dma_wait3A_79 = tpu.memref_slice %arg6[%add3A_77, %dma_wait3A_78] : memref<204800x64xf32, #tpu.memory_space<hbm>> -> memref<128x64xf32, #tpu.memory_space<hbm>>
      %dma_wait3A_80 = arith.constant 0 : i32
      %dma_wait3A_81 = tpu.memref_slice %arg6[%add3A_77, %dma_wait3A_80] : memref<204800x64xf32, #tpu.memory_space<hbm>> -> memref<128x64xf32, #tpu.memory_space<hbm>>
      tpu.wait_dma2 semaphore(%arg24 : memref<!tpu.dma_semaphore, #tpu.memory_space<semaphore_mem>>) src(%arg16 : memref<128x64xf32, #tpu.memory_space<vmem>>) dst(%dma_wait3A_81 : memref<128x64xf32, #tpu.memory_space<hbm>>)
    } else {
    }
    return
  }
}

</mosaic_0001>

<sc_bundles>
// kernel: kernel.3.cloned.1.call-start
scs
__scs_entry_jumppad:
0x0: {  	(pc) =	sbr.rel $0x88, $3  }
0x1: {  	(tag) =	ssettag $0x0;
	lr =	simm.s32 $0x1  }
0x2: {  	[smem:$0x3F9C] =	sst lr;
	_ =	strace $0xD0000000  }
0x3: {  	_ = 	snop  }
0x4: {  	_ = 	snop  }
0x5: {  	_ = 	snop  }
0x6: {  	_ = 	snop  }
0x7: {  	_ = 	snop  }
__scs_overlays_trampoline_lowered:
0x8: {  	[smem:$0x3FAB] =	sst s0  }
0x9: {  	[smem:$0x3FAC] =	sst s1  }
0xa: {  	[smem:$0x3FAD] =	sst s2  }
0xb: {  	[smem:$0x3FAE] =	sst s3  }
0xc: {  	[smem:$0x3FAF] =	sst s4  }
0xd: {  	[smem:$0x3FB0] =	sst s5  }
0xe: {  	[smem:$0x3FB1] =	sst s6  }
0xf: {  	[smem:$0x3FB2] =	sst s7  }
0x10: {  	[smem:$0x3FB3] =	sst s8  }
0x11: {  	[smem:$0x3FB4] =	sst s9;
	s0 =	simm.s32 @!p0 $0x0  }
0x12: {  	s1 =	sld [smem:$0x3F9A];
	s0 =	simm.s32 @p0 $0x1  }
0x13: {  	[smem:$0x3FB5] =	sst s0;
	s0 =	simm.s32 @!p1 $0x0  }
0x14: {  	s2 =	sld [smem:$0x3F99];
	s0 =	simm.s32 @p1 $0x1  }
0x15: {  	[smem:$0x3FB6] =	sst s0;
	s0 =	simm.s32 @!p2 $0x0  }
0x16: {  	s3 =	sld [smem:$0x3FDB];
	s0 =	simm.s32 @p2 $0x1  }
0x17: {  	s4 =	simm.s32 $0x1BF5;
	[smem:$0x3FB8] =	sst s0  }
0x18: {  	s0 =	sld [smem:$0x3F9B];
	_ =	swait.ge [sflag:s4], $0x0  }
0x19: {  	s7 =	sld [smem:$0x3F9C]  }
0x1a: {  	s8 =	sadd.s32 $0xFFFFE003, lr  }
0x1b: {  	s9 =	sadd.s32 $0xFFFFFEF7, lr;
	s5 =	simm.s32 $0xFFFFFFFF;
	p2 =	slt.u32 s8, $0xFFFFF086  }
0x1c: {  	p1 =	slt.u32 s9, $0xF7A;
	s5 =	simm.s32 @!p2 $0x0  }
0x1d: {  	s5 =	simm.s32 @p1 $0x1;
	p0 =	seq.s32 s7, s2  }
0x1e: {  	s7 =	smul.u32 @!p0 $0xF7A, s2;
	p2 =	seq.s32 @!p0 s5, $0x0  }
0x1f: {  	s9 =	smul.u32 $0xF7A, s1;
	s8 =	simm.s32 @!p0 $0x1BF5;
	p2 =	por !p2, p0  }
0x20: {  	[sflag:s8] =	ssyncset.s32 @!p0 $0xFFFFF086;
	s6 =	sadd.s32 @!p0 s3, s7;
	s7 =	simm.s32 @!p0 $0x108  }
0x21: {  	s3 =	sadd.s32 s3, s9;
	s6 =	sadd.s32 @!p0 $0x88, s6;
	s7 =	simm.s32 @p2 $0x1082  }
0x22: {  	[simem:s7], [sflag:s8] =	dma.local @!p0 [hbm:s6], $0xF7A  }
0x23: {  	s9 =	sor.u32 $0xD0000000, s2;
	s6 =	simm.s32 $0x108;
	_ =	swait.ge @!p0 [sflag:s8], $0x0  }
0x24: {  	s3 =	sadd.s32 $0x88, s3;
	s6 =	simm.s32 @!p1 $0x1082;
	[sflag:s4] =	ssyncset.s32 $0xFFFFF086  }
0x25: {  	[simem:s6], [sflag:s4] =	dma.local [hbm:s3], $0xF7A  }
0x26: {  	[smem:$0x3F9C] =	sst s1;
	(tag) =	ssettag s2;
	_ =	strace s9  }
0x27: {  	s1 =	sld [smem:$0x3FAC]  }
0x28: {  	s2 =	sld [smem:$0x3FAD]  }
0x29: {  	s4 =	sld [smem:$0x3FAF]  }
0x2a: {  	p0 =	seq.s32 s5, $0x0;
	s5 =	sld [smem:$0x3FB0]  }
0x2b: {  	s6 =	sld [smem:$0x3FB1]  }
0x2c: {  	s7 =	sld [smem:$0x3FB2]  }
0x2d: {  	s3 =	simm.s32 $0x108;
	s8 =	sld [smem:$0x3FB3]  }
0x2e: {  	s3 =	simm.s32 @!p0 $0x1082;
	s9 =	sld [smem:$0x3FB4]  }
0x2f: {  	lr =	sadd.s32 s0, s3;
	s0 =	sld [smem:$0x3FAB]  }
0x30: {  	s3 =	sld [smem:$0x3FAE]  }
0x31: {  	[smem:$0x3FB7] =	sst s10  }
0x32: {  	s10 =	sld [smem:$0x3FB5];
	_ =	sdelay $0x3  }
0x33: {  	p0 =	seq.s32 s10, $0x1;
	s10 =	sld [smem:$0x3FB7];
	_ =	sdelay $0x3  }
0x34: {  	[smem:$0x3FB7] =	sst s10  }
0x35: {  	s10 =	sld [smem:$0x3FB6];
	_ =	sdelay $0x3  }
0x36: {  	p1 =	seq.s32 s10, $0x1;
	s10 =	sld [smem:$0x3FB7];
	_ =	sdelay $0x3  }
0x37: {  	[smem:$0x3FB7] =	sst s10  }
0x38: {  	s10 =	sld [smem:$0x3FB8]  }
0x39: {  	_ = 	snop;
	(pc) =	sbr.ind lr, $3  }
0x3a: {  	_ = 	snop  }
0x3b: {  	_ = 	snop  }
0x3c: {  	p2 =	seq.s32 s10, $0x1;
	s10 =	sld [smem:$0x3FB7]  }
0x3d: {  	_ =	shalt  }
0x3e: {  	_ =	shalt  }
0x3f: {  	_ =	shalt  }
0x40: {  	_ =	shalt  }
0x41: {  	_ =	shalt  }
0x42: {  	_ =	shalt  }
0x43: {  	_ =	shalt  }
0x44: {  	_ =	shalt  }
0x45: {  	_ =	shalt  }
0x46: {  	_ =	shalt  }
0x47: {  	_ =	shalt  }
0x48: {  	_ =	shalt  }
0x49: {  	_ =	shalt  }
0x4a: {  	_ =	shalt  }
0x4b: {  	_ =	shalt  }
0x4c: {  	_ =	shalt  }
0x4d: {  	_ =	shalt  }
0x4e: {  	_ =	shalt  }
0x4f: {  	_ =	shalt  }
0x50: {  	_ =	shalt  }
0x51: {  	_ =	shalt  }
0x52: {  	_ =	shalt  }
0x53: {  	_ =	shalt  }
0x54: {  	_ =	shalt  }
0x55: {  	_ =	shalt  }
0x56: {  	_ =	shalt  }
0x57: {  	_ =	shalt  }
0x58: {  	_ =	shalt  }
0x59: {  	_ =	shalt  }
0x5a: {  	_ =	shalt  }
0x5b: {  	_ =	shalt  }
0x5c: {  	_ =	shalt  }
0x5d: {  	_ =	shalt  }
0x5e: {  	_ =	shalt  }
0x5f: {  	_ =	shalt  }
0x60: {  	_ =	shalt  }
0x61: {  	_ =	shalt  }
0x62: {  	_ =	shalt  }
0x63: {  	_ =	shalt  }
0x64: {  	_ =	shalt  }
0x65: {  	_ =	shalt  }
0x66: {  	_ =	shalt  }
0x67: {  	_ =	shalt  }
0x68: {  	_ =	shalt  }
0x69: {  	_ =	shalt  }
0x6a: {  	_ =	shalt  }
0x6b: {  	_ =	shalt  }
0x6c: {  	_ =	shalt  }
0x6d: {  	_ =	shalt  }
0x6e: {  	_ =	shalt  }
0x6f: {  	_ =	shalt  }
0x70: {  	_ =	shalt  }
0x71: {  	_ =	shalt  }
0x72: {  	_ =	shalt  }
0x73: {  	_ =	shalt  }
0x74: {  	_ =	shalt  }
0x75: {  	_ =	shalt  }
0x76: {  	_ =	shalt  }
0x77: {  	_ =	shalt  }
0x78: {  	_ =	shalt  }
0x79: {  	_ =	shalt  }
0x7a: {  	_ =	shalt  }
0x7b: {  	_ =	shalt  }
0x7c: {  	_ =	shalt  }
0x7d: {  	_ =	shalt  }
0x7e: {  	_ =	shalt  }
0x7f: {  	_ =	shalt  }
0x80: {  	_ =	shalt  }
0x81: {  	_ =	shalt  }
0x82: {  	_ =	shalt  }
0x83: {  	_ =	shalt  }
0x84: {  	_ =	shalt  }
0x85: {  	_ =	shalt  }
0x86: {  	_ =	shalt  }
0x87: {  	_ =	shalt  }
.Lfunc_end0:
.L_simem_size_0:
called_computation.2_lowered:
.L_overlay_start_0:
0x88: {  	s2 =	sld [smem:$0x3FD9]  }
0x89: {  	s3 =	sld [smem:$0x3FFE];
	_ =	sdelay $0x1  }
0x8a: {  	s1 =	srdreg.scid  }
0x8b: {  	s0 =	sand.u32 $0x1, s1  }
0x8c: {  	s14 =	sshll.u32 s0, $0xA;
	s2 =	sadd.s32 s3, s2  }
0x8d: {  	s2 =	sadd.s32 s2, s14  }
0x8e: {  	[smem:$0x3FC3] =	sst s2  }
0x8f: {  	_ = 	snop  }
0x90: {  	s2 =	sld [smem:$0x3FD0];
	_ =	sdelay $0x2  }
0x91: {  	s15 =	simm.s32 $0xB;
	s4 =	simm.s32 $0x10  }
0x92: {  	[smem:s4], [sflag:s15] =	dma.local [hbm:s2], $0x1  }
0x93: {  	_ =	swait.eq [sflag:s15], $0x1  }
0x94: {  	[sflag:s15] =	ssyncset.done $0x0  }
0x95: {  	s16 =	sld [smem:$0x10];
	[sflag:s15] =	ssyncadd.s32 $0xFFFFFFFF  }
0x96: {  	s17 =	sld [smem:$0x11];
	(tm) =	ssettm $0x1  }
0x97: {  	s18 =	sld [smem:$0x3FFB];
	_ =	sdelay $0x3  }
0x98: {  	_ =	strace s18  }
0x99: {  	s4 =	sld [smem:$0x3FFC];
	_ =	sdelay $0x3  }
0x9a: {  	_ =	strace s4  }
0x9b: {  	s4 =	sld [smem:$0x3FFD];
	_ =	sdelay $0x3  }
0x9c: {  	_ =	strace s4  }
0x9d: {  	_ =	strace $0x8FFFFFFF  }
0x9e: {  	s19 =	sld [smem:$0x3FDB];
	_ =	sdelay $0x1  }
0x9f: {  	s5 =	simm.s32 $_scs_section_size  }
0xa0: {  	s6 =	simm.s32 $_size__tile_overlayer_lowered;
	s7 =	simm.s32 $_tile_overlayer_lowered  }
0xa1: {  	s22 =	simm.s32 $0x1BFF;
	s21 =	sshll.u32 s7, $0x1;
	s4 =	sadd.s32 s5, s19  }
0xa2: {  	s8 =	simm.s32 $0x0;
	s20 =	sshll.u32 s6, $0x1;
	s6 =	sadd.s32 s21, s4  }
0xa3: {  	[timem:s8], [sflag:s22] =	dma.local [hbm:s6], s20  }
0xa4: {  	_ =	swait.ge [sflag:s22], s20  }
0xa5: {  	s5 =	ssub.s32 $0x0, s20;
	[sflag:s22] =	ssyncset.done $0x0  }
0xa6: {  	[sflag:s22] =	ssyncadd.s32 s5;
	_ =	sdelay $0x1  }
0xa7: {  	s23 =	simm.s32 $0x1B8B  }
0xa8: {  	_ =	swait.ge [sflag:s23], $0x1  }
0xa9: {  	[sflag:s23] =	ssyncset.done $0x0  }
0xaa: {  	s25 =	simm.s32 $0x1B8E;
	s24 =	sld [smem:$0x3FFE];
	[sflag:s23] =	ssyncadd.s32 $0xFFFFFFFF  }
0xab: {  	s26 =	simm.s32 $execute0_lowered;
	[smem:$0x3FD2] =	sst s25  }
0xac: {  	s6 =	sshll.u32 s26, $0x1;
	_ =	strace $0x80000046;
	[dreg:$0x1] =	wrdreg $0xFFFFFFFF  }
0xad: {  	s28 =	simm.s32 $_size_execute0_lowered;
	s4 =	sadd.s32 s4, s6;
	[dreg:$0x0] =	wrdreg $0x0  }
0xae: {  	s6 =	sshll.u32 s28, $0x1;
	[dreg:$0x2] =	wrdreg s4  }
0xaf: {  	[dreg:$0x3] =	wrdreg s6  }
0xb0: {  	[dreg:$0x4] =	wrdreg $0xC0  }
0xb1: {  	_ =	task [dreg:s8], $0x5FFFF  }
0xb2: {  	[dreg:$0x1] =	wrdreg $0xFFFFFFFF  }
0xb3: {  	[dreg:$0x0] =	wrdreg $0x60  }
0xb4: {  	[dreg:$0x2] =	wrdreg s24  }
0xb5: {  	[dreg:$0x3] =	wrdreg s16  }
0xb6: {  	[dreg:$0x4] =	wrdreg s17  }
0xb7: {  	[dreg:$0x5] =	wrdreg $0x9  }
0xb8: {  	_ =	task.clear_ibuf [dreg:s8], $0x6FFFF;
	_ =	strace $0x90000046  }
0xb9: {  	s29 =	simm.s32 $0x9;
	_ =	strace $0x80000048  }
0xba: {  	_ =	swait.ge [sflag:s29], $0x1  }
0xbb: {  	[sflag:s29] =	ssyncadd.s32 $0xFFFFFFFF  }
0xbc: {  	_ =	strace $0x90000048  }
0xbd: {  	_ =	sfence  }
0xbe: {  	s30 =	sld [smem:$0x0];
	_ =	sdelay $0x2  }
0xbf: {  	s31 =	sshll.u32 s1, $0xD;
	s1 =	sshrl.u32 s1, $0x2  }
0xc0: {  	s3 =	sand.u32 $0x4000, s31;
	s1 =	sadd.s32 s1, s30  }
0xc1: {  	s0 =	sor.u32 s3, s0;
	s1 =	sshll.u32 s1, $0x11  }
0xc2: {  	s0 =	sor.u32 s1, s0  }
0xc3: {  	s0 =	sadd.s32 $0x8F2B, s0  }
0xc4: {  	[sflag:s0] =	ssyncadd.remote.s32 $0x1  }
0xc5: {  	_ =	sfence.sel $0xFFFF  }
0xc6: {  	[dreg:$0x0] =	wrdreg $0xFFFFFFFF;
	(pc) =	sbr.abs _section_cstart, $3  }
0xc7: {  	[dreg:$0x1] =	wrdreg $0xFFFFFFFF  }
0xc8: {  	_ =	task.clear_ibuf [dreg:s8], $0x2FFFF;
	_ =	strace $0x9FFFFFFF  }
0xc9: {  	(tm) =	ssettm $0x7FFFFFFF  }
tec
execute0_lowered:
.L_overlay_start_1:
0x0: {  	(tag) =	ssettag $0x1  }
0x1: {  	s0 =	srdreg.scid;
	s1 =	rddreg [dreg:$0x0]  }
0x2: {  	s6 =	stileid.u32;
	s2 =	rddreg [dreg:$0x1]  }
0x3: {  	s3 =	rddreg [dreg:$0x2];
	s5 =	simm.s32 $0x1;
	s18 =	simm.s32 $0x9  }
0x4: {  	s20 =	simm.s32 $0x80;
	s21 =	simm.s32 $0x7E00;
	s22 =	simm.s32 $0x7D80  }
0x5: {  	v0 =	vimm.s32 $0x21043213;
	s23 =	simm.s32 $0x8600;
	s28 =	simm.s32 $0x2;
	s29 =	simm.s32 $0x8E80  }
0x6: {  	v1 =	vimm.s32 $0x4321040;
	v2 =	vimm.s32 $0x32104324;
	s30 =	simm.s32 $0xAF00;
	s31 =	simm.s32 $0xE300;
	s0 =	sand.u32 $0x1, s0  }
0x7: {  	vm0 =	vcmask $0x2304;
	v3 =	vimm.s32 $0x43210430;
	v0 =	vunpack.c.l.s4.s8 v0;
	s7 =	sadd.s32 $0x1000, s1;
	s4 =	sor.u32 s0, s6;
	p0 =	seq.s32 s0, $0x1  }
0x8: {  	vm1 =	vcmask $0x3F24;
	v1 =	vunpack.c.l.s4.s8 v1;
	v2 =	vunpack.c.l.s4.s8 v2;
	s8 =	smul.u32 $0xFA0, s0;
	s10 =	ssub.s32 $0x2, s0;
	s13 =	sshll.u32 s0, $0x5  }
0x9: {  	v4 =	vimm.s32 $0x4321041;
	v5 =	vimm.s32 $0x10432102;
	p1 =	seq.s32 s4, $0x0;
	s4 =	simm.s32 $0x0;
	v0 =	vunpack.c.0.s8.s32 v0;
	s12 =	sshrl.u32 s10, $0x1  }
0xa: {  	v7 =	vimm.s32 $0x32104320;
	v1 =	vunpack.c.0.s8.s32 v1;
	v2 =	vunpack.c.0.s8.s32 v2;
	p0 =	por !p1, !p0;
	[smem:$0x7FF] =	sst s4;
	s10 =	ssub.s32 s10, s12  }
0xb: {  	v3 =	vunpack.c.l.s4.s8 v3;
	v4 =	vunpack.c.l.s4.s8 v4;
	p0 =	por !p0, !p0;
	_ =	strace $0x80000047;
	v0 =	vnsel vm0, $0x0, v0;
	s26 =	smax.u32 s10, $0x1  }
0xc: {  	s5 =	simm.s32 @!p0 $0x0;
	v0 =	vsel vm1, v1, v0;
	v1 =	vnsel vm0, $0x1, v2;
	v2 =	vimm.s32 $0x10432100;
	[dreg:$0x7] =	wrdreg s26;
	p0 =	sne.s32 s0, $0x0  }
0xd: {  	v6 =	vunpack.c.0.s8.s32 v3;
	v3 =	vimm.s32 $0x21043210;
	s26 =	simm.s32 $0xCF00;
	s9 =	ssub.s32 s6, s5;
	s5 =	sadd.s32 $0x5000, s1;
	v2 =	vunpack.c.l.s4.s8 v2  }
0xe: {  	v5 =	vunpack.c.l.s4.s8 v5;
	v7 =	vunpack.c.l.s4.s8 v7;
	v3 =	vunpack.c.l.s4.s8 v3;
	s6 =	sadd.s32 $0xB400, s1;
	s1 =	sadd.s32 s8, s1;
	s11 =	smul.u32 $0x3200, s9  }
.Ltmp0:
0xf: {  	v4 =	vunpack.c.0.s8.s32 v4;
	s8 =	simm.s32 $0x1;
	s1 =	sadd.s32 $0x3000, s1;
	v2 =	vunpack.c.0.s8.s32 v2;
	(pc) =	sbr.rel .LBB2_1-.Ltmp0, $4  }
0x10: {  	v5 =	vunpack.c.0.s8.s32 v5;
	v7 =	vunpack.c.0.s8.s32 v7;
	v3 =	vunpack.c.0.s8.s32 v3;
	s12 =	smul.u32 $0xC8000, s9;
	s9 =	simm.s32 $0x0;
	s24 =	sshrl.u32 s11, $0x3  }
0x11: {  	v8 =	vnsel vm0, $0x2, v6;
	v4 =	vnsel vm0, $0x3, v4;
	[dreg:$0x4] =	wrdreg s1;
	s14 =	sor.u32 $0x100, s11;
	s25 =	sadd.s32 s5, s24;
	v1 =	vsel vm1, v2, v1  }
0x12: {  	s15 =	sor.u32 $0x80, s11;
	v2 =	vsel vm1, v3, v8;
	v3 =	vlaneseq.u32;
	v8 =	vnsel vm0, $0x4, v5;
	[dreg:$0x5] =	wrdreg s25;
	s1 =	sadd.s32 $0x10, s25  }
0x13: {  	v4 =	vsel vm1, v7, v4;
	s16 =	sor.u32 $0x180, s11;
	s25 =	simm.s32 $0x8F00;
	v5 =	vmul.u32 $0x10, v3;
	v6 =	vsel vm1, v6, v8;
	[dreg:$0x6] =	wrdreg s1  }
.LBB2_20:
0x14: {  	s0 =	simm.s32 $0x7  }
0x15: {  	_ =	swait.ge [sflag:s0], $0x1000  }
0x16: {  	[sflag:s0] =	ssyncset.done $0x0  }
0x17: {  	s24 =	simm.s32 $0x8;
	[sflag:s0] =	ssyncadd.s32 $0xFFFFF000  }
0x18: {  	_ =	swait.ge [sflag:s24], $0x1000  }
0x19: {  	[sflag:s24] =	ssyncset.done $0x0  }
0x1a: {  	s0 =	simm.s32 @!p0 $0x5;
	[sflag:s24] =	ssyncadd.s32 $0xFFFFF000  }
0x1b: {  	_ =	swait.ge @!p0 [sflag:s0], $0x2000  }
0x1c: {  	[sflag:s0] =	ssyncset.done @!p0 $0x0  }
0x1d: {  	[sflag:s0] =	ssyncadd.s32 @!p0 $0xFFFFE000;
	s0 =	simm.s32 @!p0 $0x6  }
0x1e: {  	_ =	swait.ge @!p0 [sflag:s0], $0x2000  }
0x1f: {  	s9 =	rddreg [dreg:$0x8]  }
0x20: {  	s1 =	rddreg [dreg:$0x7];
	s9 =	sadd.s32 $0x1, s9  }
0x21: {  	p1 =	sne.s32 s9, s1  }
.Ltmp1:
0x22: {  	_ = 	snop;
	(pc) =	sbr.rel @!p1 .LBB2_21-.Ltmp1, $3  }
0x23: {  	_ =	sdelay $0x1  }
0x24: {  	[sflag:s0] =	ssyncset.done @!p0 $0x0  }
0x25: {  	[sflag:s0] =	ssyncadd.s32 @!p0 $0xFFFFE000  }
.LBB2_1:
0x26: {  	[dreg:$0x8] =	wrdreg s9  }
0x27: {  	s0 =	rddreg [dreg:$0x4]  }
0x28: {  	[tilespmem:s4], [sflag:$0x9] =	stream.linear.gather [hbm4b:s0+s4], $0x7D00, $0x38;
	[tilespmem:$0xF700] =	vst v63  }
0x29: {  	_ =	swait.ge [sflag:s18], $0x7D00  }
0x2a: {  	[sflag:s18] =	ssyncset.done $0x0  }
0x2b: {  	s1 =	simm.s32 $0x7D00;
	s19 =	rddreg [dreg:$0x5];
	[sflag:s18] =	ssyncadd.s32 $0xFFFF8300  }
0x2c: {  	[tilespmem:s1], [sflag:$0x9] =	stream.linear.gather [hbm4b:s19+s4], $0x80, $0x38;
	[tilespmem:$0xF700] =	vst v63  }
0x2d: {  	_ =	swait.ge [sflag:s18], $0x80  }
0x2e: {  	[sflag:s18] =	ssyncset.done $0x0  }
0x2f: {  	[sflag:s18] =	ssyncadd.s32 $0xFFFFFF80  }
0x30: {  	[tilespmem:s21], [sflag:$0x1] =	stream.indirect.gather [hbm4b:s6+s20], $0x10, s1, s20, $0xb8;
	[tilespmem:$0xF700] =	vst v63  }
0x31: {  	s24 =	rddreg [dreg:$0x6]  }
0x32: {  	[tilespmem:s22], [sflag:$0x9] =	stream.linear.gather [hbm4b:s24+s4], $0x80, $0x38;
	[tilespmem:$0xF700] =	vst v63  }
0x33: {  	_ =	swait.ge [sflag:s18], $0x80  }
0x34: {  	[sflag:s18] =	ssyncset.done $0x0  }
0x35: {  	s9 =	simm.s32 $0x0;
	[sflag:s18] =	ssyncadd.s32 $0xFFFFFF80  }
0x36: {  	[tilespmem:s23], [sflag:$0x2] =	stream.indirect.gather [hbm4b:s6+s20], $0x10, s22, s20, $0xb8;
	[tilespmem:$0xF700] =	vst v63  }
.LBB2_2:
.Ltmp2:
0x37: {  	(pc) =	sbr.rel @p0 .LBB2_6-.Ltmp2, $4  }
0x38: {  	_ = 	snop  }
0x39: {  	_ =	swait.ge [sflag:s8], $0x800  }
0x3a: {  	[sflag:s8] =	ssyncset.done $0x0  }
0x3b: {  	p1 =	seq.s32 s9, $0x0;
	[sflag:s8] =	ssyncadd.s32 $0xFFFFF800  }
0x3c: {  	s0 =	simm.s32 $0x0  }
0x3d: {  	v7 =	vmov s0  }
0x3e: {  	v7 =	vshll.u32 v7, $0x4  }
0x3f: {  	v7 =	vor.u32 v5, v7  }
0x40: {  	v7 =	vor.u32 $0x5, v7  }
0x41: {  	s0 =	simm.s32 @!p1 $0x5  }
0x42: {  	_ =	swait.ge @!p1 [sflag:s0], $0x2000  }
0x43: {  	[sflag:s0] =	ssyncset.done @!p1 $0x0  }
0x44: {  	s19 =	simm.s32 $0x10;
	[sflag:s0] =	ssyncadd.s32 @!p1 $0xFFFFE000  }
0x45: {  	v9 =	vld.idx.msk [tilespmem:v7+s21+$0x0], $0xffff;
	v7 =	vmov s19  }
0x46: {  	v7 =	vshll.u32 v7, $0x4  }
0x47: {  	v7 =	vor.u32 v5, v7  }
0x48: {  	v7 =	vor.u32 $0x5, v7;
	_ =	sdelay $0x2  }
0x49: {  	s10 =	simm.s32 $0x8E00;
	s24 =	simm.s32 $0x20  }
0x4a: {  	s11 =	simm.s32 $0x30;
	v8 =	vmov s24;
	[tilespmem:s10+$0x0] =	vst v9  }
.LBB2_4:
0x4b: {  	p2 =	sne.s32 s11, $0x70;
	v8 =	vshll.u32 v8, $0x4;
	v9 =	vld.idx.msk [tilespmem:v7+s21+$0x0], $0xffff  }
0x4c: {  	v7 =	vor.u32 v5, v8  }
.Ltmp3:
0x4d: {  	v7 =	vor.u32 $0x5, v7;
	(pc) =	sbr.rel @p2 .LBB2_4-.Ltmp3, $3  }
0x4e: {  	_ =	sdelay $0x1  }
0x4f: {  	s10 =	sadd.s32 $0x10, s10  }
0x50: {  	v8 =	vmov s11;
	s11 =	sadd.s32 $0x10, s11;
	[tilespmem:s10+$0x0] =	vst v9  }
0x51: {  	_ =	sdelay $0x2  }
0x52: {  	v8 =	vshll.u32 v8, $0x4  }
0x53: {  	v7 =	vld.idx.msk [tilespmem:v7+s21+$0x0], $0xffff;
	v8 =	vor.u32 v5, v8  }
0x54: {  	v8 =	vor.u32 $0x5, v8;
	_ =	sdelay $0x2  }
0x55: {  	s0 =	sadd.s32 $0x10, s10  }
0x56: {  	[tilespmem:s0+$0x0] =	vst v7  }
0x57: {  	v7 =	vld.idx.msk [tilespmem:v8+s21+$0x0], $0xffff;
	_ =	sdelay $0x3  }
0x58: {  	s0 =	sadd.s32 $0x10, s0  }
0x59: {  	s24 =	simm.s32 $0x8E00;
	[tilespmem:s0+$0x0] =	vst v7  }
0x5a: {  	[tilespmem:s25], [sflag:$0x3] =	stream.indirect.gather [hbm4b:s7+s20], $0x40, s24, s20, $0xb8;
	[tilespmem:$0xF700] =	vst v63  }
.LBB2_6:
0x5b: {  	s0 =	simm.s32 @!p1 $0x7  }
0x5c: {  	_ =	swait.ge @!p1 [sflag:s0], $0x1000  }
0x5d: {  	s11 =	sshll.u32 s9, $0x8;
	[sflag:s0] =	ssyncset.done @!p1 $0x0  }
0x5e: {  	s17 =	simm.s32 $0xFFFFFFFE;
	s10 =	simm.s32 $0x10;
	[sflag:s0] =	ssyncadd.s32 @!p1 $0xFFFFF000  }
.LBB2_7:
0x5f: {  	s0 =	sadd.s32 $0xFFFFFFF0, s10  }
0x60: {  	v7 =	vor.u32 s0, v3  }
0x61: {  	v8 =	vshll.u32 v7, $0x4  }
0x62: {  	v9 =	vor.u32 v0, v8  }
0x63: {  	v10 =	vor.u32 v1, v8  }
0x64: {  	v13 =	vor.u32 s10, v3  }
0x65: {  	v42 =	vshll.u32 v13, $0x4;
	v11 =	vor.u32 v2, v8  }
0x66: {  	v43 =	vor.u32 v0, v42  }
0x67: {  	v41 =	vor.u32 v4, v8;
	v17 =	vld.idx.msk [tilespmem:v9+s21+$0x0], $0xffff  }
0x68: {  	v8 =	vor.u32 v6, v8;
	v18 =	vld.idx.msk [tilespmem:v10+s21+$0x0], $0xffff  }
0x69: {  	v44 =	vor.u32 v1, v42  }
0x6a: {  	v14 =	vld.idx.msk [tilespmem:v11+s21+$0x0], $0xffff  }
0x6b: {  	v12 =	vld.idx.msk [tilespmem:v43+s21+$0x0], $0xffff  }
0x6c: {  	v19 =	vor.u32 v2, v42;
	v15 =	vld.idx.msk [tilespmem:v41+s21+$0x0], $0xffff  }
0x6d: {  	v16 =	vld.idx.msk [tilespmem:v8+s21+$0x0], $0xffff  }
0x6e: {  	v21 =	vor.u32 v4, v42;
	v11 =	vld.idx.msk [tilespmem:v44+s21+$0x0], $0xffff  }
0x6f: {  	v8 =	vld.idx.msk [tilespmem:v17+s4+$0x0], $0xffff  }
0x70: {  	v20 =	vld.idx.msk [tilespmem:v18+s4+$0x0], $0xffff  }
0x71: {  	v23 =	vor.u32 v6, v42;
	v10 =	vld.idx.msk [tilespmem:v19+s21+$0x0], $0xffff  }
0x72: {  	v22 =	vld.idx.msk [tilespmem:v14+s4+$0x0], $0xffff  }
0x73: {  	v9 =	vld.idx.msk [tilespmem:v21+s21+$0x0], $0xffff  }
0x74: {  	v45 =	vld.idx.msk [tilespmem:v15+s4+$0x0], $0xffff;
	v24 =	vunpack.i.u.bf16.f32 v8  }
0x75: {  	v25 =	vld.idx.msk [tilespmem:v16+s4+$0x0], $0xffff;
	v8 =	vunpack.i.l.bf16.f32 v8;
	v46 =	vunpack.i.u.bf16.f32 v20;
	v20 =	vunpack.i.l.bf16.f32 v20  }
0x76: {  	v7 =	vmul.u32 $0x28, v7;
	v20 =	vadd.f32 v20, v8;
	v8 =	vld.idx.msk [tilespmem:v23+s21+$0x0], $0xffff  }
0x77: {  	v48 =	vld.idx.msk [tilespmem:v12+s4+$0x0], $0xffff;
	v47 =	vunpack.i.u.bf16.f32 v22;
	v22 =	vunpack.i.l.bf16.f32 v22;
	v21 =	vadd.f32 v46, v24  }
0x78: {  	v49 =	vld.idx.msk [tilespmem:v11+s4+$0x0], $0xffff;
	v20 =	vadd.f32 v22, v20  }
0x79: {  	v52 =	vor.u32 $0x1, v7;
	v19 =	vunpack.i.l.bf16.f32 v45;
	v21 =	vadd.f32 v47, v21  }
0x7a: {  	v27 =	vadd.s32 $0x7D0, v17;
	v53 =	vld.idx.msk [tilespmem:v10+s4+$0x0], $0xffff;
	v50 =	vunpack.i.u.bf16.f32 v45;
	v19 =	vadd.f32 v19, v20  }
0x7b: {  	v26 =	vunpack.i.u.bf16.f32 v25;
	v25 =	vunpack.i.l.bf16.f32 v25;
	v51 =	vadd.f32 v50, v21  }
0x7c: {  	v54 =	vadd.s32 $0x7D0, v18;
	v28 =	vadd.s32 $0x7D0, v14;
	v55 =	vld.idx.msk [tilespmem:v9+s4+$0x0], $0xffff;
	v19 =	vadd.f32 v25, v19  }
0x7d: {  	v29 =	vunpack.i.l.bf16.f32 v48;
	v30 =	vunpack.i.l.bf16.f32 v49;
	v20 =	vadd.f32 v26, v51  }
0x7e: {  	v56 =	vunpack.i.u.bf16.f32 v48;
	v57 =	vadd.f32 v30, v29;
	v22 =	vunpack.i.u.bf16.f32 v49;
	[tilespmem:v7+s26+$0x0] =	vst.idx.msk $0xffff, v19;
	v58 =	vld.idx.msk [tilespmem:v8+s4+$0x0], $0xffff  }
0x7f: {  	v13 =	vmul.u32 $0x28, v13;
	v60 =	vunpack.i.l.bf16.f32 v53;
	v19 =	vadd.f32 v22, v56;
	[tilespmem:v52+s26+$0x0] =	vst.idx.msk $0xffff, v20  }
0x80: {  	v59 =	vadd.s32 $0x7D0, v15;
	v23 =	vunpack.i.u.bf16.f32 v53;
	v21 =	vadd.f32 v60, v57;
	v61 =	vld.idx.msk [tilespmem:v27+s4+$0x0], $0xffff  }
0x81: {  	v34 =	vor.u32 $0x1, v13;
	v33 =	vunpack.i.l.bf16.f32 v55;
	v62 =	vld.idx.msk [tilespmem:v54+s4+$0x0], $0xffff;
	v19 =	vadd.f32 v23, v19  }
0x82: {  	v63 =	vadd.s32 $0x7D0, v16;
	v26 =	vunpack.i.u.bf16.f32 v55;
	v21 =	vadd.f32 v33, v21  }
0x83: {  	v37 =	vadd.s32 $0x7D0, v12;
	v35 =	vld.idx.msk [tilespmem:v28+s4+$0x0], $0xffff;
	v19 =	vadd.f32 v26, v19;
	v36 =	vunpack.i.l.bf16.f32 v58  }
0x84: {  	v38 =	vadd.s32 $0x7D0, v11;
	v29 =	vunpack.i.u.bf16.f32 v58;
	v21 =	vadd.f32 v36, v21  }
0x85: {  	v41 =	vadd.s32 $0x7D0, v10;
	v20 =	vld.idx.msk [tilespmem:v59+s4+$0x0], $0xffff;
	v19 =	vadd.f32 v29, v19  }
0x86: {  	v46 =	vadd.s32 $0x7D0, v9;
	v22 =	vunpack.i.l.bf16.f32 v61;
	v24 =	vunpack.i.l.bf16.f32 v62;
	[tilespmem:v13+s26+$0x0] =	vst.idx.msk $0xffff, v21  }
0x87: {  	v25 =	vld.idx.msk [tilespmem:v63+s4+$0x0], $0xffff;
	v39 =	vunpack.i.u.bf16.f32 v61;
	v40 =	vunpack.i.u.bf16.f32 v62;
	v22 =	vadd.f32 v24, v22;
	[tilespmem:v34+s26+$0x0] =	vst.idx.msk $0xffff, v19  }
0x88: {  	v49 =	vor.u32 $0x2, v7;
	v44 =	vunpack.i.l.bf16.f32 v35;
	v42 =	vadd.f32 v40, v39;
	v45 =	vld.idx.msk [tilespmem:v37+s4+$0x0], $0xffff  }
0x89: {  	v50 =	vadd.s32 $0x7D0, v8;
	v43 =	vunpack.i.u.bf16.f32 v35;
	v22 =	vadd.f32 v44, v22;
	v48 =	vld.idx.msk [tilespmem:v38+s4+$0x0], $0xffff  }
0x8a: {  	v47 =	vunpack.i.u.bf16.f32 v20;
	v20 =	vunpack.i.l.bf16.f32 v20;
	v19 =	vadd.f32 v43, v42  }
0x8b: {  	v53 =	vadd.s32 $0xFA0, v17;
	v51 =	vor.u32 $0x3, v7;
	v21 =	vld.idx.msk [tilespmem:v41+s4+$0x0], $0xffff;
	v20 =	vadd.f32 v20, v22  }
0x8c: {  	v52 =	vunpack.i.u.bf16.f32 v25;
	v25 =	vunpack.i.l.bf16.f32 v25;
	v19 =	vadd.f32 v47, v19  }
0x8d: {  	v56 =	vadd.s32 $0xFA0, v14;
	v54 =	vadd.s32 $0xFA0, v18;
	v55 =	vld.idx.msk [tilespmem:v46+s4+$0x0], $0xffff;
	v20 =	vadd.f32 v25, v20  }
0x8e: {  	v19 =	vadd.f32 v52, v19;
	v31 =	vunpack.i.l.bf16.f32 v45;
	v32 =	vunpack.i.l.bf16.f32 v48  }
0x8f: {  	v59 =	vld.idx.msk [tilespmem:v50+s4+$0x0], $0xffff;
	v57 =	vunpack.i.u.bf16.f32 v45;
	v24 =	vunpack.i.u.bf16.f32 v48;
	[tilespmem:v49+s26+$0x0] =	vst.idx.msk $0xffff, v20;
	v58 =	vadd.f32 v32, v31  }
0x90: {  	v60 =	vadd.s32 $0xFA0, v15;
	v61 =	vunpack.i.l.bf16.f32 v21;
	v20 =	vadd.f32 v24, v57;
	[tilespmem:v51+s26+$0x0] =	vst.idx.msk $0xffff, v19  }
0x91: {  	v63 =	vadd.s32 $0xFA0, v16;
	v21 =	vunpack.i.u.bf16.f32 v21;
	v62 =	vld.idx.msk [tilespmem:v53+s4+$0x0], $0xffff;
	v22 =	vadd.f32 v61, v58  }
0x92: {  	v34 =	vor.u32 $0x2, v13;
	v33 =	vunpack.i.l.bf16.f32 v55;
	v23 =	vld.idx.msk [tilespmem:v54+s4+$0x0], $0xffff;
	v20 =	vadd.f32 v21, v20  }
0x93: {  	v35 =	vor.u32 $0x3, v13;
	v25 =	vunpack.i.u.bf16.f32 v55;
	v21 =	vadd.f32 v33, v22  }
0x94: {  	v37 =	vadd.s32 $0xFA0, v12;
	v36 =	vunpack.i.l.bf16.f32 v59;
	v28 =	vld.idx.msk [tilespmem:v56+s4+$0x0], $0xffff;
	v20 =	vadd.f32 v25, v20  }
0x95: {  	v38 =	vadd.s32 $0xFA0, v11;
	v27 =	vunpack.i.u.bf16.f32 v59;
	v21 =	vadd.f32 v36, v21  }
0x96: {  	v41 =	vadd.s32 $0xFA0, v10;
	v19 =	vld.idx.msk [tilespmem:v60+s4+$0x0], $0xffff;
	v20 =	vadd.f32 v27, v20  }
0x97: {  	v24 =	vunpack.i.l.bf16.f32 v62;
	v40 =	vunpack.i.u.bf16.f32 v23;
	v23 =	vunpack.i.l.bf16.f32 v23;
	[tilespmem:v34+s26+$0x0] =	vst.idx.msk $0xffff, v21  }
0x98: {  	v50 =	vor.u32 $0x4, v7;
	v43 =	vld.idx.msk [tilespmem:v63+s4+$0x0], $0xffff;
	v39 =	vunpack.i.u.bf16.f32 v62;
	v23 =	vadd.f32 v23, v24;
	[tilespmem:v35+s26+$0x0] =	vst.idx.msk $0xffff, v20  }
0x99: {  	v47 =	vadd.s32 $0xFA0, v9;
	v45 =	vunpack.i.l.bf16.f32 v28;
	v42 =	vadd.f32 v40, v39;
	v46 =	vld.idx.msk [tilespmem:v37+s4+$0x0], $0xffff  }
0x9a: {  	v51 =	vadd.s32 $0xFA0, v8;
	v44 =	vunpack.i.u.bf16.f32 v28;
	v22 =	vadd.f32 v45, v23;
	v49 =	vld.idx.msk [tilespmem:v38+s4+$0x0], $0xffff  }
0x9b: {  	v48 =	vunpack.i.u.bf16.f32 v19;
	v19 =	vunpack.i.l.bf16.f32 v19;
	v20 =	vadd.f32 v44, v42  }
0x9c: {  	v52 =	vor.u32 $0x5, v7;
	v55 =	vadd.s32 $0x1770, v18;
	v21 =	vld.idx.msk [tilespmem:v41+s4+$0x0], $0xffff;
	v19 =	vadd.f32 v19, v22  }
0x9d: {  	v54 =	vadd.s32 $0x1770, v17;
	v26 =	vunpack.i.l.bf16.f32 v43;
	v20 =	vadd.f32 v48, v20  }
0x9e: {  	v57 =	vadd.s32 $0x1770, v14;
	v53 =	vunpack.i.u.bf16.f32 v43;
	v56 =	vld.idx.msk [tilespmem:v47+s4+$0x0], $0xffff;
	v19 =	vadd.f32 v26, v19  }
0x9f: {  	v20 =	vadd.f32 v53, v20;
	v58 =	vunpack.i.l.bf16.f32 v46;
	v59 =	vunpack.i.l.bf16.f32 v49  }
0xa0: {  	v62 =	vld.idx.msk [tilespmem:v51+s4+$0x0], $0xffff;
	v60 =	vunpack.i.u.bf16.f32 v46;
	v24 =	vunpack.i.u.bf16.f32 v49;
	[tilespmem:v50+s26+$0x0] =	vst.idx.msk $0xffff, v19;
	v61 =	vadd.f32 v59, v58  }
0xa1: {  	v63 =	vadd.s32 $0x1770, v15;
	v33 =	vunpack.i.l.bf16.f32 v21;
	v19 =	vadd.f32 v24, v60;
	[tilespmem:v52+s26+$0x0] =	vst.idx.msk $0xffff, v20  }
0xa2: {  	v35 =	vadd.s32 $0x1770, v16;
	v21 =	vunpack.i.u.bf16.f32 v21;
	v34 =	vld.idx.msk [tilespmem:v54+s4+$0x0], $0xffff;
	v22 =	vadd.f32 v33, v61  }
0xa3: {  	v37 =	vor.u32 $0x4, v13;
	v36 =	vunpack.i.l.bf16.f32 v56;
	v23 =	vld.idx.msk [tilespmem:v55+s4+$0x0], $0xffff;
	v19 =	vadd.f32 v21, v19  }
0xa4: {  	v38 =	vor.u32 $0x5, v13;
	v26 =	vunpack.i.u.bf16.f32 v56;
	v21 =	vadd.f32 v36, v22  }
0xa5: {  	v40 =	vadd.s32 $0x1770, v12;
	v39 =	vunpack.i.l.bf16.f32 v62;
	v28 =	vld.idx.msk [tilespmem:v57+s4+$0x0], $0xffff;
	v19 =	vadd.f32 v26, v19  }
0xa6: {  	v41 =	vadd.s32 $0x1770, v11;
	v27 =	vunpack.i.u.bf16.f32 v62;
	v21 =	vadd.f32 v39, v21  }
0xa7: {  	v44 =	vadd.s32 $0x1770, v10;
	v20 =	vld.idx.msk [tilespmem:v63+s4+$0x0], $0xffff;
	v19 =	vadd.f32 v27, v19  }
0xa8: {  	v24 =	vunpack.i.l.bf16.f32 v34;
	v43 =	vunpack.i.u.bf16.f32 v23;
	v23 =	vunpack.i.l.bf16.f32 v23;
	[tilespmem:v37+s26+$0x0] =	vst.idx.msk $0xffff, v21  }
0xa9: {  	v53 =	vor.u32 $0x6, v7;
	v46 =	vld.idx.msk [tilespmem:v35+s4+$0x0], $0xffff;
	v42 =	vunpack.i.u.bf16.f32 v34;
	v23 =	vadd.f32 v23, v24;
	[tilespmem:v38+s26+$0x0] =	vst.idx.msk $0xffff, v19  }
0xaa: {  	v50 =	vadd.s32 $0x1770, v9;
	v48 =	vunpack.i.l.bf16.f32 v28;
	v45 =	vadd.f32 v43, v42;
	v49 =	vld.idx.msk [tilespmem:v40+s4+$0x0], $0xffff  }
0xab: {  	v54 =	vadd.s32 $0x1770, v8;
	v47 =	vunpack.i.u.bf16.f32 v28;
	v22 =	vadd.f32 v48, v23;
	v52 =	vld.idx.msk [tilespmem:v41+s4+$0x0], $0xffff  }
0xac: {  	v51 =	vunpack.i.u.bf16.f32 v20;
	v20 =	vunpack.i.l.bf16.f32 v20;
	v19 =	vadd.f32 v47, v45  }
0xad: {  	v58 =	vadd.s32 $0x1F40, v18;
	v55 =	vor.u32 $0x7, v7;
	v21 =	vld.idx.msk [tilespmem:v44+s4+$0x0], $0xffff;
	v20 =	vadd.f32 v20, v22  }
0xae: {  	v57 =	vadd.s32 $0x1F40, v17;
	v25 =	vunpack.i.l.bf16.f32 v46;
	v19 =	vadd.f32 v51, v19  }
0xaf: {  	v60 =	vadd.s32 $0x1F40, v14;
	v56 =	vunpack.i.u.bf16.f32 v46;
	v59 =	vld.idx.msk [tilespmem:v50+s4+$0x0], $0xffff;
	v20 =	vadd.f32 v25, v20  }
0xb0: {  	v19 =	vadd.f32 v56, v19;
	v61 =	vunpack.i.l.bf16.f32 v49;
	v62 =	vunpack.i.l.bf16.f32 v52  }
0xb1: {  	v33 =	vld.idx.msk [tilespmem:v54+s4+$0x0], $0xffff;
	v63 =	vunpack.i.u.bf16.f32 v49;
	v24 =	vunpack.i.u.bf16.f32 v52;
	[tilespmem:v53+s26+$0x0] =	vst.idx.msk $0xffff, v20;
	v32 =	vadd.f32 v62, v61  }
0xb2: {  	v39 =	vor.u32 $0x6, v13;
	v35 =	vunpack.i.l.bf16.f32 v21;
	v20 =	vadd.f32 v24, v63;
	[tilespmem:v55+s26+$0x0] =	vst.idx.msk $0xffff, v19  }
0xb3: {  	v34 =	vadd.s32 $0x1F40, v15;
	v21 =	vunpack.i.u.bf16.f32 v21;
	v36 =	vld.idx.msk [tilespmem:v57+s4+$0x0], $0xffff;
	v22 =	vadd.f32 v35, v32  }
0xb4: {  	v37 =	vadd.s32 $0x1F40, v16;
	v38 =	vunpack.i.l.bf16.f32 v59;
	v23 =	vld.idx.msk [tilespmem:v58+s4+$0x0], $0xffff;
	v20 =	vadd.f32 v21, v20  }
0xb5: {  	v40 =	vor.u32 $0x7, v13;
	v25 =	vunpack.i.u.bf16.f32 v59;
	v21 =	vadd.f32 v38, v22  }
0xb6: {  	v42 =	vadd.s32 $0x1F40, v12;
	v41 =	vunpack.i.l.bf16.f32 v33;
	v28 =	vld.idx.msk [tilespmem:v60+s4+$0x0], $0xffff;
	v20 =	vadd.f32 v25, v20  }
0xb7: {  	v43 =	vadd.s32 $0x1F40, v11;
	v27 =	vunpack.i.u.bf16.f32 v33;
	v21 =	vadd.f32 v41, v21  }
0xb8: {  	v46 =	vadd.s32 $0x1F40, v10;
	v19 =	vld.idx.msk [tilespmem:v34+s4+$0x0], $0xffff;
	v20 =	vadd.f32 v27, v20  }
0xb9: {  	v24 =	vunpack.i.l.bf16.f32 v36;
	v45 =	vunpack.i.u.bf16.f32 v23;
	v23 =	vunpack.i.l.bf16.f32 v23;
	[tilespmem:v39+s26+$0x0] =	vst.idx.msk $0xffff, v21  }
0xba: {  	v56 =	vadd.s32 $0x1F40, v8;
	v48 =	vld.idx.msk [tilespmem:v37+s4+$0x0], $0xffff;
	v44 =	vunpack.i.u.bf16.f32 v36;
	v23 =	vadd.f32 v23, v24;
	[tilespmem:v40+s26+$0x0] =	vst.idx.msk $0xffff, v20  }
0xbb: {  	v52 =	vadd.s32 $0x1F40, v9;
	v50 =	vunpack.i.l.bf16.f32 v28;
	v47 =	vadd.f32 v45, v44;
	v51 =	vld.idx.msk [tilespmem:v42+s4+$0x0], $0xffff  }
0xbc: {  	v55 =	vadd.s32 $0x8, v7;
	v49 =	vunpack.i.u.bf16.f32 v28;
	v22 =	vadd.f32 v50, v23;
	v54 =	vld.idx.msk [tilespmem:v43+s4+$0x0], $0xffff  }
0xbd: {  	v53 =	vunpack.i.u.bf16.f32 v19;
	v19 =	vunpack.i.l.bf16.f32 v19;
	v20 =	vadd.f32 v49, v47  }
0xbe: {  	v59 =	vadd.s32 $0x2710, v17;
	v57 =	vadd.s32 $0x9, v7;
	v21 =	vld.idx.msk [tilespmem:v46+s4+$0x0], $0xffff;
	v19 =	vadd.f32 v19, v22  }
0xbf: {  	v62 =	vadd.s32 $0x2710, v14;
	v26 =	vunpack.i.l.bf16.f32 v48;
	v20 =	vadd.f32 v53, v20  }
0xc0: {  	v60 =	vadd.s32 $0x2710, v18;
	v58 =	vunpack.i.u.bf16.f32 v48;
	v61 =	vld.idx.msk [tilespmem:v52+s4+$0x0], $0xffff;
	v19 =	vadd.f32 v26, v19  }
0xc1: {  	v20 =	vadd.f32 v58, v20;
	v63 =	vunpack.i.l.bf16.f32 v51;
	v36 =	vunpack.i.l.bf16.f32 v54  }
0xc2: {  	v39 =	vld.idx.msk [tilespmem:v56+s4+$0x0], $0xffff;
	v37 =	vunpack.i.u.bf16.f32 v51;
	v24 =	vunpack.i.u.bf16.f32 v54;
	[tilespmem:v55+s26+$0x0] =	vst.idx.msk $0xffff, v19;
	v38 =	vadd.f32 v36, v63  }
0xc3: {  	v45 =	vadd.s32 $0x8, v13;
	v41 =	vunpack.i.l.bf16.f32 v21;
	v19 =	vadd.f32 v24, v37;
	[tilespmem:v57+s26+$0x0] =	vst.idx.msk $0xffff, v20  }
0xc4: {  	v40 =	vadd.s32 $0x2710, v15;
	v21 =	vunpack.i.u.bf16.f32 v21;
	v42 =	vld.idx.msk [tilespmem:v59+s4+$0x0], $0xffff;
	v22 =	vadd.f32 v41, v38  }
0xc5: {  	v43 =	vadd.s32 $0x2710, v16;
	v44 =	vunpack.i.l.bf16.f32 v61;
	v23 =	vld.idx.msk [tilespmem:v60+s4+$0x0], $0xffff;
	v19 =	vadd.f32 v21, v19  }
0xc6: {  	v46 =	vadd.s32 $0x9, v13;
	v26 =	vunpack.i.u.bf16.f32 v61;
	v21 =	vadd.f32 v44, v22  }
0xc7: {  	v48 =	vadd.s32 $0x2710, v12;
	v47 =	vunpack.i.l.bf16.f32 v39;
	v28 =	vld.idx.msk [tilespmem:v62+s4+$0x0], $0xffff;
	v19 =	vadd.f32 v26, v19  }
0xc8: {  	v49 =	vadd.s32 $0x2710, v11;
	v27 =	vunpack.i.u.bf16.f32 v39;
	v21 =	vadd.f32 v47, v21  }
0xc9: {  	v52 =	vadd.s32 $0x2710, v10;
	v20 =	vld.idx.msk [tilespmem:v40+s4+$0x0], $0xffff;
	v19 =	vadd.f32 v27, v19  }
0xca: {  	v24 =	vunpack.i.l.bf16.f32 v42;
	v51 =	vunpack.i.u.bf16.f32 v23;
	v23 =	vunpack.i.l.bf16.f32 v23;
	[tilespmem:v45+s26+$0x0] =	vst.idx.msk $0xffff, v21  }
0xcb: {  	v58 =	vadd.s32 $0x2710, v9;
	v54 =	vld.idx.msk [tilespmem:v43+s4+$0x0], $0xffff;
	v50 =	vunpack.i.u.bf16.f32 v42;
	v23 =	vadd.f32 v23, v24;
	[tilespmem:v46+s26+$0x0] =	vst.idx.msk $0xffff, v19  }
0xcc: {  	v61 =	vadd.s32 $0xA, v7;
	v56 =	vunpack.i.l.bf16.f32 v28;
	v53 =	vadd.f32 v51, v50;
	v57 =	vld.idx.msk [tilespmem:v48+s4+$0x0], $0xffff  }
0xcd: {  	v62 =	vadd.s32 $0x2710, v8;
	v55 =	vunpack.i.u.bf16.f32 v28;
	v22 =	vadd.f32 v56, v23;
	v60 =	vld.idx.msk [tilespmem:v49+s4+$0x0], $0xffff  }
0xce: {  	v59 =	vunpack.i.u.bf16.f32 v20;
	v20 =	vunpack.i.l.bf16.f32 v20;
	v19 =	vadd.f32 v55, v53  }
0xcf: {  	v63 =	vadd.s32 $0xB, v7;
	v37 =	vadd.s32 $0x2EE0, v17;
	v21 =	vld.idx.msk [tilespmem:v52+s4+$0x0], $0xffff;
	v20 =	vadd.f32 v20, v22  }
0xd0: {  	v38 =	vadd.s32 $0x2EE0, v18;
	v25 =	vunpack.i.l.bf16.f32 v54;
	v19 =	vadd.f32 v59, v19  }
0xd1: {  	v40 =	vadd.s32 $0x2EE0, v14;
	v36 =	vunpack.i.u.bf16.f32 v54;
	v39 =	vld.idx.msk [tilespmem:v58+s4+$0x0], $0xffff;
	v20 =	vadd.f32 v25, v20  }
0xd2: {  	v19 =	vadd.f32 v36, v19;
	v41 =	vunpack.i.l.bf16.f32 v57;
	v42 =	vunpack.i.l.bf16.f32 v60  }
0xd3: {  	v45 =	vld.idx.msk [tilespmem:v62+s4+$0x0], $0xffff;
	v43 =	vunpack.i.u.bf16.f32 v57;
	v24 =	vunpack.i.u.bf16.f32 v60;
	[tilespmem:v61+s26+$0x0] =	vst.idx.msk $0xffff, v20;
	v44 =	vadd.f32 v42, v41  }
0xd4: {  	v51 =	vadd.s32 $0xA, v13;
	v47 =	vunpack.i.l.bf16.f32 v21;
	v20 =	vadd.f32 v24, v43;
	[tilespmem:v63+s26+$0x0] =	vst.idx.msk $0xffff, v19  }
0xd5: {  	v46 =	vadd.s32 $0x2EE0, v15;
	v21 =	vunpack.i.u.bf16.f32 v21;
	v48 =	vld.idx.msk [tilespmem:v37+s4+$0x0], $0xffff;
	v22 =	vadd.f32 v47, v44  }
0xd6: {  	v49 =	vadd.s32 $0x2EE0, v16;
	v50 =	vunpack.i.l.bf16.f32 v39;
	v23 =	vld.idx.msk [tilespmem:v38+s4+$0x0], $0xffff;
	v20 =	vadd.f32 v21, v20  }
0xd7: {  	v52 =	vadd.s32 $0xB, v13;
	v25 =	vunpack.i.u.bf16.f32 v39;
	v21 =	vadd.f32 v50, v22  }
0xd8: {  	v54 =	vadd.s32 $0x2EE0, v12;
	v53 =	vunpack.i.l.bf16.f32 v45;
	v28 =	vld.idx.msk [tilespmem:v40+s4+$0x0], $0xffff;
	v20 =	vadd.f32 v25, v20  }
0xd9: {  	v55 =	vadd.s32 $0x2EE0, v11;
	v27 =	vunpack.i.u.bf16.f32 v45;
	v21 =	vadd.f32 v53, v21  }
0xda: {  	v58 =	vadd.s32 $0x2EE0, v10;
	v19 =	vld.idx.msk [tilespmem:v46+s4+$0x0], $0xffff;
	v20 =	vadd.f32 v27, v20  }
0xdb: {  	v24 =	vunpack.i.l.bf16.f32 v48;
	v57 =	vunpack.i.u.bf16.f32 v23;
	v23 =	vunpack.i.l.bf16.f32 v23;
	[tilespmem:v51+s26+$0x0] =	vst.idx.msk $0xffff, v21  }
0xdc: {  	v35 =	vadd.s32 $0x2EE0, v9;
	v60 =	vld.idx.msk [tilespmem:v49+s4+$0x0], $0xffff;
	v56 =	vunpack.i.u.bf16.f32 v48;
	v23 =	vadd.f32 v23, v24;
	[tilespmem:v52+s26+$0x0] =	vst.idx.msk $0xffff, v20  }
0xdd: {  	v39 =	vadd.s32 $0x2EE0, v8;
	v62 =	vunpack.i.l.bf16.f32 v28;
	v59 =	vadd.f32 v57, v56;
	v63 =	vld.idx.msk [tilespmem:v54+s4+$0x0], $0xffff  }
0xde: {  	v38 =	vadd.s32 $0xC, v7;
	v61 =	vunpack.i.u.bf16.f32 v28;
	v22 =	vadd.f32 v62, v23;
	v37 =	vld.idx.msk [tilespmem:v55+s4+$0x0], $0xffff  }
0xdf: {  	v36 =	vunpack.i.u.bf16.f32 v19;
	v19 =	vunpack.i.l.bf16.f32 v19;
	v20 =	vadd.f32 v61, v59  }
0xe0: {  	v45 =	vadd.s32 $0x36B0, v14;
	v40 =	vadd.s32 $0xD, v7;
	v21 =	vld.idx.msk [tilespmem:v58+s4+$0x0], $0xffff;
	v19 =	vadd.f32 v19, v22  }
0xe1: {  	v42 =	vadd.s32 $0x36B0, v17;
	v26 =	vunpack.i.l.bf16.f32 v60;
	v20 =	vadd.f32 v36, v20  }
0xe2: {  	v43 =	vadd.s32 $0x36B0, v18;
	v41 =	vunpack.i.u.bf16.f32 v60;
	v44 =	vld.idx.msk [tilespmem:v35+s4+$0x0], $0xffff;
	v19 =	vadd.f32 v26, v19  }
0xe3: {  	v20 =	vadd.f32 v41, v20;
	v46 =	vunpack.i.l.bf16.f32 v63;
	v47 =	vunpack.i.l.bf16.f32 v37  }
0xe4: {  	v50 =	vld.idx.msk [tilespmem:v39+s4+$0x0], $0xffff;
	v48 =	vunpack.i.u.bf16.f32 v63;
	v24 =	vunpack.i.u.bf16.f32 v37;
	[tilespmem:v38+s26+$0x0] =	vst.idx.msk $0xffff, v19;
	v49 =	vadd.f32 v47, v46  }
0xe5: {  	v51 =	vadd.s32 $0x36B0, v15;
	v52 =	vunpack.i.l.bf16.f32 v21;
	v19 =	vadd.f32 v24, v48;
	[tilespmem:v40+s26+$0x0] =	vst.idx.msk $0xffff, v20  }
0xe6: {  	v56 =	vadd.s32 $0xC, v13;
	v21 =	vunpack.i.u.bf16.f32 v21;
	v53 =	vld.idx.msk [tilespmem:v42+s4+$0x0], $0xffff;
	v22 =	vadd.f32 v52, v49  }
0xe7: {  	v57 =	vadd.s32 $0xD, v13;
	v55 =	vunpack.i.l.bf16.f32 v44;
	v23 =	vld.idx.msk [tilespmem:v43+s4+$0x0], $0xffff;
	v19 =	vadd.f32 v21, v19  }
0xe8: {  	v54 =	vadd.s32 $0x36B0, v16;
	v26 =	vunpack.i.u.bf16.f32 v44;
	v21 =	vadd.f32 v55, v22  }
0xe9: {  	v59 =	vadd.s32 $0x36B0, v12;
	v58 =	vunpack.i.l.bf16.f32 v50;
	v28 =	vld.idx.msk [tilespmem:v45+s4+$0x0], $0xffff;
	v19 =	vadd.f32 v26, v19  }
0xea: {  	v60 =	vadd.s32 $0x36B0, v11;
	v27 =	vunpack.i.u.bf16.f32 v50;
	v21 =	vadd.f32 v58, v21  }
0xeb: {  	v63 =	vadd.s32 $0x36B0, v10;
	v20 =	vld.idx.msk [tilespmem:v51+s4+$0x0], $0xffff;
	v19 =	vadd.f32 v27, v19  }
0xec: {  	v24 =	vunpack.i.l.bf16.f32 v53;
	v62 =	vunpack.i.u.bf16.f32 v23;
	v23 =	vunpack.i.l.bf16.f32 v23;
	[tilespmem:v56+s26+$0x0] =	vst.idx.msk $0xffff, v21  }
0xed: {  	v41 =	vadd.s32 $0x36B0, v8;
	v33 =	vld.idx.msk [tilespmem:v54+s4+$0x0], $0xffff;
	v61 =	vunpack.i.u.bf16.f32 v53;
	v23 =	vadd.f32 v23, v24;
	[tilespmem:v57+s26+$0x0] =	vst.idx.msk $0xffff, v19  }
0xee: {  	v37 =	vadd.s32 $0x36B0, v9;
	v35 =	vunpack.i.l.bf16.f32 v28;
	v32 =	vadd.f32 v62, v61;
	v36 =	vld.idx.msk [tilespmem:v59+s4+$0x0], $0xffff  }
0xef: {  	v40 =	vadd.s32 $0xE, v7;
	v34 =	vunpack.i.u.bf16.f32 v28;
	v22 =	vadd.f32 v35, v23;
	v39 =	vld.idx.msk [tilespmem:v60+s4+$0x0], $0xffff  }
0xf0: {  	v38 =	vunpack.i.u.bf16.f32 v20;
	v20 =	vunpack.i.l.bf16.f32 v20;
	v19 =	vadd.f32 v34, v32  }
0xf1: {  	v44 =	vadd.s32 $0x3E80, v17;
	v42 =	vadd.s32 $0xF, v7;
	v21 =	vld.idx.msk [tilespmem:v63+s4+$0x0], $0xffff;
	v20 =	vadd.f32 v20, v22  }
0xf2: {  	v47 =	vadd.s32 $0x3E80, v14;
	v25 =	vunpack.i.l.bf16.f32 v33;
	v19 =	vadd.f32 v38, v19  }
0xf3: {  	v45 =	vadd.s32 $0x3E80, v18;
	v43 =	vunpack.i.u.bf16.f32 v33;
	v46 =	vld.idx.msk [tilespmem:v37+s4+$0x0], $0xffff;
	v20 =	vadd.f32 v25, v20  }
0xf4: {  	v19 =	vadd.f32 v43, v19;
	v48 =	vunpack.i.l.bf16.f32 v36;
	v49 =	vunpack.i.l.bf16.f32 v39  }
0xf5: {  	v52 =	vld.idx.msk [tilespmem:v41+s4+$0x0], $0xffff;
	v50 =	vunpack.i.u.bf16.f32 v36;
	v24 =	vunpack.i.u.bf16.f32 v39;
	[tilespmem:v40+s26+$0x0] =	vst.idx.msk $0xffff, v20;
	v51 =	vadd.f32 v49, v48  }
0xf6: {  	v58 =	vadd.s32 $0xE, v13;
	v54 =	vunpack.i.l.bf16.f32 v21;
	v20 =	vadd.f32 v24, v50;
	[tilespmem:v42+s26+$0x0] =	vst.idx.msk $0xffff, v19  }
0xf7: {  	v53 =	vadd.s32 $0x3E80, v15;
	v21 =	vunpack.i.u.bf16.f32 v21;
	v55 =	vld.idx.msk [tilespmem:v44+s4+$0x0], $0xffff;
	v22 =	vadd.f32 v54, v51  }
0xf8: {  	v56 =	vadd.s32 $0x3E80, v16;
	v57 =	vunpack.i.l.bf16.f32 v46;
	v23 =	vld.idx.msk [tilespmem:v45+s4+$0x0], $0xffff;
	v20 =	vadd.f32 v21, v20  }
0xf9: {  	v59 =	vadd.s32 $0xF, v13;
	v25 =	vunpack.i.u.bf16.f32 v46;
	v21 =	vadd.f32 v57, v22  }
0xfa: {  	v61 =	vadd.s32 $0x3E80, v12;
	v60 =	vunpack.i.l.bf16.f32 v52;
	v28 =	vld.idx.msk [tilespmem:v47+s4+$0x0], $0xffff;
	v20 =	vadd.f32 v25, v20  }
0xfb: {  	v62 =	vadd.s32 $0x3E80, v11;
	v27 =	vunpack.i.u.bf16.f32 v52;
	v21 =	vadd.f32 v60, v21  }
0xfc: {  	v33 =	vadd.s32 $0x3E80, v10;
	v19 =	vld.idx.msk [tilespmem:v53+s4+$0x0], $0xffff;
	v20 =	vadd.f32 v27, v20  }
0xfd: {  	v24 =	vunpack.i.l.bf16.f32 v55;
	v32 =	vunpack.i.u.bf16.f32 v23;
	v23 =	vunpack.i.l.bf16.f32 v23;
	[tilespmem:v58+s26+$0x0] =	vst.idx.msk $0xffff, v21  }
0xfe: {  	v43 =	vadd.s32 $0x3E80, v8;
	v35 =	vld.idx.msk [tilespmem:v56+s4+$0x0], $0xffff;
	v63 =	vunpack.i.u.bf16.f32 v55;
	v23 =	vadd.f32 v23, v24;
	[tilespmem:v59+s26+$0x0] =	vst.idx.msk $0xffff, v20  }
0xff: {  	v39 =	vadd.s32 $0x3E80, v9;
	v37 =	vunpack.i.l.bf16.f32 v28;
	v34 =	vadd.f32 v32, v63;
	v38 =	vld.idx.msk [tilespmem:v61+s4+$0x0], $0xffff  }
0x100: {  	v42 =	vadd.s32 $0x10, v7;
	v36 =	vunpack.i.u.bf16.f32 v28;
	v22 =	vadd.f32 v37, v23;
	v41 =	vld.idx.msk [tilespmem:v62+s4+$0x0], $0xffff  }
0x101: {  	v40 =	vunpack.i.u.bf16.f32 v19;
	v19 =	vunpack.i.l.bf16.f32 v19;
	v20 =	vadd.f32 v36, v34  }
0x102: {  	v46 =	vadd.s32 $0x4650, v17;
	v44 =	vadd.s32 $0x11, v7;
	v21 =	vld.idx.msk [tilespmem:v33+s4+$0x0], $0xffff;
	v19 =	vadd.f32 v19, v22  }
0x103: {  	v49 =	vadd.s32 $0x4650, v14;
	v26 =	vunpack.i.l.bf16.f32 v35;
	v20 =	vadd.f32 v40, v20  }
0x104: {  	v47 =	vadd.s32 $0x4650, v18;
	v45 =	vunpack.i.u.bf16.f32 v35;
	v48 =	vld.idx.msk [tilespmem:v39+s4+$0x0], $0xffff;
	v19 =	vadd.f32 v26, v19  }
0x105: {  	v20 =	vadd.f32 v45, v20;
	v50 =	vunpack.i.l.bf16.f32 v38;
	v51 =	vunpack.i.l.bf16.f32 v41  }
0x106: {  	v54 =	vld.idx.msk [tilespmem:v43+s4+$0x0], $0xffff;
	v52 =	vunpack.i.u.bf16.f32 v38;
	v24 =	vunpack.i.u.bf16.f32 v41;
	[tilespmem:v42+s26+$0x0] =	vst.idx.msk $0xffff, v19;
	v53 =	vadd.f32 v51, v50  }
0x107: {  	v60 =	vadd.s32 $0x10, v13;
	v56 =	vunpack.i.l.bf16.f32 v21;
	v19 =	vadd.f32 v24, v52;
	[tilespmem:v44+s26+$0x0] =	vst.idx.msk $0xffff, v20  }
0x108: {  	v55 =	vadd.s32 $0x4650, v15;
	v21 =	vunpack.i.u.bf16.f32 v21;
	v57 =	vld.idx.msk [tilespmem:v46+s4+$0x0], $0xffff;
	v22 =	vadd.f32 v56, v53  }
0x109: {  	v58 =	vadd.s32 $0x4650, v16;
	v59 =	vunpack.i.l.bf16.f32 v48;
	v23 =	vld.idx.msk [tilespmem:v47+s4+$0x0], $0xffff;
	v19 =	vadd.f32 v21, v19  }
0x10a: {  	v61 =	vadd.s32 $0x11, v13;
	v26 =	vunpack.i.u.bf16.f32 v48;
	v21 =	vadd.f32 v59, v22  }
0x10b: {  	v63 =	vadd.s32 $0x4650, v12;
	v62 =	vunpack.i.l.bf16.f32 v54;
	v28 =	vld.idx.msk [tilespmem:v49+s4+$0x0], $0xffff;
	v19 =	vadd.f32 v26, v19  }
0x10c: {  	v33 =	vadd.s32 $0x4650, v11;
	v27 =	vunpack.i.u.bf16.f32 v54;
	v21 =	vadd.f32 v62, v21  }
0x10d: {  	v36 =	vadd.s32 $0x4650, v10;
	v20 =	vld.idx.msk [tilespmem:v55+s4+$0x0], $0xffff;
	v19 =	vadd.f32 v27, v19  }
0x10e: {  	v24 =	vunpack.i.l.bf16.f32 v57;
	v35 =	vunpack.i.u.bf16.f32 v23;
	v23 =	vunpack.i.l.bf16.f32 v23;
	[tilespmem:v60+s26+$0x0] =	vst.idx.msk $0xffff, v21  }
0x10f: {  	v45 =	vadd.s32 $0x12, v7;
	v38 =	vld.idx.msk [tilespmem:v58+s4+$0x0], $0xffff;
	v34 =	vunpack.i.u.bf16.f32 v57;
	v23 =	vadd.f32 v23, v24;
	[tilespmem:v61+s26+$0x0] =	vst.idx.msk $0xffff, v19  }
0x110: {  	v42 =	vadd.s32 $0x4650, v9;
	v40 =	vunpack.i.l.bf16.f32 v28;
	v37 =	vadd.f32 v35, v34;
	v41 =	vld.idx.msk [tilespmem:v63+s4+$0x0], $0xffff  }
0x111: {  	v46 =	vadd.s32 $0x4650, v8;
	v39 =	vunpack.i.u.bf16.f32 v28;
	v22 =	vadd.f32 v40, v23;
	v44 =	vld.idx.msk [tilespmem:v33+s4+$0x0], $0xffff  }
0x112: {  	v43 =	vunpack.i.u.bf16.f32 v20;
	v20 =	vunpack.i.l.bf16.f32 v20;
	v19 =	vadd.f32 v39, v37  }
0x113: {  	v50 =	vadd.s32 $0x4E20, v18;
	v47 =	vadd.s32 $0x13, v7;
	v21 =	vld.idx.msk [tilespmem:v36+s4+$0x0], $0xffff;
	v20 =	vadd.f32 v20, v22  }
0x114: {  	v49 =	vadd.s32 $0x4E20, v17;
	v25 =	vunpack.i.l.bf16.f32 v38;
	v19 =	vadd.f32 v43, v19  }
0x115: {  	v52 =	vadd.s32 $0x4E20, v14;
	v48 =	vunpack.i.u.bf16.f32 v38;
	v51 =	vld.idx.msk [tilespmem:v42+s4+$0x0], $0xffff;
	v20 =	vadd.f32 v25, v20  }
0x116: {  	v19 =	vadd.f32 v48, v19;
	v53 =	vunpack.i.l.bf16.f32 v41;
	v54 =	vunpack.i.l.bf16.f32 v44  }
0x117: {  	v57 =	vld.idx.msk [tilespmem:v46+s4+$0x0], $0xffff;
	v55 =	vunpack.i.u.bf16.f32 v41;
	v24 =	vunpack.i.u.bf16.f32 v44;
	[tilespmem:v45+s26+$0x0] =	vst.idx.msk $0xffff, v20;
	v56 =	vadd.f32 v54, v53  }
0x118: {  	v58 =	vadd.s32 $0x4E20, v15;
	v59 =	vunpack.i.l.bf16.f32 v21;
	v20 =	vadd.f32 v24, v55;
	[tilespmem:v47+s26+$0x0] =	vst.idx.msk $0xffff, v19  }
0x119: {  	v61 =	vadd.s32 $0x4E20, v16;
	v21 =	vunpack.i.u.bf16.f32 v21;
	v60 =	vld.idx.msk [tilespmem:v49+s4+$0x0], $0xffff;
	v22 =	vadd.f32 v59, v56  }
0x11a: {  	v63 =	vadd.s32 $0x12, v13;
	v62 =	vunpack.i.l.bf16.f32 v51;
	v23 =	vld.idx.msk [tilespmem:v50+s4+$0x0], $0xffff;
	v20 =	vadd.f32 v21, v20  }
0x11b: {  	v33 =	vadd.s32 $0x13, v13;
	v25 =	vunpack.i.u.bf16.f32 v51;
	v21 =	vadd.f32 v62, v22  }
0x11c: {  	v35 =	vadd.s32 $0x4E20, v12;
	v34 =	vunpack.i.l.bf16.f32 v57;
	v28 =	vld.idx.msk [tilespmem:v52+s4+$0x0], $0xffff;
	v20 =	vadd.f32 v25, v20  }
0x11d: {  	v36 =	vadd.s32 $0x4E20, v11;
	v27 =	vunpack.i.u.bf16.f32 v57;
	v21 =	vadd.f32 v34, v21  }
0x11e: {  	v39 =	vadd.s32 $0x4E20, v10;
	v19 =	vld.idx.msk [tilespmem:v58+s4+$0x0], $0xffff;
	v20 =	vadd.f32 v27, v20  }
0x11f: {  	v24 =	vunpack.i.l.bf16.f32 v60;
	v38 =	vunpack.i.u.bf16.f32 v23;
	v23 =	vunpack.i.l.bf16.f32 v23;
	[tilespmem:v63+s26+$0x0] =	vst.idx.msk $0xffff, v21  }
0x120: {  	v48 =	vadd.s32 $0x14, v7;
	v41 =	vld.idx.msk [tilespmem:v61+s4+$0x0], $0xffff;
	v37 =	vunpack.i.u.bf16.f32 v60;
	v23 =	vadd.f32 v23, v24;
	[tilespmem:v33+s26+$0x0] =	vst.idx.msk $0xffff, v20  }
0x121: {  	v45 =	vadd.s32 $0x4E20, v9;
	v43 =	vunpack.i.l.bf16.f32 v28;
	v40 =	vadd.f32 v38, v37;
	v44 =	vld.idx.msk [tilespmem:v35+s4+$0x0], $0xffff  }
0x122: {  	v49 =	vadd.s32 $0x4E20, v8;
	v42 =	vunpack.i.u.bf16.f32 v28;
	v22 =	vadd.f32 v43, v23;
	v47 =	vld.idx.msk [tilespmem:v36+s4+$0x0], $0xffff  }
0x123: {  	v46 =	vunpack.i.u.bf16.f32 v19;
	v19 =	vunpack.i.l.bf16.f32 v19;
	v20 =	vadd.f32 v42, v40  }
0x124: {  	v53 =	vadd.s32 $0x55F0, v18;
	v50 =	vadd.s32 $0x15, v7;
	v21 =	vld.idx.msk [tilespmem:v39+s4+$0x0], $0xffff;
	v19 =	vadd.f32 v19, v22  }
0x125: {  	v52 =	vadd.s32 $0x55F0, v17;
	v26 =	vunpack.i.l.bf16.f32 v41;
	v20 =	vadd.f32 v46, v20  }
0x126: {  	v55 =	vadd.s32 $0x55F0, v14;
	v51 =	vunpack.i.u.bf16.f32 v41;
	v54 =	vld.idx.msk [tilespmem:v45+s4+$0x0], $0xffff;
	v19 =	vadd.f32 v26, v19  }
0x127: {  	v20 =	vadd.f32 v51, v20;
	v56 =	vunpack.i.l.bf16.f32 v44;
	v57 =	vunpack.i.l.bf16.f32 v47  }
0x128: {  	v60 =	vld.idx.msk [tilespmem:v49+s4+$0x0], $0xffff;
	v58 =	vunpack.i.u.bf16.f32 v44;
	v24 =	vunpack.i.u.bf16.f32 v47;
	[tilespmem:v48+s26+$0x0] =	vst.idx.msk $0xffff, v19;
	v59 =	vadd.f32 v57, v56  }
0x129: {  	v61 =	vadd.s32 $0x55F0, v15;
	v62 =	vunpack.i.l.bf16.f32 v21;
	v19 =	vadd.f32 v24, v58;
	[tilespmem:v50+s26+$0x0] =	vst.idx.msk $0xffff, v20  }
0x12a: {  	v33 =	vadd.s32 $0x55F0, v16;
	v21 =	vunpack.i.u.bf16.f32 v21;
	v63 =	vld.idx.msk [tilespmem:v52+s4+$0x0], $0xffff;
	v22 =	vadd.f32 v62, v59  }
0x12b: {  	v35 =	vadd.s32 $0x14, v13;
	v34 =	vunpack.i.l.bf16.f32 v54;
	v23 =	vld.idx.msk [tilespmem:v53+s4+$0x0], $0xffff;
	v19 =	vadd.f32 v21, v19  }
0x12c: {  	v36 =	vadd.s32 $0x15, v13;
	v26 =	vunpack.i.u.bf16.f32 v54;
	v21 =	vadd.f32 v34, v22  }
0x12d: {  	v38 =	vadd.s32 $0x55F0, v12;
	v37 =	vunpack.i.l.bf16.f32 v60;
	v28 =	vld.idx.msk [tilespmem:v55+s4+$0x0], $0xffff;
	v19 =	vadd.f32 v26, v19  }
0x12e: {  	v39 =	vadd.s32 $0x55F0, v11;
	v27 =	vunpack.i.u.bf16.f32 v60;
	v21 =	vadd.f32 v37, v21  }
0x12f: {  	v42 =	vadd.s32 $0x55F0, v10;
	v20 =	vld.idx.msk [tilespmem:v61+s4+$0x0], $0xffff;
	v19 =	vadd.f32 v27, v19  }
0x130: {  	v24 =	vunpack.i.l.bf16.f32 v63;
	v41 =	vunpack.i.u.bf16.f32 v23;
	v23 =	vunpack.i.l.bf16.f32 v23;
	[tilespmem:v35+s26+$0x0] =	vst.idx.msk $0xffff, v21  }
0x131: {  	v51 =	vadd.s32 $0x16, v7;
	v44 =	vld.idx.msk [tilespmem:v33+s4+$0x0], $0xffff;
	v40 =	vunpack.i.u.bf16.f32 v63;
	v23 =	vadd.f32 v23, v24;
	[tilespmem:v36+s26+$0x0] =	vst.idx.msk $0xffff, v19  }
0x132: {  	v48 =	vadd.s32 $0x55F0, v9;
	v46 =	vunpack.i.l.bf16.f32 v28;
	v43 =	vadd.f32 v41, v40;
	v47 =	vld.idx.msk [tilespmem:v38+s4+$0x0], $0xffff  }
0x133: {  	v52 =	vadd.s32 $0x55F0, v8;
	v45 =	vunpack.i.u.bf16.f32 v28;
	v22 =	vadd.f32 v46, v23;
	v50 =	vld.idx.msk [tilespmem:v39+s4+$0x0], $0xffff  }
0x134: {  	v49 =	vunpack.i.u.bf16.f32 v20;
	v20 =	vunpack.i.l.bf16.f32 v20;
	v19 =	vadd.f32 v45, v43  }
0x135: {  	v56 =	vadd.s32 $0x5DC0, v18;
	v53 =	vadd.s32 $0x17, v7;
	v21 =	vld.idx.msk [tilespmem:v42+s4+$0x0], $0xffff;
	v20 =	vadd.f32 v20, v22  }
0x136: {  	v55 =	vadd.s32 $0x5DC0, v17;
	v25 =	vunpack.i.l.bf16.f32 v44;
	v19 =	vadd.f32 v49, v19  }
0x137: {  	v58 =	vadd.s32 $0x5DC0, v14;
	v54 =	vunpack.i.u.bf16.f32 v44;
	v57 =	vld.idx.msk [tilespmem:v48+s4+$0x0], $0xffff;
	v20 =	vadd.f32 v25, v20  }
0x138: {  	v19 =	vadd.f32 v54, v19;
	v59 =	vunpack.i.l.bf16.f32 v47;
	v60 =	vunpack.i.l.bf16.f32 v50  }
0x139: {  	v63 =	vld.idx.msk [tilespmem:v52+s4+$0x0], $0xffff;
	v61 =	vunpack.i.u.bf16.f32 v47;
	v24 =	vunpack.i.u.bf16.f32 v50;
	[tilespmem:v51+s26+$0x0] =	vst.idx.msk $0xffff, v20;
	v62 =	vadd.f32 v60, v59  }
0x13a: {  	v33 =	vadd.s32 $0x5DC0, v15;
	v34 =	vunpack.i.l.bf16.f32 v21;
	v20 =	vadd.f32 v24, v61;
	[tilespmem:v53+s26+$0x0] =	vst.idx.msk $0xffff, v19  }
0x13b: {  	v36 =	vadd.s32 $0x5DC0, v16;
	v21 =	vunpack.i.u.bf16.f32 v21;
	v35 =	vld.idx.msk [tilespmem:v55+s4+$0x0], $0xffff;
	v22 =	vadd.f32 v34, v62  }
0x13c: {  	v38 =	vadd.s32 $0x16, v13;
	v37 =	vunpack.i.l.bf16.f32 v57;
	v23 =	vld.idx.msk [tilespmem:v56+s4+$0x0], $0xffff;
	v20 =	vadd.f32 v21, v20  }
0x13d: {  	v39 =	vadd.s32 $0x17, v13;
	v25 =	vunpack.i.u.bf16.f32 v57;
	v21 =	vadd.f32 v37, v22  }
0x13e: {  	v41 =	vadd.s32 $0x5DC0, v12;
	v40 =	vunpack.i.l.bf16.f32 v63;
	v28 =	vld.idx.msk [tilespmem:v58+s4+$0x0], $0xffff;
	v20 =	vadd.f32 v25, v20  }
0x13f: {  	v42 =	vadd.s32 $0x5DC0, v11;
	v27 =	vunpack.i.u.bf16.f32 v63;
	v21 =	vadd.f32 v40, v21  }
0x140: {  	v45 =	vadd.s32 $0x5DC0, v10;
	v19 =	vld.idx.msk [tilespmem:v33+s4+$0x0], $0xffff;
	v20 =	vadd.f32 v27, v20  }
0x141: {  	v24 =	vunpack.i.l.bf16.f32 v35;
	v44 =	vunpack.i.u.bf16.f32 v23;
	v23 =	vunpack.i.l.bf16.f32 v23;
	[tilespmem:v38+s26+$0x0] =	vst.idx.msk $0xffff, v21  }
0x142: {  	v54 =	vadd.s32 $0x18, v7;
	v47 =	vld.idx.msk [tilespmem:v36+s4+$0x0], $0xffff;
	v43 =	vunpack.i.u.bf16.f32 v35;
	v23 =	vadd.f32 v23, v24;
	[tilespmem:v39+s26+$0x0] =	vst.idx.msk $0xffff, v20  }
0x143: {  	v51 =	vadd.s32 $0x5DC0, v9;
	v49 =	vunpack.i.l.bf16.f32 v28;
	v46 =	vadd.f32 v44, v43;
	v50 =	vld.idx.msk [tilespmem:v41+s4+$0x0], $0xffff  }
0x144: {  	v55 =	vadd.s32 $0x5DC0, v8;
	v48 =	vunpack.i.u.bf16.f32 v28;
	v22 =	vadd.f32 v49, v23;
	v53 =	vld.idx.msk [tilespmem:v42+s4+$0x0], $0xffff  }
0x145: {  	v52 =	vunpack.i.u.bf16.f32 v19;
	v19 =	vunpack.i.l.bf16.f32 v19;
	v20 =	vadd.f32 v48, v46  }
0x146: {  	v59 =	vadd.s32 $0x6590, v18;
	v61 =	vadd.s32 $0x6590, v14;
	v21 =	vld.idx.msk [tilespmem:v45+s4+$0x0], $0xffff;
	v19 =	vadd.f32 v19, v22  }
0x147: {  	v56 =	vadd.s32 $0x19, v7;
	v26 =	vunpack.i.l.bf16.f32 v47;
	v20 =	vadd.f32 v52, v20  }
0x148: {  	v58 =	vadd.s32 $0x6590, v17;
	v57 =	vunpack.i.u.bf16.f32 v47;
	v60 =	vld.idx.msk [tilespmem:v51+s4+$0x0], $0xffff;
	v19 =	vadd.f32 v26, v19  }
0x149: {  	v20 =	vadd.f32 v57, v20;
	v62 =	vunpack.i.l.bf16.f32 v50;
	v63 =	vunpack.i.l.bf16.f32 v53  }
0x14a: {  	v36 =	vld.idx.msk [tilespmem:v55+s4+$0x0], $0xffff;
	v34 =	vunpack.i.u.bf16.f32 v50;
	v24 =	vunpack.i.u.bf16.f32 v53;
	v35 =	vadd.f32 v63, v62  }
0x14b: {  	v37 =	vadd.s32 $0x6590, v15;
	v38 =	vunpack.i.l.bf16.f32 v21;
	[tilespmem:v54+s26+$0x0] =	vst.idx.msk $0xffff, v19;
	v19 =	vadd.f32 v24, v34  }
0x14c: {  	v40 =	vadd.s32 $0x6590, v16;
	v21 =	vunpack.i.u.bf16.f32 v21;
	[tilespmem:v56+s26+$0x0] =	vst.idx.msk $0xffff, v20;
	v22 =	vadd.f32 v38, v35  }
0x14d: {  	v42 =	vadd.s32 $0x18, v13;
	v41 =	vunpack.i.l.bf16.f32 v60;
	v39 =	vld.idx.msk [tilespmem:v58+s4+$0x0], $0xffff;
	v19 =	vadd.f32 v21, v19  }
0x14e: {  	v43 =	vadd.s32 $0x19, v13;
	v26 =	vunpack.i.u.bf16.f32 v60;
	v23 =	vld.idx.msk [tilespmem:v59+s4+$0x0], $0xffff;
	v21 =	vadd.f32 v41, v22  }
0x14f: {  	v45 =	vadd.s32 $0x6590, v12;
	v44 =	vunpack.i.l.bf16.f32 v36;
	v19 =	vadd.f32 v26, v19  }
0x150: {  	v46 =	vadd.s32 $0x6590, v11;
	v27 =	vunpack.i.u.bf16.f32 v36;
	v28 =	vld.idx.msk [tilespmem:v61+s4+$0x0], $0xffff;
	v21 =	vadd.f32 v44, v21  }
0x151: {  	v49 =	vadd.s32 $0x6590, v10;
	v19 =	vadd.f32 v27, v19  }
0x152: {  	v55 =	vadd.s32 $0x6590, v9;
	v60 =	vadd.s32 $0x1B, v7;
	v62 =	vadd.s32 $0x6D60, v17;
	v20 =	vld.idx.msk [tilespmem:v37+s4+$0x0], $0xffff;
	[tilespmem:v42+s26+$0x0] =	vst.idx.msk $0xffff, v21  }
0x153: {  	v51 =	vld.idx.msk [tilespmem:v40+s4+$0x0], $0xffff;
	v24 =	vunpack.i.l.bf16.f32 v39;
	v48 =	vunpack.i.u.bf16.f32 v23;
	v23 =	vunpack.i.l.bf16.f32 v23;
	[tilespmem:v43+s26+$0x0] =	vst.idx.msk $0xffff, v19  }
0x154: {  	v63 =	vadd.s32 $0x6D60, v18;
	v47 =	vunpack.i.u.bf16.f32 v39;
	v23 =	vadd.f32 v23, v24;
	v54 =	vld.idx.msk [tilespmem:v45+s4+$0x0], $0xffff  }
0x155: {  	v58 =	vadd.s32 $0x1A, v7;
	v53 =	vunpack.i.l.bf16.f32 v28;
	v50 =	vadd.f32 v48, v47;
	v57 =	vld.idx.msk [tilespmem:v46+s4+$0x0], $0xffff  }
0x156: {  	v59 =	vadd.s32 $0x6590, v8;
	v52 =	vunpack.i.u.bf16.f32 v28;
	v22 =	vadd.f32 v53, v23  }
0x157: {  	v56 =	vunpack.i.u.bf16.f32 v20;
	v20 =	vunpack.i.l.bf16.f32 v20;
	v19 =	vadd.f32 v52, v50;
	v21 =	vld.idx.msk [tilespmem:v49+s4+$0x0], $0xffff  }
0x158: {  	v37 =	vadd.s32 $0x6D60, v14;
	v61 =	vunpack.i.u.bf16.f32 v51;
	v20 =	vadd.f32 v20, v22  }
0x159: {  	v25 =	vunpack.i.l.bf16.f32 v51;
	v48 =	vadd.s32 $0x1A, v13;
	v36 =	vld.idx.msk [tilespmem:v55+s4+$0x0], $0xffff;
	v19 =	vadd.f32 v56, v19  }
0x15a: {  	v20 =	vadd.f32 v25, v20;
	v38 =	vunpack.i.l.bf16.f32 v54;
	v39 =	vunpack.i.l.bf16.f32 v57  }
0x15b: {  	v42 =	vld.idx.msk [tilespmem:v59+s4+$0x0], $0xffff;
	v40 =	vunpack.i.u.bf16.f32 v54;
	v24 =	vunpack.i.u.bf16.f32 v57;
	v41 =	vadd.f32 v39, v38  }
0x15c: {  	v19 =	vadd.f32 v61, v19;
	v44 =	vunpack.i.l.bf16.f32 v21;
	[tilespmem:v58+s26+$0x0] =	vst.idx.msk $0xffff, v20;
	v20 =	vadd.f32 v24, v40  }
0x15d: {  	v43 =	vadd.s32 $0x6D60, v15;
	v21 =	vunpack.i.u.bf16.f32 v21;
	v22 =	vadd.f32 v44, v41  }
0x15e: {  	v46 =	vadd.s32 $0x6D60, v16;
	v47 =	vunpack.i.l.bf16.f32 v36;
	[tilespmem:v60+s26+$0x0] =	vst.idx.msk $0xffff, v19;
	v20 =	vadd.f32 v21, v20  }
0x15f: {  	v49 =	vadd.s32 $0x1B, v13;
	v25 =	vunpack.i.u.bf16.f32 v36;
	v45 =	vld.idx.msk [tilespmem:v62+s4+$0x0], $0xffff;
	v21 =	vadd.f32 v47, v22  }
0x160: {  	v51 =	vadd.s32 $0x6D60, v12;
	v50 =	vunpack.i.l.bf16.f32 v42;
	v23 =	vld.idx.msk [tilespmem:v63+s4+$0x0], $0xffff;
	v20 =	vadd.f32 v25, v20  }
0x161: {  	v52 =	vadd.s32 $0x6D60, v11;
	v27 =	vunpack.i.u.bf16.f32 v42;
	v21 =	vadd.f32 v50, v21  }
0x162: {  	v32 =	vadd.s32 $0x6D60, v8;
	v28 =	vld.idx.msk [tilespmem:v37+s4+$0x0], $0xffff;
	v20 =	vadd.f32 v27, v20  }
0x163: {  	v34 =	vadd.s32 $0x1C, v7;
	v17 =	vadd.s32 $0x7530, v17;
	v55 =	vadd.s32 $0x6D60, v10;
	v19 =	vld.idx.msk [tilespmem:v43+s4+$0x0], $0xffff;
	[tilespmem:v48+s26+$0x0] =	vst.idx.msk $0xffff, v21  }
0x164: {  	v18 =	vadd.s32 $0x7530, v18;
	v35 =	vadd.s32 $0x1D, v7;
	v61 =	vadd.s32 $0x6D60, v9;
	v56 =	vld.idx.msk [tilespmem:v46+s4+$0x0], $0xffff;
	[tilespmem:v49+s26+$0x0] =	vst.idx.msk $0xffff, v20  }
0x165: {  	v24 =	vunpack.i.l.bf16.f32 v45;
	v54 =	vunpack.i.u.bf16.f32 v23;
	v23 =	vunpack.i.l.bf16.f32 v23;
	v59 =	vld.idx.msk [tilespmem:v51+s4+$0x0], $0xffff  }
0x166: {  	v14 =	vadd.s32 $0x7530, v14;
	v53 =	vunpack.i.u.bf16.f32 v45;
	v23 =	vadd.f32 v23, v24;
	v60 =	vld.idx.msk [tilespmem:v52+s4+$0x0], $0xffff  }
0x167: {  	v15 =	vadd.s32 $0x7530, v15;
	v58 =	vunpack.i.l.bf16.f32 v28;
	v21 =	vadd.f32 v54, v53  }
0x168: {  	v16 =	vadd.s32 $0x7530, v16;
	v57 =	vunpack.i.u.bf16.f32 v28;
	v22 =	vadd.f32 v58, v23;
	v63 =	vld.idx.msk [tilespmem:v55+s4+$0x0], $0xffff  }
0x169: {  	v62 =	vunpack.i.u.bf16.f32 v19;
	v19 =	vunpack.i.l.bf16.f32 v19;
	v20 =	vadd.f32 v57, v21  }
0x16a: {  	v33 =	vunpack.i.u.bf16.f32 v56;
	v24 =	vunpack.i.l.bf16.f32 v56;
	v23 =	vld.idx.msk [tilespmem:v61+s4+$0x0], $0xffff;
	v19 =	vadd.f32 v19, v22  }
0x16b: {  	v20 =	vadd.f32 v62, v20;
	v36 =	vunpack.i.l.bf16.f32 v59;
	v37 =	vunpack.i.l.bf16.f32 v60  }
0x16c: {  	v25 =	vld.idx.msk [tilespmem:v32+s4+$0x0], $0xffff;
	v27 =	vunpack.i.u.bf16.f32 v59;
	v21 =	vunpack.i.u.bf16.f32 v60;
	v28 =	vadd.f32 v37, v36  }
0x16d: {  	v19 =	vadd.f32 v24, v19;
	v38 =	vunpack.i.l.bf16.f32 v63;
	v21 =	vadd.f32 v21, v27  }
0x16e: {  	v20 =	vadd.f32 v33, v20;
	v40 =	vunpack.i.u.bf16.f32 v63;
	v39 =	vadd.f32 v38, v28  }
0x16f: {  	v42 =	vadd.s32 $0x1C, v13;
	v41 =	vunpack.i.l.bf16.f32 v23;
	[tilespmem:v34+s26+$0x0] =	vst.idx.msk $0xffff, v19;
	v19 =	vadd.f32 v40, v21  }
0x170: {  	v44 =	vadd.s32 $0x1D, v13;
	v43 =	vunpack.i.u.bf16.f32 v23;
	[tilespmem:v35+s26+$0x0] =	vst.idx.msk $0xffff, v20;
	v20 =	vadd.f32 v41, v39  }
0x171: {  	v12 =	vadd.s32 $0x7530, v12;
	v45 =	vunpack.i.l.bf16.f32 v25;
	v17 =	vld.idx.msk [tilespmem:v17+s4+$0x0], $0xffff;
	v19 =	vadd.f32 v43, v19  }
0x172: {  	v11 =	vadd.s32 $0x7530, v11;
	v46 =	vunpack.i.u.bf16.f32 v25;
	v18 =	vld.idx.msk [tilespmem:v18+s4+$0x0], $0xffff;
	v20 =	vadd.f32 v45, v20  }
0x173: {  	v14 =	vld.idx.msk [tilespmem:v14+s4+$0x0], $0xffff;
	v19 =	vadd.f32 v46, v19  }
0x174: {  	v10 =	vadd.s32 $0x7530, v10;
	v15 =	vld.idx.msk [tilespmem:v15+s4+$0x0], $0xffff;
	[tilespmem:v42+s26+$0x0] =	vst.idx.msk $0xffff, v20  }
0x175: {  	v16 =	vld.idx.msk [tilespmem:v16+s4+$0x0], $0xffff;
	[tilespmem:v44+s26+$0x0] =	vst.idx.msk $0xffff, v19  }
0x176: {  	v8 =	vadd.s32 $0x7530, v8;
	v9 =	vadd.s32 $0x7530, v9;
	v62 =	vadd.s32 $0x1E, v13;
	v12 =	vld.idx.msk [tilespmem:v12+s4+$0x0], $0xffff  }
0x177: {  	v13 =	vadd.s32 $0x1F, v13;
	v59 =	vadd.s32 $0x1E, v7;
	v7 =	vadd.s32 $0x1F, v7;
	v11 =	vld.idx.msk [tilespmem:v11+s4+$0x0], $0xffff  }
0x178: {  	v47 =	vunpack.i.u.bf16.f32 v17;
	v17 =	vunpack.i.l.bf16.f32 v17;
	v48 =	vunpack.i.u.bf16.f32 v18  }
0x179: {  	v18 =	vunpack.i.l.bf16.f32 v18;
	v50 =	vunpack.i.u.bf16.f32 v14;
	v14 =	vunpack.i.l.bf16.f32 v14;
	v10 =	vld.idx.msk [tilespmem:v10+s4+$0x0], $0xffff  }
0x17a: {  	v52 =	vunpack.i.u.bf16.f32 v15;
	v15 =	vunpack.i.l.bf16.f32 v15;
	v17 =	vadd.f32 v18, v17  }
0x17b: {  	v54 =	vunpack.i.l.bf16.f32 v16;
	v16 =	vunpack.i.u.bf16.f32 v16;
	v49 =	vadd.f32 v48, v47;
	v9 =	vld.idx.msk [tilespmem:v9+s4+$0x0], $0xffff  }
0x17c: {  	v14 =	vadd.f32 v14, v17;
	v55 =	vunpack.i.l.bf16.f32 v12;
	v56 =	vunpack.i.l.bf16.f32 v11  }
0x17d: {  	v8 =	vld.idx.msk [tilespmem:v8+s4+$0x0], $0xffff;
	v12 =	vunpack.i.u.bf16.f32 v12;
	v11 =	vunpack.i.u.bf16.f32 v11;
	v57 =	vadd.f32 v56, v55  }
0x17e: {  	v51 =	vadd.f32 v50, v49;
	v58 =	vunpack.i.l.bf16.f32 v10;
	v11 =	vadd.f32 v11, v12  }
0x17f: {  	v14 =	vadd.f32 v15, v14;
	v10 =	vunpack.i.u.bf16.f32 v10;
	v17 =	vadd.f32 v58, v57  }
0x180: {  	s17 =	sadd.s32 $0x2, s17;
	v53 =	vadd.f32 v52, v51;
	v60 =	vunpack.i.l.bf16.f32 v9;
	v10 =	vadd.f32 v10, v11  }
0x181: {  	p2 =	slt.u32 s17, $0x6;
	v14 =	vadd.f32 v54, v14;
	v9 =	vunpack.i.u.bf16.f32 v9;
	v61 =	vadd.f32 v60, v17  }
.Ltmp4:
0x182: {  	v15 =	vadd.f32 v16, v53;
	v63 =	vunpack.i.l.bf16.f32 v8;
	v9 =	vadd.f32 v9, v10;
	(pc) =	sbr.rel @p2 .LBB2_7-.Ltmp4, $4  }
0x183: {  	v8 =	vunpack.i.u.bf16.f32 v8;
	[tilespmem:v59+s26+$0x0] =	vst.idx.msk $0xffff, v14;
	v10 =	vadd.f32 v63, v61  }
0x184: {  	[tilespmem:v7+s26+$0x0] =	vst.idx.msk $0xffff, v15;
	v7 =	vadd.f32 v8, v9  }
0x185: {  	[tilespmem:v62+s26+$0x0] =	vst.idx.msk $0xffff, v10  }
0x186: {  	s10 =	sadd.s32 $0x20, s10;
	[tilespmem:v13+s26+$0x0] =	vst.idx.msk $0xffff, v7  }
0x187: {  	s0 =	sshll.u32 s9, $0xE  }
0x188: {  	s10 =	sadd.s32 s12, s0  }
0x189: {  	s0 =	sor.u32 s13, s10  }
0x18a: {  	s0 =	sshrl.u32 s0, $0x3  }
0x18b: {  	s1 =	simm.s32 $0xCF00;
	s17 =	sadd.s32 s3, s0  }
0x18c: {  	s19 =	simm.s32 $0xCF28;
	s0 =	simm.s32 $0x8;
	s24 =	sadd.s32 $0x0, s17  }
.LBB2_9:
0x18d: {  	[hbm4b:s24+s4] =	stream.linear.scatter [tilespmem:s1], [sflag:$0x7], $0x20, $0x38;
	[tilespmem:$0xF700] =	vst v63  }
0x18e: {  	s24 =	smov.u32 s0;
	s1 =	smov.u32 s19;
	p2 =	sne.s32 s0, $0x3F8  }
.Ltmp5:
0x18f: {  	s0 =	sadd.s32 $0x8, s0;
	(pc) =	sbr.rel @p2 .LBB2_9-.Ltmp5, $2  }
0x190: {  	_ =	sdelay $0x2  }
0x191: {  	s19 =	sadd.s32 $0x28, s19;
	s24 =	sadd.s32 s24, s17  }
0x192: {  	[hbm4b:s24+s4] =	stream.linear.scatter [tilespmem:s1], [sflag:$0x7], $0x20, $0x38;
	[tilespmem:$0xF700] =	vst v63  }
0x193: {  	s0 =	simm.s32 @!p0 $0x3  }
0x194: {  	_ =	swait.ge @!p0 [sflag:s0], $0x2000  }
0x195: {  	[sflag:s0] =	ssyncset.done @!p0 $0x0  }
0x196: {  	s1 =	simm.s32 @!p0 $0x0;
	[sflag:s0] =	ssyncadd.s32 @!p0 $0xFFFFE000;
	s0 =	sshrl.u32 @!p0 s10, $0x3  }
0x197: {  	p2 =	seq.s32 s9, $0x31;
	s10 =	simm.s32 @!p0 $0x8F00;
	s0 =	sadd.s32 @!p0 s2, s0  }
0x198: {  	[hbm4b:s0+s1] =	stream.linear.scatter @!p0 [tilespmem:s10], [sflag:$0x5], $0x2000, $0x38;
	[tilespmem:$0xF700] =	vst v63  }
0x199: {  	s0 =	sadd.s32 @!p2 s11, s14  }
0x19a: {  	s0 =	sshrl.u32 @!p2 s0, $0x3  }
0x19b: {  	s1 =	simm.s32 @!p2 $0x0;
	s10 =	simm.s32 @!p2 $0x7D00;
	s0 =	sadd.s32 @!p2 s5, s0  }
0x19c: {  	[tilespmem:s10], [sflag:$0x9] =	stream.linear.gather @!p2 [hbm4b:s0+s1], $0x80, $0x38;
	[tilespmem:$0xF700] =	vst v63  }
0x19d: {  	s0 =	simm.s32 @!p2 $0x9  }
0x19e: {  	_ =	swait.ge @!p2 [sflag:s0], $0x80  }
0x19f: {  	s1 =	simm.s32 @!p2 $0x7E00;
	[sflag:s0] =	ssyncset.done @!p2 $0x0  }
.Ltmp6:
0x1a0: {  	[sflag:s0] =	ssyncadd.s32 @!p2 $0xFFFFFF80;
	s0 =	simm.s32 @!p2 $0x80;
	(pc) =	sbr.rel @p0 .LBB2_14-.Ltmp6, $4  }
0x1a1: {  	[tilespmem:s1], [sflag:$0x1] =	stream.indirect.gather @!p2 [hbm4b:s6+s0], $0x10, s10, s0, $0xb8;
	[tilespmem:$0xF700] =	vst v63  }
0x1a2: {  	_ =	swait.ge [sflag:s28], $0x800  }
0x1a3: {  	[sflag:s28] =	ssyncset.done $0x0  }
0x1a4: {  	[sflag:s28] =	ssyncadd.s32 $0xFFFFF800  }
0x1a5: {  	s0 =	simm.s32 $0x0  }
0x1a6: {  	v7 =	vmov s0  }
0x1a7: {  	v7 =	vshll.u32 v7, $0x4  }
0x1a8: {  	v7 =	vor.u32 v5, v7  }
0x1a9: {  	v7 =	vor.u32 $0x5, v7  }
0x1aa: {  	s0 =	simm.s32 @!p1 $0x6  }
0x1ab: {  	_ =	swait.ge @!p1 [sflag:s0], $0x2000  }
0x1ac: {  	[sflag:s0] =	ssyncset.done @!p1 $0x0  }
0x1ad: {  	s19 =	simm.s32 $0x10;
	[sflag:s0] =	ssyncadd.s32 @!p1 $0xFFFFE000  }
0x1ae: {  	v9 =	vld.idx.msk [tilespmem:v7+s23+$0x0], $0xffff;
	v7 =	vmov s19  }
0x1af: {  	v7 =	vshll.u32 v7, $0x4  }
0x1b0: {  	v7 =	vor.u32 v5, v7  }
0x1b1: {  	v7 =	vor.u32 $0x5, v7;
	_ =	sdelay $0x2  }
0x1b2: {  	s10 =	simm.s32 $0x8E80;
	s24 =	simm.s32 $0x20  }
0x1b3: {  	s17 =	simm.s32 $0x30;
	v8 =	vmov s24;
	[tilespmem:s10+$0x0] =	vst v9  }
.LBB2_12:
0x1b4: {  	p3 =	sne.s32 s17, $0x70;
	v8 =	vshll.u32 v8, $0x4;
	v9 =	vld.idx.msk [tilespmem:v7+s23+$0x0], $0xffff  }
0x1b5: {  	v7 =	vor.u32 v5, v8  }
.Ltmp7:
0x1b6: {  	v7 =	vor.u32 $0x5, v7;
	(pc) =	sbr.rel @p3 .LBB2_12-.Ltmp7, $3  }
0x1b7: {  	_ =	sdelay $0x1  }
0x1b8: {  	s10 =	sadd.s32 $0x10, s10  }
0x1b9: {  	v8 =	vmov s17;
	s17 =	sadd.s32 $0x10, s17;
	[tilespmem:s10+$0x0] =	vst v9  }
0x1ba: {  	_ =	sdelay $0x2  }
0x1bb: {  	v8 =	vshll.u32 v8, $0x4  }
0x1bc: {  	v7 =	vld.idx.msk [tilespmem:v7+s23+$0x0], $0xffff;
	v8 =	vor.u32 v5, v8  }
0x1bd: {  	v8 =	vor.u32 $0x5, v8;
	_ =	sdelay $0x2  }
0x1be: {  	s0 =	sadd.s32 $0x10, s10  }
0x1bf: {  	[tilespmem:s0+$0x0] =	vst v7  }
0x1c0: {  	v7 =	vld.idx.msk [tilespmem:v8+s23+$0x0], $0xffff;
	_ =	sdelay $0x3  }
0x1c1: {  	s0 =	sadd.s32 $0x10, s0  }
0x1c2: {  	[tilespmem:s0+$0x0] =	vst v7  }
0x1c3: {  	[tilespmem:s30], [sflag:$0x4] =	stream.indirect.gather [hbm4b:s7+s20], $0x40, s29, s20, $0xb8;
	[tilespmem:$0xF700] =	vst v63  }
.LBB2_14:
0x1c4: {  	s0 =	simm.s32 @!p1 $0x8  }
0x1c5: {  	_ =	swait.ge @!p1 [sflag:s0], $0x1000  }
0x1c6: {  	[sflag:s0] =	ssyncset.done @!p1 $0x0  }
0x1c7: {  	s17 =	simm.s32 $0xFFFFFFFE;
	s10 =	simm.s32 $0x10;
	[sflag:s0] =	ssyncadd.s32 @!p1 $0xFFFFF000  }
.LBB2_15:
0x1c8: {  	s0 =	sadd.s32 $0xFFFFFFF0, s10  }
0x1c9: {  	v7 =	vor.u32 s0, v3  }
0x1ca: {  	v8 =	vshll.u32 v7, $0x4  }
0x1cb: {  	v9 =	vor.u32 v0, v8  }
0x1cc: {  	v10 =	vor.u32 v1, v8  }
0x1cd: {  	v13 =	vor.u32 s10, v3  }
0x1ce: {  	v42 =	vshll.u32 v13, $0x4;
	v11 =	vor.u32 v2, v8  }
0x1cf: {  	v43 =	vor.u32 v0, v42  }
0x1d0: {  	v41 =	vor.u32 v4, v8;
	v17 =	vld.idx.msk [tilespmem:v9+s23+$0x0], $0xffff  }
0x1d1: {  	v8 =	vor.u32 v6, v8;
	v18 =	vld.idx.msk [tilespmem:v10+s23+$0x0], $0xffff  }
0x1d2: {  	v44 =	vor.u32 v1, v42  }
0x1d3: {  	v14 =	vld.idx.msk [tilespmem:v11+s23+$0x0], $0xffff  }
0x1d4: {  	v12 =	vld.idx.msk [tilespmem:v43+s23+$0x0], $0xffff  }
0x1d5: {  	v19 =	vor.u32 v2, v42;
	v15 =	vld.idx.msk [tilespmem:v41+s23+$0x0], $0xffff  }
0x1d6: {  	v16 =	vld.idx.msk [tilespmem:v8+s23+$0x0], $0xffff  }
0x1d7: {  	v21 =	vor.u32 v4, v42;
	v11 =	vld.idx.msk [tilespmem:v44+s23+$0x0], $0xffff  }
0x1d8: {  	v8 =	vld.idx.msk [tilespmem:v17+s4+$0x0], $0xffff  }
0x1d9: {  	v20 =	vld.idx.msk [tilespmem:v18+s4+$0x0], $0xffff  }
0x1da: {  	v23 =	vor.u32 v6, v42;
	v10 =	vld.idx.msk [tilespmem:v19+s23+$0x0], $0xffff  }
0x1db: {  	v22 =	vld.idx.msk [tilespmem:v14+s4+$0x0], $0xffff  }
0x1dc: {  	v9 =	vld.idx.msk [tilespmem:v21+s23+$0x0], $0xffff  }
0x1dd: {  	v45 =	vld.idx.msk [tilespmem:v15+s4+$0x0], $0xffff;
	v24 =	vunpack.i.u.bf16.f32 v8  }
0x1de: {  	v25 =	vld.idx.msk [tilespmem:v16+s4+$0x0], $0xffff;
	v8 =	vunpack.i.l.bf16.f32 v8;
	v46 =	vunpack.i.u.bf16.f32 v20;
	v20 =	vunpack.i.l.bf16.f32 v20  }
0x1df: {  	v7 =	vmul.u32 $0x28, v7;
	v20 =	vadd.f32 v20, v8;
	v8 =	vld.idx.msk [tilespmem:v23+s23+$0x0], $0xffff  }
0x1e0: {  	v48 =	vld.idx.msk [tilespmem:v12+s4+$0x0], $0xffff;
	v47 =	vunpack.i.u.bf16.f32 v22;
	v22 =	vunpack.i.l.bf16.f32 v22;
	v21 =	vadd.f32 v46, v24  }
0x1e1: {  	v49 =	vld.idx.msk [tilespmem:v11+s4+$0x0], $0xffff;
	v20 =	vadd.f32 v22, v20  }
0x1e2: {  	v52 =	vor.u32 $0x1, v7;
	v19 =	vunpack.i.l.bf16.f32 v45;
	v21 =	vadd.f32 v47, v21  }
0x1e3: {  	v27 =	vadd.s32 $0x7D0, v17;
	v53 =	vld.idx.msk [tilespmem:v10+s4+$0x0], $0xffff;
	v50 =	vunpack.i.u.bf16.f32 v45;
	v19 =	vadd.f32 v19, v20  }
0x1e4: {  	v26 =	vunpack.i.u.bf16.f32 v25;
	v25 =	vunpack.i.l.bf16.f32 v25;
	v51 =	vadd.f32 v50, v21  }
0x1e5: {  	v54 =	vadd.s32 $0x7D0, v18;
	v28 =	vadd.s32 $0x7D0, v14;
	v55 =	vld.idx.msk [tilespmem:v9+s4+$0x0], $0xffff;
	v19 =	vadd.f32 v25, v19  }
0x1e6: {  	v29 =	vunpack.i.l.bf16.f32 v48;
	v30 =	vunpack.i.l.bf16.f32 v49;
	v20 =	vadd.f32 v26, v51  }
0x1e7: {  	v56 =	vunpack.i.u.bf16.f32 v48;
	v57 =	vadd.f32 v30, v29;
	v22 =	vunpack.i.u.bf16.f32 v49;
	[tilespmem:v7+s31+$0x0] =	vst.idx.msk $0xffff, v19;
	v58 =	vld.idx.msk [tilespmem:v8+s4+$0x0], $0xffff  }
0x1e8: {  	v13 =	vmul.u32 $0x28, v13;
	v60 =	vunpack.i.l.bf16.f32 v53;
	v19 =	vadd.f32 v22, v56;
	[tilespmem:v52+s31+$0x0] =	vst.idx.msk $0xffff, v20  }
0x1e9: {  	v59 =	vadd.s32 $0x7D0, v15;
	v23 =	vunpack.i.u.bf16.f32 v53;
	v21 =	vadd.f32 v60, v57;
	v61 =	vld.idx.msk [tilespmem:v27+s4+$0x0], $0xffff  }
0x1ea: {  	v34 =	vor.u32 $0x1, v13;
	v33 =	vunpack.i.l.bf16.f32 v55;
	v62 =	vld.idx.msk [tilespmem:v54+s4+$0x0], $0xffff;
	v19 =	vadd.f32 v23, v19  }
0x1eb: {  	v63 =	vadd.s32 $0x7D0, v16;
	v26 =	vunpack.i.u.bf16.f32 v55;
	v21 =	vadd.f32 v33, v21  }
0x1ec: {  	v37 =	vadd.s32 $0x7D0, v12;
	v35 =	vld.idx.msk [tilespmem:v28+s4+$0x0], $0xffff;
	v19 =	vadd.f32 v26, v19;
	v36 =	vunpack.i.l.bf16.f32 v58  }
0x1ed: {  	v38 =	vadd.s32 $0x7D0, v11;
	v29 =	vunpack.i.u.bf16.f32 v58;
	v21 =	vadd.f32 v36, v21  }
0x1ee: {  	v41 =	vadd.s32 $0x7D0, v10;
	v20 =	vld.idx.msk [tilespmem:v59+s4+$0x0], $0xffff;
	v19 =	vadd.f32 v29, v19  }
0x1ef: {  	v46 =	vadd.s32 $0x7D0, v9;
	v22 =	vunpack.i.l.bf16.f32 v61;
	v24 =	vunpack.i.l.bf16.f32 v62;
	[tilespmem:v13+s31+$0x0] =	vst.idx.msk $0xffff, v21  }
0x1f0: {  	v25 =	vld.idx.msk [tilespmem:v63+s4+$0x0], $0xffff;
	v39 =	vunpack.i.u.bf16.f32 v61;
	v40 =	vunpack.i.u.bf16.f32 v62;
	v22 =	vadd.f32 v24, v22;
	[tilespmem:v34+s31+$0x0] =	vst.idx.msk $0xffff, v19  }
0x1f1: {  	v49 =	vor.u32 $0x2, v7;
	v44 =	vunpack.i.l.bf16.f32 v35;
	v42 =	vadd.f32 v40, v39;
	v45 =	vld.idx.msk [tilespmem:v37+s4+$0x0], $0xffff  }
0x1f2: {  	v50 =	vadd.s32 $0x7D0, v8;
	v43 =	vunpack.i.u.bf16.f32 v35;
	v22 =	vadd.f32 v44, v22;
	v48 =	vld.idx.msk [tilespmem:v38+s4+$0x0], $0xffff  }
0x1f3: {  	v47 =	vunpack.i.u.bf16.f32 v20;
	v20 =	vunpack.i.l.bf16.f32 v20;
	v19 =	vadd.f32 v43, v42  }
0x1f4: {  	v53 =	vadd.s32 $0xFA0, v17;
	v51 =	vor.u32 $0x3, v7;
	v21 =	vld.idx.msk [tilespmem:v41+s4+$0x0], $0xffff;
	v20 =	vadd.f32 v20, v22  }
0x1f5: {  	v52 =	vunpack.i.u.bf16.f32 v25;
	v25 =	vunpack.i.l.bf16.f32 v25;
	v19 =	vadd.f32 v47, v19  }
0x1f6: {  	v56 =	vadd.s32 $0xFA0, v14;
	v54 =	vadd.s32 $0xFA0, v18;
	v55 =	vld.idx.msk [tilespmem:v46+s4+$0x0], $0xffff;
	v20 =	vadd.f32 v25, v20  }
0x1f7: {  	v19 =	vadd.f32 v52, v19;
	v31 =	vunpack.i.l.bf16.f32 v45;
	v32 =	vunpack.i.l.bf16.f32 v48  }
0x1f8: {  	v59 =	vld.idx.msk [tilespmem:v50+s4+$0x0], $0xffff;
	v57 =	vunpack.i.u.bf16.f32 v45;
	v24 =	vunpack.i.u.bf16.f32 v48;
	[tilespmem:v49+s31+$0x0] =	vst.idx.msk $0xffff, v20;
	v58 =	vadd.f32 v32, v31  }
0x1f9: {  	v60 =	vadd.s32 $0xFA0, v15;
	v61 =	vunpack.i.l.bf16.f32 v21;
	v20 =	vadd.f32 v24, v57;
	[tilespmem:v51+s31+$0x0] =	vst.idx.msk $0xffff, v19  }
0x1fa: {  	v63 =	vadd.s32 $0xFA0, v16;
	v21 =	vunpack.i.u.bf16.f32 v21;
	v62 =	vld.idx.msk [tilespmem:v53+s4+$0x0], $0xffff;
	v22 =	vadd.f32 v61, v58  }
0x1fb: {  	v34 =	vor.u32 $0x2, v13;
	v33 =	vunpack.i.l.bf16.f32 v55;
	v23 =	vld.idx.msk [tilespmem:v54+s4+$0x0], $0xffff;
	v20 =	vadd.f32 v21, v20  }
0x1fc: {  	v35 =	vor.u32 $0x3, v13;
	v25 =	vunpack.i.u.bf16.f32 v55;
	v21 =	vadd.f32 v33, v22  }
0x1fd: {  	v37 =	vadd.s32 $0xFA0, v12;
	v36 =	vunpack.i.l.bf16.f32 v59;
	v28 =	vld.idx.msk [tilespmem:v56+s4+$0x0], $0xffff;
	v20 =	vadd.f32 v25, v20  }
0x1fe: {  	v38 =	vadd.s32 $0xFA0, v11;
	v27 =	vunpack.i.u.bf16.f32 v59;
	v21 =	vadd.f32 v36, v21  }
0x1ff: {  	v41 =	vadd.s32 $0xFA0, v10;
	v19 =	vld.idx.msk [tilespmem:v60+s4+$0x0], $0xffff;
	v20 =	vadd.f32 v27, v20  }
0x200: {  	v24 =	vunpack.i.l.bf16.f32 v62;
	v40 =	vunpack.i.u.bf16.f32 v23;
	v23 =	vunpack.i.l.bf16.f32 v23;
	[tilespmem:v34+s31+$0x0] =	vst.idx.msk $0xffff, v21  }
0x201: {  	v50 =	vor.u32 $0x4, v7;
	v43 =	vld.idx.msk [tilespmem:v63+s4+$0x0], $0xffff;
	v39 =	vunpack.i.u.bf16.f32 v62;
	v23 =	vadd.f32 v23, v24;
	[tilespmem:v35+s31+$0x0] =	vst.idx.msk $0xffff, v20  }
0x202: {  	v47 =	vadd.s32 $0xFA0, v9;
	v45 =	vunpack.i.l.bf16.f32 v28;
	v42 =	vadd.f32 v40, v39;
	v46 =	vld.idx.msk [tilespmem:v37+s4+$0x0], $0xffff  }
0x203: {  	v51 =	vadd.s32 $0xFA0, v8;
	v44 =	vunpack.i.u.bf16.f32 v28;
	v22 =	vadd.f32 v45, v23;
	v49 =	vld.idx.msk [tilespmem:v38+s4+$0x0], $0xffff  }
0x204: {  	v48 =	vunpack.i.u.bf16.f32 v19;
	v19 =	vunpack.i.l.bf16.f32 v19;
	v20 =	vadd.f32 v44, v42  }
0x205: {  	v52 =	vor.u32 $0x5, v7;
	v55 =	vadd.s32 $0x1770, v18;
	v21 =	vld.idx.msk [tilespmem:v41+s4+$0x0], $0xffff;
	v19 =	vadd.f32 v19, v22  }
0x206: {  	v54 =	vadd.s32 $0x1770, v17;
	v26 =	vunpack.i.l.bf16.f32 v43;
	v20 =	vadd.f32 v48, v20  }
0x207: {  	v57 =	vadd.s32 $0x1770, v14;
	v53 =	vunpack.i.u.bf16.f32 v43;
	v56 =	vld.idx.msk [tilespmem:v47+s4+$0x0], $0xffff;
	v19 =	vadd.f32 v26, v19  }
0x208: {  	v20 =	vadd.f32 v53, v20;
	v58 =	vunpack.i.l.bf16.f32 v46;
	v59 =	vunpack.i.l.bf16.f32 v49  }
0x209: {  	v62 =	vld.idx.msk [tilespmem:v51+s4+$0x0], $0xffff;
	v60 =	vunpack.i.u.bf16.f32 v46;
	v24 =	vunpack.i.u.bf16.f32 v49;
	[tilespmem:v50+s31+$0x0] =	vst.idx.msk $0xffff, v19;
	v61 =	vadd.f32 v59, v58  }
0x20a: {  	v63 =	vadd.s32 $0x1770, v15;
	v33 =	vunpack.i.l.bf16.f32 v21;
	v19 =	vadd.f32 v24, v60;
	[tilespmem:v52+s31+$0x0] =	vst.idx.msk $0xffff, v20  }
0x20b: {  	v35 =	vadd.s32 $0x1770, v16;
	v21 =	vunpack.i.u.bf16.f32 v21;
	v34 =	vld.idx.msk [tilespmem:v54+s4+$0x0], $0xffff;
	v22 =	vadd.f32 v33, v61  }
0x20c: {  	v37 =	vor.u32 $0x4, v13;
	v36 =	vunpack.i.l.bf16.f32 v56;
	v23 =	vld.idx.msk [tilespmem:v55+s4+$0x0], $0xffff;
	v19 =	vadd.f32 v21, v19  }
0x20d: {  	v38 =	vor.u32 $0x5, v13;
	v26 =	vunpack.i.u.bf16.f32 v56;
	v21 =	vadd.f32 v36, v22  }
0x20e: {  	v40 =	vadd.s32 $0x1770, v12;
	v39 =	vunpack.i.l.bf16.f32 v62;
	v28 =	vld.idx.msk [tilespmem:v57+s4+$0x0], $0xffff;
	v19 =	vadd.f32 v26, v19  }
0x20f: {  	v41 =	vadd.s32 $0x1770, v11;
	v27 =	vunpack.i.u.bf16.f32 v62;
	v21 =	vadd.f32 v39, v21  }
0x210: {  	v44 =	vadd.s32 $0x1770, v10;
	v20 =	vld.idx.msk [tilespmem:v63+s4+$0x0], $0xffff;
	v19 =	vadd.f32 v27, v19  }
0x211: {  	v24 =	vunpack.i.l.bf16.f32 v34;
	v43 =	vunpack.i.u.bf16.f32 v23;
	v23 =	vunpack.i.l.bf16.f32 v23;
	[tilespmem:v37+s31+$0x0] =	vst.idx.msk $0xffff, v21  }
0x212: {  	v53 =	vor.u32 $0x6, v7;
	v46 =	vld.idx.msk [tilespmem:v35+s4+$0x0], $0xffff;
	v42 =	vunpack.i.u.bf16.f32 v34;
	v23 =	vadd.f32 v23, v24;
	[tilespmem:v38+s31+$0x0] =	vst.idx.msk $0xffff, v19  }
0x213: {  	v50 =	vadd.s32 $0x1770, v9;
	v48 =	vunpack.i.l.bf16.f32 v28;
	v45 =	vadd.f32 v43, v42;
	v49 =	vld.idx.msk [tilespmem:v40+s4+$0x0], $0xffff  }
0x214: {  	v54 =	vadd.s32 $0x1770, v8;
	v47 =	vunpack.i.u.bf16.f32 v28;
	v22 =	vadd.f32 v48, v23;
	v52 =	vld.idx.msk [tilespmem:v41+s4+$0x0], $0xffff  }
0x215: {  	v51 =	vunpack.i.u.bf16.f32 v20;
	v20 =	vunpack.i.l.bf16.f32 v20;
	v19 =	vadd.f32 v47, v45  }
0x216: {  	v58 =	vadd.s32 $0x1F40, v18;
	v55 =	vor.u32 $0x7, v7;
	v21 =	vld.idx.msk [tilespmem:v44+s4+$0x0], $0xffff;
	v20 =	vadd.f32 v20, v22  }
0x217: {  	v57 =	vadd.s32 $0x1F40, v17;
	v25 =	vunpack.i.l.bf16.f32 v46;
	v19 =	vadd.f32 v51, v19  }
0x218: {  	v60 =	vadd.s32 $0x1F40, v14;
	v56 =	vunpack.i.u.bf16.f32 v46;
	v59 =	vld.idx.msk [tilespmem:v50+s4+$0x0], $0xffff;
	v20 =	vadd.f32 v25, v20  }
0x219: {  	v19 =	vadd.f32 v56, v19;
	v61 =	vunpack.i.l.bf16.f32 v49;
	v62 =	vunpack.i.l.bf16.f32 v52  }
0x21a: {  	v33 =	vld.idx.msk [tilespmem:v54+s4+$0x0], $0xffff;
	v63 =	vunpack.i.u.bf16.f32 v49;
	v24 =	vunpack.i.u.bf16.f32 v52;
	[tilespmem:v53+s31+$0x0] =	vst.idx.msk $0xffff, v20;
	v32 =	vadd.f32 v62, v61  }
0x21b: {  	v39 =	vor.u32 $0x6, v13;
	v35 =	vunpack.i.l.bf16.f32 v21;
	v20 =	vadd.f32 v24, v63;
	[tilespmem:v55+s31+$0x0] =	vst.idx.msk $0xffff, v19  }
0x21c: {  	v34 =	vadd.s32 $0x1F40, v15;
	v21 =	vunpack.i.u.bf16.f32 v21;
	v36 =	vld.idx.msk [tilespmem:v57+s4+$0x0], $0xffff;
	v22 =	vadd.f32 v35, v32  }
0x21d: {  	v37 =	vadd.s32 $0x1F40, v16;
	v38 =	vunpack.i.l.bf16.f32 v59;
	v23 =	vld.idx.msk [tilespmem:v58+s4+$0x0], $0xffff;
	v20 =	vadd.f32 v21, v20  }
0x21e: {  	v40 =	vor.u32 $0x7, v13;
	v25 =	vunpack.i.u.bf16.f32 v59;
	v21 =	vadd.f32 v38, v22  }
0x21f: {  	v42 =	vadd.s32 $0x1F40, v12;
	v41 =	vunpack.i.l.bf16.f32 v33;
	v28 =	vld.idx.msk [tilespmem:v60+s4+$0x0], $0xffff;
	v20 =	vadd.f32 v25, v20  }
0x220: {  	v43 =	vadd.s32 $0x1F40, v11;
	v27 =	vunpack.i.u.bf16.f32 v33;
	v21 =	vadd.f32 v41, v21  }
0x221: {  	v46 =	vadd.s32 $0x1F40, v10;
	v19 =	vld.idx.msk [tilespmem:v34+s4+$0x0], $0xffff;
	v20 =	vadd.f32 v27, v20  }
0x222: {  	v24 =	vunpack.i.l.bf16.f32 v36;
	v45 =	vunpack.i.u.bf16.f32 v23;
	v23 =	vunpack.i.l.bf16.f32 v23;
	[tilespmem:v39+s31+$0x0] =	vst.idx.msk $0xffff, v21  }
0x223: {  	v56 =	vadd.s32 $0x1F40, v8;
	v48 =	vld.idx.msk [tilespmem:v37+s4+$0x0], $0xffff;
	v44 =	vunpack.i.u.bf16.f32 v36;
	v23 =	vadd.f32 v23, v24;
	[tilespmem:v40+s31+$0x0] =	vst.idx.msk $0xffff, v20  }
0x224: {  	v52 =	vadd.s32 $0x1F40, v9;
	v50 =	vunpack.i.l.bf16.f32 v28;
	v47 =	vadd.f32 v45, v44;
	v51 =	vld.idx.msk [tilespmem:v42+s4+$0x0], $0xffff  }
0x225: {  	v55 =	vadd.s32 $0x8, v7;
	v49 =	vunpack.i.u.bf16.f32 v28;
	v22 =	vadd.f32 v50, v23;
	v54 =	vld.idx.msk [tilespmem:v43+s4+$0x0], $0xffff  }
0x226: {  	v53 =	vunpack.i.u.bf16.f32 v19;
	v19 =	vunpack.i.l.bf16.f32 v19;
	v20 =	vadd.f32 v49, v47  }
0x227: {  	v59 =	vadd.s32 $0x2710, v17;
	v57 =	vadd.s32 $0x9, v7;
	v21 =	vld.idx.msk [tilespmem:v46+s4+$0x0], $0xffff;
	v19 =	vadd.f32 v19, v22  }
0x228: {  	v62 =	vadd.s32 $0x2710, v14;
	v26 =	vunpack.i.l.bf16.f32 v48;
	v20 =	vadd.f32 v53, v20  }
0x229: {  	v60 =	vadd.s32 $0x2710, v18;
	v58 =	vunpack.i.u.bf16.f32 v48;
	v61 =	vld.idx.msk [tilespmem:v52+s4+$0x0], $0xffff;
	v19 =	vadd.f32 v26, v19  }
0x22a: {  	v20 =	vadd.f32 v58, v20;
	v63 =	vunpack.i.l.bf16.f32 v51;
	v36 =	vunpack.i.l.bf16.f32 v54  }
0x22b: {  	v39 =	vld.idx.msk [tilespmem:v56+s4+$0x0], $0xffff;
	v37 =	vunpack.i.u.bf16.f32 v51;
	v24 =	vunpack.i.u.bf16.f32 v54;
	[tilespmem:v55+s31+$0x0] =	vst.idx.msk $0xffff, v19;
	v38 =	vadd.f32 v36, v63  }
0x22c: {  	v45 =	vadd.s32 $0x8, v13;
	v41 =	vunpack.i.l.bf16.f32 v21;
	v19 =	vadd.f32 v24, v37;
	[tilespmem:v57+s31+$0x0] =	vst.idx.msk $0xffff, v20  }
0x22d: {  	v40 =	vadd.s32 $0x2710, v15;
	v21 =	vunpack.i.u.bf16.f32 v21;
	v42 =	vld.idx.msk [tilespmem:v59+s4+$0x0], $0xffff;
	v22 =	vadd.f32 v41, v38  }
0x22e: {  	v43 =	vadd.s32 $0x2710, v16;
	v44 =	vunpack.i.l.bf16.f32 v61;
	v23 =	vld.idx.msk [tilespmem:v60+s4+$0x0], $0xffff;
	v19 =	vadd.f32 v21, v19  }
0x22f: {  	v46 =	vadd.s32 $0x9, v13;
	v26 =	vunpack.i.u.bf16.f32 v61;
	v21 =	vadd.f32 v44, v22  }
0x230: {  	v48 =	vadd.s32 $0x2710, v12;
	v47 =	vunpack.i.l.bf16.f32 v39;
	v28 =	vld.idx.msk [tilespmem:v62+s4+$0x0], $0xffff;
	v19 =	vadd.f32 v26, v19  }
0x231: {  	v49 =	vadd.s32 $0x2710, v11;
	v27 =	vunpack.i.u.bf16.f32 v39;
	v21 =	vadd.f32 v47, v21  }
0x232: {  	v52 =	vadd.s32 $0x2710, v10;
	v20 =	vld.idx.msk [tilespmem:v40+s4+$0x0], $0xffff;
	v19 =	vadd.f32 v27, v19  }
0x233: {  	v24 =	vunpack.i.l.bf16.f32 v42;
	v51 =	vunpack.i.u.bf16.f32 v23;
	v23 =	vunpack.i.l.bf16.f32 v23;
	[tilespmem:v45+s31+$0x0] =	vst.idx.msk $0xffff, v21  }
0x234: {  	v58 =	vadd.s32 $0x2710, v9;
	v54 =	vld.idx.msk [tilespmem:v43+s4+$0x0], $0xffff;
	v50 =	vunpack.i.u.bf16.f32 v42;
	v23 =	vadd.f32 v23, v24;
	[tilespmem:v46+s31+$0x0] =	vst.idx.msk $0xffff, v19  }
0x235: {  	v61 =	vadd.s32 $0xA, v7;
	v56 =	vunpack.i.l.bf16.f32 v28;
	v53 =	vadd.f32 v51, v50;
	v57 =	vld.idx.msk [tilespmem:v48+s4+$0x0], $0xffff  }
0x236: {  	v62 =	vadd.s32 $0x2710, v8;
	v55 =	vunpack.i.u.bf16.f32 v28;
	v22 =	vadd.f32 v56, v23;
	v60 =	vld.idx.msk [tilespmem:v49+s4+$0x0], $0xffff  }
0x237: {  	v59 =	vunpack.i.u.bf16.f32 v20;
	v20 =	vunpack.i.l.bf16.f32 v20;
	v19 =	vadd.f32 v55, v53  }
0x238: {  	v63 =	vadd.s32 $0xB, v7;
	v37 =	vadd.s32 $0x2EE0, v17;
	v21 =	vld.idx.msk [tilespmem:v52+s4+$0x0], $0xffff;
	v20 =	vadd.f32 v20, v22  }
0x239: {  	v38 =	vadd.s32 $0x2EE0, v18;
	v25 =	vunpack.i.l.bf16.f32 v54;
	v19 =	vadd.f32 v59, v19  }
0x23a: {  	v40 =	vadd.s32 $0x2EE0, v14;
	v36 =	vunpack.i.u.bf16.f32 v54;
	v39 =	vld.idx.msk [tilespmem:v58+s4+$0x0], $0xffff;
	v20 =	vadd.f32 v25, v20  }
0x23b: {  	v19 =	vadd.f32 v36, v19;
	v41 =	vunpack.i.l.bf16.f32 v57;
	v42 =	vunpack.i.l.bf16.f32 v60  }
0x23c: {  	v45 =	vld.idx.msk [tilespmem:v62+s4+$0x0], $0xffff;
	v43 =	vunpack.i.u.bf16.f32 v57;
	v24 =	vunpack.i.u.bf16.f32 v60;
	[tilespmem:v61+s31+$0x0] =	vst.idx.msk $0xffff, v20;
	v44 =	vadd.f32 v42, v41  }
0x23d: {  	v51 =	vadd.s32 $0xA, v13;
	v47 =	vunpack.i.l.bf16.f32 v21;
	v20 =	vadd.f32 v24, v43;
	[tilespmem:v63+s31+$0x0] =	vst.idx.msk $0xffff, v19  }
0x23e: {  	v46 =	vadd.s32 $0x2EE0, v15;
	v21 =	vunpack.i.u.bf16.f32 v21;
	v48 =	vld.idx.msk [tilespmem:v37+s4+$0x0], $0xffff;
	v22 =	vadd.f32 v47, v44  }
0x23f: {  	v49 =	vadd.s32 $0x2EE0, v16;
	v50 =	vunpack.i.l.bf16.f32 v39;
	v23 =	vld.idx.msk [tilespmem:v38+s4+$0x0], $0xffff;
	v20 =	vadd.f32 v21, v20  }
0x240: {  	v52 =	vadd.s32 $0xB, v13;
	v25 =	vunpack.i.u.bf16.f32 v39;
	v21 =	vadd.f32 v50, v22  }
0x241: {  	v54 =	vadd.s32 $0x2EE0, v12;
	v53 =	vunpack.i.l.bf16.f32 v45;
	v28 =	vld.idx.msk [tilespmem:v40+s4+$0x0], $0xffff;
	v20 =	vadd.f32 v25, v20  }
0x242: {  	v55 =	vadd.s32 $0x2EE0, v11;
	v27 =	vunpack.i.u.bf16.f32 v45;
	v21 =	vadd.f32 v53, v21  }
0x243: {  	v58 =	vadd.s32 $0x2EE0, v10;
	v19 =	vld.idx.msk [tilespmem:v46+s4+$0x0], $0xffff;
	v20 =	vadd.f32 v27, v20  }
0x244: {  	v24 =	vunpack.i.l.bf16.f32 v48;
	v57 =	vunpack.i.u.bf16.f32 v23;
	v23 =	vunpack.i.l.bf16.f32 v23;
	[tilespmem:v51+s31+$0x0] =	vst.idx.msk $0xffff, v21  }
0x245: {  	v35 =	vadd.s32 $0x2EE0, v9;
	v60 =	vld.idx.msk [tilespmem:v49+s4+$0x0], $0xffff;
	v56 =	vunpack.i.u.bf16.f32 v48;
	v23 =	vadd.f32 v23, v24;
	[tilespmem:v52+s31+$0x0] =	vst.idx.msk $0xffff, v20  }
0x246: {  	v39 =	vadd.s32 $0x2EE0, v8;
	v62 =	vunpack.i.l.bf16.f32 v28;
	v59 =	vadd.f32 v57, v56;
	v63 =	vld.idx.msk [tilespmem:v54+s4+$0x0], $0xffff  }
0x247: {  	v38 =	vadd.s32 $0xC, v7;
	v61 =	vunpack.i.u.bf16.f32 v28;
	v22 =	vadd.f32 v62, v23;
	v37 =	vld.idx.msk [tilespmem:v55+s4+$0x0], $0xffff  }
0x248: {  	v36 =	vunpack.i.u.bf16.f32 v19;
	v19 =	vunpack.i.l.bf16.f32 v19;
	v20 =	vadd.f32 v61, v59  }
0x249: {  	v45 =	vadd.s32 $0x36B0, v14;
	v40 =	vadd.s32 $0xD, v7;
	v21 =	vld.idx.msk [tilespmem:v58+s4+$0x0], $0xffff;
	v19 =	vadd.f32 v19, v22  }
0x24a: {  	v42 =	vadd.s32 $0x36B0, v17;
	v26 =	vunpack.i.l.bf16.f32 v60;
	v20 =	vadd.f32 v36, v20  }
0x24b: {  	v43 =	vadd.s32 $0x36B0, v18;
	v41 =	vunpack.i.u.bf16.f32 v60;
	v44 =	vld.idx.msk [tilespmem:v35+s4+$0x0], $0xffff;
	v19 =	vadd.f32 v26, v19  }
0x24c: {  	v20 =	vadd.f32 v41, v20;
	v46 =	vunpack.i.l.bf16.f32 v63;
	v47 =	vunpack.i.l.bf16.f32 v37  }
0x24d: {  	v50 =	vld.idx.msk [tilespmem:v39+s4+$0x0], $0xffff;
	v48 =	vunpack.i.u.bf16.f32 v63;
	v24 =	vunpack.i.u.bf16.f32 v37;
	[tilespmem:v38+s31+$0x0] =	vst.idx.msk $0xffff, v19;
	v49 =	vadd.f32 v47, v46  }
0x24e: {  	v51 =	vadd.s32 $0x36B0, v15;
	v52 =	vunpack.i.l.bf16.f32 v21;
	v19 =	vadd.f32 v24, v48;
	[tilespmem:v40+s31+$0x0] =	vst.idx.msk $0xffff, v20  }
0x24f: {  	v56 =	vadd.s32 $0xC, v13;
	v21 =	vunpack.i.u.bf16.f32 v21;
	v53 =	vld.idx.msk [tilespmem:v42+s4+$0x0], $0xffff;
	v22 =	vadd.f32 v52, v49  }
0x250: {  	v57 =	vadd.s32 $0xD, v13;
	v55 =	vunpack.i.l.bf16.f32 v44;
	v23 =	vld.idx.msk [tilespmem:v43+s4+$0x0], $0xffff;
	v19 =	vadd.f32 v21, v19  }
0x251: {  	v54 =	vadd.s32 $0x36B0, v16;
	v26 =	vunpack.i.u.bf16.f32 v44;
	v21 =	vadd.f32 v55, v22  }
0x252: {  	v59 =	vadd.s32 $0x36B0, v12;
	v58 =	vunpack.i.l.bf16.f32 v50;
	v28 =	vld.idx.msk [tilespmem:v45+s4+$0x0], $0xffff;
	v19 =	vadd.f32 v26, v19  }
0x253: {  	v60 =	vadd.s32 $0x36B0, v11;
	v27 =	vunpack.i.u.bf16.f32 v50;
	v21 =	vadd.f32 v58, v21  }
0x254: {  	v63 =	vadd.s32 $0x36B0, v10;
	v20 =	vld.idx.msk [tilespmem:v51+s4+$0x0], $0xffff;
	v19 =	vadd.f32 v27, v19  }
0x255: {  	v24 =	vunpack.i.l.bf16.f32 v53;
	v62 =	vunpack.i.u.bf16.f32 v23;
	v23 =	vunpack.i.l.bf16.f32 v23;
	[tilespmem:v56+s31+$0x0] =	vst.idx.msk $0xffff, v21  }
0x256: {  	v41 =	vadd.s32 $0x36B0, v8;
	v33 =	vld.idx.msk [tilespmem:v54+s4+$0x0], $0xffff;
	v61 =	vunpack.i.u.bf16.f32 v53;
	v23 =	vadd.f32 v23, v24;
	[tilespmem:v57+s31+$0x0] =	vst.idx.msk $0xffff, v19  }
0x257: {  	v37 =	vadd.s32 $0x36B0, v9;
	v35 =	vunpack.i.l.bf16.f32 v28;
	v32 =	vadd.f32 v62, v61;
	v36 =	vld.idx.msk [tilespmem:v59+s4+$0x0], $0xffff  }
0x258: {  	v40 =	vadd.s32 $0xE, v7;
	v34 =	vunpack.i.u.bf16.f32 v28;
	v22 =	vadd.f32 v35, v23;
	v39 =	vld.idx.msk [tilespmem:v60+s4+$0x0], $0xffff  }
0x259: {  	v38 =	vunpack.i.u.bf16.f32 v20;
	v20 =	vunpack.i.l.bf16.f32 v20;
	v19 =	vadd.f32 v34, v32  }
0x25a: {  	v44 =	vadd.s32 $0x3E80, v17;
	v42 =	vadd.s32 $0xF, v7;
	v21 =	vld.idx.msk [tilespmem:v63+s4+$0x0], $0xffff;
	v20 =	vadd.f32 v20, v22  }
0x25b: {  	v47 =	vadd.s32 $0x3E80, v14;
	v25 =	vunpack.i.l.bf16.f32 v33;
	v19 =	vadd.f32 v38, v19  }
0x25c: {  	v45 =	vadd.s32 $0x3E80, v18;
	v43 =	vunpack.i.u.bf16.f32 v33;
	v46 =	vld.idx.msk [tilespmem:v37+s4+$0x0], $0xffff;
	v20 =	vadd.f32 v25, v20  }
0x25d: {  	v19 =	vadd.f32 v43, v19;
	v48 =	vunpack.i.l.bf16.f32 v36;
	v49 =	vunpack.i.l.bf16.f32 v39  }
0x25e: {  	v52 =	vld.idx.msk [tilespmem:v41+s4+$0x0], $0xffff;
	v50 =	vunpack.i.u.bf16.f32 v36;
	v24 =	vunpack.i.u.bf16.f32 v39;
	[tilespmem:v40+s31+$0x0] =	vst.idx.msk $0xffff, v20;
	v51 =	vadd.f32 v49, v48  }
0x25f: {  	v58 =	vadd.s32 $0xE, v13;
	v54 =	vunpack.i.l.bf16.f32 v21;
	v20 =	vadd.f32 v24, v50;
	[tilespmem:v42+s31+$0x0] =	vst.idx.msk $0xffff, v19  }
0x260: {  	v53 =	vadd.s32 $0x3E80, v15;
	v21 =	vunpack.i.u.bf16.f32 v21;
	v55 =	vld.idx.msk [tilespmem:v44+s4+$0x0], $0xffff;
	v22 =	vadd.f32 v54, v51  }
0x261: {  	v56 =	vadd.s32 $0x3E80, v16;
	v57 =	vunpack.i.l.bf16.f32 v46;
	v23 =	vld.idx.msk [tilespmem:v45+s4+$0x0], $0xffff;
	v20 =	vadd.f32 v21, v20  }
0x262: {  	v59 =	vadd.s32 $0xF, v13;
	v25 =	vunpack.i.u.bf16.f32 v46;
	v21 =	vadd.f32 v57, v22  }
0x263: {  	v61 =	vadd.s32 $0x3E80, v12;
	v60 =	vunpack.i.l.bf16.f32 v52;
	v28 =	vld.idx.msk [tilespmem:v47+s4+$0x0], $0xffff;
	v20 =	vadd.f32 v25, v20  }
0x264: {  	v62 =	vadd.s32 $0x3E80, v11;
	v27 =	vunpack.i.u.bf16.f32 v52;
	v21 =	vadd.f32 v60, v21  }
0x265: {  	v33 =	vadd.s32 $0x3E80, v10;
	v19 =	vld.idx.msk [tilespmem:v53+s4+$0x0], $0xffff;
	v20 =	vadd.f32 v27, v20  }
0x266: {  	v24 =	vunpack.i.l.bf16.f32 v55;
	v32 =	vunpack.i.u.bf16.f32 v23;
	v23 =	vunpack.i.l.bf16.f32 v23;
	[tilespmem:v58+s31+$0x0] =	vst.idx.msk $0xffff, v21  }
0x267: {  	v43 =	vadd.s32 $0x3E80, v8;
	v35 =	vld.idx.msk [tilespmem:v56+s4+$0x0], $0xffff;
	v63 =	vunpack.i.u.bf16.f32 v55;
	v23 =	vadd.f32 v23, v24;
	[tilespmem:v59+s31+$0x0] =	vst.idx.msk $0xffff, v20  }
0x268: {  	v39 =	vadd.s32 $0x3E80, v9;
	v37 =	vunpack.i.l.bf16.f32 v28;
	v34 =	vadd.f32 v32, v63;
	v38 =	vld.idx.msk [tilespmem:v61+s4+$0x0], $0xffff  }
0x269: {  	v42 =	vadd.s32 $0x10, v7;
	v36 =	vunpack.i.u.bf16.f32 v28;
	v22 =	vadd.f32 v37, v23;
	v41 =	vld.idx.msk [tilespmem:v62+s4+$0x0], $0xffff  }
0x26a: {  	v40 =	vunpack.i.u.bf16.f32 v19;
	v19 =	vunpack.i.l.bf16.f32 v19;
	v20 =	vadd.f32 v36, v34  }
0x26b: {  	v46 =	vadd.s32 $0x4650, v17;
	v44 =	vadd.s32 $0x11, v7;
	v21 =	vld.idx.msk [tilespmem:v33+s4+$0x0], $0xffff;
	v19 =	vadd.f32 v19, v22  }
0x26c: {  	v49 =	vadd.s32 $0x4650, v14;
	v26 =	vunpack.i.l.bf16.f32 v35;
	v20 =	vadd.f32 v40, v20  }
0x26d: {  	v47 =	vadd.s32 $0x4650, v18;
	v45 =	vunpack.i.u.bf16.f32 v35;
	v48 =	vld.idx.msk [tilespmem:v39+s4+$0x0], $0xffff;
	v19 =	vadd.f32 v26, v19  }
0x26e: {  	v20 =	vadd.f32 v45, v20;
	v50 =	vunpack.i.l.bf16.f32 v38;
	v51 =	vunpack.i.l.bf16.f32 v41  }
0x26f: {  	v54 =	vld.idx.msk [tilespmem:v43+s4+$0x0], $0xffff;
	v52 =	vunpack.i.u.bf16.f32 v38;
	v24 =	vunpack.i.u.bf16.f32 v41;
	[tilespmem:v42+s31+$0x0] =	vst.idx.msk $0xffff, v19;
	v53 =	vadd.f32 v51, v50  }
0x270: {  	v60 =	vadd.s32 $0x10, v13;
	v56 =	vunpack.i.l.bf16.f32 v21;
	v19 =	vadd.f32 v24, v52;
	[tilespmem:v44+s31+$0x0] =	vst.idx.msk $0xffff, v20  }
0x271: {  	v55 =	vadd.s32 $0x4650, v15;
	v21 =	vunpack.i.u.bf16.f32 v21;
	v57 =	vld.idx.msk [tilespmem:v46+s4+$0x0], $0xffff;
	v22 =	vadd.f32 v56, v53  }
0x272: {  	v58 =	vadd.s32 $0x4650, v16;
	v59 =	vunpack.i.l.bf16.f32 v48;
	v23 =	vld.idx.msk [tilespmem:v47+s4+$0x0], $0xffff;
	v19 =	vadd.f32 v21, v19  }
0x273: {  	v61 =	vadd.s32 $0x11, v13;
	v26 =	vunpack.i.u.bf16.f32 v48;
	v21 =	vadd.f32 v59, v22  }
0x274: {  	v63 =	vadd.s32 $0x4650, v12;
	v62 =	vunpack.i.l.bf16.f32 v54;
	v28 =	vld.idx.msk [tilespmem:v49+s4+$0x0], $0xffff;
	v19 =	vadd.f32 v26, v19  }
0x275: {  	v33 =	vadd.s32 $0x4650, v11;
	v27 =	vunpack.i.u.bf16.f32 v54;
	v21 =	vadd.f32 v62, v21  }
0x276: {  	v36 =	vadd.s32 $0x4650, v10;
	v20 =	vld.idx.msk [tilespmem:v55+s4+$0x0], $0xffff;
	v19 =	vadd.f32 v27, v19  }
0x277: {  	v24 =	vunpack.i.l.bf16.f32 v57;
	v35 =	vunpack.i.u.bf16.f32 v23;
	v23 =	vunpack.i.l.bf16.f32 v23;
	[tilespmem:v60+s31+$0x0] =	vst.idx.msk $0xffff, v21  }
0x278: {  	v45 =	vadd.s32 $0x12, v7;
	v38 =	vld.idx.msk [tilespmem:v58+s4+$0x0], $0xffff;
	v34 =	vunpack.i.u.bf16.f32 v57;
	v23 =	vadd.f32 v23, v24;
	[tilespmem:v61+s31+$0x0] =	vst.idx.msk $0xffff, v19  }
0x279: {  	v42 =	vadd.s32 $0x4650, v9;
	v40 =	vunpack.i.l.bf16.f32 v28;
	v37 =	vadd.f32 v35, v34;
	v41 =	vld.idx.msk [tilespmem:v63+s4+$0x0], $0xffff  }
0x27a: {  	v46 =	vadd.s32 $0x4650, v8;
	v39 =	vunpack.i.u.bf16.f32 v28;
	v22 =	vadd.f32 v40, v23;
	v44 =	vld.idx.msk [tilespmem:v33+s4+$0x0], $0xffff  }
0x27b: {  	v43 =	vunpack.i.u.bf16.f32 v20;
	v20 =	vunpack.i.l.bf16.f32 v20;
	v19 =	vadd.f32 v39, v37  }
0x27c: {  	v50 =	vadd.s32 $0x4E20, v18;
	v47 =	vadd.s32 $0x13, v7;
	v21 =	vld.idx.msk [tilespmem:v36+s4+$0x0], $0xffff;
	v20 =	vadd.f32 v20, v22  }
0x27d: {  	v49 =	vadd.s32 $0x4E20, v17;
	v25 =	vunpack.i.l.bf16.f32 v38;
	v19 =	vadd.f32 v43, v19  }
0x27e: {  	v52 =	vadd.s32 $0x4E20, v14;
	v48 =	vunpack.i.u.bf16.f32 v38;
	v51 =	vld.idx.msk [tilespmem:v42+s4+$0x0], $0xffff;
	v20 =	vadd.f32 v25, v20  }
0x27f: {  	v19 =	vadd.f32 v48, v19;
	v53 =	vunpack.i.l.bf16.f32 v41;
	v54 =	vunpack.i.l.bf16.f32 v44  }
0x280: {  	v57 =	vld.idx.msk [tilespmem:v46+s4+$0x0], $0xffff;
	v55 =	vunpack.i.u.bf16.f32 v41;
	v24 =	vunpack.i.u.bf16.f32 v44;
	[tilespmem:v45+s31+$0x0] =	vst.idx.msk $0xffff, v20;
	v56 =	vadd.f32 v54, v53  }
0x281: {  	v58 =	vadd.s32 $0x4E20, v15;
	v59 =	vunpack.i.l.bf16.f32 v21;
	v20 =	vadd.f32 v24, v55;
	[tilespmem:v47+s31+$0x0] =	vst.idx.msk $0xffff, v19  }
0x282: {  	v61 =	vadd.s32 $0x4E20, v16;
	v21 =	vunpack.i.u.bf16.f32 v21;
	v60 =	vld.idx.msk [tilespmem:v49+s4+$0x0], $0xffff;
	v22 =	vadd.f32 v59, v56  }
0x283: {  	v63 =	vadd.s32 $0x12, v13;
	v62 =	vunpack.i.l.bf16.f32 v51;
	v23 =	vld.idx.msk [tilespmem:v50+s4+$0x0], $0xffff;
	v20 =	vadd.f32 v21, v20  }
0x284: {  	v33 =	vadd.s32 $0x13, v13;
	v25 =	vunpack.i.u.bf16.f32 v51;
	v21 =	vadd.f32 v62, v22  }
0x285: {  	v35 =	vadd.s32 $0x4E20, v12;
	v34 =	vunpack.i.l.bf16.f32 v57;
	v28 =	vld.idx.msk [tilespmem:v52+s4+$0x0], $0xffff;
	v20 =	vadd.f32 v25, v20  }
0x286: {  	v36 =	vadd.s32 $0x4E20, v11;
	v27 =	vunpack.i.u.bf16.f32 v57;
	v21 =	vadd.f32 v34, v21  }
0x287: {  	v39 =	vadd.s32 $0x4E20, v10;
	v19 =	vld.idx.msk [tilespmem:v58+s4+$0x0], $0xffff;
	v20 =	vadd.f32 v27, v20  }
0x288: {  	v24 =	vunpack.i.l.bf16.f32 v60;
	v38 =	vunpack.i.u.bf16.f32 v23;
	v23 =	vunpack.i.l.bf16.f32 v23;
	[tilespmem:v63+s31+$0x0] =	vst.idx.msk $0xffff, v21  }
0x289: {  	v48 =	vadd.s32 $0x14, v7;
	v41 =	vld.idx.msk [tilespmem:v61+s4+$0x0], $0xffff;
	v37 =	vunpack.i.u.bf16.f32 v60;
	v23 =	vadd.f32 v23, v24;
	[tilespmem:v33+s31+$0x0] =	vst.idx.msk $0xffff, v20  }
0x28a: {  	v45 =	vadd.s32 $0x4E20, v9;
	v43 =	vunpack.i.l.bf16.f32 v28;
	v40 =	vadd.f32 v38, v37;
	v44 =	vld.idx.msk [tilespmem:v35+s4+$0x0], $0xffff  }
0x28b: {  	v49 =	vadd.s32 $0x4E20, v8;
	v42 =	vunpack.i.u.bf16.f32 v28;
	v22 =	vadd.f32 v43, v23;
	v47 =	vld.idx.msk [tilespmem:v36+s4+$0x0], $0xffff  }
0x28c: {  	v46 =	vunpack.i.u.bf16.f32 v19;
	v19 =	vunpack.i.l.bf16.f32 v19;
	v20 =	vadd.f32 v42, v40  }
0x28d: {  	v53 =	vadd.s32 $0x55F0, v18;
	v50 =	vadd.s32 $0x15, v7;
	v21 =	vld.idx.msk [tilespmem:v39+s4+$0x0], $0xffff;
	v19 =	vadd.f32 v19, v22  }
0x28e: {  	v52 =	vadd.s32 $0x55F0, v17;
	v26 =	vunpack.i.l.bf16.f32 v41;
	v20 =	vadd.f32 v46, v20  }
0x28f: {  	v55 =	vadd.s32 $0x55F0, v14;
	v51 =	vunpack.i.u.bf16.f32 v41;
	v54 =	vld.idx.msk [tilespmem:v45+s4+$0x0], $0xffff;
	v19 =	vadd.f32 v26, v19  }
0x290: {  	v20 =	vadd.f32 v51, v20;
	v56 =	vunpack.i.l.bf16.f32 v44;
	v57 =	vunpack.i.l.bf16.f32 v47  }
0x291: {  	v60 =	vld.idx.msk [tilespmem:v49+s4+$0x0], $0xffff;
	v58 =	vunpack.i.u.bf16.f32 v44;
	v24 =	vunpack.i.u.bf16.f32 v47;
	[tilespmem:v48+s31+$0x0] =	vst.idx.msk $0xffff, v19;
	v59 =	vadd.f32 v57, v56  }
0x292: {  	v61 =	vadd.s32 $0x55F0, v15;
	v62 =	vunpack.i.l.bf16.f32 v21;
	v19 =	vadd.f32 v24, v58;
	[tilespmem:v50+s31+$0x0] =	vst.idx.msk $0xffff, v20  }
0x293: {  	v33 =	vadd.s32 $0x55F0, v16;
	v21 =	vunpack.i.u.bf16.f32 v21;
	v63 =	vld.idx.msk [tilespmem:v52+s4+$0x0], $0xffff;
	v22 =	vadd.f32 v62, v59  }
0x294: {  	v35 =	vadd.s32 $0x14, v13;
	v34 =	vunpack.i.l.bf16.f32 v54;
	v23 =	vld.idx.msk [tilespmem:v53+s4+$0x0], $0xffff;
	v19 =	vadd.f32 v21, v19  }
0x295: {  	v36 =	vadd.s32 $0x15, v13;
	v26 =	vunpack.i.u.bf16.f32 v54;
	v21 =	vadd.f32 v34, v22  }
0x296: {  	v38 =	vadd.s32 $0x55F0, v12;
	v37 =	vunpack.i.l.bf16.f32 v60;
	v28 =	vld.idx.msk [tilespmem:v55+s4+$0x0], $0xffff;
	v19 =	vadd.f32 v26, v19  }
0x297: {  	v39 =	vadd.s32 $0x55F0, v11;
	v27 =	vunpack.i.u.bf16.f32 v60;
	v21 =	vadd.f32 v37, v21  }
0x298: {  	v42 =	vadd.s32 $0x55F0, v10;
	v20 =	vld.idx.msk [tilespmem:v61+s4+$0x0], $0xffff;
	v19 =	vadd.f32 v27, v19  }
0x299: {  	v24 =	vunpack.i.l.bf16.f32 v63;
	v41 =	vunpack.i.u.bf16.f32 v23;
	v23 =	vunpack.i.l.bf16.f32 v23;
	[tilespmem:v35+s31+$0x0] =	vst.idx.msk $0xffff, v21  }
0x29a: {  	v51 =	vadd.s32 $0x16, v7;
	v44 =	vld.idx.msk [tilespmem:v33+s4+$0x0], $0xffff;
	v40 =	vunpack.i.u.bf16.f32 v63;
	v23 =	vadd.f32 v23, v24;
	[tilespmem:v36+s31+$0x0] =	vst.idx.msk $0xffff, v19  }
0x29b: {  	v48 =	vadd.s32 $0x55F0, v9;
	v46 =	vunpack.i.l.bf16.f32 v28;
	v43 =	vadd.f32 v41, v40;
	v47 =	vld.idx.msk [tilespmem:v38+s4+$0x0], $0xffff  }
0x29c: {  	v52 =	vadd.s32 $0x55F0, v8;
	v45 =	vunpack.i.u.bf16.f32 v28;
	v22 =	vadd.f32 v46, v23;
	v50 =	vld.idx.msk [tilespmem:v39+s4+$0x0], $0xffff  }
0x29d: {  	v49 =	vunpack.i.u.bf16.f32 v20;
	v20 =	vunpack.i.l.bf16.f32 v20;
	v19 =	vadd.f32 v45, v43  }
0x29e: {  	v56 =	vadd.s32 $0x5DC0, v18;
	v53 =	vadd.s32 $0x17, v7;
	v21 =	vld.idx.msk [tilespmem:v42+s4+$0x0], $0xffff;
	v20 =	vadd.f32 v20, v22  }
0x29f: {  	v55 =	vadd.s32 $0x5DC0, v17;
	v25 =	vunpack.i.l.bf16.f32 v44;
	v19 =	vadd.f32 v49, v19  }
0x2a0: {  	v58 =	vadd.s32 $0x5DC0, v14;
	v54 =	vunpack.i.u.bf16.f32 v44;
	v57 =	vld.idx.msk [tilespmem:v48+s4+$0x0], $0xffff;
	v20 =	vadd.f32 v25, v20  }
0x2a1: {  	v19 =	vadd.f32 v54, v19;
	v59 =	vunpack.i.l.bf16.f32 v47;
	v60 =	vunpack.i.l.bf16.f32 v50  }
0x2a2: {  	v63 =	vld.idx.msk [tilespmem:v52+s4+$0x0], $0xffff;
	v61 =	vunpack.i.u.bf16.f32 v47;
	v24 =	vunpack.i.u.bf16.f32 v50;
	[tilespmem:v51+s31+$0x0] =	vst.idx.msk $0xffff, v20;
	v62 =	vadd.f32 v60, v59  }
0x2a3: {  	v33 =	vadd.s32 $0x5DC0, v15;
	v34 =	vunpack.i.l.bf16.f32 v21;
	v20 =	vadd.f32 v24, v61;
	[tilespmem:v53+s31+$0x0] =	vst.idx.msk $0xffff, v19  }
0x2a4: {  	v36 =	vadd.s32 $0x5DC0, v16;
	v21 =	vunpack.i.u.bf16.f32 v21;
	v35 =	vld.idx.msk [tilespmem:v55+s4+$0x0], $0xffff;
	v22 =	vadd.f32 v34, v62  }
0x2a5: {  	v38 =	vadd.s32 $0x16, v13;
	v37 =	vunpack.i.l.bf16.f32 v57;
	v23 =	vld.idx.msk [tilespmem:v56+s4+$0x0], $0xffff;
	v20 =	vadd.f32 v21, v20  }
0x2a6: {  	v39 =	vadd.s32 $0x17, v13;
	v25 =	vunpack.i.u.bf16.f32 v57;
	v21 =	vadd.f32 v37, v22  }
0x2a7: {  	v41 =	vadd.s32 $0x5DC0, v12;
	v40 =	vunpack.i.l.bf16.f32 v63;
	v28 =	vld.idx.msk [tilespmem:v58+s4+$0x0], $0xffff;
	v20 =	vadd.f32 v25, v20  }
0x2a8: {  	v42 =	vadd.s32 $0x5DC0, v11;
	v27 =	vunpack.i.u.bf16.f32 v63;
	v21 =	vadd.f32 v40, v21  }
0x2a9: {  	v45 =	vadd.s32 $0x5DC0, v10;
	v19 =	vld.idx.msk [tilespmem:v33+s4+$0x0], $0xffff;
	v20 =	vadd.f32 v27, v20  }
0x2aa: {  	v24 =	vunpack.i.l.bf16.f32 v35;
	v44 =	vunpack.i.u.bf16.f32 v23;
	v23 =	vunpack.i.l.bf16.f32 v23;
	[tilespmem:v38+s31+$0x0] =	vst.idx.msk $0xffff, v21  }
0x2ab: {  	v54 =	vadd.s32 $0x18, v7;
	v47 =	vld.idx.msk [tilespmem:v36+s4+$0x0], $0xffff;
	v43 =	vunpack.i.u.bf16.f32 v35;
	v23 =	vadd.f32 v23, v24;
	[tilespmem:v39+s31+$0x0] =	vst.idx.msk $0xffff, v20  }
0x2ac: {  	v51 =	vadd.s32 $0x5DC0, v9;
	v49 =	vunpack.i.l.bf16.f32 v28;
	v46 =	vadd.f32 v44, v43;
	v50 =	vld.idx.msk [tilespmem:v41+s4+$0x0], $0xffff  }
0x2ad: {  	v55 =	vadd.s32 $0x5DC0, v8;
	v48 =	vunpack.i.u.bf16.f32 v28;
	v22 =	vadd.f32 v49, v23;
	v53 =	vld.idx.msk [tilespmem:v42+s4+$0x0], $0xffff  }
0x2ae: {  	v52 =	vunpack.i.u.bf16.f32 v19;
	v19 =	vunpack.i.l.bf16.f32 v19;
	v20 =	vadd.f32 v48, v46  }
0x2af: {  	v59 =	vadd.s32 $0x6590, v18;
	v61 =	vadd.s32 $0x6590, v14;
	v21 =	vld.idx.msk [tilespmem:v45+s4+$0x0], $0xffff;
	v19 =	vadd.f32 v19, v22  }
0x2b0: {  	v56 =	vadd.s32 $0x19, v7;
	v26 =	vunpack.i.l.bf16.f32 v47;
	v20 =	vadd.f32 v52, v20  }
0x2b1: {  	v58 =	vadd.s32 $0x6590, v17;
	v57 =	vunpack.i.u.bf16.f32 v47;
	v60 =	vld.idx.msk [tilespmem:v51+s4+$0x0], $0xffff;
	v19 =	vadd.f32 v26, v19  }
0x2b2: {  	v20 =	vadd.f32 v57, v20;
	v62 =	vunpack.i.l.bf16.f32 v50;
	v63 =	vunpack.i.l.bf16.f32 v53  }
0x2b3: {  	v36 =	vld.idx.msk [tilespmem:v55+s4+$0x0], $0xffff;
	v34 =	vunpack.i.u.bf16.f32 v50;
	v24 =	vunpack.i.u.bf16.f32 v53;
	v35 =	vadd.f32 v63, v62  }
0x2b4: {  	v37 =	vadd.s32 $0x6590, v15;
	v38 =	vunpack.i.l.bf16.f32 v21;
	[tilespmem:v54+s31+$0x0] =	vst.idx.msk $0xffff, v19;
	v19 =	vadd.f32 v24, v34  }
0x2b5: {  	v40 =	vadd.s32 $0x6590, v16;
	v21 =	vunpack.i.u.bf16.f32 v21;
	[tilespmem:v56+s31+$0x0] =	vst.idx.msk $0xffff, v20;
	v22 =	vadd.f32 v38, v35  }
0x2b6: {  	v42 =	vadd.s32 $0x18, v13;
	v41 =	vunpack.i.l.bf16.f32 v60;
	v39 =	vld.idx.msk [tilespmem:v58+s4+$0x0], $0xffff;
	v19 =	vadd.f32 v21, v19  }
0x2b7: {  	v43 =	vadd.s32 $0x19, v13;
	v26 =	vunpack.i.u.bf16.f32 v60;
	v23 =	vld.idx.msk [tilespmem:v59+s4+$0x0], $0xffff;
	v21 =	vadd.f32 v41, v22  }
0x2b8: {  	v45 =	vadd.s32 $0x6590, v12;
	v44 =	vunpack.i.l.bf16.f32 v36;
	v19 =	vadd.f32 v26, v19  }
0x2b9: {  	v46 =	vadd.s32 $0x6590, v11;
	v27 =	vunpack.i.u.bf16.f32 v36;
	v28 =	vld.idx.msk [tilespmem:v61+s4+$0x0], $0xffff;
	v21 =	vadd.f32 v44, v21  }
0x2ba: {  	v49 =	vadd.s32 $0x6590, v10;
	v19 =	vadd.f32 v27, v19  }
0x2bb: {  	v55 =	vadd.s32 $0x6590, v9;
	v60 =	vadd.s32 $0x1B, v7;
	v62 =	vadd.s32 $0x6D60, v17;
	v20 =	vld.idx.msk [tilespmem:v37+s4+$0x0], $0xffff;
	[tilespmem:v42+s31+$0x0] =	vst.idx.msk $0xffff, v21  }
0x2bc: {  	v51 =	vld.idx.msk [tilespmem:v40+s4+$0x0], $0xffff;
	v24 =	vunpack.i.l.bf16.f32 v39;
	v48 =	vunpack.i.u.bf16.f32 v23;
	v23 =	vunpack.i.l.bf16.f32 v23;
	[tilespmem:v43+s31+$0x0] =	vst.idx.msk $0xffff, v19  }
0x2bd: {  	v63 =	vadd.s32 $0x6D60, v18;
	v47 =	vunpack.i.u.bf16.f32 v39;
	v23 =	vadd.f32 v23, v24;
	v54 =	vld.idx.msk [tilespmem:v45+s4+$0x0], $0xffff  }
0x2be: {  	v58 =	vadd.s32 $0x1A, v7;
	v53 =	vunpack.i.l.bf16.f32 v28;
	v50 =	vadd.f32 v48, v47;
	v57 =	vld.idx.msk [tilespmem:v46+s4+$0x0], $0xffff  }
0x2bf: {  	v59 =	vadd.s32 $0x6590, v8;
	v52 =	vunpack.i.u.bf16.f32 v28;
	v22 =	vadd.f32 v53, v23  }
0x2c0: {  	v56 =	vunpack.i.u.bf16.f32 v20;
	v20 =	vunpack.i.l.bf16.f32 v20;
	v19 =	vadd.f32 v52, v50;
	v21 =	vld.idx.msk [tilespmem:v49+s4+$0x0], $0xffff  }
0x2c1: {  	v37 =	vadd.s32 $0x6D60, v14;
	v61 =	vunpack.i.u.bf16.f32 v51;
	v20 =	vadd.f32 v20, v22  }
0x2c2: {  	v25 =	vunpack.i.l.bf16.f32 v51;
	v48 =	vadd.s32 $0x1A, v13;
	v36 =	vld.idx.msk [tilespmem:v55+s4+$0x0], $0xffff;
	v19 =	vadd.f32 v56, v19  }
0x2c3: {  	v20 =	vadd.f32 v25, v20;
	v38 =	vunpack.i.l.bf16.f32 v54;
	v39 =	vunpack.i.l.bf16.f32 v57  }
0x2c4: {  	v42 =	vld.idx.msk [tilespmem:v59+s4+$0x0], $0xffff;
	v40 =	vunpack.i.u.bf16.f32 v54;
	v24 =	vunpack.i.u.bf16.f32 v57;
	v41 =	vadd.f32 v39, v38  }
0x2c5: {  	v19 =	vadd.f32 v61, v19;
	v44 =	vunpack.i.l.bf16.f32 v21;
	[tilespmem:v58+s31+$0x0] =	vst.idx.msk $0xffff, v20;
	v20 =	vadd.f32 v24, v40  }
0x2c6: {  	v43 =	vadd.s32 $0x6D60, v15;
	v21 =	vunpack.i.u.bf16.f32 v21;
	v22 =	vadd.f32 v44, v41  }
0x2c7: {  	v46 =	vadd.s32 $0x6D60, v16;
	v47 =	vunpack.i.l.bf16.f32 v36;
	[tilespmem:v60+s31+$0x0] =	vst.idx.msk $0xffff, v19;
	v20 =	vadd.f32 v21, v20  }
0x2c8: {  	v49 =	vadd.s32 $0x1B, v13;
	v25 =	vunpack.i.u.bf16.f32 v36;
	v45 =	vld.idx.msk [tilespmem:v62+s4+$0x0], $0xffff;
	v21 =	vadd.f32 v47, v22  }
0x2c9: {  	v51 =	vadd.s32 $0x6D60, v12;
	v50 =	vunpack.i.l.bf16.f32 v42;
	v23 =	vld.idx.msk [tilespmem:v63+s4+$0x0], $0xffff;
	v20 =	vadd.f32 v25, v20  }
0x2ca: {  	v52 =	vadd.s32 $0x6D60, v11;
	v27 =	vunpack.i.u.bf16.f32 v42;
	v21 =	vadd.f32 v50, v21  }
0x2cb: {  	v32 =	vadd.s32 $0x6D60, v8;
	v28 =	vld.idx.msk [tilespmem:v37+s4+$0x0], $0xffff;
	v20 =	vadd.f32 v27, v20  }
0x2cc: {  	v34 =	vadd.s32 $0x1C, v7;
	v17 =	vadd.s32 $0x7530, v17;
	v55 =	vadd.s32 $0x6D60, v10;
	v19 =	vld.idx.msk [tilespmem:v43+s4+$0x0], $0xffff;
	[tilespmem:v48+s31+$0x0] =	vst.idx.msk $0xffff, v21  }
0x2cd: {  	v18 =	vadd.s32 $0x7530, v18;
	v35 =	vadd.s32 $0x1D, v7;
	v61 =	vadd.s32 $0x6D60, v9;
	v56 =	vld.idx.msk [tilespmem:v46+s4+$0x0], $0xffff;
	[tilespmem:v49+s31+$0x0] =	vst.idx.msk $0xffff, v20  }
0x2ce: {  	v24 =	vunpack.i.l.bf16.f32 v45;
	v54 =	vunpack.i.u.bf16.f32 v23;
	v23 =	vunpack.i.l.bf16.f32 v23;
	v59 =	vld.idx.msk [tilespmem:v51+s4+$0x0], $0xffff  }
0x2cf: {  	v14 =	vadd.s32 $0x7530, v14;
	v53 =	vunpack.i.u.bf16.f32 v45;
	v23 =	vadd.f32 v23, v24;
	v60 =	vld.idx.msk [tilespmem:v52+s4+$0x0], $0xffff  }
0x2d0: {  	v15 =	vadd.s32 $0x7530, v15;
	v58 =	vunpack.i.l.bf16.f32 v28;
	v21 =	vadd.f32 v54, v53  }
0x2d1: {  	v16 =	vadd.s32 $0x7530, v16;
	v57 =	vunpack.i.u.bf16.f32 v28;
	v22 =	vadd.f32 v58, v23;
	v63 =	vld.idx.msk [tilespmem:v55+s4+$0x0], $0xffff  }
0x2d2: {  	v62 =	vunpack.i.u.bf16.f32 v19;
	v19 =	vunpack.i.l.bf16.f32 v19;
	v20 =	vadd.f32 v57, v21  }
0x2d3: {  	v33 =	vunpack.i.u.bf16.f32 v56;
	v24 =	vunpack.i.l.bf16.f32 v56;
	v23 =	vld.idx.msk [tilespmem:v61+s4+$0x0], $0xffff;
	v19 =	vadd.f32 v19, v22  }
0x2d4: {  	v20 =	vadd.f32 v62, v20;
	v36 =	vunpack.i.l.bf16.f32 v59;
	v37 =	vunpack.i.l.bf16.f32 v60  }
0x2d5: {  	v25 =	vld.idx.msk [tilespmem:v32+s4+$0x0], $0xffff;
	v27 =	vunpack.i.u.bf16.f32 v59;
	v21 =	vunpack.i.u.bf16.f32 v60;
	v28 =	vadd.f32 v37, v36  }
0x2d6: {  	v19 =	vadd.f32 v24, v19;
	v38 =	vunpack.i.l.bf16.f32 v63;
	v21 =	vadd.f32 v21, v27  }
0x2d7: {  	v20 =	vadd.f32 v33, v20;
	v40 =	vunpack.i.u.bf16.f32 v63;
	v39 =	vadd.f32 v38, v28  }
0x2d8: {  	v42 =	vadd.s32 $0x1C, v13;
	v41 =	vunpack.i.l.bf16.f32 v23;
	[tilespmem:v34+s31+$0x0] =	vst.idx.msk $0xffff, v19;
	v19 =	vadd.f32 v40, v21  }
0x2d9: {  	v44 =	vadd.s32 $0x1D, v13;
	v43 =	vunpack.i.u.bf16.f32 v23;
	[tilespmem:v35+s31+$0x0] =	vst.idx.msk $0xffff, v20;
	v20 =	vadd.f32 v41, v39  }
0x2da: {  	v12 =	vadd.s32 $0x7530, v12;
	v45 =	vunpack.i.l.bf16.f32 v25;
	v17 =	vld.idx.msk [tilespmem:v17+s4+$0x0], $0xffff;
	v19 =	vadd.f32 v43, v19  }
0x2db: {  	v11 =	vadd.s32 $0x7530, v11;
	v46 =	vunpack.i.u.bf16.f32 v25;
	v18 =	vld.idx.msk [tilespmem:v18+s4+$0x0], $0xffff;
	v20 =	vadd.f32 v45, v20  }
0x2dc: {  	v14 =	vld.idx.msk [tilespmem:v14+s4+$0x0], $0xffff;
	v19 =	vadd.f32 v46, v19  }
0x2dd: {  	v10 =	vadd.s32 $0x7530, v10;
	v15 =	vld.idx.msk [tilespmem:v15+s4+$0x0], $0xffff;
	[tilespmem:v42+s31+$0x0] =	vst.idx.msk $0xffff, v20  }
0x2de: {  	v16 =	vld.idx.msk [tilespmem:v16+s4+$0x0], $0xffff;
	[tilespmem:v44+s31+$0x0] =	vst.idx.msk $0xffff, v19  }
0x2df: {  	v8 =	vadd.s32 $0x7530, v8;
	v9 =	vadd.s32 $0x7530, v9;
	v62 =	vadd.s32 $0x1E, v13;
	v12 =	vld.idx.msk [tilespmem:v12+s4+$0x0], $0xffff  }
0x2e0: {  	v13 =	vadd.s32 $0x1F, v13;
	v59 =	vadd.s32 $0x1E, v7;
	v7 =	vadd.s32 $0x1F, v7;
	v11 =	vld.idx.msk [tilespmem:v11+s4+$0x0], $0xffff  }
0x2e1: {  	v47 =	vunpack.i.u.bf16.f32 v17;
	v17 =	vunpack.i.l.bf16.f32 v17;
	v48 =	vunpack.i.u.bf16.f32 v18  }
0x2e2: {  	v18 =	vunpack.i.l.bf16.f32 v18;
	v50 =	vunpack.i.u.bf16.f32 v14;
	v14 =	vunpack.i.l.bf16.f32 v14;
	v10 =	vld.idx.msk [tilespmem:v10+s4+$0x0], $0xffff  }
0x2e3: {  	v52 =	vunpack.i.u.bf16.f32 v15;
	v15 =	vunpack.i.l.bf16.f32 v15;
	v17 =	vadd.f32 v18, v17  }
0x2e4: {  	v54 =	vunpack.i.l.bf16.f32 v16;
	v16 =	vunpack.i.u.bf16.f32 v16;
	v49 =	vadd.f32 v48, v47;
	v9 =	vld.idx.msk [tilespmem:v9+s4+$0x0], $0xffff  }
0x2e5: {  	v14 =	vadd.f32 v14, v17;
	v55 =	vunpack.i.l.bf16.f32 v12;
	v56 =	vunpack.i.l.bf16.f32 v11  }
0x2e6: {  	v8 =	vld.idx.msk [tilespmem:v8+s4+$0x0], $0xffff;
	v12 =	vunpack.i.u.bf16.f32 v12;
	v11 =	vunpack.i.u.bf16.f32 v11;
	v57 =	vadd.f32 v56, v55  }
0x2e7: {  	v51 =	vadd.f32 v50, v49;
	v58 =	vunpack.i.l.bf16.f32 v10;
	v11 =	vadd.f32 v11, v12  }
0x2e8: {  	v14 =	vadd.f32 v15, v14;
	v10 =	vunpack.i.u.bf16.f32 v10;
	v17 =	vadd.f32 v58, v57  }
0x2e9: {  	s17 =	sadd.s32 $0x2, s17;
	v53 =	vadd.f32 v52, v51;
	v60 =	vunpack.i.l.bf16.f32 v9;
	v10 =	vadd.f32 v10, v11  }
0x2ea: {  	p1 =	slt.u32 s17, $0x6;
	v14 =	vadd.f32 v54, v14;
	v9 =	vunpack.i.u.bf16.f32 v9;
	v61 =	vadd.f32 v60, v17  }
.Ltmp8:
0x2eb: {  	v15 =	vadd.f32 v16, v53;
	v63 =	vunpack.i.l.bf16.f32 v8;
	v9 =	vadd.f32 v9, v10;
	(pc) =	sbr.rel @p1 .LBB2_15-.Ltmp8, $4  }
0x2ec: {  	v8 =	vunpack.i.u.bf16.f32 v8;
	[tilespmem:v59+s31+$0x0] =	vst.idx.msk $0xffff, v14;
	v10 =	vadd.f32 v63, v61  }
0x2ed: {  	[tilespmem:v7+s31+$0x0] =	vst.idx.msk $0xffff, v15;
	v7 =	vadd.f32 v8, v9  }
0x2ee: {  	[tilespmem:v62+s31+$0x0] =	vst.idx.msk $0xffff, v10  }
0x2ef: {  	s10 =	sadd.s32 $0x20, s10;
	[tilespmem:v13+s31+$0x0] =	vst.idx.msk $0xffff, v7  }
0x2f0: {  	s0 =	sadd.s32 s11, s15  }
0x2f1: {  	s10 =	sshll.u32 s0, $0x6  }
0x2f2: {  	s0 =	sor.u32 s13, s10  }
0x2f3: {  	s0 =	sshrl.u32 s0, $0x3  }
0x2f4: {  	s1 =	simm.s32 $0xE300;
	s17 =	sadd.s32 s3, s0  }
0x2f5: {  	s19 =	simm.s32 $0xE328;
	s0 =	simm.s32 $0x8;
	s24 =	sadd.s32 $0x0, s17  }
.LBB2_17:
0x2f6: {  	[hbm4b:s24+s4] =	stream.linear.scatter [tilespmem:s1], [sflag:$0x8], $0x20, $0x38;
	[tilespmem:$0xF700] =	vst v63  }
0x2f7: {  	s24 =	smov.u32 s0;
	s1 =	smov.u32 s19;
	p1 =	sne.s32 s0, $0x3F8  }
.Ltmp9:
0x2f8: {  	s0 =	sadd.s32 $0x8, s0;
	(pc) =	sbr.rel @p1 .LBB2_17-.Ltmp9, $2  }
0x2f9: {  	_ =	sdelay $0x2  }
0x2fa: {  	s19 =	sadd.s32 $0x28, s19;
	s24 =	sadd.s32 s24, s17  }
0x2fb: {  	[hbm4b:s24+s4] =	stream.linear.scatter [tilespmem:s1], [sflag:$0x8], $0x20, $0x38;
	[tilespmem:$0xF700] =	vst v63  }
0x2fc: {  	s0 =	simm.s32 @!p0 $0x4  }
.Ltmp10:
0x2fd: {  	_ =	swait.ge @!p0 [sflag:s0], $0x2000;
	(pc) =	sbr.rel @p2 .LBB2_20-.Ltmp10, $4  }
0x2fe: {  	[sflag:s0] =	ssyncset.done @!p0 $0x0  }
0x2ff: {  	[sflag:s0] =	ssyncadd.s32 @!p0 $0xFFFFE000;
	s0 =	sshrl.u32 @!p0 s10, $0x3  }
0x300: {  	s1 =	simm.s32 @!p0 $0x0;
	s10 =	simm.s32 @!p0 $0xAF00;
	s0 =	sadd.s32 @!p0 s2, s0  }
0x301: {  	[hbm4b:s0+s1] =	stream.linear.scatter @!p0 [tilespmem:s10], [sflag:$0x6], $0x2000, $0x38;
	[tilespmem:$0xF700] =	vst v63  }
0x302: {  	s0 =	sadd.s32 s11, s16  }
0x303: {  	s0 =	sshrl.u32 s0, $0x3  }
0x304: {  	s0 =	sadd.s32 s5, s0  }
0x305: {  	[tilespmem:s22], [sflag:$0x9] =	stream.linear.gather [hbm4b:s0+s4], $0x80, $0x38;
	[tilespmem:$0xF700] =	vst v63  }
.Ltmp11:
0x306: {  	_ = 	snop;
	(pc) =	sbr.rel .LBB2_2-.Ltmp11, $4  }
0x307: {  	_ =	swait.ge [sflag:s18], $0x80  }
0x308: {  	[sflag:s18] =	ssyncset.done $0x0  }
0x309: {  	s9 =	sadd.s32 $0x1, s9;
	[sflag:s18] =	ssyncadd.s32 $0xFFFFFF80  }
0x30a: {  	[tilespmem:s23], [sflag:$0x2] =	stream.indirect.gather [hbm4b:s6+s20], $0x10, s22, s20, $0xb8;
	[tilespmem:$0xF700] =	vst v63  }
.LBB2_21:
0x30b: {  	_ =	sfence.sel $0x180000  }
0x30c: {  	[bflag:$0x0] =	sbarrier.arrive $0xFFFF  }
0x30d: {  	_ =	strace $0x90000047  }
0x30e: {  	s0 =	stileid.u32;
	[bflag:$0x2] =	sbarrier.arrive $0xFFFF  }
0x30f: {  	p0 =	sne.s32 s0, $0x0;
	s0 =	rddreg [dreg:$0x3]  }
0x310: {  	s0 =	sadd.s32 @!p0 $0x100000, s0  }
0x311: {  	[sflag:s0] =	ssyncadd.tile.s32 @!p0 $0x1;
	_ =	shalt  }
.Lfunc_end2:
_tile_overlayer_lowered:
.L_overlay_start_2:
0x312: {  	(tag) =	ssettag $0x2  }
0x313: {  	s0 =	rddreg [dreg:$0x0];
	s2 =	stileid.u32  }
0x314: {  	s1 =	rddreg [dreg:$0x1];
	p0 =	sne.s32 s2, $0x0  }
0x315: {  	s3 =	rddreg [dreg:$0x2];
	[bflag:$0x3] =	sbarrier.arrive $0xFFFF;
	s2 =	simm.s32 @!p0 $0x1C09  }
0x316: {  	[timem:s3], [sflag:s2] =	dma.local @!p0 [hbm:s0], s1  }
0x317: {  	s0 =	simm.s32 @!p0 $0x9  }
0x318: {  	_ =	swait.ge @!p0 [sflag:s0], s1  }
0x319: {  	s1 =	ssub.s32 @!p0 $0x0, s1;
	[sflag:s0] =	ssyncset.done @!p0 $0x0  }
0x31a: {  	[sflag:s0] =	ssyncadd.s32 @!p0 s1  }
0x31b: {  	[bflag:$0x3] =	sbarrier.arrive $0xFFFF  }
0x31c: {  	_ =	shalt  }

// kernel: sparse-core-data-format-call.1.cloned.1.call-start
scs
called_computation.1_lowered:
.L_overlay_start_0:
0x0: {  	s2 =	sld [smem:$0x3FD9]  }
0x1: {  	s3 =	sld [smem:$0x3FFE];
	_ =	sdelay $0x1  }
0x2: {  	s1 =	srdreg.scid  }
0x3: {  	s0 =	sand.u32 $0x1, s1  }
0x4: {  	s16 =	sshll.u32 s0, $0xA;
	s2 =	sadd.s32 s3, s2  }
0x5: {  	s2 =	sadd.s32 s2, s16  }
0x6: {  	[smem:$0x3FC3] =	sst s2  }
0x7: {  	_ = 	snop  }
0x8: {  	s2 =	sld [smem:$0x3FD0];
	_ =	sdelay $0x2  }
0x9: {  	s17 =	simm.s32 $0xB;
	s4 =	simm.s32 $0x10  }
0xa: {  	[smem:s4], [sflag:s17] =	dma.local [hbm:s2], $0x1  }
0xb: {  	_ =	swait.eq [sflag:s17], $0x1  }
0xc: {  	[sflag:s17] =	ssyncset.done $0x0  }
0xd: {  	[sflag:s17] =	ssyncadd.s32 $0xFFFFFFFF  }
0xe: {  	s18 =	sld [smem:$0x10];
	(tm) =	ssettm $0x1  }
0xf: {  	s19 =	sld [smem:$0x3FFB];
	_ =	sdelay $0x3  }
0x10: {  	_ =	strace s19  }
0x11: {  	s2 =	sld [smem:$0x3FFC];
	_ =	sdelay $0x3  }
0x12: {  	_ =	strace s2  }
0x13: {  	s2 =	sld [smem:$0x3FFD];
	_ =	sdelay $0x3  }
0x14: {  	_ =	strace s2  }
0x15: {  	_ =	strace $0x8FFFFFFF  }
0x16: {  	s20 =	sld [smem:$0x3FDB];
	_ =	sdelay $0x1  }
0x17: {  	s21 =	simm.s32 $_scs_section_size  }
0x18: {  	s5 =	simm.s32 $_size__tile_overlayer_lowered;
	s6 =	simm.s32 $_tile_overlayer_lowered  }
0x19: {  	s7 =	simm.s32 $0x1BFF;
	s22 =	sshll.u32 s6, $0x1;
	s4 =	sadd.s32 s21, s20  }
0x1a: {  	s23 =	simm.s32 $0x0;
	s5 =	sshll.u32 s5, $0x1;
	s6 =	sadd.s32 s22, s4  }
0x1b: {  	[timem:s23], [sflag:s7] =	dma.local [hbm:s6], s5  }
0x1c: {  	_ =	swait.ge [sflag:s7], s5  }
0x1d: {  	s5 =	ssub.s32 $0x0, s5;
	[sflag:s7] =	ssyncset.done $0x0  }
0x1e: {  	[sflag:s7] =	ssyncadd.s32 s5;
	_ =	sdelay $0x1  }
0x1f: {  	s24 =	simm.s32 $0x1B8B  }
0x20: {  	_ =	swait.ge [sflag:s24], $0x1  }
0x21: {  	[sflag:s24] =	ssyncset.done $0x0  }
0x22: {  	[sflag:s24] =	ssyncadd.s32 $0xFFFFFFFF  }
0x23: {  	s5 =	sld [smem:$0x0]  }
0x24: {  	s6 =	sand.u32 $0xFFFFFFFE, s1  }
0x25: {  	p0 =	sne.s32 s1, s6  }
0x26: {  	s6 =	sshll.u32 @p0 s6, $0xE  }
0x27: {  	s6 =	sadd.s32 @p0 $0x11B8D, s6;
	s7 =	sshll.u32 @p0 s5, $0x11  }
0x28: {  	s6 =	sor.u32 @p0 s7, s6  }
0x29: {  	[sflag:s6] =	ssyncadd.remote.s32 @p0 $0x1;
	_ =	sdelay $0x1  }
0x2a: {  	s6 =	simm.s32 @p0 $0x1B8D  }
0x2b: {  	_ =	swait.eq @p0 [sflag:s6], $0x1  }
0x2c: {  	[sflag:s6] =	ssyncadd.s32 @p0 $0xFFFFFFFF  }
0x2d: {  	s7 =	sshll.u32 @!p0 s1, $0xE  }
0x2e: {  	s7 =	sor.u32 @!p0 $0x4000, s7;
	s6 =	simm.s32 @!p0 $0x1B8D  }
0x2f: {  	s5 =	sshll.u32 @!p0 s5, $0x11;
	s7 =	sadd.s32 @!p0 $0x11B8D, s7;
	_ =	swait.eq @!p0 [sflag:s6], $0x1  }
0x30: {  	s5 =	sor.u32 @!p0 s5, s7;
	[sflag:s6] =	ssyncadd.s32 @!p0 $0xFFFFFFFF  }
0x31: {  	s26 =	simm.s32 $0x1B8E;
	s25 =	sld [smem:$0x3FFE];
	[sflag:s5] =	ssyncadd.remote.s32 @!p0 $0x1  }
0x32: {  	s27 =	simm.s32 $execute0_lowered;
	[smem:$0x3FD2] =	sst s26  }
0x33: {  	s6 =	sshll.u32 s27, $0x1;
	_ =	strace $0x8000004C;
	[dreg:$0x1] =	wrdreg $0xFFFFFFFF  }
0x34: {  	s28 =	simm.s32 $_size_execute0_lowered;
	s4 =	sadd.s32 s4, s6;
	[dreg:$0x0] =	wrdreg $0x0  }
0x35: {  	s6 =	sshll.u32 s28, $0x1;
	[dreg:$0x2] =	wrdreg s4  }
0x36: {  	[dreg:$0x3] =	wrdreg s6  }
0x37: {  	[dreg:$0x4] =	wrdreg $0xC0  }
0x38: {  	_ =	task [dreg:s23], $0x5FFFF  }
0x39: {  	[dreg:$0x1] =	wrdreg $0xFFFFFFFF  }
0x3a: {  	[dreg:$0x0] =	wrdreg $0x60  }
0x3b: {  	[dreg:$0x2] =	wrdreg s25  }
0x3c: {  	[dreg:$0x3] =	wrdreg s18  }
0x3d: {  	[dreg:$0x4] =	wrdreg $0xA  }
0x3e: {  	_ =	task.clear_ibuf [dreg:s23], $0x5FFFF;
	_ =	strace $0x9000004C  }
0x3f: {  	s29 =	simm.s32 $0xA;
	_ =	strace $0x8000004E  }
0x40: {  	_ =	swait.ge [sflag:s29], $0x1  }
0x41: {  	[sflag:s29] =	ssyncadd.s32 $0xFFFFFFFF  }
0x42: {  	_ =	strace $0x9000004E  }
0x43: {  	_ =	sfence  }
0x44: {  	s30 =	sld [smem:$0x0];
	_ =	sdelay $0x2  }
0x45: {  	s31 =	sshll.u32 s1, $0xD;
	s1 =	sshrl.u32 s1, $0x2  }
0x46: {  	s4 =	sand.u32 $0x4000, s31;
	s1 =	sadd.s32 s1, s30  }
0x47: {  	s0 =	sor.u32 s4, s0;
	s1 =	sshll.u32 s1, $0x11  }
0x48: {  	s0 =	sor.u32 s1, s0  }
0x49: {  	s0 =	sadd.s32 $0x8F2B, s0  }
0x4a: {  	[sflag:s0] =	ssyncadd.remote.s32 $0x1  }
0x4b: {  	_ =	sfence.sel $0xFFFF  }
0x4c: {  	[dreg:$0x0] =	wrdreg $0xFFFFFFFF;
	(pc) =	sbr.abs _section_cstart, $3  }
0x4d: {  	[dreg:$0x1] =	wrdreg $0xFFFFFFFF  }
0x4e: {  	_ =	task.clear_ibuf [dreg:s23], $0x2FFFF;
	_ =	strace $0x9FFFFFFF  }
0x4f: {  	(tm) =	ssettm $0x7FFFFFFF  }
tec
execute0_lowered:
.L_overlay_start_1:
0x0: {  	(tag) =	ssettag $0x1  }
0x1: {  	s0 =	srdreg.scid  }
0x2: {  	s1 =	sshll.u32 s0, $0x4  }
0x3: {  	s0 =	stileid.u32;
	s1 =	sand.u32 $0x10, s1  }
0x4: {  	s1 =	sor.u32 s0, s1  }
0x5: {  	s6 =	rddreg [dreg:$0x0];
	s4 =	simm.s32 $0x1;
	s2 =	sshll.u32 s1, $0x7  }
0x6: {  	s7 =	simm.s32 $0x2;
	s12 =	simm.s32 $0x0;
	s1 =	ssub.s32 $0x1000, s2  }
0x7: {  	s8 =	simm.s32 $0x8000;
	s13 =	simm.s32 $0x0;
	s3 =	sand.u32 $0xF80, s1  }
0x8: {  	s9 =	simm.s32 $0x0;
	s5 =	sshrl.u32 s1, $0xC;
	p0 =	sne.s32 s3, $0x0  }
.Ltmp0:
0x9: {  	s1 =	rddreg [dreg:$0x2];
	s4 =	simm.s32 @!p0 $0x0;
	(pc) =	sbr.rel .LBB1_1-.Ltmp0, $4  }
0xa: {  	s11 =	simm.s32 $0x0;
	s3 =	rddreg [dreg:$0x1];
	s5 =	sadd.s32 s4, s5  }
0xb: {  	_ =	strace $0x8000004D;
	s4 =	simm.s32 $0x1;
	s5 =	smul.u32 $0x32, s5  }
0xc: {  	s6 =	sadd.s32 $0x381000, s6;
	s10 =	smov.u32 s2;
	[sflag:s4] =	ssyncpa.u1 $0x0  }
0xd: {  	p0 =	por $0x0, $0x0;
	[sflag:s7] =	ssyncpa.u1 $0x0;
	s7 =	sor.u32 $0x1, s5  }
.LBB1_4:
0xe: {  	s16 =	sshll.u32 s13, $0x3;
	s17 =	sand.u32 $0x78, s13  }
0xf: {  	s30 =	sand.u32 $0x7E00, s13;
	s12 =	sshll.u32 s12, $0xF;
	s16 =	sand.u32 $0xC00, s16  }
0x10: {  	[tilespmem:s15+$0x810 ss:$0x81] =	vst.msk $0xffff, v2;
	s31 =	sand.u32 $0x7, s13;
	s16 =	sor.u32 s17, s16;
	s17 =	sadd.s32 s3, s30  }
0x11: {  	[tilespmem:s15+$0x1020 ss:$0x81] =	vst.msk $0xffff, v0;
	s13 =	sshll.u32 s31, $0x12;
	s12 =	sadd.s32 s12, s17;
	s16 =	sshrl.u32 s16, $0x3  }
0x12: {  	[tilespmem:s15+$0x0 ss:$0x81] =	vst.msk $0xffff, v1;
	s13 =	sor.u32 $0x400, s13;
	s12 =	sadd.s32 s16, s12  }
0x13: {  	[hbm4b:s12+s13] =	stream.strided.scatter [tilespmem:s14], [sflag:$0x2], $0x2000, s8, s13, $0x20;
	[tilespmem:$0x8080] =	vst v63  }
.LBB1_5:
0x14: {  	s14 =	sadd.s32 $0x1, s9  }
0x15: {  	s12 =	sadd.s32 $0x1000, s10;
	s16 =	smov.u32 s10;
	p2 =	sgt.s32 s14, $0x31  }
0x16: {  	s16 =	smov.u32 @p2 s12  }
0x17: {  	s14 =	simm.s32 @p2 $0x0;
	p2 =	sgt.s32 s16, $0xFFF  }
0x18: {  	s16 =	smov.u32 @p2 s2;
	p2 =	sne.s32 s11, s7  }
.Ltmp1:
0x19: {  	p1 =	slt.u32 s11, $0x2;
	(pc) =	sbr.rel @!p2 .LBB1_6-.Ltmp1, $4  }
0x1a: {  	s15 =	simm.s32 @!p1 $0x2  }
0x1b: {  	s13 =	smov.u32 s10;
	p0 =	por !p0, !p0;
	_ =	swait.ge @!p1 [sflag:s15], $0x2000  }
0x1c: {  	s12 =	smov.u32 s9;
	[sflag:s15] =	ssyncset.done @!p1 $0x0;
	s9 =	smov.u32 s14  }
0x1d: {  	s11 =	sadd.s32 $0x1, s11;
	[sflag:s15] =	ssyncadd.s32 @!p1 $0xFFFFE000;
	s10 =	smov.u32 s16  }
.LBB1_1:
0x1e: {  	p1 =	sge.u32 s11, s5  }
0x1f: {  	s14 =	sand.u32 @!p1 $0x1FFFFFF, s9  }
0x20: {  	s15 =	smulhi.u32 @!p1 $0x4924925, s14;
	_ =	sdelay $0x1  }
0x21: {  	s15 =	smul.u32 @!p1 $0x38, s15  }
0x22: {  	s16 =	sxor.u32 @!p1 $0xFFFFFFFF, s11;
	s17 =	smul.u32 @!p1 $0x380, s10  }
0x23: {  	s31 =	sadd.s32 $0xFFFFFFFF, s11;
	s16 =	sshll.u32 @!p1 s16, $0xD;
	s14 =	ssub.s32 @!p1 s14, s15  }
0x24: {  	s15 =	sand.u32 @!p1 $0x2000, s16;
	s16 =	sadd.s32 @!p1 s6, s17;
	s14 =	sshll.u32 @!p1 s14, $0x4  }
0x25: {  	s17 =	simm.s32 @!p1 $0x1C00;
	s14 =	sadd.s32 @!p1 s14, s16;
	s16 =	simm.s32 @!p1 $0x40  }
0x26: {  	[tilespmem:s15], [sflag:$0x1] =	stream.strided.gather @!p1 [hbm4b:s14+s16], $0x2000, s17, s16, $0x38;
	[tilespmem:$0x8080] =	vst v63  }
0x27: {  	p1 =	sge.u32 s31, s5  }
.Ltmp2:
0x28: {  	_ = 	snop;
	(pc) =	sbr.rel @p1 .LBB1_5-.Ltmp2, $1  }
0x29: {  	_ =	sdelay $0x3  }
0x2a: {  	s14 =	simm.s32 $0x1  }
0x2b: {  	_ =	swait.ge [sflag:s4], $0x2000;
	s14 =	simm.s32 @!p0 $0x0  }
0x2c: {  	[sflag:s4] =	ssyncset.done $0x0;
	s15 =	sshll.u32 s14, $0xD  }
0x2d: {  	[sflag:s4] =	ssyncadd.s32 $0xFFFFE000;
	s18 =	sor.u32 $0x20, s15  }
0x2e: {  	s14 =	smul.u32 $0x8100, s14;
	v3 =	vld [tilespmem:s18+$0x10]  }
0x2f: {  	s30 =	sand.u32 $0x1, s11;
	v2 =	vld [tilespmem:s18+$0xFFFFFFF0]  }
0x30: {  	s15 =	smul.u32 $0x8100, s30;
	s14 =	sshrl.u32 s14, $0x2;
	v0 =	vld [tilespmem:s18+$0x0]  }
0x31: {  	v1 =	vld [tilespmem:s18+$0xFFFFFFE0];
	s16 =	sor.u32 $0x4000, s14  }
0x32: {  	s31 =	sshrl.u32 s15, $0x2;
	s15 =	sadd.s32 $0x0, s16  }
0x33: {  	s17 =	simm.s32 $0x4;
	s18 =	sadd.s32 $0x40, s18;
	s14 =	sor.u32 $0x4000, s31;
	[tilespmem:s15+$0x1830 ss:$0x81] =	vst.msk $0xffff, v3  }
.LBB1_3:
0x34: {  	v3 =	vld [tilespmem:s18+$0x10];
	p1 =	sne.s32 s17, $0x1FC;
	[tilespmem:s15+$0x810 ss:$0x81] =	vst.msk $0xffff, v2;
	s19 =	smov.u32 s17;
	s17 =	sadd.s32 $0x4, s17  }
.Ltmp3:
0x35: {  	v2 =	vld [tilespmem:s18+$0xFFFFFFF0];
	[tilespmem:s15+$0x1020 ss:$0x81] =	vst.msk $0xffff, v0;
	(pc) =	sbr.rel @p1 .LBB1_3-.Ltmp3, $4  }
0x36: {  	v0 =	vld [tilespmem:s18+$0x0];
	[tilespmem:s15+$0x0 ss:$0x81] =	vst.msk $0xffff, v1  }
0x37: {  	s15 =	sshra.s32 s19, $0x2;
	v1 =	vld [tilespmem:s18+$0xFFFFFFE0]  }
0x38: {  	s15 =	sadd.s32 s15, s16  }
0x39: {  	s18 =	sadd.s32 $0x40, s18;
	[tilespmem:s15+$0x1830 ss:$0x81] =	vst.msk $0xffff, v3  }
.Ltmp4:
0x3a: {  	_ = 	snop;
	(pc) =	sbr.rel .LBB1_4-.Ltmp4, $1  }
0x3b: {  	_ =	sdelay $0x3  }
.LBB1_6:
0x3c: {  	_ =	sfence.sel $0x180000  }
0x3d: {  	s2 =	simm.s32 $0x1;
	[bflag:$0x0] =	sbarrier.arrive $0xFFFF  }
0x3e: {  	s31 =	simm.s32 $0x2;
	[sflag:s2] =	ssyncpa.u1 $0x1  }
0x3f: {  	[sflag:s31] =	ssyncpa.u1 $0x1  }
0x40: {  	p0 =	sne.s32 s0, $0x0;
	_ =	strace $0x9000004D  }
0x41: {  	s0 =	sadd.s32 @!p0 $0x100000, s1;
	[bflag:$0x2] =	sbarrier.arrive $0xFFFF  }
0x42: {  	[sflag:s0] =	ssyncadd.tile.s32 @!p0 $0x1;
	_ =	shalt  }
.Lfunc_end1:
_tile_overlayer_lowered:
.L_overlay_start_2:
0x43: {  	(tag) =	ssettag $0x2  }
0x44: {  	s0 =	rddreg [dreg:$0x0];
	s2 =	stileid.u32  }
0x45: {  	s1 =	rddreg [dreg:$0x1];
	p0 =	sne.s32 s2, $0x0  }
0x46: {  	s3 =	rddreg [dreg:$0x2];
	[bflag:$0x3] =	sbarrier.arrive $0xFFFF;
	s2 =	simm.s32 @!p0 $0x1C01  }
0x47: {  	[timem:s3], [sflag:s2] =	dma.local @!p0 [hbm:s0], s1  }
0x48: {  	s0 =	simm.s32 @!p0 $0x1  }
0x49: {  	_ =	swait.ge @!p0 [sflag:s0], s1  }
0x4a: {  	s1 =	ssub.s32 @!p0 $0x0, s1;
	[sflag:s0] =	ssyncset.done @!p0 $0x0  }
0x4b: {  	[sflag:s0] =	ssyncadd.s32 @!p0 s1  }
0x4c: {  	[bflag:$0x3] =	sbarrier.arrive $0xFFFF  }
0x4d: {  	_ =	shalt  }

// kernel: sparse-core-data-format-call.cloned.1.call-start
scs
called_computation_lowered:
.L_overlay_start_0:
0x0: {  	s2 =	sld [smem:$0x3FD9]  }
0x1: {  	s3 =	sld [smem:$0x3FFE];
	_ =	sdelay $0x1  }
0x2: {  	s1 =	srdreg.scid  }
0x3: {  	s0 =	sand.u32 $0x1, s1  }
0x4: {  	s15 =	sshll.u32 s0, $0xA;
	s2 =	sadd.s32 s3, s2  }
0x5: {  	s2 =	sadd.s32 s2, s15  }
0x6: {  	[smem:$0x3FC3] =	sst s2  }
0x7: {  	_ = 	snop  }
0x8: {  	s2 =	sld [smem:$0x3FD0];
	_ =	sdelay $0x2  }
0x9: {  	s16 =	simm.s32 $0xB;
	s4 =	simm.s32 $0x10  }
0xa: {  	[smem:s4], [sflag:s16] =	dma.local [hbm:s2], $0x1  }
0xb: {  	_ =	swait.eq [sflag:s16], $0x1  }
0xc: {  	[sflag:s16] =	ssyncset.done $0x0  }
0xd: {  	[sflag:s16] =	ssyncadd.s32 $0xFFFFFFFF  }
0xe: {  	s17 =	sld [smem:$0x11];
	(tm) =	ssettm $0x1  }
0xf: {  	s18 =	sld [smem:$0x3FFB];
	_ =	sdelay $0x3  }
0x10: {  	_ =	strace s18  }
0x11: {  	s3 =	sld [smem:$0x3FFC];
	_ =	sdelay $0x3  }
0x12: {  	_ =	strace s3  }
0x13: {  	s3 =	sld [smem:$0x3FFD];
	_ =	sdelay $0x3  }
0x14: {  	_ =	strace s3  }
0x15: {  	_ =	strace $0x8FFFFFFF  }
0x16: {  	s19 =	sld [smem:$0x3FDB];
	_ =	sdelay $0x1  }
0x17: {  	s20 =	simm.s32 $_scs_section_size  }
0x18: {  	s5 =	simm.s32 $_size__tile_overlayer_lowered;
	s6 =	simm.s32 $_tile_overlayer_lowered  }
0x19: {  	s23 =	simm.s32 $0x1BFF;
	s22 =	sshll.u32 s6, $0x1;
	s3 =	sadd.s32 s20, s19  }
0x1a: {  	s7 =	simm.s32 $0x0;
	s21 =	sshll.u32 s5, $0x1;
	s5 =	sadd.s32 s22, s3  }
0x1b: {  	[timem:s7], [sflag:s23] =	dma.local [hbm:s5], s21  }
0x1c: {  	_ =	swait.ge [sflag:s23], s21  }
0x1d: {  	s4 =	ssub.s32 $0x0, s21;
	[sflag:s23] =	ssyncset.done $0x0  }
0x1e: {  	[sflag:s23] =	ssyncadd.s32 s4;
	_ =	sdelay $0x1  }
0x1f: {  	s24 =	simm.s32 $0x1B8B  }
0x20: {  	_ =	swait.ge [sflag:s24], $0x1  }
0x21: {  	[sflag:s24] =	ssyncset.done $0x0  }
0x22: {  	s26 =	simm.s32 $0x1B8E;
	s25 =	sld [smem:$0x3FFE];
	[sflag:s24] =	ssyncadd.s32 $0xFFFFFFFF  }
0x23: {  	s27 =	simm.s32 $execute0_lowered;
	[smem:$0x3FD2] =	sst s26  }
0x24: {  	s5 =	sshll.u32 s27, $0x1;
	_ =	strace $0x80000049;
	[dreg:$0x1] =	wrdreg $0xFFFFFFFF  }
0x25: {  	s28 =	simm.s32 $_size_execute0_lowered;
	s3 =	sadd.s32 s3, s5;
	[dreg:$0x0] =	wrdreg $0x0  }
0x26: {  	s5 =	sshll.u32 s28, $0x1;
	[dreg:$0x2] =	wrdreg s3  }
0x27: {  	[dreg:$0x3] =	wrdreg s5  }
0x28: {  	[dreg:$0x4] =	wrdreg $0xC0  }
0x29: {  	_ =	task [dreg:s7], $0x5FFFF  }
0x2a: {  	[dreg:$0x1] =	wrdreg $0xFFFFFFFF  }
0x2b: {  	[dreg:$0x0] =	wrdreg $0x60  }
0x2c: {  	[dreg:$0x2] =	wrdreg s25  }
0x2d: {  	[dreg:$0x3] =	wrdreg s17  }
0x2e: {  	[dreg:$0x4] =	wrdreg $0x9  }
0x2f: {  	_ =	task.clear_ibuf [dreg:s7], $0x5FFFF;
	_ =	strace $0x90000049  }
0x30: {  	s29 =	simm.s32 $0x9;
	_ =	strace $0x8000004B  }
0x31: {  	_ =	swait.ge [sflag:s29], $0x1  }
0x32: {  	[sflag:s29] =	ssyncadd.s32 $0xFFFFFFFF  }
0x33: {  	_ =	strace $0x9000004B  }
0x34: {  	_ =	sfence  }
0x35: {  	s30 =	sld [smem:$0x0];
	_ =	sdelay $0x2  }
0x36: {  	s31 =	sshll.u32 s1, $0xD;
	s1 =	sshrl.u32 s1, $0x2  }
0x37: {  	s3 =	sand.u32 $0x4000, s31;
	s1 =	sadd.s32 s1, s30  }
0x38: {  	s0 =	sor.u32 s3, s0;
	s1 =	sshll.u32 s1, $0x11  }
0x39: {  	s0 =	sor.u32 s1, s0  }
0x3a: {  	s0 =	sadd.s32 $0x8F2B, s0  }
0x3b: {  	[sflag:s0] =	ssyncadd.remote.s32 $0x1  }
0x3c: {  	_ =	sfence.sel $0xFFFF  }
0x3d: {  	[dreg:$0x0] =	wrdreg $0xFFFFFFFF;
	(pc) =	sbr.abs _section_cstart, $3  }
0x3e: {  	[dreg:$0x1] =	wrdreg $0xFFFFFFFF  }
0x3f: {  	_ =	task.clear_ibuf [dreg:s7], $0x2FFFF;
	_ =	strace $0x9FFFFFFF  }
0x40: {  	(tm) =	ssettm $0x7FFFFFFF  }
0x41: {  	_ =	shalt  }
tec
execute0_lowered:
.L_overlay_start_1:
0x0: {  	(tag) =	ssettag $0x1  }
0x1: {  	s0 =	srdreg.scid  }
0x2: {  	s1 =	sshll.u32 s0, $0x4  }
0x3: {  	s0 =	stileid.u32;
	s1 =	sand.u32 $0x10, s1  }
0x4: {  	s1 =	sor.u32 s0, s1  }
0x5: {  	s6 =	rddreg [dreg:$0x0];
	s4 =	simm.s32 $0x1;
	s2 =	sshll.u32 s1, $0x7  }
0x6: {  	s7 =	simm.s32 $0x2;
	s12 =	simm.s32 $0x0;
	s1 =	ssub.s32 $0x1000, s2  }
0x7: {  	s8 =	simm.s32 $0x8000;
	s13 =	simm.s32 $0x0;
	s3 =	sand.u32 $0xF80, s1  }
0x8: {  	s9 =	simm.s32 $0x0;
	s5 =	sshrl.u32 s1, $0xC;
	p0 =	sne.s32 s3, $0x0  }
.Ltmp0:
0x9: {  	s1 =	rddreg [dreg:$0x2];
	s4 =	simm.s32 @!p0 $0x0;
	(pc) =	sbr.rel .LBB1_1-.Ltmp0, $4  }
0xa: {  	s11 =	simm.s32 $0x0;
	s3 =	rddreg [dreg:$0x1];
	s5 =	sadd.s32 s4, s5  }
0xb: {  	_ =	strace $0x8000004A;
	s4 =	simm.s32 $0x1;
	s5 =	smul.u32 $0x32, s5  }
0xc: {  	s6 =	sadd.s32 $0x1000, s6;
	s10 =	smov.u32 s2;
	[sflag:s4] =	ssyncpa.u1 $0x0  }
0xd: {  	p0 =	por $0x0, $0x0;
	[sflag:s7] =	ssyncpa.u1 $0x0;
	s7 =	sor.u32 $0x1, s5  }
.LBB1_4:
0xe: {  	s16 =	sshll.u32 s13, $0x3;
	s17 =	sand.u32 $0x78, s13  }
0xf: {  	s30 =	sand.u32 $0x7E00, s13;
	s12 =	sshll.u32 s12, $0xF;
	s16 =	sand.u32 $0xC00, s16  }
0x10: {  	[tilespmem:s15+$0x810 ss:$0x81] =	vst.msk $0xffff, v2;
	s31 =	sand.u32 $0x7, s13;
	s16 =	sor.u32 s17, s16;
	s17 =	sadd.s32 s3, s30  }
0x11: {  	[tilespmem:s15+$0x1020 ss:$0x81] =	vst.msk $0xffff, v0;
	s13 =	sshll.u32 s31, $0x12;
	s12 =	sadd.s32 s12, s17;
	s16 =	sshrl.u32 s16, $0x3  }
0x12: {  	[tilespmem:s15+$0x0 ss:$0x81] =	vst.msk $0xffff, v1;
	s13 =	sor.u32 $0x400, s13;
	s12 =	sadd.s32 s16, s12  }
0x13: {  	[hbm4b:s12+s13] =	stream.strided.scatter [tilespmem:s14], [sflag:$0x2], $0x2000, s8, s13, $0x20;
	[tilespmem:$0x8080] =	vst v63  }
.LBB1_5:
0x14: {  	s14 =	sadd.s32 $0x1, s9  }
0x15: {  	s12 =	sadd.s32 $0x1000, s10;
	s16 =	smov.u32 s10;
	p2 =	sgt.s32 s14, $0x31  }
0x16: {  	s16 =	smov.u32 @p2 s12  }
0x17: {  	s14 =	simm.s32 @p2 $0x0;
	p2 =	sgt.s32 s16, $0xFFF  }
0x18: {  	s16 =	smov.u32 @p2 s2;
	p2 =	sne.s32 s11, s7  }
.Ltmp1:
0x19: {  	p1 =	slt.u32 s11, $0x2;
	(pc) =	sbr.rel @!p2 .LBB1_6-.Ltmp1, $4  }
0x1a: {  	s15 =	simm.s32 @!p1 $0x2  }
0x1b: {  	s13 =	smov.u32 s10;
	p0 =	por !p0, !p0;
	_ =	swait.ge @!p1 [sflag:s15], $0x2000  }
0x1c: {  	s12 =	smov.u32 s9;
	[sflag:s15] =	ssyncset.done @!p1 $0x0;
	s9 =	smov.u32 s14  }
0x1d: {  	s11 =	sadd.s32 $0x1, s11;
	[sflag:s15] =	ssyncadd.s32 @!p1 $0xFFFFE000;
	s10 =	smov.u32 s16  }
.LBB1_1:
0x1e: {  	p1 =	sge.u32 s11, s5  }
0x1f: {  	s14 =	sand.u32 @!p1 $0x1FFFFFF, s9  }
0x20: {  	s15 =	smulhi.u32 @!p1 $0x4924925, s14;
	_ =	sdelay $0x1  }
0x21: {  	s15 =	smul.u32 @!p1 $0x38, s15  }
0x22: {  	s16 =	sxor.u32 @!p1 $0xFFFFFFFF, s11;
	s17 =	smul.u32 @!p1 $0x380, s10  }
0x23: {  	s31 =	sadd.s32 $0xFFFFFFFF, s11;
	s16 =	sshll.u32 @!p1 s16, $0xD;
	s14 =	ssub.s32 @!p1 s14, s15  }
0x24: {  	s15 =	sand.u32 @!p1 $0x2000, s16;
	s16 =	sadd.s32 @!p1 s6, s17;
	s14 =	sshll.u32 @!p1 s14, $0x4  }
0x25: {  	s17 =	simm.s32 @!p1 $0x1C00;
	s14 =	sadd.s32 @!p1 s14, s16;
	s16 =	simm.s32 @!p1 $0x40  }
0x26: {  	[tilespmem:s15], [sflag:$0x1] =	stream.strided.gather @!p1 [hbm4b:s14+s16], $0x2000, s17, s16, $0x38;
	[tilespmem:$0x8080] =	vst v63  }
0x27: {  	p1 =	sge.u32 s31, s5  }
.Ltmp2:
0x28: {  	_ = 	snop;
	(pc) =	sbr.rel @p1 .LBB1_5-.Ltmp2, $1  }
0x29: {  	_ =	sdelay $0x3  }
0x2a: {  	s14 =	simm.s32 $0x1  }
0x2b: {  	_ =	swait.ge [sflag:s4], $0x2000;
	s14 =	simm.s32 @!p0 $0x0  }
0x2c: {  	[sflag:s4] =	ssyncset.done $0x0;
	s15 =	sshll.u32 s14, $0xD  }
0x2d: {  	[sflag:s4] =	ssyncadd.s32 $0xFFFFE000;
	s18 =	sor.u32 $0x20, s15  }
0x2e: {  	s14 =	smul.u32 $0x8100, s14;
	v3 =	vld [tilespmem:s18+$0x10]  }
0x2f: {  	s30 =	sand.u32 $0x1, s11;
	v2 =	vld [tilespmem:s18+$0xFFFFFFF0]  }
0x30: {  	s15 =	smul.u32 $0x8100, s30;
	s14 =	sshrl.u32 s14, $0x2;
	v0 =	vld [tilespmem:s18+$0x0]  }
0x31: {  	v1 =	vld [tilespmem:s18+$0xFFFFFFE0];
	s16 =	sor.u32 $0x4000, s14  }
0x32: {  	s31 =	sshrl.u32 s15, $0x2;
	s15 =	sadd.s32 $0x0, s16  }
0x33: {  	s17 =	simm.s32 $0x4;
	s18 =	sadd.s32 $0x40, s18;
	s14 =	sor.u32 $0x4000, s31;
	[tilespmem:s15+$0x1830 ss:$0x81] =	vst.msk $0xffff, v3  }
.LBB1_3:
0x34: {  	v3 =	vld [tilespmem:s18+$0x10];
	p1 =	sne.s32 s17, $0x1FC;
	[tilespmem:s15+$0x810 ss:$0x81] =	vst.msk $0xffff, v2;
	s19 =	smov.u32 s17;
	s17 =	sadd.s32 $0x4, s17  }
.Ltmp3:
0x35: {  	v2 =	vld [tilespmem:s18+$0xFFFFFFF0];
	[tilespmem:s15+$0x1020 ss:$0x81] =	vst.msk $0xffff, v0;
	(pc) =	sbr.rel @p1 .LBB1_3-.Ltmp3, $4  }
0x36: {  	v0 =	vld [tilespmem:s18+$0x0];
	[tilespmem:s15+$0x0 ss:$0x81] =	vst.msk $0xffff, v1  }
0x37: {  	s15 =	sshra.s32 s19, $0x2;
	v1 =	vld [tilespmem:s18+$0xFFFFFFE0]  }
0x38: {  	s15 =	sadd.s32 s15, s16  }
0x39: {  	s18 =	sadd.s32 $0x40, s18;
	[tilespmem:s15+$0x1830 ss:$0x81] =	vst.msk $0xffff, v3  }
.Ltmp4:
0x3a: {  	_ = 	snop;
	(pc) =	sbr.rel .LBB1_4-.Ltmp4, $1  }
0x3b: {  	_ =	sdelay $0x3  }
.LBB1_6:
0x3c: {  	_ =	sfence.sel $0x180000  }
0x3d: {  	s2 =	simm.s32 $0x1;
	[bflag:$0x0] =	sbarrier.arrive $0xFFFF  }
0x3e: {  	s31 =	simm.s32 $0x2;
	[sflag:s2] =	ssyncpa.u1 $0x1  }
0x3f: {  	[sflag:s31] =	ssyncpa.u1 $0x1  }
0x40: {  	p0 =	sne.s32 s0, $0x0;
	_ =	strace $0x9000004A  }
0x41: {  	s0 =	sadd.s32 @!p0 $0x100000, s1;
	[bflag:$0x2] =	sbarrier.arrive $0xFFFF  }
0x42: {  	[sflag:s0] =	ssyncadd.tile.s32 @!p0 $0x1;
	_ =	shalt  }
.Lfunc_end1:
_tile_overlayer_lowered:
.L_overlay_start_2:
0x43: {  	(tag) =	ssettag $0x2  }
0x44: {  	s0 =	rddreg [dreg:$0x0];
	s2 =	stileid.u32  }
0x45: {  	s1 =	rddreg [dreg:$0x1];
	p0 =	sne.s32 s2, $0x0  }
0x46: {  	s3 =	rddreg [dreg:$0x2];
	[bflag:$0x3] =	sbarrier.arrive $0xFFFF;
	s2 =	simm.s32 @!p0 $0x1C01  }
0x47: {  	[timem:s3], [sflag:s2] =	dma.local @!p0 [hbm:s0], s1  }
0x48: {  	s0 =	simm.s32 @!p0 $0x1  }
0x49: {  	_ =	swait.ge @!p0 [sflag:s0], s1  }
0x4a: {  	s1 =	ssub.s32 @!p0 $0x0, s1;
	[sflag:s0] =	ssyncset.done @!p0 $0x0  }
0x4b: {  	[sflag:s0] =	ssyncadd.s32 @!p0 s1  }
0x4c: {  	[bflag:$0x3] =	sbarrier.arrive $0xFFFF  }
0x4d: {  	_ =	shalt  }

</sc_bundles>
